<compile_context>
chip_gen: v7x
topology: tpu7x:2x2x1
jax: 0.10.2.dev20260603
libtpu: 0.0.44.dev20260713+nightly
codegen_flags: <defaults>
</compile_context>

<pallas_src>
import functools

import jax
import jax.numpy as jnp
import numpy as np
from jax import lax
from jax.experimental import pallas as pl
from jax.experimental.pallas import tpu as pltpu
from jax.experimental.pallas import tpu_sc as plsc

T = 2048
H = 1024
NH = 16
NKV = 8
HD = 64
E = 8
TOPK = 2
FF = 512
EPS = 1e-6
THETA = 10000.0

BT = 256
BQ = 256
TILE = 128
PADMAX = TOPK * T + E * TILE
NT = PADMAX // TILE
NEG = -1e30

SC_NC = 2
SC_NS = 16
SC_NW = SC_NC * SC_NS


NQK = (NH + NKV) * HD

_G_np = np.zeros((NQK, NH + NKV), dtype=np.float32)
for _c in range(NQK):
    _G_np[_c, _c // HD] = 1.0


def _qkv_body(x_ref, cosb_ref, sinb_ref, wqkv_ref, ln1_ref, wtile_ref,
              g_ref, gt_ref, q_ref, k_ref, v_ref):
    x = x_ref[...]
    var = jnp.mean(x * x, axis=-1, keepdims=True)
    xn = x * lax.rsqrt(var + EPS) * ln1_ref[...]
    qkv = jnp.dot(xn, wqkv_ref[...], preferred_element_type=jnp.float32)
    qk = qkv[:, :NQK]
    ss = jnp.dot(qk * qk, g_ref[...], preferred_element_type=jnp.float32)
    rn = lax.rsqrt(ss * (1.0 / HD) + EPS)
    rnb = jnp.dot(rn, gt_ref[...], preferred_element_type=jnp.float32)
    qkn = qk * rnb * wtile_ref[...]
    rm = jnp.roll(qkn, -HD // 2, axis=1)
    rp = jnp.roll(qkn, HD // 2, axis=1)
    col = lax.broadcasted_iota(jnp.int32, (BT, NQK), 1)
    first_half = (col % HD) < (HD // 2)
    xswap = jnp.where(first_half, -rm, rp)
    rot = qkn * cosb_ref[...] + xswap * sinb_ref[...]
    q_ref[...] = rot[:, :NH * HD]
    k_ref[...] = rot[:, NH * HD:]
    v_ref[...] = qkv[:, NQK:]


def _qkv_call(h, cosb, sinb, Wqkv, ln1_w, wtile, G, GT):
    nb = T // BT
    return pl.pallas_call(
        _qkv_body,
        grid=(nb,),
        in_specs=[
            pl.BlockSpec((BT, H), lambda i: (i, 0)),
            pl.BlockSpec((BT, NQK), lambda i: (i, 0)),
            pl.BlockSpec((BT, NQK), lambda i: (i, 0)),
            pl.BlockSpec((H, (NH + 2 * NKV) * HD), lambda i: (0, 0)),
            pl.BlockSpec((1, H), lambda i: (0, 0)),
            pl.BlockSpec((1, NQK), lambda i: (0, 0)),
            pl.BlockSpec((NQK, NH + NKV), lambda i: (0, 0)),
            pl.BlockSpec((NH + NKV, NQK), lambda i: (0, 0)),
        ],
        out_specs=[
            pl.BlockSpec((BT, NH * HD), lambda i: (i, 0)),
            pl.BlockSpec((BT, NKV * HD), lambda i: (i, 0)),
            pl.BlockSpec((BT, NKV * HD), lambda i: (i, 0)),
        ],
        out_shape=[
            jax.ShapeDtypeStruct((T, NH * HD), jnp.float32),
            jax.ShapeDtypeStruct((T, NKV * HD), jnp.float32),
            jax.ShapeDtypeStruct((T, NKV * HD), jnp.float32),
        ],
        compiler_params=pltpu.CompilerParams(
            dimension_semantics=("arbitrary",)),
    )(h, cosb, sinb, Wqkv, ln1_w, wtile, G, GT)


def _attn_body(q_ref, k_ref, v_ref, o_ref, *, qb0, kvlen):
    i = pl.program_id(0)
    rep = NH // NKV
    scale = HD ** -0.5
    row = (i + qb0) * BQ + lax.broadcasted_iota(jnp.int32, (BQ, kvlen), 0)
    col = lax.broadcasted_iota(jnp.int32, (BQ, kvlen), 1)
    causal = col <= row
    os = []
    for h in range(NH):
        kh = h // rep
        q = q_ref[:, h * HD:(h + 1) * HD] * scale
        k = k_ref[:, kh * HD:(kh + 1) * HD]
        s = lax.dot_general(q, k, (((1,), (1,)), ((), ())),
                            preferred_element_type=jnp.float32)
        s = jnp.where(causal, s, NEG)
        m = jnp.max(s, axis=-1, keepdims=True)
        p = jnp.exp(s - m)
        l = jnp.sum(p, axis=-1, keepdims=True)
        v = v_ref[:, kh * HD:(kh + 1) * HD]
        os.append(jnp.dot(p, v, preferred_element_type=jnp.float32) / l)
    o_ref[...] = jnp.concatenate(os, axis=-1)


def _attn_call_part(q, k, v, qb0, nqb, kvlen):
    return pl.pallas_call(
        functools.partial(_attn_body, qb0=qb0, kvlen=kvlen),
        grid=(nqb,),
        in_specs=[
            pl.BlockSpec((BQ, NH * HD), lambda i: (i + qb0, 0)),
            pl.BlockSpec((kvlen, NKV * HD), lambda i: (0, 0)),
            pl.BlockSpec((kvlen, NKV * HD), lambda i: (0, 0)),
        ],
        out_specs=pl.BlockSpec((BQ, NH * HD), lambda i: (i, 0)),
        out_shape=jax.ShapeDtypeStruct((nqb * BQ, NH * HD), jnp.float32),
        compiler_params=pltpu.CompilerParams(
            dimension_semantics=("arbitrary",)),
    )(q, k, v)


def _oproj_body(a0_ref, a1_ref, a2_ref, a3_ref, res_ref, wo_ref, ln2_ref,
                wg_ref, hs2_ref, h2_ref, wfull_ref):
    i = pl.program_id(0)
    attn = jnp.where(
        i < 2, a0_ref[...],
        jnp.where(i < 4, a1_ref[...],
                  jnp.where(i < 6, a2_ref[...], a3_ref[...])))
    a = jnp.dot(attn, wo_ref[...],
                preferred_element_type=jnp.float32) + res_ref[...]
    hs2_ref[...] = a
    var = jnp.mean(a * a, axis=-1, keepdims=True)
    h2 = a * lax.rsqrt(var + EPS) * ln2_ref[...]
    h2_ref[...] = h2
    logits = jnp.dot(h2, wg_ref[...], preferred_element_type=jnp.float32)
    m = jnp.max(logits, axis=-1, keepdims=True)
    p = jnp.exp(logits - m)
    p = p / jnp.sum(p, axis=-1, keepdims=True)
    ie = lax.broadcasted_iota(jnp.int32, (BT, E), 1)
    m1 = jnp.max(p, axis=-1, keepdims=True)
    i1 = jnp.min(jnp.where(p == m1, ie, E), axis=-1, keepdims=True)
    p2 = jnp.where(ie == i1, NEG, p)
    m2 = jnp.max(p2, axis=-1, keepdims=True)
    i2 = jnp.min(jnp.where(p2 == m2, ie, E), axis=-1, keepdims=True)
    denom = m1 + m2
    wfull_ref[...] = (jnp.where(ie == i1, m1 / denom, 0.0)
                      + jnp.where(ie == i2, m2 / denom, 0.0))


def _oproj_call(attn_parts, res, Wo, ln2_w, Wg):
    nb = T // BT
    return pl.pallas_call(
        _oproj_body,
        grid=(nb,),
        in_specs=[
            pl.BlockSpec((BT, NH * HD),
                         lambda i, p=p: (jnp.clip(i - 2 * p, 0, 1), 0))
            for p in range(4)
        ] + [
            pl.BlockSpec((BT, H), lambda i: (i, 0)),
            pl.BlockSpec((NH * HD, H), lambda i: (0, 0)),
            pl.BlockSpec((1, H), lambda i: (0, 0)),
            pl.BlockSpec((H, E), lambda i: (0, 0)),
        ],
        out_specs=[
            pl.BlockSpec((BT, H), lambda i: (i, 0)),
            pl.BlockSpec((BT, H), lambda i: (i, 0)),
            pl.BlockSpec((BT, E), lambda i: (i, 0)),
        ],
        out_shape=[
            jax.ShapeDtypeStruct((T, H), jnp.float32),
            jax.ShapeDtypeStruct((T, H), jnp.float32),
            jax.ShapeDtypeStruct((T, E), jnp.float32),
        ],
        compiler_params=pltpu.CompilerParams(
            dimension_semantics=("arbitrary",)),
    )(*attn_parts, res, Wo, ln2_w, Wg)


@functools.lru_cache(maxsize=None)
def _make_sc_gather(n_rows, width):
    n_per = n_rows // SC_NW
    ch = min(32, n_per)
    nch = n_per // ch
    nbuf = min(3, nch)
    mesh = plsc.VectorSubcoreMesh(core_axis_name="c", subcore_axis_name="s")

    @functools.partial(
        pl.kernel, mesh=mesh,
        out_type=jax.ShapeDtypeStruct((n_rows, width), jnp.int32),
        scratch_types=[
            pltpu.VMEM((n_per,), jnp.int32),
        ] + [pltpu.VMEM((ch, width), jnp.int32)] * nbuf
          + [pltpu.SemaphoreType.DMA] * (2 * nbuf),
    )
    def gk(table_hbm, idx_hbm, out_hbm, idx_v, *scr):
        bufs = scr[:nbuf]
        gsems = scr[nbuf:2 * nbuf]
        osems = scr[2 * nbuf:]
        wid = lax.axis_index("s") * SC_NC + lax.axis_index("c")
        base = wid * n_per
        pltpu.sync_copy(idx_hbm.at[pl.ds(base, n_per)], idx_v)

        def start_gather(c):
            b = c % nbuf
            return pltpu.async_copy(
                table_hbm.at[idx_v.at[pl.ds(c * ch, ch)]], bufs[b], gsems[b])

        g = [None] * nch
        o = [None] * nch
        for c in range(nbuf):
            g[c] = start_gather(c)
        for c in range(nch):
            g[c].wait()
            o[c] = pltpu.async_copy(
                bufs[c % nbuf], out_hbm.at[pl.ds(base + c * ch, ch)],
                osems[c % nbuf])
            if c + nbuf < nch:
                o[c].wait()
                g[c + nbuf] = start_gather(c + nbuf)
        for c in range(max(0, nch - nbuf), nch):
            o[c].wait()

    return gk


@functools.lru_cache(maxsize=None)
def _make_sc_dispatch():
    n_per = T // SC_NW
    ch = min(32, n_per)
    nch = n_per // ch
    mesh = plsc.VectorSubcoreMesh(core_axis_name="c", subcore_axis_name="s")

    @functools.partial(
        pl.kernel, mesh=mesh,
        out_type=jax.ShapeDtypeStruct((PADMAX, H), jnp.float32),
        scratch_types=[
            pltpu.VMEM((n_per,), jnp.int32),
            pltpu.VMEM((n_per,), jnp.int32),
        ] + [pltpu.VMEM((ch, H), jnp.float32)] * nch
          + [pltpu.SemaphoreType.DMA] * (3 * nch),
    )
    def sk(src_hbm, idx_hbm, out_hbm, idx0_v, idx1_v, *scr):
        bufs = scr[:nch]
        lsems = scr[nch:2 * nch]
        ssems = scr[2 * nch:]
        wid = lax.axis_index("s") * SC_NC + lax.axis_index("c")
        base = wid * n_per
        pltpu.sync_copy(idx_hbm.at[pl.ds(base, n_per)], idx0_v)
        pltpu.sync_copy(idx_hbm.at[pl.ds(T + base, n_per)], idx1_v)
        loads = [pltpu.async_copy(src_hbm.at[pl.ds(base + c * ch, ch)],
                                  bufs[c], lsems[c]) for c in range(nch)]
        outs = []
        for c in range(nch):
            loads[c].wait()
            outs.append(pltpu.async_copy(
                bufs[c], out_hbm.at[idx0_v.at[pl.ds(c * ch, ch)]],
                ssems[2 * c]))
            outs.append(pltpu.async_copy(
                bufs[c], out_hbm.at[idx1_v.at[pl.ds(c * ch, ch)]],
                ssems[2 * c + 1]))
        for o in outs:
            o.wait()

    return sk


def _sc_gather_rows(table, idx):
    dt = table.dtype
    if dt.itemsize == 2:
        ti = lax.bitcast_convert_type(
            table.reshape(table.shape[0], -1, 2), jnp.int32)
    else:
        ti = lax.bitcast_convert_type(table, jnp.int32)
    out = _make_sc_gather(idx.shape[0], ti.shape[1])(ti, idx)
    res = lax.bitcast_convert_type(out, dt)
    return res.reshape(idx.shape[0], H)


def _moe_body(te_ref, x_ref, wgu_ref, wd_ref, y_ref):
    x = x_ref[...]
    gu = jnp.dot(x, wgu_ref[0], preferred_element_type=jnp.float32)
    g = gu[:, :FF]
    u = gu[:, FF:]
    act = g * jax.nn.sigmoid(g) * u
    y_ref[...] = jnp.dot(act, wd_ref[0], preferred_element_type=jnp.float32)


def _moe_call(x_sorted, tile_expert, W_gateup, W_down):
    grid_spec = pltpu.PrefetchScalarGridSpec(
        num_scalar_prefetch=1,
        grid=(NT,),
        in_specs=[
            pl.BlockSpec((TILE, H), lambda g, te: (g, 0)),
            pl.BlockSpec((1, H, 2 * FF), lambda g, te: (te[g], 0, 0)),
            pl.BlockSpec((1, FF, H), lambda g, te: (te[g], 0, 0)),
        ],
        out_specs=pl.BlockSpec((TILE, H), lambda g, te: (g, 0)),
    )
    return pl.pallas_call(
        _moe_body,
        grid_spec=grid_spec,
        out_shape=jax.ShapeDtypeStruct((PADMAX, H), jnp.float32),
        compiler_params=pltpu.CompilerParams(
            dimension_semantics=("arbitrary",)),
    )(tile_expert, x_sorted, W_gateup, W_down)


def _combine_body(res_ref, g0_ref, g1_ref, w0_ref, w1_ref, out_ref):
    out_ref[...] = (res_ref[...]
                    + g0_ref[...].astype(jnp.float32) * w0_ref[:, :1]
                    + g1_ref[...].astype(jnp.float32) * w1_ref[:, :1])


def _combine_call(res, g01, w0b, w1b):
    nb = T // BT
    return pl.pallas_call(
        _combine_body,
        grid=(nb,),
        in_specs=[
            pl.BlockSpec((BT, H), lambda i: (i, 0)),
            pl.BlockSpec((BT, H), lambda i: (i, 0)),
            pl.BlockSpec((BT, H), lambda i: (i + T // BT, 0)),
            pl.BlockSpec((BT, 128), lambda i: (i, 0)),
            pl.BlockSpec((BT, 128), lambda i: (i, 0)),
        ],
        out_specs=pl.BlockSpec((BT, H), lambda i: (i, 0)),
        out_shape=jax.ShapeDtypeStruct((T, H), jnp.float32),
        compiler_params=pltpu.CompilerParams(
            dimension_semantics=("arbitrary",)),
    )(res, g01, g01, w0b, w1b)


def kernel(hidden_states, positions, Wqkv, Wo, q_norm_w, k_norm_w,
           ln1_w, ln2_w, Wg, W_gateup, W_down):
    f32 = jnp.float32
    inv_freq = 1.0 / (THETA ** (np.arange(0, HD, 2, dtype=np.float32) / HD))
    freqs = positions.astype(f32)[:, None] * inv_freq[None, :]
    cos64 = jnp.cos(jnp.concatenate([freqs, freqs], axis=1))
    sin64 = jnp.sin(jnp.concatenate([freqs, freqs], axis=1))
    cosb = jnp.tile(cos64, (1, NH + NKV))
    sinb = jnp.tile(sin64, (1, NH + NKV))
    wtile = jnp.concatenate(
        [jnp.tile(q_norm_w, NH), jnp.tile(k_norm_w, NKV)]).reshape(1, NQK)
    G = jnp.asarray(_G_np)

    q, k, v = _qkv_call(hidden_states, cosb, sinb, Wqkv,
                        ln1_w.reshape(1, H), wtile, G, G.T)
    attn_parts = [
        _attn_call_part(q, k, v, 2 * p, 2, (p + 1) * (T // 4))
        for p in range(4)
    ]
    hs2, h2, wfull = _oproj_call(attn_parts, hidden_states, Wo,
                                 ln2_w.reshape(1, H), Wg)

    cnt = (wfull > 0.0).astype(jnp.int32)
    csum = jnp.cumsum(cnt, axis=0)
    prefix = csum - cnt
    counts = csum[-1]
    pcounts = ((counts + TILE - 1) // TILE) * TILE
    pend = jnp.cumsum(pcounts)
    poff = pend - pcounts
    pos = poff[None, :] + prefix
    tile_expert = jnp.minimum(
        jnp.searchsorted(pend, jnp.arange(NT, dtype=jnp.int32) * TILE,
                         side="right"),
        E - 1).astype(jnp.int32)
    posm = jnp.where(cnt > 0, pos, PADMAX - 1)
    il = jnp.argmax(cnt, axis=1).astype(jnp.int32)
    ih = (E - 1) - jnp.argmax(cnt[:, ::-1], axis=1).astype(jnp.int32)
    order = jnp.stack([il, ih], axis=1)
    pos01 = jnp.take_along_axis(posm, order, axis=1).astype(jnp.int32)
    w01 = jnp.take_along_axis(wfull, order, axis=1)
    poscat = jnp.concatenate([pos01[:, 0], pos01[:, 1]])
    w0b = jnp.broadcast_to(w01[:, 0:1], (T, 128))
    w1b = jnp.broadcast_to(w01[:, 1:2], (T, 128))

    x_sorted = _make_sc_dispatch()(h2, poscat)
    y_sorted = _moe_call(x_sorted, tile_expert, W_gateup, W_down)
    g01 = _sc_gather_rows(y_sorted, poscat)
    return _combine_call(hs2, g01, w0b, w1b)

# --- scband reference (transcript-rebuilt; emitter-appended) ---
"""Pipeline reference for scband-qwen3-moe-decoder-layer-76647986365151 (READ-ONLY COPY).

The authoritative reference and input builder live on the scoring server;
editing this copy changes nothing except your own understanding.
"""

import jax, jax.numpy as jnp
import numpy as np

T = 2048
H = 1024
NH = 16
NKV = 8
HD = 64
E = 8
TOPK = 2
FF = 512
EPS = 1e-6
THETA = 10000.0


def rms_norm(x, w, eps=EPS):
    var = jnp.mean(x * x, axis=-1, keepdims=True)
    return x * jax.lax.rsqrt(var + eps) * w


def apply_rope(x, positions):
    # neox-style rotary embedding over full head_dim
    d = x.shape[-1]
    inv_freq = 1.0 / (THETA ** (jnp.arange(0, d, 2, dtype=jnp.float32) / d))
    freqs = positions.astype(jnp.float32)[:, None] * inv_freq[None, :]  # [T, d/2]
    cos = jnp.cos(freqs)[:, None, :]
    sin = jnp.sin(freqs)[:, None, :]
    x1, x2 = jnp.split(x, 2, axis=-1)
    return jnp.concatenate([x1 * cos - x2 * sin, x2 * cos + x1 * sin], axis=-1)


def setup_inputs(seed: int = 0) -> dict:
    key = jax.random.key(seed)
    ks = jax.random.split(key, 12)
    hidden_states = jax.random.normal(ks[0], (T, H), dtype=jnp.float32)
    positions = jnp.arange(T, dtype=jnp.int64) if jax.config.jax_enable_x64 else jnp.arange(T, dtype=jnp.int32)
    qkv_dim = (NH + 2 * NKV) * HD
    Wqkv = jax.random.normal(ks[1], (H, qkv_dim), dtype=jnp.float32) * 0.02
    Wo = jax.random.normal(ks[2], (NH * HD, H), dtype=jnp.float32) * 0.02
    q_norm_w = jnp.ones((HD,), dtype=jnp.float32)
    k_norm_w = jnp.ones((HD,), dtype=jnp.float32)
    ln1_w = jnp.ones((H,), dtype=jnp.float32)
    ln2_w = jnp.ones((H,), dtype=jnp.float32)
    Wg = jax.random.normal(ks[3], (H, E), dtype=jnp.float32) * 0.02
    W_gateup = jax.random.normal(ks[4], (E, H, 2 * FF), dtype=jnp.float32) * 0.02
    W_down = jax.random.normal(ks[5], (E, FF, H), dtype=jnp.float32) * 0.02
    return {"hidden_states": hidden_states, "positions": positions, "Wqkv": Wqkv, "Wo": Wo,
            "q_norm_w": q_norm_w, "k_norm_w": k_norm_w, "ln1_w": ln1_w, "ln2_w": ln2_w,
            "Wg": Wg, "W_gateup": W_gateup, "W_down": W_down}


def attention(h, positions, Wqkv, Wo, q_norm_w, k_norm_w):
    qkv = h @ Wqkv
    q, k, v = jnp.split(qkv, [NH * HD, NH * HD + NKV * HD], axis=-1)
    q = rms_norm(q.reshape(T, NH, HD), q_norm_w)
    k = rms_norm(k.reshape(T, NKV, HD), k_norm_w)
    v = v.reshape(T, NKV, HD)
    q = apply_rope(q, positions)
    k = apply_rope(k, positions)
    rep = NH // NKV
    k = jnp.repeat(k, rep, axis=1)
    v = jnp.repeat(v, rep, axis=1)
    scale = HD ** -0.5
    scores = jnp.einsum('thd,shd->hts', q, k) * scale
    mask = jnp.tril(jnp.ones((T, T), dtype=bool))
    scores = jnp.where(mask[None, :, :], scores, jnp.finfo(jnp.float32).min)
    probs = jax.nn.softmax(scores, axis=-1)
    o = jnp.einsum('hts,shd->thd', probs, v)
    return o.reshape(T, NH * HD) @ Wo


def moe(h, Wg, W_gateup, W_down):
    logits = h @ Wg
    probs = jax.nn.softmax(logits, axis=-1)
    topv, topi = jax.lax.top_k(probs, TOPK)
    topv = topv / jnp.sum(topv, axis=-1, keepdims=True)  # norm_topk_prob=True
    w_full = jnp.zeros((T, E), dtype=jnp.float32).at[jnp.arange(T)[:, None], topi].set(topv)
    gu = jnp.einsum('th,ehf->tef', h, W_gateup)
    g, u = jnp.split(gu, 2, axis=-1)
    act = jax.nn.silu(g) * u  # SiluAndMul
    outs = jnp.einsum('tei,eio->teo', act, W_down)
    return jnp.einsum('te,teo->to', w_full, outs)


def reference(hidden_states, positions, Wqkv, Wo, q_norm_w, k_norm_w, ln1_w, ln2_w, Wg, W_gateup, W_down):
    residual = hidden_states
    h = rms_norm(hidden_states, ln1_w)
    h = attention(h, positions, Wqkv, Wo, q_norm_w, k_norm_w)
    hidden_states = residual + h
    residual = hidden_states
    h = rms_norm(hidden_states, ln2_w)
    h = moe(h, Wg, W_gateup, W_down)
    return residual + h

if __name__ == "__main__":
    import jax
    _d = setup_inputs()
    print(jax.jit(kernel)(*tuple(_d.values())))

</pallas_src>

<mosaic_0001>
#map = affine_map<(d0, d1) -> (0, 0)>
#map1 = affine_map<(d0, d1) -> (0)>
module attributes {stable_mosaic.version = 14 : i64} {
  func.func @gk(%arg0: i32, %arg1: i32, %arg2: memref<5120x1024xi32, #tpu.memory_space<hbm>>, %arg3: memref<4096xi32, #tpu.memory_space<hbm>>, %arg4: memref<4096x1024xi32, #tpu.memory_space<hbm>>, %arg5: memref<128xi32, #tpu.memory_space<vmem>>, %arg6: memref<32x1024xi32, #tpu.memory_space<vmem>>, %arg7: memref<32x1024xi32, #tpu.memory_space<vmem>>, %arg8: memref<32x1024xi32, #tpu.memory_space<vmem>>, %arg9: memref<!tpu.dma_semaphore, #tpu.memory_space<semaphore_mem>>, %arg10: memref<!tpu.dma_semaphore, #tpu.memory_space<semaphore_mem>>, %arg11: memref<!tpu.dma_semaphore, #tpu.memory_space<semaphore_mem>>, %arg12: memref<!tpu.dma_semaphore, #tpu.memory_space<semaphore_mem>>, %arg13: memref<!tpu.dma_semaphore, #tpu.memory_space<semaphore_mem>>, %arg14: memref<!tpu.dma_semaphore, #tpu.memory_space<semaphore_mem>>) attributes {dimension_semantics = [#tpu.dimension_semantics<core_parallel>, #tpu.dimension_semantics<subcore_parallel>], iteration_bounds = array<i64: 2, 16>, scalar_prefetch = 0 : i64, scratch_operands = 10 : i64, tpu.core_type = #tpu.core_type<sc_vector_subcore>, window_params = [{transform_indices = #map}, {transform_indices = #map1}, {transform_indices = #map}]} {
    %mul3A = arith.constant 2 : i32
    %mul3A_0 = arith.muli %arg1, %mul3A : i32
    %add3A = arith.addi %mul3A_0, %arg0 : i32
    %mul3A_1 = arith.constant 128 : i32
    %mul3A_2 = arith.muli %add3A, %mul3A_1 : i32
    "tpu.region"() ({
      %run_scoped3A = tpu.sem_alloc : memref<!tpu.dma_semaphore, #tpu.memory_space<semaphore_mem>>
      %dma_start3A_81 = tpu.memref_slice %arg3[%mul3A_2] : memref<4096xi32, #tpu.memory_space<hbm>> -> memref<128xi32, #tpu.memory_space<hbm>>
      %dma_start3A_82 = tpu.memref_slice %arg3[%mul3A_2] : memref<4096xi32, #tpu.memory_space<hbm>> -> memref<128xi32, #tpu.memory_space<hbm>>
      tpu.enqueue_dma source(%dma_start3A_82 : memref<128xi32, #tpu.memory_space<hbm>>) target(%arg5 : memref<128xi32, #tpu.memory_space<vmem>>) target_semaphore(%run_scoped3A : memref<!tpu.dma_semaphore, #tpu.memory_space<semaphore_mem>>)
      %dma_wait3A_83 = tpu.memref_slice %arg3[%mul3A_2] : memref<4096xi32, #tpu.memory_space<hbm>> -> memref<128xi32, #tpu.memory_space<hbm>>
      %dma_wait3A_84 = tpu.memref_slice %arg3[%mul3A_2] : memref<4096xi32, #tpu.memory_space<hbm>> -> memref<128xi32, #tpu.memory_space<hbm>>
      tpu.wait_dma2 semaphore(%run_scoped3A : memref<!tpu.dma_semaphore, #tpu.memory_space<semaphore_mem>>) src(%dma_wait3A_84 : memref<128xi32, #tpu.memory_space<hbm>>) dst(%arg5 : memref<128xi32, #tpu.memory_space<vmem>>)
      tpu.yield
    }) : () -> ()
    %dma_start3A = arith.constant 0 : i32
    %dma_start3A_3 = tpu.memref_slice %arg5[%dma_start3A] : memref<128xi32, #tpu.memory_space<vmem>> -> memref<32xi32, #tpu.memory_space<vmem>>
    %dma_start3A_4 = arith.constant 0 : i32
    %dma_start3A_5 = arith.constant 0 : i32
    %dma_start3A_6 = tpu.memref_slice %arg2[%dma_start3A_4, %dma_start3A_5] : memref<5120x1024xi32, #tpu.memory_space<hbm>> -> memref<5120x1024xi32, #tpu.memory_space<hbm>>
    tpu.enqueue_indirect_dma source(%dma_start3A_6 : memref<5120x1024xi32, #tpu.memory_space<hbm>>) target(%arg6 : memref<32x1024xi32, #tpu.memory_space<vmem>>) offsets(%dma_start3A_3 : memref<32xi32, #tpu.memory_space<vmem>>) semaphore(%arg9 : memref<!tpu.dma_semaphore, #tpu.memory_space<semaphore_mem>>)
    %dma_start3A_7 = arith.constant 32 : i32
    %dma_start3A_8 = tpu.memref_slice %arg5[%dma_start3A_7] : memref<128xi32, #tpu.memory_space<vmem>> -> memref<32xi32, #tpu.memory_space<vmem>>
    %dma_start3A_9 = arith.constant 0 : i32
    %dma_start3A_10 = arith.constant 0 : i32
    %dma_start3A_11 = tpu.memref_slice %arg2[%dma_start3A_9, %dma_start3A_10] : memref<5120x1024xi32, #tpu.memory_space<hbm>> -> memref<5120x1024xi32, #tpu.memory_space<hbm>>
    tpu.enqueue_indirect_dma source(%dma_start3A_11 : memref<5120x1024xi32, #tpu.memory_space<hbm>>) target(%arg7 : memref<32x1024xi32, #tpu.memory_space<vmem>>) offsets(%dma_start3A_8 : memref<32xi32, #tpu.memory_space<vmem>>) semaphore(%arg10 : memref<!tpu.dma_semaphore, #tpu.memory_space<semaphore_mem>>)
    %dma_start3A_12 = arith.constant 64 : i32
    %dma_start3A_13 = tpu.memref_slice %arg5[%dma_start3A_12] : memref<128xi32, #tpu.memory_space<vmem>> -> memref<32xi32, #tpu.memory_space<vmem>>
    %dma_start3A_14 = arith.constant 0 : i32
    %dma_start3A_15 = arith.constant 0 : i32
    %dma_start3A_16 = tpu.memref_slice %arg2[%dma_start3A_14, %dma_start3A_15] : memref<5120x1024xi32, #tpu.memory_space<hbm>> -> memref<5120x1024xi32, #tpu.memory_space<hbm>>
    tpu.enqueue_indirect_dma source(%dma_start3A_16 : memref<5120x1024xi32, #tpu.memory_space<hbm>>) target(%arg8 : memref<32x1024xi32, #tpu.memory_space<vmem>>) offsets(%dma_start3A_13 : memref<32xi32, #tpu.memory_space<vmem>>) semaphore(%arg11 : memref<!tpu.dma_semaphore, #tpu.memory_space<semaphore_mem>>)
    %dma_wait3A = arith.constant 0 : i32
    %dma_wait3A_17 = tpu.memref_slice %arg5[%dma_wait3A] : memref<128xi32, #tpu.memory_space<vmem>> -> memref<32xi32, #tpu.memory_space<vmem>>
    %dma_wait3A_18 = arith.constant 0 : i32
    %dma_wait3A_19 = arith.constant 0 : i32
    %dma_wait3A_20 = tpu.memref_slice %arg2[%dma_wait3A_18, %dma_wait3A_19] : memref<5120x1024xi32, #tpu.memory_space<hbm>> -> memref<5120x1024xi32, #tpu.memory_space<hbm>>
    tpu.wait_indirect_dma semaphore(%arg9 : memref<!tpu.dma_semaphore, #tpu.memory_space<semaphore_mem>>) src(%dma_wait3A_20 : memref<5120x1024xi32, #tpu.memory_space<hbm>>) dst(%arg6 : memref<32x1024xi32, #tpu.memory_space<vmem>>)
    %add3A_21 = arith.constant 0 : i32
    %add3A_22 = arith.addi %mul3A_2, %add3A_21 : i32
    %dma_start3A_23 = arith.constant 0 : i32
    %dma_start3A_24 = tpu.memref_slice %arg4[%add3A_22, %dma_start3A_23] : memref<4096x1024xi32, #tpu.memory_space<hbm>> -> memref<32x1024xi32, #tpu.memory_space<hbm>>
    %dma_start3A_25 = arith.constant 0 : i32
    %dma_start3A_26 = tpu.memref_slice %arg4[%add3A_22, %dma_start3A_25] : memref<4096x1024xi32, #tpu.memory_space<hbm>> -> memref<32x1024xi32, #tpu.memory_space<hbm>>
    tpu.enqueue_dma source(%arg6 : memref<32x1024xi32, #tpu.memory_space<vmem>>) target(%dma_start3A_26 : memref<32x1024xi32, #tpu.memory_space<hbm>>) target_semaphore(%arg12 : memref<!tpu.dma_semaphore, #tpu.memory_space<semaphore_mem>>)
    %dma_wait3A_27 = arith.constant 0 : i32
    %dma_wait3A_28 = tpu.memref_slice %arg4[%add3A_22, %dma_wait3A_27] : memref<4096x1024xi32, #tpu.memory_space<hbm>> -> memref<32x1024xi32, #tpu.memory_space<hbm>>
    %dma_wait3A_29 = arith.constant 0 : i32
    %dma_wait3A_30 = tpu.memref_slice %arg4[%add3A_22, %dma_wait3A_29] : memref<4096x1024xi32, #tpu.memory_space<hbm>> -> memref<32x1024xi32, #tpu.memory_space<hbm>>
    tpu.wait_dma2 semaphore(%arg12 : memref<!tpu.dma_semaphore, #tpu.memory_space<semaphore_mem>>) src(%arg6 : memref<32x1024xi32, #tpu.memory_space<vmem>>) dst(%dma_wait3A_30 : memref<32x1024xi32, #tpu.memory_space<hbm>>)
    %dma_start3A_31 = arith.constant 96 : i32
    %dma_start3A_32 = tpu.memref_slice %arg5[%dma_start3A_31] : memref<128xi32, #tpu.memory_space<vmem>> -> memref<32xi32, #tpu.memory_space<vmem>>
    %dma_start3A_33 = arith.constant 0 : i32
    %dma_start3A_34 = arith.constant 0 : i32
    %dma_start3A_35 = tpu.memref_slice %arg2[%dma_start3A_33, %dma_start3A_34] : memref<5120x1024xi32, #tpu.memory_space<hbm>> -> memref<5120x1024xi32, #tpu.memory_space<hbm>>
    tpu.enqueue_indirect_dma source(%dma_start3A_35 : memref<5120x1024xi32, #tpu.memory_space<hbm>>) target(%arg6 : memref<32x1024xi32, #tpu.memory_space<vmem>>) offsets(%dma_start3A_32 : memref<32xi32, #tpu.memory_space<vmem>>) semaphore(%arg9 : memref<!tpu.dma_semaphore, #tpu.memory_space<semaphore_mem>>)
    %dma_wait3A_36 = arith.constant 32 : i32
    %dma_wait3A_37 = tpu.memref_slice %arg5[%dma_wait3A_36] : memref<128xi32, #tpu.memory_space<vmem>> -> memref<32xi32, #tpu.memory_space<vmem>>
    %dma_wait3A_38 = arith.constant 0 : i32
    %dma_wait3A_39 = arith.constant 0 : i32
    %dma_wait3A_40 = tpu.memref_slice %arg2[%dma_wait3A_38, %dma_wait3A_39] : memref<5120x1024xi32, #tpu.memory_space<hbm>> -> memref<5120x1024xi32, #tpu.memory_space<hbm>>
    tpu.wait_indirect_dma semaphore(%arg10 : memref<!tpu.dma_semaphore, #tpu.memory_space<semaphore_mem>>) src(%dma_wait3A_40 : memref<5120x1024xi32, #tpu.memory_space<hbm>>) dst(%arg7 : memref<32x1024xi32, #tpu.memory_space<vmem>>)
    %add3A_41 = arith.constant 32 : i32
    %add3A_42 = arith.addi %mul3A_2, %add3A_41 : i32
    %dma_start3A_43 = arith.constant 0 : i32
    %dma_start3A_44 = tpu.memref_slice %arg4[%add3A_42, %dma_start3A_43] : memref<4096x1024xi32, #tpu.memory_space<hbm>> -> memref<32x1024xi32, #tpu.memory_space<hbm>>
    %dma_start3A_45 = arith.constant 0 : i32
    %dma_start3A_46 = tpu.memref_slice %arg4[%add3A_42, %dma_start3A_45] : memref<4096x1024xi32, #tpu.memory_space<hbm>> -> memref<32x1024xi32, #tpu.memory_space<hbm>>
    tpu.enqueue_dma source(%arg7 : memref<32x1024xi32, #tpu.memory_space<vmem>>) target(%dma_start3A_46 : memref<32x1024xi32, #tpu.memory_space<hbm>>) target_semaphore(%arg13 : memref<!tpu.dma_semaphore, #tpu.memory_space<semaphore_mem>>)
    %dma_wait3A_47 = arith.constant 64 : i32
    %dma_wait3A_48 = tpu.memref_slice %arg5[%dma_wait3A_47] : memref<128xi32, #tpu.memory_space<vmem>> -> memref<32xi32, #tpu.memory_space<vmem>>
    %dma_wait3A_49 = arith.constant 0 : i32
    %dma_wait3A_50 = arith.constant 0 : i32
    %dma_wait3A_51 = tpu.memref_slice %arg2[%dma_wait3A_49, %dma_wait3A_50] : memref<5120x1024xi32, #tpu.memory_space<hbm>> -> memref<5120x1024xi32, #tpu.memory_space<hbm>>
    tpu.wait_indirect_dma semaphore(%arg11 : memref<!tpu.dma_semaphore, #tpu.memory_space<semaphore_mem>>) src(%dma_wait3A_51 : memref<5120x1024xi32, #tpu.memory_space<hbm>>) dst(%arg8 : memref<32x1024xi32, #tpu.memory_space<vmem>>)
    %add3A_52 = arith.constant 64 : i32
    %add3A_53 = arith.addi %mul3A_2, %add3A_52 : i32
    %dma_start3A_54 = arith.constant 0 : i32
    %dma_start3A_55 = tpu.memref_slice %arg4[%add3A_53, %dma_start3A_54] : memref<4096x1024xi32, #tpu.memory_space<hbm>> -> memref<32x1024xi32, #tpu.memory_space<hbm>>
    %dma_start3A_56 = arith.constant 0 : i32
    %dma_start3A_57 = tpu.memref_slice %arg4[%add3A_53, %dma_start3A_56] : memref<4096x1024xi32, #tpu.memory_space<hbm>> -> memref<32x1024xi32, #tpu.memory_space<hbm>>
    tpu.enqueue_dma source(%arg8 : memref<32x1024xi32, #tpu.memory_space<vmem>>) target(%dma_start3A_57 : memref<32x1024xi32, #tpu.memory_space<hbm>>) target_semaphore(%arg14 : memref<!tpu.dma_semaphore, #tpu.memory_space<semaphore_mem>>)
    %dma_wait3A_58 = arith.constant 96 : i32
    %dma_wait3A_59 = tpu.memref_slice %arg5[%dma_wait3A_58] : memref<128xi32, #tpu.memory_space<vmem>> -> memref<32xi32, #tpu.memory_space<vmem>>
    %dma_wait3A_60 = arith.constant 0 : i32
    %dma_wait3A_61 = arith.constant 0 : i32
    %dma_wait3A_62 = tpu.memref_slice %arg2[%dma_wait3A_60, %dma_wait3A_61] : memref<5120x1024xi32, #tpu.memory_space<hbm>> -> memref<5120x1024xi32, #tpu.memory_space<hbm>>
    tpu.wait_indirect_dma semaphore(%arg9 : memref<!tpu.dma_semaphore, #tpu.memory_space<semaphore_mem>>) src(%dma_wait3A_62 : memref<5120x1024xi32, #tpu.memory_space<hbm>>) dst(%arg6 : memref<32x1024xi32, #tpu.memory_space<vmem>>)
    %add3A_63 = arith.constant 96 : i32
    %add3A_64 = arith.addi %mul3A_2, %add3A_63 : i32
    %dma_start3A_65 = arith.constant 0 : i32
    %dma_start3A_66 = tpu.memref_slice %arg4[%add3A_64, %dma_start3A_65] : memref<4096x1024xi32, #tpu.memory_space<hbm>> -> memref<32x1024xi32, #tpu.memory_space<hbm>>
    %dma_start3A_67 = arith.constant 0 : i32
    %dma_start3A_68 = tpu.memref_slice %arg4[%add3A_64, %dma_start3A_67] : memref<4096x1024xi32, #tpu.memory_space<hbm>> -> memref<32x1024xi32, #tpu.memory_space<hbm>>
    tpu.enqueue_dma source(%arg6 : memref<32x1024xi32, #tpu.memory_space<vmem>>) target(%dma_start3A_68 : memref<32x1024xi32, #tpu.memory_space<hbm>>) target_semaphore(%arg12 : memref<!tpu.dma_semaphore, #tpu.memory_space<semaphore_mem>>)
    %dma_wait3A_69 = arith.constant 0 : i32
    %dma_wait3A_70 = tpu.memref_slice %arg4[%add3A_42, %dma_wait3A_69] : memref<4096x1024xi32, #tpu.memory_space<hbm>> -> memref<32x1024xi32, #tpu.memory_space<hbm>>
    %dma_wait3A_71 = arith.constant 0 : i32
    %dma_wait3A_72 = tpu.memref_slice %arg4[%add3A_42, %dma_wait3A_71] : memref<4096x1024xi32, #tpu.memory_space<hbm>> -> memref<32x1024xi32, #tpu.memory_space<hbm>>
    tpu.wait_dma2 semaphore(%arg13 : memref<!tpu.dma_semaphore, #tpu.memory_space<semaphore_mem>>) src(%arg7 : memref<32x1024xi32, #tpu.memory_space<vmem>>) dst(%dma_wait3A_72 : memref<32x1024xi32, #tpu.memory_space<hbm>>)
    %dma_wait3A_73 = arith.constant 0 : i32
    %dma_wait3A_74 = tpu.memref_slice %arg4[%add3A_53, %dma_wait3A_73] : memref<4096x1024xi32, #tpu.memory_space<hbm>> -> memref<32x1024xi32, #tpu.memory_space<hbm>>
    %dma_wait3A_75 = arith.constant 0 : i32
    %dma_wait3A_76 = tpu.memref_slice %arg4[%add3A_53, %dma_wait3A_75] : memref<4096x1024xi32, #tpu.memory_space<hbm>> -> memref<32x1024xi32, #tpu.memory_space<hbm>>
    tpu.wait_dma2 semaphore(%arg14 : memref<!tpu.dma_semaphore, #tpu.memory_space<semaphore_mem>>) src(%arg8 : memref<32x1024xi32, #tpu.memory_space<vmem>>) dst(%dma_wait3A_76 : memref<32x1024xi32, #tpu.memory_space<hbm>>)
    %dma_wait3A_77 = arith.constant 0 : i32
    %dma_wait3A_78 = tpu.memref_slice %arg4[%add3A_64, %dma_wait3A_77] : memref<4096x1024xi32, #tpu.memory_space<hbm>> -> memref<32x1024xi32, #tpu.memory_space<hbm>>
    %dma_wait3A_79 = arith.constant 0 : i32
    %dma_wait3A_80 = tpu.memref_slice %arg4[%add3A_64, %dma_wait3A_79] : memref<4096x1024xi32, #tpu.memory_space<hbm>> -> memref<32x1024xi32, #tpu.memory_space<hbm>>
    tpu.wait_dma2 semaphore(%arg12 : memref<!tpu.dma_semaphore, #tpu.memory_space<semaphore_mem>>) src(%arg6 : memref<32x1024xi32, #tpu.memory_space<vmem>>) dst(%dma_wait3A_80 : memref<32x1024xi32, #tpu.memory_space<hbm>>)
    return
  }
}

#map = affine_map<(d0, d1) -> (0, 0)>
#map1 = affine_map<(d0, d1) -> (0)>
module attributes {stable_mosaic.version = 14 : i64} {
  func.func @sk(%arg0: i32, %arg1: i32, %arg2: memref<2048x1024xf32, #tpu.memory_space<hbm>>, %arg3: memref<4096xi32, #tpu.memory_space<hbm>>, %arg4: memref<5120x1024xf32, #tpu.memory_space<hbm>>, %arg5: memref<64xi32, #tpu.memory_space<vmem>>, %arg6: memref<64xi32, #tpu.memory_space<vmem>>, %arg7: memref<32x1024xf32, #tpu.memory_space<vmem>>, %arg8: memref<32x1024xf32, #tpu.memory_space<vmem>>, %arg9: memref<!tpu.dma_semaphore, #tpu.memory_space<semaphore_mem>>, %arg10: memref<!tpu.dma_semaphore, #tpu.memory_space<semaphore_mem>>, %arg11: memref<!tpu.dma_semaphore, #tpu.memory_space<semaphore_mem>>, %arg12: memref<!tpu.dma_semaphore, #tpu.memory_space<semaphore_mem>>, %arg13: memref<!tpu.dma_semaphore, #tpu.memory_space<semaphore_mem>>, %arg14: memref<!tpu.dma_semaphore, #tpu.memory_space<semaphore_mem>>) attributes {dimension_semantics = [#tpu.dimension_semantics<core_parallel>, #tpu.dimension_semantics<subcore_parallel>], iteration_bounds = array<i64: 2, 16>, scalar_prefetch = 0 : i64, scratch_operands = 10 : i64, tpu.core_type = #tpu.core_type<sc_vector_subcore>, window_params = [{transform_indices = #map}, {transform_indices = #map1}, {transform_indices = #map}]} {
    %mul3A = arith.constant 2 : i32
    %mul3A_0 = arith.muli %arg1, %mul3A : i32
    %add3A = arith.addi %mul3A_0, %arg0 : i32
    %mul3A_1 = arith.constant 64 : i32
    %mul3A_2 = arith.muli %add3A, %mul3A_1 : i32
    "tpu.region"() ({
      %run_scoped3A = tpu.sem_alloc : memref<!tpu.dma_semaphore, #tpu.memory_space<semaphore_mem>>
      %dma_start3A_63 = tpu.memref_slice %arg3[%mul3A_2] : memref<4096xi32, #tpu.memory_space<hbm>> -> memref<64xi32, #tpu.memory_space<hbm>>
      %dma_start3A_64 = tpu.memref_slice %arg3[%mul3A_2] : memref<4096xi32, #tpu.memory_space<hbm>> -> memref<64xi32, #tpu.memory_space<hbm>>
      tpu.enqueue_dma source(%dma_start3A_64 : memref<64xi32, #tpu.memory_space<hbm>>) target(%arg5 : memref<64xi32, #tpu.memory_space<vmem>>) target_semaphore(%run_scoped3A : memref<!tpu.dma_semaphore, #tpu.memory_space<semaphore_mem>>)
      %dma_wait3A_65 = tpu.memref_slice %arg3[%mul3A_2] : memref<4096xi32, #tpu.memory_space<hbm>> -> memref<64xi32, #tpu.memory_space<hbm>>
      %dma_wait3A_66 = tpu.memref_slice %arg3[%mul3A_2] : memref<4096xi32, #tpu.memory_space<hbm>> -> memref<64xi32, #tpu.memory_space<hbm>>
      tpu.wait_dma2 semaphore(%run_scoped3A : memref<!tpu.dma_semaphore, #tpu.memory_space<semaphore_mem>>) src(%dma_wait3A_66 : memref<64xi32, #tpu.memory_space<hbm>>) dst(%arg5 : memref<64xi32, #tpu.memory_space<vmem>>)
      tpu.yield
    }) : () -> ()
    %add3A_3 = arith.constant 2048 : i32
    %add3A_4 = arith.addi %add3A_3, %mul3A_2 : i32
    "tpu.region"() ({
      %run_scoped3A = tpu.sem_alloc : memref<!tpu.dma_semaphore, #tpu.memory_space<semaphore_mem>>
      %dma_start3A_63 = tpu.memref_slice %arg3[%add3A_4] : memref<4096xi32, #tpu.memory_space<hbm>> -> memref<64xi32, #tpu.memory_space<hbm>>
      %dma_start3A_64 = tpu.memref_slice %arg3[%add3A_4] : memref<4096xi32, #tpu.memory_space<hbm>> -> memref<64xi32, #tpu.memory_space<hbm>>
      tpu.enqueue_dma source(%dma_start3A_64 : memref<64xi32, #tpu.memory_space<hbm>>) target(%arg6 : memref<64xi32, #tpu.memory_space<vmem>>) target_semaphore(%run_scoped3A : memref<!tpu.dma_semaphore, #tpu.memory_space<semaphore_mem>>)
      %dma_wait3A_65 = tpu.memref_slice %arg3[%add3A_4] : memref<4096xi32, #tpu.memory_space<hbm>> -> memref<64xi32, #tpu.memory_space<hbm>>
      %dma_wait3A_66 = tpu.memref_slice %arg3[%add3A_4] : memref<4096xi32, #tpu.memory_space<hbm>> -> memref<64xi32, #tpu.memory_space<hbm>>
      tpu.wait_dma2 semaphore(%run_scoped3A : memref<!tpu.dma_semaphore, #tpu.memory_space<semaphore_mem>>) src(%dma_wait3A_66 : memref<64xi32, #tpu.memory_space<hbm>>) dst(%arg6 : memref<64xi32, #tpu.memory_space<vmem>>)
      tpu.yield
    }) : () -> ()
    %add3A_5 = arith.constant 0 : i32
    %add3A_6 = arith.addi %mul3A_2, %add3A_5 : i32
    %dma_start3A = arith.constant 0 : i32
    %dma_start3A_7 = tpu.memref_slice %arg2[%add3A_6, %dma_start3A] : memref<2048x1024xf32, #tpu.memory_space<hbm>> -> memref<32x1024xf32, #tpu.memory_space<hbm>>
    %dma_start3A_8 = arith.constant 0 : i32
    %dma_start3A_9 = tpu.memref_slice %arg2[%add3A_6, %dma_start3A_8] : memref<2048x1024xf32, #tpu.memory_space<hbm>> -> memref<32x1024xf32, #tpu.memory_space<hbm>>
    tpu.enqueue_dma source(%dma_start3A_9 : memref<32x1024xf32, #tpu.memory_space<hbm>>) target(%arg7 : memref<32x1024xf32, #tpu.memory_space<vmem>>) target_semaphore(%arg9 : memref<!tpu.dma_semaphore, #tpu.memory_space<semaphore_mem>>)
    %add3A_10 = arith.constant 32 : i32
    %add3A_11 = arith.addi %mul3A_2, %add3A_10 : i32
    %dma_start3A_12 = arith.constant 0 : i32
    %dma_start3A_13 = tpu.memref_slice %arg2[%add3A_11, %dma_start3A_12] : memref<2048x1024xf32, #tpu.memory_space<hbm>> -> memref<32x1024xf32, #tpu.memory_space<hbm>>
    %dma_start3A_14 = arith.constant 0 : i32
    %dma_start3A_15 = tpu.memref_slice %arg2[%add3A_11, %dma_start3A_14] : memref<2048x1024xf32, #tpu.memory_space<hbm>> -> memref<32x1024xf32, #tpu.memory_space<hbm>>
    tpu.enqueue_dma source(%dma_start3A_15 : memref<32x1024xf32, #tpu.memory_space<hbm>>) target(%arg8 : memref<32x1024xf32, #tpu.memory_space<vmem>>) target_semaphore(%arg10 : memref<!tpu.dma_semaphore, #tpu.memory_space<semaphore_mem>>)
    %dma_wait3A = arith.constant 0 : i32
    %dma_wait3A_16 = tpu.memref_slice %arg2[%add3A_6, %dma_wait3A] : memref<2048x1024xf32, #tpu.memory_space<hbm>> -> memref<32x1024xf32, #tpu.memory_space<hbm>>
    %dma_wait3A_17 = arith.constant 0 : i32
    %dma_wait3A_18 = tpu.memref_slice %arg2[%add3A_6, %dma_wait3A_17] : memref<2048x1024xf32, #tpu.memory_space<hbm>> -> memref<32x1024xf32, #tpu.memory_space<hbm>>
    tpu.wait_dma2 semaphore(%arg9 : memref<!tpu.dma_semaphore, #tpu.memory_space<semaphore_mem>>) src(%dma_wait3A_18 : memref<32x1024xf32, #tpu.memory_space<hbm>>) dst(%arg7 : memref<32x1024xf32, #tpu.memory_space<vmem>>)
    %dma_start3A_19 = arith.constant 0 : i32
    %dma_start3A_20 = tpu.memref_slice %arg5[%dma_start3A_19] : memref<64xi32, #tpu.memory_space<vmem>> -> memref<32xi32, #tpu.memory_space<vmem>>
    %dma_start3A_21 = arith.constant 0 : i32
    %dma_start3A_22 = arith.constant 0 : i32
    %dma_start3A_23 = tpu.memref_slice %arg4[%dma_start3A_21, %dma_start3A_22] : memref<5120x1024xf32, #tpu.memory_space<hbm>> -> memref<5120x1024xf32, #tpu.memory_space<hbm>>
    tpu.enqueue_indirect_dma source(%arg7 : memref<32x1024xf32, #tpu.memory_space<vmem>>) target(%dma_start3A_23 : memref<5120x1024xf32, #tpu.memory_space<hbm>>) offsets(%dma_start3A_20 : memref<32xi32, #tpu.memory_space<vmem>>) semaphore(%arg11 : memref<!tpu.dma_semaphore, #tpu.memory_space<semaphore_mem>>)
    %dma_start3A_24 = arith.constant 0 : i32
    %dma_start3A_25 = tpu.memref_slice %arg6[%dma_start3A_24] : memref<64xi32, #tpu.memory_space<vmem>> -> memref<32xi32, #tpu.memory_space<vmem>>
    %dma_start3A_26 = arith.constant 0 : i32
    %dma_start3A_27 = arith.constant 0 : i32
    %dma_start3A_28 = tpu.memref_slice %arg4[%dma_start3A_26, %dma_start3A_27] : memref<5120x1024xf32, #tpu.memory_space<hbm>> -> memref<5120x1024xf32, #tpu.memory_space<hbm>>
    tpu.enqueue_indirect_dma source(%arg7 : memref<32x1024xf32, #tpu.memory_space<vmem>>) target(%dma_start3A_28 : memref<5120x1024xf32, #tpu.memory_space<hbm>>) offsets(%dma_start3A_25 : memref<32xi32, #tpu.memory_space<vmem>>) semaphore(%arg12 : memref<!tpu.dma_semaphore, #tpu.memory_space<semaphore_mem>>)
    %dma_wait3A_29 = arith.constant 0 : i32
    %dma_wait3A_30 = tpu.memref_slice %arg2[%add3A_11, %dma_wait3A_29] : memref<2048x1024xf32, #tpu.memory_space<hbm>> -> memref<32x1024xf32, #tpu.memory_space<hbm>>
    %dma_wait3A_31 = arith.constant 0 : i32
    %dma_wait3A_32 = tpu.memref_slice %arg2[%add3A_11, %dma_wait3A_31] : memref<2048x1024xf32, #tpu.memory_space<hbm>> -> memref<32x1024xf32, #tpu.memory_space<hbm>>
    tpu.wait_dma2 semaphore(%arg10 : memref<!tpu.dma_semaphore, #tpu.memory_space<semaphore_mem>>) src(%dma_wait3A_32 : memref<32x1024xf32, #tpu.memory_space<hbm>>) dst(%arg8 : memref<32x1024xf32, #tpu.memory_space<vmem>>)
    %dma_start3A_33 = arith.constant 32 : i32
    %dma_start3A_34 = tpu.memref_slice %arg5[%dma_start3A_33] : memref<64xi32, #tpu.memory_space<vmem>> -> memref<32xi32, #tpu.memory_space<vmem>>
    %dma_start3A_35 = arith.constant 0 : i32
    %dma_start3A_36 = arith.constant 0 : i32
    %dma_start3A_37 = tpu.memref_slice %arg4[%dma_start3A_35, %dma_start3A_36] : memref<5120x1024xf32, #tpu.memory_space<hbm>> -> memref<5120x1024xf32, #tpu.memory_space<hbm>>
    tpu.enqueue_indirect_dma source(%arg8 : memref<32x1024xf32, #tpu.memory_space<vmem>>) target(%dma_start3A_37 : memref<5120x1024xf32, #tpu.memory_space<hbm>>) offsets(%dma_start3A_34 : memref<32xi32, #tpu.memory_space<vmem>>) semaphore(%arg13 : memref<!tpu.dma_semaphore, #tpu.memory_space<semaphore_mem>>)
    %dma_start3A_38 = arith.constant 32 : i32
    %dma_start3A_39 = tpu.memref_slice %arg6[%dma_start3A_38] : memref<64xi32, #tpu.memory_space<vmem>> -> memref<32xi32, #tpu.memory_space<vmem>>
    %dma_start3A_40 = arith.constant 0 : i32
    %dma_start3A_41 = arith.constant 0 : i32
    %dma_start3A_42 = tpu.memref_slice %arg4[%dma_start3A_40, %dma_start3A_41] : memref<5120x1024xf32, #tpu.memory_space<hbm>> -> memref<5120x1024xf32, #tpu.memory_space<hbm>>
    tpu.enqueue_indirect_dma source(%arg8 : memref<32x1024xf32, #tpu.memory_space<vmem>>) target(%dma_start3A_42 : memref<5120x1024xf32, #tpu.memory_space<hbm>>) offsets(%dma_start3A_39 : memref<32xi32, #tpu.memory_space<vmem>>) semaphore(%arg14 : memref<!tpu.dma_semaphore, #tpu.memory_space<semaphore_mem>>)
    %dma_wait3A_43 = arith.constant 0 : i32
    %dma_wait3A_44 = tpu.memref_slice %arg5[%dma_wait3A_43] : memref<64xi32, #tpu.memory_space<vmem>> -> memref<32xi32, #tpu.memory_space<vmem>>
    %dma_wait3A_45 = arith.constant 0 : i32
    %dma_wait3A_46 = arith.constant 0 : i32
    %dma_wait3A_47 = tpu.memref_slice %arg4[%dma_wait3A_45, %dma_wait3A_46] : memref<5120x1024xf32, #tpu.memory_space<hbm>> -> memref<5120x1024xf32, #tpu.memory_space<hbm>>
    tpu.wait_indirect_dma semaphore(%arg11 : memref<!tpu.dma_semaphore, #tpu.memory_space<semaphore_mem>>) src(%arg7 : memref<32x1024xf32, #tpu.memory_space<vmem>>) dst(%dma_wait3A_47 : memref<5120x1024xf32, #tpu.memory_space<hbm>>)
    %dma_wait3A_48 = arith.constant 0 : i32
    %dma_wait3A_49 = tpu.memref_slice %arg6[%dma_wait3A_48] : memref<64xi32, #tpu.memory_space<vmem>> -> memref<32xi32, #tpu.memory_space<vmem>>
    %dma_wait3A_50 = arith.constant 0 : i32
    %dma_wait3A_51 = arith.constant 0 : i32
    %dma_wait3A_52 = tpu.memref_slice %arg4[%dma_wait3A_50, %dma_wait3A_51] : memref<5120x1024xf32, #tpu.memory_space<hbm>> -> memref<5120x1024xf32, #tpu.memory_space<hbm>>
    tpu.wait_indirect_dma semaphore(%arg12 : memref<!tpu.dma_semaphore, #tpu.memory_space<semaphore_mem>>) src(%arg7 : memref<32x1024xf32, #tpu.memory_space<vmem>>) dst(%dma_wait3A_52 : memref<5120x1024xf32, #tpu.memory_space<hbm>>)
    %dma_wait3A_53 = arith.constant 32 : i32
    %dma_wait3A_54 = tpu.memref_slice %arg5[%dma_wait3A_53] : memref<64xi32, #tpu.memory_space<vmem>> -> memref<32xi32, #tpu.memory_space<vmem>>
    %dma_wait3A_55 = arith.constant 0 : i32
    %dma_wait3A_56 = arith.constant 0 : i32
    %dma_wait3A_57 = tpu.memref_slice %arg4[%dma_wait3A_55, %dma_wait3A_56] : memref<5120x1024xf32, #tpu.memory_space<hbm>> -> memref<5120x1024xf32, #tpu.memory_space<hbm>>
    tpu.wait_indirect_dma semaphore(%arg13 : memref<!tpu.dma_semaphore, #tpu.memory_space<semaphore_mem>>) src(%arg8 : memref<32x1024xf32, #tpu.memory_space<vmem>>) dst(%dma_wait3A_57 : memref<5120x1024xf32, #tpu.memory_space<hbm>>)
    %dma_wait3A_58 = arith.constant 32 : i32
    %dma_wait3A_59 = tpu.memref_slice %arg6[%dma_wait3A_58] : memref<64xi32, #tpu.memory_space<vmem>> -> memref<32xi32, #tpu.memory_space<vmem>>
    %dma_wait3A_60 = arith.constant 0 : i32
    %dma_wait3A_61 = arith.constant 0 : i32
    %dma_wait3A_62 = tpu.memref_slice %arg4[%dma_wait3A_60, %dma_wait3A_61] : memref<5120x1024xf32, #tpu.memory_space<hbm>> -> memref<5120x1024xf32, #tpu.memory_space<hbm>>
    tpu.wait_indirect_dma semaphore(%arg14 : memref<!tpu.dma_semaphore, #tpu.memory_space<semaphore_mem>>) src(%arg8 : memref<32x1024xf32, #tpu.memory_space<vmem>>) dst(%dma_wait3A_62 : memref<5120x1024xf32, #tpu.memory_space<hbm>>)
    return
  }
}

module attributes {stable_mosaic.version = 14 : i64} {
  func.func @_qkv_body(%arg0: i32, %arg1: memref<256x1024xf32, #tpu.memory_space<vmem>>, %arg2: memref<256x1536xf32, #tpu.memory_space<vmem>>, %arg3: memref<256x1536xf32, #tpu.memory_space<vmem>>, %arg4: memref<1024x2048xf32, #tpu.memory_space<vmem>>, %arg5: memref<1x1024xf32, #tpu.memory_space<vmem>>, %arg6: memref<1x1536xf32, #tpu.memory_space<vmem>>, %arg7: memref<1536x24xf32, #tpu.memory_space<vmem>>, %arg8: memref<24x1536xf32, #tpu.memory_space<vmem>>, %arg9: memref<256x1024xf32, #tpu.memory_space<vmem>>, %arg10: memref<256x512xf32, #tpu.memory_space<vmem>>, %arg11: memref<256x512xf32, #tpu.memory_space<vmem>>) attributes {dimension_semantics = [#tpu.dimension_semantics<arbitrary>], iteration_bounds = array<i64: 8>, scalar_prefetch = 0 : i64, scratch_operands = 0 : i64, tpu.core_type = #tpu.core_type<tc>, window_params = [{transform_indices = @transform_0, window_bounds = array<i64: 256, 1024>}, {transform_indices = @transform_1, window_bounds = array<i64: 256, 1536>}, {transform_indices = @transform_2, window_bounds = array<i64: 256, 1536>}, {pipeline_mode = #tpu.pipeline_mode<synchronous>, transform_indices = @transform_3, window_bounds = array<i64: 1024, 2048>}, {pipeline_mode = #tpu.pipeline_mode<synchronous>, transform_indices = @transform_4, window_bounds = array<i64: 1, 1024>}, {pipeline_mode = #tpu.pipeline_mode<synchronous>, transform_indices = @transform_5, window_bounds = array<i64: 1, 1536>}, {pipeline_mode = #tpu.pipeline_mode<synchronous>, transform_indices = @transform_6, window_bounds = array<i64: 1536, 24>}, {pipeline_mode = #tpu.pipeline_mode<synchronous>, transform_indices = @transform_7, window_bounds = array<i64: 24, 1536>}, {transform_indices = @transform_8, window_bounds = array<i64: 256, 1024>}, {transform_indices = @transform_9, window_bounds = array<i64: 256, 512>}, {transform_indices = @transform_10, window_bounds = array<i64: 256, 512>}]} {
    %get3A = arith.constant 0 : index
    %get3A_0 = arith.constant 0 : index
    %get3A_1 = vector.load %arg1[%get3A, %get3A_0] : memref<256x1024xf32, #tpu.memory_space<vmem>>, vector<256x1024xf32>
    %mul3A = arith.mulf %get3A_1, %get3A_1 : vector<256x1024xf32>
    %reduce_sum3A = arith.constant dense<0.000000e+00> : vector<256xf32>
    %reduce_sum3A_2 = vector.multi_reduction <add>, %mul3A, %reduce_sum3A [1] : vector<256x1024xf32> to vector<256xf32>
    %broadcast_in_dim3A = vector.shape_cast %reduce_sum3A_2 : vector<256xf32> to vector<256x1xf32>
    %div3A = arith.constant 1.024000e+03 : f32
    %div3A_3 = vector.broadcast %div3A : f32 to vector<256x1xf32>
    %div3A_4 = arith.divf %broadcast_in_dim3A, %div3A_3 : vector<256x1xf32>
    %add3A = arith.constant 9.99999997E-7 : f32
    %add3A_5 = vector.broadcast %add3A : f32 to vector<256x1xf32>
    %add3A_6 = arith.addf %div3A_4, %add3A_5 : vector<256x1xf32>
    %rsqrt3A = math.rsqrt %add3A_6 : vector<256x1xf32>
    %mul3A_7 = vector.broadcast %rsqrt3A : vector<256x1xf32> to vector<256x1024xf32>
    %mul3A_8 = arith.mulf %get3A_1, %mul3A_7 : vector<256x1024xf32>
    %get3A_9 = arith.constant 0 : index
    %get3A_10 = arith.constant 0 : index
    %get3A_11 = vector.load %arg5[%get3A_9, %get3A_10] : memref<1x1024xf32, #tpu.memory_space<vmem>>, vector<1x1024xf32>
    %mul3A_12 = vector.broadcast %get3A_11 : vector<1x1024xf32> to vector<256x1024xf32>
    %mul3A_13 = arith.mulf %mul3A_8, %mul3A_12 : vector<256x1024xf32>
    %get3A_14 = arith.constant 0 : index
    %get3A_15 = arith.constant 0 : index
    %get3A_16 = vector.load %arg4[%get3A_14, %get3A_15] : memref<1024x2048xf32, #tpu.memory_space<vmem>>, vector<1024x2048xf32>
    %dot_general3A = arith.constant dense<0.000000e+00> : vector<256x2048xf32>
    %dot_general3A_17 = tpu.matmul %mul3A_13, %get3A_16, %dot_general3A {dimension_numbers = #tpu.dot_dimension_numbers<[1], [0], [0], [1], [0, 0, 1, 1], [], []>, transpose_lhs_hint = false} : vector<256x1024xf32>, vector<1024x2048xf32>, vector<256x2048xf32> -> vector<256x2048xf32>
    %slice3A = vector.extract_strided_slice %dot_general3A_17 {offsets = [0, 0], sizes = [256, 1536], strides = [1, 1]} : vector<256x2048xf32> to vector<256x1536xf32>
    %mul3A_18 = arith.mulf %slice3A, %slice3A : vector<256x1536xf32>
    %get3A_19 = arith.constant 0 : index
    %get3A_20 = arith.constant 0 : index
    %get3A_21 = vector.load %arg7[%get3A_19, %get3A_20] : memref<1536x24xf32, #tpu.memory_space<vmem>>, vector<1536x24xf32>
    %dot_general3A_22 = arith.constant dense<0.000000e+00> : vector<256x24xf32>
    %dot_general3A_23 = tpu.matmul %mul3A_18, %get3A_21, %dot_general3A_22 {dimension_numbers = #tpu.dot_dimension_numbers<[1], [0], [0], [1], [0, 0, 1, 1], [], []>, transpose_lhs_hint = false} : vector<256x1536xf32>, vector<1536x24xf32>, vector<256x24xf32> -> vector<256x24xf32>
    %mul3A_24 = arith.constant 1.562500e-02 : f32
    %mul3A_25 = vector.broadcast %mul3A_24 : f32 to vector<256x24xf32>
    %mul3A_26 = arith.mulf %dot_general3A_23, %mul3A_25 : vector<256x24xf32>
    %add3A_27 = arith.constant 9.99999997E-7 : f32
    %add3A_28 = vector.broadcast %add3A_27 : f32 to vector<256x24xf32>
    %add3A_29 = arith.addf %mul3A_26, %add3A_28 : vector<256x24xf32>
    %rsqrt3A_30 = math.rsqrt %add3A_29 : vector<256x24xf32>
    %get3A_31 = arith.constant 0 : index
    %get3A_32 = arith.constant 0 : index
    %get3A_33 = vector.load %arg8[%get3A_31, %get3A_32] : memref<24x1536xf32, #tpu.memory_space<vmem>>, vector<24x1536xf32>
    %dot_general3A_34 = arith.constant dense<0.000000e+00> : vector<256x1536xf32>
    %dot_general3A_35 = tpu.matmul %rsqrt3A_30, %get3A_33, %dot_general3A_34 {dimension_numbers = #tpu.dot_dimension_numbers<[1], [0], [0], [1], [0, 0, 1, 1], [], []>, transpose_lhs_hint = false} : vector<256x24xf32>, vector<24x1536xf32>, vector<256x1536xf32> -> vector<256x1536xf32>
    %mul3A_36 = arith.mulf %slice3A, %dot_general3A_35 : vector<256x1536xf32>
    %get3A_37 = arith.constant 0 : index
    %get3A_38 = arith.constant 0 : index
    %get3A_39 = vector.load %arg6[%get3A_37, %get3A_38] : memref<1x1536xf32, #tpu.memory_space<vmem>>, vector<1x1536xf32>
    %mul3A_40 = vector.broadcast %get3A_39 : vector<1x1536xf32> to vector<256x1536xf32>
    %mul3A_41 = arith.mulf %mul3A_36, %mul3A_40 : vector<256x1536xf32>
    %slice3A_42 = vector.extract_strided_slice %mul3A_41 {offsets = [0, 32], sizes = [256, 1504], strides = [1, 1]} : vector<256x1536xf32> to vector<256x1504xf32>
    %slice3A_43 = vector.extract_strided_slice %mul3A_41 {offsets = [0, 0], sizes = [256, 32], strides = [1, 1]} : vector<256x1536xf32> to vector<256x32xf32>
    %concatenate3A = tpu.concatenate %slice3A_42, %slice3A_43 in 1 : vector<256x1504xf32>, vector<256x32xf32> -> vector<256x1536xf32>
    %slice3A_44 = vector.extract_strided_slice %mul3A_41 {offsets = [0, 1504], sizes = [256, 32], strides = [1, 1]} : vector<256x1536xf32> to vector<256x32xf32>
    %slice3A_45 = vector.extract_strided_slice %mul3A_41 {offsets = [0, 0], sizes = [256, 1504], strides = [1, 1]} : vector<256x1536xf32> to vector<256x1504xf32>
    %concatenate3A_46 = tpu.concatenate %slice3A_44, %slice3A_45 in 1 : vector<256x32xf32>, vector<256x1504xf32> -> vector<256x1536xf32>
    %iota3A = tpu.iota {dimensions = array<i32: 1>} : vector<256x1536xi32>
    %jit3A = arith.constant 64 : i32
    %eq3A = arith.constant 0 : i32
    %eq3A_47 = arith.cmpi eq, %jit3A, %eq3A : i32
    %jit3A_48 = arith.constant 1 : i32
    %select_n3A = arith.select %eq3A_47, %jit3A_48, %jit3A : i32
    %rem3A = vector.broadcast %select_n3A : i32 to vector<256x1536xi32>
    %rem3A_49 = arith.remsi %iota3A, %rem3A : vector<256x1536xi32>
    %ne3A = arith.constant 0 : i32
    %ne3A_50 = vector.broadcast %ne3A : i32 to vector<256x1536xi32>
    %ne3A_51 = arith.cmpi ne, %rem3A_49, %ne3A_50 : vector<256x1536xi32>
    %lt3A = arith.constant 0 : i32
    %lt3A_52 = vector.broadcast %lt3A : i32 to vector<256x1536xi32>
    %lt3A_53 = arith.cmpi slt, %rem3A_49, %lt3A_52 : vector<256x1536xi32>
    %lt3A_54 = arith.constant 0 : i32
    %lt3A_55 = arith.cmpi slt, %select_n3A, %lt3A_54 : i32
    %ne3A_56 = vector.broadcast %lt3A_55 : i1 to vector<256x1536xi1>
    %ne3A_57 = vector.broadcast %ne3A_56 : vector<256x1536xi1> to vector<256x1536xi1>
    %ne3A_58 = arith.xori %lt3A_53, %ne3A_57 : vector<256x1536xi1>
    %and3A = arith.andi %ne3A_58, %ne3A_51 : vector<256x1536xi1>
    %add3A_59 = vector.broadcast %select_n3A : i32 to vector<256x1536xi32>
    %add3A_60 = arith.addi %rem3A_49, %add3A_59 : vector<256x1536xi32>
    %select_n3A_61 = arith.select %and3A, %add3A_60, %rem3A_49 : vector<256x1536xi1>, vector<256x1536xi32>
    %lt3A_62 = arith.constant 32 : i32
    %lt3A_63 = vector.broadcast %lt3A_62 : i32 to vector<256x1536xi32>
    %lt3A_64 = arith.cmpi slt, %select_n3A_61, %lt3A_63 : vector<256x1536xi32>
    %neg3A = arith.constant 0.000000e+00 : f32
    %neg3A_65 = vector.broadcast %neg3A : f32 to vector<256x1536xf32>
    %neg3A_66 = arith.subf %neg3A_65, %concatenate3A : vector<256x1536xf32>
    %select_n3A_67 = arith.select %lt3A_64, %neg3A_66, %concatenate3A_46 : vector<256x1536xi1>, vector<256x1536xf32>
    %get3A_68 = arith.constant 0 : index
    %get3A_69 = arith.constant 0 : index
    %get3A_70 = vector.load %arg2[%get3A_68, %get3A_69] : memref<256x1536xf32, #tpu.memory_space<vmem>>, vector<256x1536xf32>
    %mul3A_71 = arith.mulf %mul3A_41, %get3A_70 : vector<256x1536xf32>
    %get3A_72 = arith.constant 0 : index
    %get3A_73 = arith.constant 0 : index
    %get3A_74 = vector.load %arg3[%get3A_72, %get3A_73] : memref<256x1536xf32, #tpu.memory_space<vmem>>, vector<256x1536xf32>
    %mul3A_75 = arith.mulf %select_n3A_67, %get3A_74 : vector<256x1536xf32>
    %add3A_76 = arith.addf %mul3A_71, %mul3A_75 : vector<256x1536xf32>
    %slice3A_77 = vector.extract_strided_slice %add3A_76 {offsets = [0, 0], sizes = [256, 1024], strides = [1, 1]} : vector<256x1536xf32> to vector<256x1024xf32>
    %swap3A = arith.constant 0 : index
    %swap3A_78 = arith.constant 0 : index
    %swap3A_79 = vector.load %arg9[%swap3A, %swap3A_78] : memref<256x1024xf32, #tpu.memory_space<vmem>>, vector<256x1024xf32>
    tpu.vector_store %arg9[%swap3A, %swap3A_78], %slice3A_77 {strides = array<i32>} : memref<256x1024xf32, #tpu.memory_space<vmem>>, vector<256x1024xf32>,
    %slice3A_80 = vector.extract_strided_slice %add3A_76 {offsets = [0, 1024], sizes = [256, 512], strides = [1, 1]} : vector<256x1536xf32> to vector<256x512xf32>
    %swap3A_81 = arith.constant 0 : index
    %swap3A_82 = arith.constant 0 : index
    %swap3A_83 = vector.load %arg10[%swap3A_81, %swap3A_82] : memref<256x512xf32, #tpu.memory_space<vmem>>, vector<256x512xf32>
    tpu.vector_store %arg10[%swap3A_81, %swap3A_82], %slice3A_80 {strides = array<i32>} : memref<256x512xf32, #tpu.memory_space<vmem>>, vector<256x512xf32>,
    %slice3A_84 = vector.extract_strided_slice %dot_general3A_17 {offsets = [0, 1536], sizes = [256, 512], strides = [1, 1]} : vector<256x2048xf32> to vector<256x512xf32>
    %swap3A_85 = arith.constant 0 : index
    %swap3A_86 = arith.constant 0 : index
    %swap3A_87 = vector.load %arg11[%swap3A_85, %swap3A_86] : memref<256x512xf32, #tpu.memory_space<vmem>>, vector<256x512xf32>
    tpu.vector_store %arg11[%swap3A_85, %swap3A_86], %slice3A_84 {strides = array<i32>} : memref<256x512xf32, #tpu.memory_space<vmem>>, vector<256x512xf32>,
    return
  }
  func.func @transform_0(%arg0: i32) -> (i32, i32) {
    %c0_i32 = arith.constant 0 : i32
    %c0_i32_0 = arith.constant 0 : i32
    return %arg0, %c0_i32 : i32, i32
  }
  func.func @transform_1(%arg0: i32) -> (i32, i32) {
    %c0_i32 = arith.constant 0 : i32
    %c0_i32_0 = arith.constant 0 : i32
    return %arg0, %c0_i32 : i32, i32
  }
  func.func @transform_2(%arg0: i32) -> (i32, i32) {
    %c0_i32 = arith.constant 0 : i32
    %c0_i32_0 = arith.constant 0 : i32
    return %arg0, %c0_i32 : i32, i32
  }
  func.func @transform_3(%arg0: i32) -> (i32, i32) {
    %c0_i32 = arith.constant 0 : i32
    %c0_i32_0 = arith.constant 0 : i32
    %c0_i32_1 = arith.constant 0 : i32
    return %c0_i32, %c0_i32_0 : i32, i32
  }
  func.func @transform_4(%arg0: i32) -> (i32, i32) {
    %c0_i32 = arith.constant 0 : i32
    %c0_i32_0 = arith.constant 0 : i32
    %c0_i32_1 = arith.constant 0 : i32
    return %c0_i32, %c0_i32_0 : i32, i32
  }
  func.func @transform_5(%arg0: i32) -> (i32, i32) {
    %c0_i32 = arith.constant 0 : i32
    %c0_i32_0 = arith.constant 0 : i32
    %c0_i32_1 = arith.constant 0 : i32
    return %c0_i32, %c0_i32_0 : i32, i32
  }
  func.func @transform_6(%arg0: i32) -> (i32, i32) {
    %c0_i32 = arith.constant 0 : i32
    %c0_i32_0 = arith.constant 0 : i32
    %c0_i32_1 = arith.constant 0 : i32
    return %c0_i32, %c0_i32_0 : i32, i32
  }
  func.func @transform_7(%arg0: i32) -> (i32, i32) {
    %c0_i32 = arith.constant 0 : i32
    %c0_i32_0 = arith.constant 0 : i32
    %c0_i32_1 = arith.constant 0 : i32
    return %c0_i32, %c0_i32_0 : i32, i32
  }
  func.func @transform_8(%arg0: i32) -> (i32, i32) {
    %c0_i32 = arith.constant 0 : i32
    %c0_i32_0 = arith.constant 0 : i32
    return %arg0, %c0_i32 : i32, i32
  }
  func.func @transform_9(%arg0: i32) -> (i32, i32) {
    %c0_i32 = arith.constant 0 : i32
    %c0_i32_0 = arith.constant 0 : i32
    return %arg0, %c0_i32 : i32, i32
  }
  func.func @transform_10(%arg0: i32) -> (i32, i32) {
    %c0_i32 = arith.constant 0 : i32
    %c0_i32_0 = arith.constant 0 : i32
    return %arg0, %c0_i32 : i32, i32
  }
}

module attributes {stable_mosaic.version = 14 : i64} {
  func.func @_attn_body(%arg0: i32, %arg1: memref<256x1024xf32, #tpu.memory_space<vmem>>, %arg2: memref<512x512xf32, #tpu.memory_space<vmem>>, %arg3: memref<512x512xf32, #tpu.memory_space<vmem>>, %arg4: memref<256x1024xf32, #tpu.memory_space<vmem>>) attributes {dimension_semantics = [#tpu.dimension_semantics<arbitrary>], iteration_bounds = array<i64: 2>, scalar_prefetch = 0 : i64, scratch_operands = 0 : i64, tpu.core_type = #tpu.core_type<tc>, window_params = [{transform_indices = @transform_0, window_bounds = array<i64: 256, 1024>}, {transform_indices = @transform_1, window_bounds = array<i64: 512, 512>}, {transform_indices = @transform_2, window_bounds = array<i64: 512, 512>}, {transform_indices = @transform_3, window_bounds = array<i64: 256, 1024>}]} {
    %add3A = arith.constant 0 : i32
    %add3A_0 = arith.addi %arg0, %add3A : i32
    %mul3A = arith.constant 256 : i32
    %mul3A_1 = arith.muli %add3A_0, %mul3A : i32
    %iota3A = tpu.iota {dimensions = array<i32: 0>} : vector<256x512xi32>
    %add3A_2 = vector.broadcast %mul3A_1 : i32 to vector<256x512xi32>
    %add3A_3 = arith.addi %add3A_2, %iota3A : vector<256x512xi32>
    %iota3A_4 = tpu.iota {dimensions = array<i32: 1>} : vector<256x512xi32>
    %le3A = arith.cmpi sle, %iota3A_4, %add3A_3 : vector<256x512xi32>
    %get3A = arith.constant 0 : index
    %get3A_5 = arith.constant 0 : index
    %get3A_6 = vector.load %arg1[%get3A, %get3A_5] : memref<256x1024xf32, #tpu.memory_space<vmem>>, vector<256x64xf32>
    %mul3A_7 = arith.constant 1.250000e-01 : f32
    %mul3A_8 = vector.broadcast %mul3A_7 : f32 to vector<256x64xf32>
    %mul3A_9 = arith.mulf %get3A_6, %mul3A_8 : vector<256x64xf32>
    %get3A_10 = arith.constant 0 : index
    %get3A_11 = arith.constant 0 : index
    %get3A_12 = vector.load %arg2[%get3A_10, %get3A_11] : memref<512x512xf32, #tpu.memory_space<vmem>>, vector<512x64xf32>
    %dot_general3A = arith.constant dense<0.000000e+00> : vector<256x512xf32>
    %dot_general3A_13 = tpu.matmul %mul3A_9, %get3A_12, %dot_general3A {dimension_numbers = #tpu.dot_dimension_numbers<[1], [1], [0], [0], [0, 0, 1, 0], [], []>, transpose_lhs_hint = false} : vector<256x64xf32>, vector<512x64xf32>, vector<256x512xf32> -> vector<256x512xf32>
    %jit3A = arith.constant -1.000000e+30 : f32
    %broadcast_in_dim3A = vector.broadcast %jit3A : f32 to vector<256x512xf32>
    %select_n3A = arith.select %le3A, %dot_general3A_13, %broadcast_in_dim3A : vector<256x512xi1>, vector<256x512xf32>
    %reduce_max3A = arith.constant dense<0xFF800000> : vector<256xf32>
    %reduce_max3A_14 = vector.multi_reduction <maximumf>, %select_n3A, %reduce_max3A [1] : vector<256x512xf32> to vector<256xf32>
    %broadcast_in_dim3A_15 = vector.shape_cast %reduce_max3A_14 : vector<256xf32> to vector<256x1xf32>
    %sub3A = vector.broadcast %broadcast_in_dim3A_15 : vector<256x1xf32> to vector<256x512xf32>
    %sub3A_16 = arith.subf %select_n3A, %sub3A : vector<256x512xf32>
    %exp3A = math.exp %sub3A_16 : vector<256x512xf32>
    %reduce_sum3A = arith.constant dense<0.000000e+00> : vector<256xf32>
    %reduce_sum3A_17 = vector.multi_reduction <add>, %exp3A, %reduce_sum3A [1] : vector<256x512xf32> to vector<256xf32>
    %broadcast_in_dim3A_18 = vector.shape_cast %reduce_sum3A_17 : vector<256xf32> to vector<256x1xf32>
    %get3A_19 = arith.constant 0 : index
    %get3A_20 = arith.constant 0 : index
    %get3A_21 = vector.load %arg3[%get3A_19, %get3A_20] : memref<512x512xf32, #tpu.memory_space<vmem>>, vector<512x64xf32>
    %dot_general3A_22 = arith.constant dense<0.000000e+00> : vector<256x64xf32>
    %dot_general3A_23 = tpu.matmul %exp3A, %get3A_21, %dot_general3A_22 {dimension_numbers = #tpu.dot_dimension_numbers<[1], [0], [0], [1], [0, 0, 1, 1], [], []>, transpose_lhs_hint = false} : vector<256x512xf32>, vector<512x64xf32>, vector<256x64xf32> -> vector<256x64xf32>
    %div3A = vector.broadcast %broadcast_in_dim3A_18 : vector<256x1xf32> to vector<256x64xf32>
    %div3A_24 = arith.divf %dot_general3A_23, %div3A : vector<256x64xf32>
    %get3A_25 = arith.constant 0 : index
    %get3A_26 = arith.constant 64 : index
    %get3A_27 = vector.load %arg1[%get3A_25, %get3A_26] : memref<256x1024xf32, #tpu.memory_space<vmem>>, vector<256x64xf32>
    %mul3A_28 = arith.constant 1.250000e-01 : f32
    %mul3A_29 = vector.broadcast %mul3A_28 : f32 to vector<256x64xf32>
    %mul3A_30 = arith.mulf %get3A_27, %mul3A_29 : vector<256x64xf32>
    %get3A_31 = arith.constant 0 : index
    %get3A_32 = arith.constant 0 : index
    %get3A_33 = vector.load %arg2[%get3A_31, %get3A_32] : memref<512x512xf32, #tpu.memory_space<vmem>>, vector<512x64xf32>
    %dot_general3A_34 = arith.constant dense<0.000000e+00> : vector<256x512xf32>
    %dot_general3A_35 = tpu.matmul %mul3A_30, %get3A_33, %dot_general3A_34 {dimension_numbers = #tpu.dot_dimension_numbers<[1], [1], [0], [0], [0, 0, 1, 0], [], []>, transpose_lhs_hint = false} : vector<256x64xf32>, vector<512x64xf32>, vector<256x512xf32> -> vector<256x512xf32>
    %jit3A_36 = arith.constant -1.000000e+30 : f32
    %broadcast_in_dim3A_37 = vector.broadcast %jit3A_36 : f32 to vector<256x512xf32>
    %select_n3A_38 = arith.select %le3A, %dot_general3A_35, %broadcast_in_dim3A_37 : vector<256x512xi1>, vector<256x512xf32>
    %reduce_max3A_39 = arith.constant dense<0xFF800000> : vector<256xf32>
    %reduce_max3A_40 = vector.multi_reduction <maximumf>, %select_n3A_38, %reduce_max3A_39 [1] : vector<256x512xf32> to vector<256xf32>
    %broadcast_in_dim3A_41 = vector.shape_cast %reduce_max3A_40 : vector<256xf32> to vector<256x1xf32>
    %sub3A_42 = vector.broadcast %broadcast_in_dim3A_41 : vector<256x1xf32> to vector<256x512xf32>
    %sub3A_43 = arith.subf %select_n3A_38, %sub3A_42 : vector<256x512xf32>
    %exp3A_44 = math.exp %sub3A_43 : vector<256x512xf32>
    %reduce_sum3A_45 = arith.constant dense<0.000000e+00> : vector<256xf32>
    %reduce_sum3A_46 = vector.multi_reduction <add>, %exp3A_44, %reduce_sum3A_45 [1] : vector<256x512xf32> to vector<256xf32>
    %broadcast_in_dim3A_47 = vector.shape_cast %reduce_sum3A_46 : vector<256xf32> to vector<256x1xf32>
    %get3A_48 = arith.constant 0 : index
    %get3A_49 = arith.constant 0 : index
    %get3A_50 = vector.load %arg3[%get3A_48, %get3A_49] : memref<512x512xf32, #tpu.memory_space<vmem>>, vector<512x64xf32>
    %dot_general3A_51 = arith.constant dense<0.000000e+00> : vector<256x64xf32>
    %dot_general3A_52 = tpu.matmul %exp3A_44, %get3A_50, %dot_general3A_51 {dimension_numbers = #tpu.dot_dimension_numbers<[1], [0], [0], [1], [0, 0, 1, 1], [], []>, transpose_lhs_hint = false} : vector<256x512xf32>, vector<512x64xf32>, vector<256x64xf32> -> vector<256x64xf32>
    %div3A_53 = vector.broadcast %broadcast_in_dim3A_47 : vector<256x1xf32> to vector<256x64xf32>
    %div3A_54 = arith.divf %dot_general3A_52, %div3A_53 : vector<256x64xf32>
    %get3A_55 = arith.constant 0 : index
    %get3A_56 = arith.constant 128 : index
    %get3A_57 = vector.load %arg1[%get3A_55, %get3A_56] : memref<256x1024xf32, #tpu.memory_space<vmem>>, vector<256x64xf32>
    %mul3A_58 = arith.constant 1.250000e-01 : f32
    %mul3A_59 = vector.broadcast %mul3A_58 : f32 to vector<256x64xf32>
    %mul3A_60 = arith.mulf %get3A_57, %mul3A_59 : vector<256x64xf32>
    %get3A_61 = arith.constant 0 : index
    %get3A_62 = arith.constant 64 : index
    %get3A_63 = vector.load %arg2[%get3A_61, %get3A_62] : memref<512x512xf32, #tpu.memory_space<vmem>>, vector<512x64xf32>
    %dot_general3A_64 = arith.constant dense<0.000000e+00> : vector<256x512xf32>
    %dot_general3A_65 = tpu.matmul %mul3A_60, %get3A_63, %dot_general3A_64 {dimension_numbers = #tpu.dot_dimension_numbers<[1], [1], [0], [0], [0, 0, 1, 0], [], []>, transpose_lhs_hint = false} : vector<256x64xf32>, vector<512x64xf32>, vector<256x512xf32> -> vector<256x512xf32>
    %jit3A_66 = arith.constant -1.000000e+30 : f32
    %broadcast_in_dim3A_67 = vector.broadcast %jit3A_66 : f32 to vector<256x512xf32>
    %select_n3A_68 = arith.select %le3A, %dot_general3A_65, %broadcast_in_dim3A_67 : vector<256x512xi1>, vector<256x512xf32>
    %reduce_max3A_69 = arith.constant dense<0xFF800000> : vector<256xf32>
    %reduce_max3A_70 = vector.multi_reduction <maximumf>, %select_n3A_68, %reduce_max3A_69 [1] : vector<256x512xf32> to vector<256xf32>
    %broadcast_in_dim3A_71 = vector.shape_cast %reduce_max3A_70 : vector<256xf32> to vector<256x1xf32>
    %sub3A_72 = vector.broadcast %broadcast_in_dim3A_71 : vector<256x1xf32> to vector<256x512xf32>
    %sub3A_73 = arith.subf %select_n3A_68, %sub3A_72 : vector<256x512xf32>
    %exp3A_74 = math.exp %sub3A_73 : vector<256x512xf32>
    %reduce_sum3A_75 = arith.constant dense<0.000000e+00> : vector<256xf32>
    %reduce_sum3A_76 = vector.multi_reduction <add>, %exp3A_74, %reduce_sum3A_75 [1] : vector<256x512xf32> to vector<256xf32>
    %broadcast_in_dim3A_77 = vector.shape_cast %reduce_sum3A_76 : vector<256xf32> to vector<256x1xf32>
    %get3A_78 = arith.constant 0 : index
    %get3A_79 = arith.constant 64 : index
    %get3A_80 = vector.load %arg3[%get3A_78, %get3A_79] : memref<512x512xf32, #tpu.memory_space<vmem>>, vector<512x64xf32>
    %dot_general3A_81 = arith.constant dense<0.000000e+00> : vector<256x64xf32>
    %dot_general3A_82 = tpu.matmul %exp3A_74, %get3A_80, %dot_general3A_81 {dimension_numbers = #tpu.dot_dimension_numbers<[1], [0], [0], [1], [0, 0, 1, 1], [], []>, transpose_lhs_hint = false} : vector<256x512xf32>, vector<512x64xf32>, vector<256x64xf32> -> vector<256x64xf32>
    %div3A_83 = vector.broadcast %broadcast_in_dim3A_77 : vector<256x1xf32> to vector<256x64xf32>
    %div3A_84 = arith.divf %dot_general3A_82, %div3A_83 : vector<256x64xf32>
    %get3A_85 = arith.constant 0 : index
    %get3A_86 = arith.constant 192 : index
    %get3A_87 = vector.load %arg1[%get3A_85, %get3A_86] : memref<256x1024xf32, #tpu.memory_space<vmem>>, vector<256x64xf32>
    %mul3A_88 = arith.constant 1.250000e-01 : f32
    %mul3A_89 = vector.broadcast %mul3A_88 : f32 to vector<256x64xf32>
    %mul3A_90 = arith.mulf %get3A_87, %mul3A_89 : vector<256x64xf32>
    %get3A_91 = arith.constant 0 : index
    %get3A_92 = arith.constant 64 : index
    %get3A_93 = vector.load %arg2[%get3A_91, %get3A_92] : memref<512x512xf32, #tpu.memory_space<vmem>>, vector<512x64xf32>
    %dot_general3A_94 = arith.constant dense<0.000000e+00> : vector<256x512xf32>
    %dot_general3A_95 = tpu.matmul %mul3A_90, %get3A_93, %dot_general3A_94 {dimension_numbers = #tpu.dot_dimension_numbers<[1], [1], [0], [0], [0, 0, 1, 0], [], []>, transpose_lhs_hint = false} : vector<256x64xf32>, vector<512x64xf32>, vector<256x512xf32> -> vector<256x512xf32>
    %jit3A_96 = arith.constant -1.000000e+30 : f32
    %broadcast_in_dim3A_97 = vector.broadcast %jit3A_96 : f32 to vector<256x512xf32>
    %select_n3A_98 = arith.select %le3A, %dot_general3A_95, %broadcast_in_dim3A_97 : vector<256x512xi1>, vector<256x512xf32>
    %reduce_max3A_99 = arith.constant dense<0xFF800000> : vector<256xf32>
    %reduce_max3A_100 = vector.multi_reduction <maximumf>, %select_n3A_98, %reduce_max3A_99 [1] : vector<256x512xf32> to vector<256xf32>
    %broadcast_in_dim3A_101 = vector.shape_cast %reduce_max3A_100 : vector<256xf32> to vector<256x1xf32>
    %sub3A_102 = vector.broadcast %broadcast_in_dim3A_101 : vector<256x1xf32> to vector<256x512xf32>
    %sub3A_103 = arith.subf %select_n3A_98, %sub3A_102 : vector<256x512xf32>
    %exp3A_104 = math.exp %sub3A_103 : vector<256x512xf32>
    %reduce_sum3A_105 = arith.constant dense<0.000000e+00> : vector<256xf32>
    %reduce_sum3A_106 = vector.multi_reduction <add>, %exp3A_104, %reduce_sum3A_105 [1] : vector<256x512xf32> to vector<256xf32>
    %broadcast_in_dim3A_107 = vector.shape_cast %reduce_sum3A_106 : vector<256xf32> to vector<256x1xf32>
    %get3A_108 = arith.constant 0 : index
    %get3A_109 = arith.constant 64 : index
    %get3A_110 = vector.load %arg3[%get3A_108, %get3A_109] : memref<512x512xf32, #tpu.memory_space<vmem>>, vector<512x64xf32>
    %dot_general3A_111 = arith.constant dense<0.000000e+00> : vector<256x64xf32>
    %dot_general3A_112 = tpu.matmul %exp3A_104, %get3A_110, %dot_general3A_111 {dimension_numbers = #tpu.dot_dimension_numbers<[1], [0], [0], [1], [0, 0, 1, 1], [], []>, transpose_lhs_hint = false} : vector<256x512xf32>, vector<512x64xf32>, vector<256x64xf32> -> vector<256x64xf32>
    %div3A_113 = vector.broadcast %broadcast_in_dim3A_107 : vector<256x1xf32> to vector<256x64xf32>
    %div3A_114 = arith.divf %dot_general3A_112, %div3A_113 : vector<256x64xf32>
    %get3A_115 = arith.constant 0 : index
    %get3A_116 = arith.constant 256 : index
    %get3A_117 = vector.load %arg1[%get3A_115, %get3A_116] : memref<256x1024xf32, #tpu.memory_space<vmem>>, vector<256x64xf32>
    %mul3A_118 = arith.constant 1.250000e-01 : f32
    %mul3A_119 = vector.broadcast %mul3A_118 : f32 to vector<256x64xf32>
    %mul3A_120 = arith.mulf %get3A_117, %mul3A_119 : vector<256x64xf32>
    %get3A_121 = arith.constant 0 : index
    %get3A_122 = arith.constant 128 : index
    %get3A_123 = vector.load %arg2[%get3A_121, %get3A_122] : memref<512x512xf32, #tpu.memory_space<vmem>>, vector<512x64xf32>
    %dot_general3A_124 = arith.constant dense<0.000000e+00> : vector<256x512xf32>
    %dot_general3A_125 = tpu.matmul %mul3A_120, %get3A_123, %dot_general3A_124 {dimension_numbers = #tpu.dot_dimension_numbers<[1], [1], [0], [0], [0, 0, 1, 0], [], []>, transpose_lhs_hint = false} : vector<256x64xf32>, vector<512x64xf32>, vector<256x512xf32> -> vector<256x512xf32>
    %jit3A_126 = arith.constant -1.000000e+30 : f32
    %broadcast_in_dim3A_127 = vector.broadcast %jit3A_126 : f32 to vector<256x512xf32>
    %select_n3A_128 = arith.select %le3A, %dot_general3A_125, %broadcast_in_dim3A_127 : vector<256x512xi1>, vector<256x512xf32>
    %reduce_max3A_129 = arith.constant dense<0xFF800000> : vector<256xf32>
    %reduce_max3A_130 = vector.multi_reduction <maximumf>, %select_n3A_128, %reduce_max3A_129 [1] : vector<256x512xf32> to vector<256xf32>
    %broadcast_in_dim3A_131 = vector.shape_cast %reduce_max3A_130 : vector<256xf32> to vector<256x1xf32>
    %sub3A_132 = vector.broadcast %broadcast_in_dim3A_131 : vector<256x1xf32> to vector<256x512xf32>
    %sub3A_133 = arith.subf %select_n3A_128, %sub3A_132 : vector<256x512xf32>
    %exp3A_134 = math.exp %sub3A_133 : vector<256x512xf32>
    %reduce_sum3A_135 = arith.constant dense<0.000000e+00> : vector<256xf32>
    %reduce_sum3A_136 = vector.multi_reduction <add>, %exp3A_134, %reduce_sum3A_135 [1] : vector<256x512xf32> to vector<256xf32>
    %broadcast_in_dim3A_137 = vector.shape_cast %reduce_sum3A_136 : vector<256xf32> to vector<256x1xf32>
    %get3A_138 = arith.constant 0 : index
    %get3A_139 = arith.constant 128 : index
    %get3A_140 = vector.load %arg3[%get3A_138, %get3A_139] : memref<512x512xf32, #tpu.memory_space<vmem>>, vector<512x64xf32>
    %dot_general3A_141 = arith.constant dense<0.000000e+00> : vector<256x64xf32>
    %dot_general3A_142 = tpu.matmul %exp3A_134, %get3A_140, %dot_general3A_141 {dimension_numbers = #tpu.dot_dimension_numbers<[1], [0], [0], [1], [0, 0, 1, 1], [], []>, transpose_lhs_hint = false} : vector<256x512xf32>, vector<512x64xf32>, vector<256x64xf32> -> vector<256x64xf32>
    %div3A_143 = vector.broadcast %broadcast_in_dim3A_137 : vector<256x1xf32> to vector<256x64xf32>
    %div3A_144 = arith.divf %dot_general3A_142, %div3A_143 : vector<256x64xf32>
    %get3A_145 = arith.constant 0 : index
    %get3A_146 = arith.constant 320 : index
    %get3A_147 = vector.load %arg1[%get3A_145, %get3A_146] : memref<256x1024xf32, #tpu.memory_space<vmem>>, vector<256x64xf32>
    %mul3A_148 = arith.constant 1.250000e-01 : f32
    %mul3A_149 = vector.broadcast %mul3A_148 : f32 to vector<256x64xf32>
    %mul3A_150 = arith.mulf %get3A_147, %mul3A_149 : vector<256x64xf32>
    %get3A_151 = arith.constant 0 : index
    %get3A_152 = arith.constant 128 : index
    %get3A_153 = vector.load %arg2[%get3A_151, %get3A_152] : memref<512x512xf32, #tpu.memory_space<vmem>>, vector<512x64xf32>
    %dot_general3A_154 = arith.constant dense<0.000000e+00> : vector<256x512xf32>
    %dot_general3A_155 = tpu.matmul %mul3A_150, %get3A_153, %dot_general3A_154 {dimension_numbers = #tpu.dot_dimension_numbers<[1], [1], [0], [0], [0, 0, 1, 0], [], []>, transpose_lhs_hint = false} : vector<256x64xf32>, vector<512x64xf32>, vector<256x512xf32> -> vector<256x512xf32>
    %jit3A_156 = arith.constant -1.000000e+30 : f32
    %broadcast_in_dim3A_157 = vector.broadcast %jit3A_156 : f32 to vector<256x512xf32>
    %select_n3A_158 = arith.select %le3A, %dot_general3A_155, %broadcast_in_dim3A_157 : vector<256x512xi1>, vector<256x512xf32>
    %reduce_max3A_159 = arith.constant dense<0xFF800000> : vector<256xf32>
    %reduce_max3A_160 = vector.multi_reduction <maximumf>, %select_n3A_158, %reduce_max3A_159 [1] : vector<256x512xf32> to vector<256xf32>
    %broadcast_in_dim3A_161 = vector.shape_cast %reduce_max3A_160 : vector<256xf32> to vector<256x1xf32>
    %sub3A_162 = vector.broadcast %broadcast_in_dim3A_161 : vector<256x1xf32> to vector<256x512xf32>
    %sub3A_163 = arith.subf %select_n3A_158, %sub3A_162 : vector<256x512xf32>
    %exp3A_164 = math.exp %sub3A_163 : vector<256x512xf32>
    %reduce_sum3A_165 = arith.constant dense<0.000000e+00> : vector<256xf32>
    %reduce_sum3A_166 = vector.multi_reduction <add>, %exp3A_164, %reduce_sum3A_165 [1] : vector<256x512xf32> to vector<256xf32>
    %broadcast_in_dim3A_167 = vector.shape_cast %reduce_sum3A_166 : vector<256xf32> to vector<256x1xf32>
    %get3A_168 = arith.constant 0 : index
    %get3A_169 = arith.constant 128 : index
    %get3A_170 = vector.load %arg3[%get3A_168, %get3A_169] : memref<512x512xf32, #tpu.memory_space<vmem>>, vector<512x64xf32>
    %dot_general3A_171 = arith.constant dense<0.000000e+00> : vector<256x64xf32>
    %dot_general3A_172 = tpu.matmul %exp3A_164, %get3A_170, %dot_general3A_171 {dimension_numbers = #tpu.dot_dimension_numbers<[1], [0], [0], [1], [0, 0, 1, 1], [], []>, transpose_lhs_hint = false} : vector<256x512xf32>, vector<512x64xf32>, vector<256x64xf32> -> vector<256x64xf32>
    %div3A_173 = vector.broadcast %broadcast_in_dim3A_167 : vector<256x1xf32> to vector<256x64xf32>
    %div3A_174 = arith.divf %dot_general3A_172, %div3A_173 : vector<256x64xf32>
    %get3A_175 = arith.constant 0 : index
    %get3A_176 = arith.constant 384 : index
    %get3A_177 = vector.load %arg1[%get3A_175, %get3A_176] : memref<256x1024xf32, #tpu.memory_space<vmem>>, vector<256x64xf32>
    %mul3A_178 = arith.constant 1.250000e-01 : f32
    %mul3A_179 = vector.broadcast %mul3A_178 : f32 to vector<256x64xf32>
    %mul3A_180 = arith.mulf %get3A_177, %mul3A_179 : vector<256x64xf32>
    %get3A_181 = arith.constant 0 : index
    %get3A_182 = arith.constant 192 : index
    %get3A_183 = vector.load %arg2[%get3A_181, %get3A_182] : memref<512x512xf32, #tpu.memory_space<vmem>>, vector<512x64xf32>
    %dot_general3A_184 = arith.constant dense<0.000000e+00> : vector<256x512xf32>
    %dot_general3A_185 = tpu.matmul %mul3A_180, %get3A_183, %dot_general3A_184 {dimension_numbers = #tpu.dot_dimension_numbers<[1], [1], [0], [0], [0, 0, 1, 0], [], []>, transpose_lhs_hint = false} : vector<256x64xf32>, vector<512x64xf32>, vector<256x512xf32> -> vector<256x512xf32>
    %jit3A_186 = arith.constant -1.000000e+30 : f32
    %broadcast_in_dim3A_187 = vector.broadcast %jit3A_186 : f32 to vector<256x512xf32>
    %select_n3A_188 = arith.select %le3A, %dot_general3A_185, %broadcast_in_dim3A_187 : vector<256x512xi1>, vector<256x512xf32>
    %reduce_max3A_189 = arith.constant dense<0xFF800000> : vector<256xf32>
    %reduce_max3A_190 = vector.multi_reduction <maximumf>, %select_n3A_188, %reduce_max3A_189 [1] : vector<256x512xf32> to vector<256xf32>
    %broadcast_in_dim3A_191 = vector.shape_cast %reduce_max3A_190 : vector<256xf32> to vector<256x1xf32>
    %sub3A_192 = vector.broadcast %broadcast_in_dim3A_191 : vector<256x1xf32> to vector<256x512xf32>
    %sub3A_193 = arith.subf %select_n3A_188, %sub3A_192 : vector<256x512xf32>
    %exp3A_194 = math.exp %sub3A_193 : vector<256x512xf32>
    %reduce_sum3A_195 = arith.constant dense<0.000000e+00> : vector<256xf32>
    %reduce_sum3A_196 = vector.multi_reduction <add>, %exp3A_194, %reduce_sum3A_195 [1] : vector<256x512xf32> to vector<256xf32>
    %broadcast_in_dim3A_197 = vector.shape_cast %reduce_sum3A_196 : vector<256xf32> to vector<256x1xf32>
    %get3A_198 = arith.constant 0 : index
    %get3A_199 = arith.constant 192 : index
    %get3A_200 = vector.load %arg3[%get3A_198, %get3A_199] : memref<512x512xf32, #tpu.memory_space<vmem>>, vector<512x64xf32>
    %dot_general3A_201 = arith.constant dense<0.000000e+00> : vector<256x64xf32>
    %dot_general3A_202 = tpu.matmul %exp3A_194, %get3A_200, %dot_general3A_201 {dimension_numbers = #tpu.dot_dimension_numbers<[1], [0], [0], [1], [0, 0, 1, 1], [], []>, transpose_lhs_hint = false} : vector<256x512xf32>, vector<512x64xf32>, vector<256x64xf32> -> vector<256x64xf32>
    %div3A_203 = vector.broadcast %broadcast_in_dim3A_197 : vector<256x1xf32> to vector<256x64xf32>
    %div3A_204 = arith.divf %dot_general3A_202, %div3A_203 : vector<256x64xf32>
    %get3A_205 = arith.constant 0 : index
    %get3A_206 = arith.constant 448 : index
    %get3A_207 = vector.load %arg1[%get3A_205, %get3A_206] : memref<256x1024xf32, #tpu.memory_space<vmem>>, vector<256x64xf32>
    %mul3A_208 = arith.constant 1.250000e-01 : f32
    %mul3A_209 = vector.broadcast %mul3A_208 : f32 to vector<256x64xf32>
    %mul3A_210 = arith.mulf %get3A_207, %mul3A_209 : vector<256x64xf32>
    %get3A_211 = arith.constant 0 : index
    %get3A_212 = arith.constant 192 : index
    %get3A_213 = vector.load %arg2[%get3A_211, %get3A_212] : memref<512x512xf32, #tpu.memory_space<vmem>>, vector<512x64xf32>
    %dot_general3A_214 = arith.constant dense<0.000000e+00> : vector<256x512xf32>
    %dot_general3A_215 = tpu.matmul %mul3A_210, %get3A_213, %dot_general3A_214 {dimension_numbers = #tpu.dot_dimension_numbers<[1], [1], [0], [0], [0, 0, 1, 0], [], []>, transpose_lhs_hint = false} : vector<256x64xf32>, vector<512x64xf32>, vector<256x512xf32> -> vector<256x512xf32>
    %jit3A_216 = arith.constant -1.000000e+30 : f32
    %broadcast_in_dim3A_217 = vector.broadcast %jit3A_216 : f32 to vector<256x512xf32>
    %select_n3A_218 = arith.select %le3A, %dot_general3A_215, %broadcast_in_dim3A_217 : vector<256x512xi1>, vector<256x512xf32>
    %reduce_max3A_219 = arith.constant dense<0xFF800000> : vector<256xf32>
    %reduce_max3A_220 = vector.multi_reduction <maximumf>, %select_n3A_218, %reduce_max3A_219 [1] : vector<256x512xf32> to vector<256xf32>
    %broadcast_in_dim3A_221 = vector.shape_cast %reduce_max3A_220 : vector<256xf32> to vector<256x1xf32>
    %sub3A_222 = vector.broadcast %broadcast_in_dim3A_221 : vector<256x1xf32> to vector<256x512xf32>
    %sub3A_223 = arith.subf %select_n3A_218, %sub3A_222 : vector<256x512xf32>
    %exp3A_224 = math.exp %sub3A_223 : vector<256x512xf32>
    %reduce_sum3A_225 = arith.constant dense<0.000000e+00> : vector<256xf32>
    %reduce_sum3A_226 = vector.multi_reduction <add>, %exp3A_224, %reduce_sum3A_225 [1] : vector<256x512xf32> to vector<256xf32>
    %broadcast_in_dim3A_227 = vector.shape_cast %reduce_sum3A_226 : vector<256xf32> to vector<256x1xf32>
    %get3A_228 = arith.constant 0 : index
    %get3A_229 = arith.constant 192 : index
    %get3A_230 = vector.load %arg3[%get3A_228, %get3A_229] : memref<512x512xf32, #tpu.memory_space<vmem>>, vector<512x64xf32>
    %dot_general3A_231 = arith.constant dense<0.000000e+00> : vector<256x64xf32>
    %dot_general3A_232 = tpu.matmul %exp3A_224, %get3A_230, %dot_general3A_231 {dimension_numbers = #tpu.dot_dimension_numbers<[1], [0], [0], [1], [0, 0, 1, 1], [], []>, transpose_lhs_hint = false} : vector<256x512xf32>, vector<512x64xf32>, vector<256x64xf32> -> vector<256x64xf32>
    %div3A_233 = vector.broadcast %broadcast_in_dim3A_227 : vector<256x1xf32> to vector<256x64xf32>
    %div3A_234 = arith.divf %dot_general3A_232, %div3A_233 : vector<256x64xf32>
    %get3A_235 = arith.constant 0 : index
    %get3A_236 = arith.constant 512 : index
    %get3A_237 = vector.load %arg1[%get3A_235, %get3A_236] : memref<256x1024xf32, #tpu.memory_space<vmem>>, vector<256x64xf32>
    %mul3A_238 = arith.constant 1.250000e-01 : f32
    %mul3A_239 = vector.broadcast %mul3A_238 : f32 to vector<256x64xf32>
    %mul3A_240 = arith.mulf %get3A_237, %mul3A_239 : vector<256x64xf32>
    %get3A_241 = arith.constant 0 : index
    %get3A_242 = arith.constant 256 : index
    %get3A_243 = vector.load %arg2[%get3A_241, %get3A_242] : memref<512x512xf32, #tpu.memory_space<vmem>>, vector<512x64xf32>
    %dot_general3A_244 = arith.constant dense<0.000000e+00> : vector<256x512xf32>
    %dot_general3A_245 = tpu.matmul %mul3A_240, %get3A_243, %dot_general3A_244 {dimension_numbers = #tpu.dot_dimension_numbers<[1], [1], [0], [0], [0, 0, 1, 0], [], []>, transpose_lhs_hint = false} : vector<256x64xf32>, vector<512x64xf32>, vector<256x512xf32> -> vector<256x512xf32>
    %jit3A_246 = arith.constant -1.000000e+30 : f32
    %broadcast_in_dim3A_247 = vector.broadcast %jit3A_246 : f32 to vector<256x512xf32>
    %select_n3A_248 = arith.select %le3A, %dot_general3A_245, %broadcast_in_dim3A_247 : vector<256x512xi1>, vector<256x512xf32>
    %reduce_max3A_249 = arith.constant dense<0xFF800000> : vector<256xf32>
    %reduce_max3A_250 = vector.multi_reduction <maximumf>, %select_n3A_248, %reduce_max3A_249 [1] : vector<256x512xf32> to vector<256xf32>
    %broadcast_in_dim3A_251 = vector.shape_cast %reduce_max3A_250 : vector<256xf32> to vector<256x1xf32>
    %sub3A_252 = vector.broadcast %broadcast_in_dim3A_251 : vector<256x1xf32> to vector<256x512xf32>
    %sub3A_253 = arith.subf %select_n3A_248, %sub3A_252 : vector<256x512xf32>
    %exp3A_254 = math.exp %sub3A_253 : vector<256x512xf32>
    %reduce_sum3A_255 = arith.constant dense<0.000000e+00> : vector<256xf32>
    %reduce_sum3A_256 = vector.multi_reduction <add>, %exp3A_254, %reduce_sum3A_255 [1] : vector<256x512xf32> to vector<256xf32>
    %broadcast_in_dim3A_257 = vector.shape_cast %reduce_sum3A_256 : vector<256xf32> to vector<256x1xf32>
    %get3A_258 = arith.constant 0 : index
    %get3A_259 = arith.constant 256 : index
    %get3A_260 = vector.load %arg3[%get3A_258, %get3A_259] : memref<512x512xf32, #tpu.memory_space<vmem>>, vector<512x64xf32>
    %dot_general3A_261 = arith.constant dense<0.000000e+00> : vector<256x64xf32>
    %dot_general3A_262 = tpu.matmul %exp3A_254, %get3A_260, %dot_general3A_261 {dimension_numbers = #tpu.dot_dimension_numbers<[1], [0], [0], [1], [0, 0, 1, 1], [], []>, transpose_lhs_hint = false} : vector<256x512xf32>, vector<512x64xf32>, vector<256x64xf32> -> vector<256x64xf32>
    %div3A_263 = vector.broadcast %broadcast_in_dim3A_257 : vector<256x1xf32> to vector<256x64xf32>
    %div3A_264 = arith.divf %dot_general3A_262, %div3A_263 : vector<256x64xf32>
    %get3A_265 = arith.constant 0 : index
    %get3A_266 = arith.constant 576 : index
    %get3A_267 = vector.load %arg1[%get3A_265, %get3A_266] : memref<256x1024xf32, #tpu.memory_space<vmem>>, vector<256x64xf32>
    %mul3A_268 = arith.constant 1.250000e-01 : f32
    %mul3A_269 = vector.broadcast %mul3A_268 : f32 to vector<256x64xf32>
    %mul3A_270 = arith.mulf %get3A_267, %mul3A_269 : vector<256x64xf32>
    %get3A_271 = arith.constant 0 : index
    %get3A_272 = arith.constant 256 : index
    %get3A_273 = vector.load %arg2[%get3A_271, %get3A_272] : memref<512x512xf32, #tpu.memory_space<vmem>>, vector<512x64xf32>
    %dot_general3A_274 = arith.constant dense<0.000000e+00> : vector<256x512xf32>
    %dot_general3A_275 = tpu.matmul %mul3A_270, %get3A_273, %dot_general3A_274 {dimension_numbers = #tpu.dot_dimension_numbers<[1], [1], [0], [0], [0, 0, 1, 0], [], []>, transpose_lhs_hint = false} : vector<256x64xf32>, vector<512x64xf32>, vector<256x512xf32> -> vector<256x512xf32>
    %jit3A_276 = arith.constant -1.000000e+30 : f32
    %broadcast_in_dim3A_277 = vector.broadcast %jit3A_276 : f32 to vector<256x512xf32>
    %select_n3A_278 = arith.select %le3A, %dot_general3A_275, %broadcast_in_dim3A_277 : vector<256x512xi1>, vector<256x512xf32>
    %reduce_max3A_279 = arith.constant dense<0xFF800000> : vector<256xf32>
    %reduce_max3A_280 = vector.multi_reduction <maximumf>, %select_n3A_278, %reduce_max3A_279 [1] : vector<256x512xf32> to vector<256xf32>
    %broadcast_in_dim3A_281 = vector.shape_cast %reduce_max3A_280 : vector<256xf32> to vector<256x1xf32>
    %sub3A_282 = vector.broadcast %broadcast_in_dim3A_281 : vector<256x1xf32> to vector<256x512xf32>
    %sub3A_283 = arith.subf %select_n3A_278, %sub3A_282 : vector<256x512xf32>
    %exp3A_284 = math.exp %sub3A_283 : vector<256x512xf32>
    %reduce_sum3A_285 = arith.constant dense<0.000000e+00> : vector<256xf32>
    %reduce_sum3A_286 = vector.multi_reduction <add>, %exp3A_284, %reduce_sum3A_285 [1] : vector<256x512xf32> to vector<256xf32>
    %broadcast_in_dim3A_287 = vector.shape_cast %reduce_sum3A_286 : vector<256xf32> to vector<256x1xf32>
    %get3A_288 = arith.constant 0 : index
    %get3A_289 = arith.constant 256 : index
    %get3A_290 = vector.load %arg3[%get3A_288, %get3A_289] : memref<512x512xf32, #tpu.memory_space<vmem>>, vector<512x64xf32>
    %dot_general3A_291 = arith.constant dense<0.000000e+00> : vector<256x64xf32>
    %dot_general3A_292 = tpu.matmul %exp3A_284, %get3A_290, %dot_general3A_291 {dimension_numbers = #tpu.dot_dimension_numbers<[1], [0], [0], [1], [0, 0, 1, 1], [], []>, transpose_lhs_hint = false} : vector<256x512xf32>, vector<512x64xf32>, vector<256x64xf32> -> vector<256x64xf32>
    %div3A_293 = vector.broadcast %broadcast_in_dim3A_287 : vector<256x1xf32> to vector<256x64xf32>
    %div3A_294 = arith.divf %dot_general3A_292, %div3A_293 : vector<256x64xf32>
    %get3A_295 = arith.constant 0 : index
    %get3A_296 = arith.constant 640 : index
    %get3A_297 = vector.load %arg1[%get3A_295, %get3A_296] : memref<256x1024xf32, #tpu.memory_space<vmem>>, vector<256x64xf32>
    %mul3A_298 = arith.constant 1.250000e-01 : f32
    %mul3A_299 = vector.broadcast %mul3A_298 : f32 to vector<256x64xf32>
    %mul3A_300 = arith.mulf %get3A_297, %mul3A_299 : vector<256x64xf32>
    %get3A_301 = arith.constant 0 : index
    %get3A_302 = arith.constant 320 : index
    %get3A_303 = vector.load %arg2[%get3A_301, %get3A_302] : memref<512x512xf32, #tpu.memory_space<vmem>>, vector<512x64xf32>
    %dot_general3A_304 = arith.constant dense<0.000000e+00> : vector<256x512xf32>
    %dot_general3A_305 = tpu.matmul %mul3A_300, %get3A_303, %dot_general3A_304 {dimension_numbers = #tpu.dot_dimension_numbers<[1], [1], [0], [0], [0, 0, 1, 0], [], []>, transpose_lhs_hint = false} : vector<256x64xf32>, vector<512x64xf32>, vector<256x512xf32> -> vector<256x512xf32>
    %jit3A_306 = arith.constant -1.000000e+30 : f32
    %broadcast_in_dim3A_307 = vector.broadcast %jit3A_306 : f32 to vector<256x512xf32>
    %select_n3A_308 = arith.select %le3A, %dot_general3A_305, %broadcast_in_dim3A_307 : vector<256x512xi1>, vector<256x512xf32>
    %reduce_max3A_309 = arith.constant dense<0xFF800000> : vector<256xf32>
    %reduce_max3A_310 = vector.multi_reduction <maximumf>, %select_n3A_308, %reduce_max3A_309 [1] : vector<256x512xf32> to vector<256xf32>
    %broadcast_in_dim3A_311 = vector.shape_cast %reduce_max3A_310 : vector<256xf32> to vector<256x1xf32>
    %sub3A_312 = vector.broadcast %broadcast_in_dim3A_311 : vector<256x1xf32> to vector<256x512xf32>
    %sub3A_313 = arith.subf %select_n3A_308, %sub3A_312 : vector<256x512xf32>
    %exp3A_314 = math.exp %sub3A_313 : vector<256x512xf32>
    %reduce_sum3A_315 = arith.constant dense<0.000000e+00> : vector<256xf32>
    %reduce_sum3A_316 = vector.multi_reduction <add>, %exp3A_314, %reduce_sum3A_315 [1] : vector<256x512xf32> to vector<256xf32>
    %broadcast_in_dim3A_317 = vector.shape_cast %reduce_sum3A_316 : vector<256xf32> to vector<256x1xf32>
    %get3A_318 = arith.constant 0 : index
    %get3A_319 = arith.constant 320 : index
    %get3A_320 = vector.load %arg3[%get3A_318, %get3A_319] : memref<512x512xf32, #tpu.memory_space<vmem>>, vector<512x64xf32>
    %dot_general3A_321 = arith.constant dense<0.000000e+00> : vector<256x64xf32>
    %dot_general3A_322 = tpu.matmul %exp3A_314, %get3A_320, %dot_general3A_321 {dimension_numbers = #tpu.dot_dimension_numbers<[1], [0], [0], [1], [0, 0, 1, 1], [], []>, transpose_lhs_hint = false} : vector<256x512xf32>, vector<512x64xf32>, vector<256x64xf32> -> vector<256x64xf32>
    %div3A_323 = vector.broadcast %broadcast_in_dim3A_317 : vector<256x1xf32> to vector<256x64xf32>
    %div3A_324 = arith.divf %dot_general3A_322, %div3A_323 : vector<256x64xf32>
    %get3A_325 = arith.constant 0 : index
    %get3A_326 = arith.constant 704 : index
    %get3A_327 = vector.load %arg1[%get3A_325, %get3A_326] : memref<256x1024xf32, #tpu.memory_space<vmem>>, vector<256x64xf32>
    %mul3A_328 = arith.constant 1.250000e-01 : f32
    %mul3A_329 = vector.broadcast %mul3A_328 : f32 to vector<256x64xf32>
    %mul3A_330 = arith.mulf %get3A_327, %mul3A_329 : vector<256x64xf32>
    %get3A_331 = arith.constant 0 : index
    %get3A_332 = arith.constant 320 : index
    %get3A_333 = vector.load %arg2[%get3A_331, %get3A_332] : memref<512x512xf32, #tpu.memory_space<vmem>>, vector<512x64xf32>
    %dot_general3A_334 = arith.constant dense<0.000000e+00> : vector<256x512xf32>
    %dot_general3A_335 = tpu.matmul %mul3A_330, %get3A_333, %dot_general3A_334 {dimension_numbers = #tpu.dot_dimension_numbers<[1], [1], [0], [0], [0, 0, 1, 0], [], []>, transpose_lhs_hint = false} : vector<256x64xf32>, vector<512x64xf32>, vector<256x512xf32> -> vector<256x512xf32>
    %jit3A_336 = arith.constant -1.000000e+30 : f32
    %broadcast_in_dim3A_337 = vector.broadcast %jit3A_336 : f32 to vector<256x512xf32>
    %select_n3A_338 = arith.select %le3A, %dot_general3A_335, %broadcast_in_dim3A_337 : vector<256x512xi1>, vector<256x512xf32>
    %reduce_max3A_339 = arith.constant dense<0xFF800000> : vector<256xf32>
    %reduce_max3A_340 = vector.multi_reduction <maximumf>, %select_n3A_338, %reduce_max3A_339 [1] : vector<256x512xf32> to vector<256xf32>
    %broadcast_in_dim3A_341 = vector.shape_cast %reduce_max3A_340 : vector<256xf32> to vector<256x1xf32>
    %sub3A_342 = vector.broadcast %broadcast_in_dim3A_341 : vector<256x1xf32> to vector<256x512xf32>
    %sub3A_343 = arith.subf %select_n3A_338, %sub3A_342 : vector<256x512xf32>
    %exp3A_344 = math.exp %sub3A_343 : vector<256x512xf32>
    %reduce_sum3A_345 = arith.constant dense<0.000000e+00> : vector<256xf32>
    %reduce_sum3A_346 = vector.multi_reduction <add>, %exp3A_344, %reduce_sum3A_345 [1] : vector<256x512xf32> to vector<256xf32>
    %broadcast_in_dim3A_347 = vector.shape_cast %reduce_sum3A_346 : vector<256xf32> to vector<256x1xf32>
    %get3A_348 = arith.constant 0 : index
    %get3A_349 = arith.constant 320 : index
    %get3A_350 = vector.load %arg3[%get3A_348, %get3A_349] : memref<512x512xf32, #tpu.memory_space<vmem>>, vector<512x64xf32>
    %dot_general3A_351 = arith.constant dense<0.000000e+00> : vector<256x64xf32>
    %dot_general3A_352 = tpu.matmul %exp3A_344, %get3A_350, %dot_general3A_351 {dimension_numbers = #tpu.dot_dimension_numbers<[1], [0], [0], [1], [0, 0, 1, 1], [], []>, transpose_lhs_hint = false} : vector<256x512xf32>, vector<512x64xf32>, vector<256x64xf32> -> vector<256x64xf32>
    %div3A_353 = vector.broadcast %broadcast_in_dim3A_347 : vector<256x1xf32> to vector<256x64xf32>
    %div3A_354 = arith.divf %dot_general3A_352, %div3A_353 : vector<256x64xf32>
    %get3A_355 = arith.constant 0 : index
    %get3A_356 = arith.constant 768 : index
    %get3A_357 = vector.load %arg1[%get3A_355, %get3A_356] : memref<256x1024xf32, #tpu.memory_space<vmem>>, vector<256x64xf32>
    %mul3A_358 = arith.constant 1.250000e-01 : f32
    %mul3A_359 = vector.broadcast %mul3A_358 : f32 to vector<256x64xf32>
    %mul3A_360 = arith.mulf %get3A_357, %mul3A_359 : vector<256x64xf32>
    %get3A_361 = arith.constant 0 : index
    %get3A_362 = arith.constant 384 : index
    %get3A_363 = vector.load %arg2[%get3A_361, %get3A_362] : memref<512x512xf32, #tpu.memory_space<vmem>>, vector<512x64xf32>
    %dot_general3A_364 = arith.constant dense<0.000000e+00> : vector<256x512xf32>
    %dot_general3A_365 = tpu.matmul %mul3A_360, %get3A_363, %dot_general3A_364 {dimension_numbers = #tpu.dot_dimension_numbers<[1], [1], [0], [0], [0, 0, 1, 0], [], []>, transpose_lhs_hint = false} : vector<256x64xf32>, vector<512x64xf32>, vector<256x512xf32> -> vector<256x512xf32>
    %jit3A_366 = arith.constant -1.000000e+30 : f32
    %broadcast_in_dim3A_367 = vector.broadcast %jit3A_366 : f32 to vector<256x512xf32>
    %select_n3A_368 = arith.select %le3A, %dot_general3A_365, %broadcast_in_dim3A_367 : vector<256x512xi1>, vector<256x512xf32>
    %reduce_max3A_369 = arith.constant dense<0xFF800000> : vector<256xf32>
    %reduce_max3A_370 = vector.multi_reduction <maximumf>, %select_n3A_368, %reduce_max3A_369 [1] : vector<256x512xf32> to vector<256xf32>
    %broadcast_in_dim3A_371 = vector.shape_cast %reduce_max3A_370 : vector<256xf32> to vector<256x1xf32>
    %sub3A_372 = vector.broadcast %broadcast_in_dim3A_371 : vector<256x1xf32> to vector<256x512xf32>
    %sub3A_373 = arith.subf %select_n3A_368, %sub3A_372 : vector<256x512xf32>
    %exp3A_374 = math.exp %sub3A_373 : vector<256x512xf32>
    %reduce_sum3A_375 = arith.constant dense<0.000000e+00> : vector<256xf32>
    %reduce_sum3A_376 = vector.multi_reduction <add>, %exp3A_374, %reduce_sum3A_375 [1] : vector<256x512xf32> to vector<256xf32>
    %broadcast_in_dim3A_377 = vector.shape_cast %reduce_sum3A_376 : vector<256xf32> to vector<256x1xf32>
    %get3A_378 = arith.constant 0 : index
    %get3A_379 = arith.constant 384 : index
    %get3A_380 = vector.load %arg3[%get3A_378, %get3A_379] : memref<512x512xf32, #tpu.memory_space<vmem>>, vector<512x64xf32>
    %dot_general3A_381 = arith.constant dense<0.000000e+00> : vector<256x64xf32>
    %dot_general3A_382 = tpu.matmul %exp3A_374, %get3A_380, %dot_general3A_381 {dimension_numbers = #tpu.dot_dimension_numbers<[1], [0], [0], [1], [0, 0, 1, 1], [], []>, transpose_lhs_hint = false} : vector<256x512xf32>, vector<512x64xf32>, vector<256x64xf32> -> vector<256x64xf32>
    %div3A_383 = vector.broadcast %broadcast_in_dim3A_377 : vector<256x1xf32> to vector<256x64xf32>
    %div3A_384 = arith.divf %dot_general3A_382, %div3A_383 : vector<256x64xf32>
    %get3A_385 = arith.constant 0 : index
    %get3A_386 = arith.constant 832 : index
    %get3A_387 = vector.load %arg1[%get3A_385, %get3A_386] : memref<256x1024xf32, #tpu.memory_space<vmem>>, vector<256x64xf32>
    %mul3A_388 = arith.constant 1.250000e-01 : f32
    %mul3A_389 = vector.broadcast %mul3A_388 : f32 to vector<256x64xf32>
    %mul3A_390 = arith.mulf %get3A_387, %mul3A_389 : vector<256x64xf32>
    %get3A_391 = arith.constant 0 : index
    %get3A_392 = arith.constant 384 : index
    %get3A_393 = vector.load %arg2[%get3A_391, %get3A_392] : memref<512x512xf32, #tpu.memory_space<vmem>>, vector<512x64xf32>
    %dot_general3A_394 = arith.constant dense<0.000000e+00> : vector<256x512xf32>
    %dot_general3A_395 = tpu.matmul %mul3A_390, %get3A_393, %dot_general3A_394 {dimension_numbers = #tpu.dot_dimension_numbers<[1], [1], [0], [0], [0, 0, 1, 0], [], []>, transpose_lhs_hint = false} : vector<256x64xf32>, vector<512x64xf32>, vector<256x512xf32> -> vector<256x512xf32>
    %jit3A_396 = arith.constant -1.000000e+30 : f32
    %broadcast_in_dim3A_397 = vector.broadcast %jit3A_396 : f32 to vector<256x512xf32>
    %select_n3A_398 = arith.select %le3A, %dot_general3A_395, %broadcast_in_dim3A_397 : vector<256x512xi1>, vector<256x512xf32>
    %reduce_max3A_399 = arith.constant dense<0xFF800000> : vector<256xf32>
    %reduce_max3A_400 = vector.multi_reduction <maximumf>, %select_n3A_398, %reduce_max3A_399 [1] : vector<256x512xf32> to vector<256xf32>
    %broadcast_in_dim3A_401 = vector.shape_cast %reduce_max3A_400 : vector<256xf32> to vector<256x1xf32>
    %sub3A_402 = vector.broadcast %broadcast_in_dim3A_401 : vector<256x1xf32> to vector<256x512xf32>
    %sub3A_403 = arith.subf %select_n3A_398, %sub3A_402 : vector<256x512xf32>
    %exp3A_404 = math.exp %sub3A_403 : vector<256x512xf32>
    %reduce_sum3A_405 = arith.constant dense<0.000000e+00> : vector<256xf32>
    %reduce_sum3A_406 = vector.multi_reduction <add>, %exp3A_404, %reduce_sum3A_405 [1] : vector<256x512xf32> to vector<256xf32>
    %broadcast_in_dim3A_407 = vector.shape_cast %reduce_sum3A_406 : vector<256xf32> to vector<256x1xf32>
    %get3A_408 = arith.constant 0 : index
    %get3A_409 = arith.constant 384 : index
    %get3A_410 = vector.load %arg3[%get3A_408, %get3A_409] : memref<512x512xf32, #tpu.memory_space<vmem>>, vector<512x64xf32>
    %dot_general3A_411 = arith.constant dense<0.000000e+00> : vector<256x64xf32>
    %dot_general3A_412 = tpu.matmul %exp3A_404, %get3A_410, %dot_general3A_411 {dimension_numbers = #tpu.dot_dimension_numbers<[1], [0], [0], [1], [0, 0, 1, 1], [], []>, transpose_lhs_hint = false} : vector<256x512xf32>, vector<512x64xf32>, vector<256x64xf32> -> vector<256x64xf32>
    %div3A_413 = vector.broadcast %broadcast_in_dim3A_407 : vector<256x1xf32> to vector<256x64xf32>
    %div3A_414 = arith.divf %dot_general3A_412, %div3A_413 : vector<256x64xf32>
    %get3A_415 = arith.constant 0 : index
    %get3A_416 = arith.constant 896 : index
    %get3A_417 = vector.load %arg1[%get3A_415, %get3A_416] : memref<256x1024xf32, #tpu.memory_space<vmem>>, vector<256x64xf32>
    %mul3A_418 = arith.constant 1.250000e-01 : f32
    %mul3A_419 = vector.broadcast %mul3A_418 : f32 to vector<256x64xf32>
    %mul3A_420 = arith.mulf %get3A_417, %mul3A_419 : vector<256x64xf32>
    %get3A_421 = arith.constant 0 : index
    %get3A_422 = arith.constant 448 : index
    %get3A_423 = vector.load %arg2[%get3A_421, %get3A_422] : memref<512x512xf32, #tpu.memory_space<vmem>>, vector<512x64xf32>
    %dot_general3A_424 = arith.constant dense<0.000000e+00> : vector<256x512xf32>
    %dot_general3A_425 = tpu.matmul %mul3A_420, %get3A_423, %dot_general3A_424 {dimension_numbers = #tpu.dot_dimension_numbers<[1], [1], [0], [0], [0, 0, 1, 0], [], []>, transpose_lhs_hint = false} : vector<256x64xf32>, vector<512x64xf32>, vector<256x512xf32> -> vector<256x512xf32>
    %jit3A_426 = arith.constant -1.000000e+30 : f32
    %broadcast_in_dim3A_427 = vector.broadcast %jit3A_426 : f32 to vector<256x512xf32>
    %select_n3A_428 = arith.select %le3A, %dot_general3A_425, %broadcast_in_dim3A_427 : vector<256x512xi1>, vector<256x512xf32>
    %reduce_max3A_429 = arith.constant dense<0xFF800000> : vector<256xf32>
    %reduce_max3A_430 = vector.multi_reduction <maximumf>, %select_n3A_428, %reduce_max3A_429 [1] : vector<256x512xf32> to vector<256xf32>
    %broadcast_in_dim3A_431 = vector.shape_cast %reduce_max3A_430 : vector<256xf32> to vector<256x1xf32>
    %sub3A_432 = vector.broadcast %broadcast_in_dim3A_431 : vector<256x1xf32> to vector<256x512xf32>
    %sub3A_433 = arith.subf %select_n3A_428, %sub3A_432 : vector<256x512xf32>
    %exp3A_434 = math.exp %sub3A_433 : vector<256x512xf32>
    %reduce_sum3A_435 = arith.constant dense<0.000000e+00> : vector<256xf32>
    %reduce_sum3A_436 = vector.multi_reduction <add>, %exp3A_434, %reduce_sum3A_435 [1] : vector<256x512xf32> to vector<256xf32>
    %broadcast_in_dim3A_437 = vector.shape_cast %reduce_sum3A_436 : vector<256xf32> to vector<256x1xf32>
    %get3A_438 = arith.constant 0 : index
    %get3A_439 = arith.constant 448 : index
    %get3A_440 = vector.load %arg3[%get3A_438, %get3A_439] : memref<512x512xf32, #tpu.memory_space<vmem>>, vector<512x64xf32>
    %dot_general3A_441 = arith.constant dense<0.000000e+00> : vector<256x64xf32>
    %dot_general3A_442 = tpu.matmul %exp3A_434, %get3A_440, %dot_general3A_441 {dimension_numbers = #tpu.dot_dimension_numbers<[1], [0], [0], [1], [0, 0, 1, 1], [], []>, transpose_lhs_hint = false} : vector<256x512xf32>, vector<512x64xf32>, vector<256x64xf32> -> vector<256x64xf32>
    %div3A_443 = vector.broadcast %broadcast_in_dim3A_437 : vector<256x1xf32> to vector<256x64xf32>
    %div3A_444 = arith.divf %dot_general3A_442, %div3A_443 : vector<256x64xf32>
    %get3A_445 = arith.constant 0 : index
    %get3A_446 = arith.constant 960 : index
    %get3A_447 = vector.load %arg1[%get3A_445, %get3A_446] : memref<256x1024xf32, #tpu.memory_space<vmem>>, vector<256x64xf32>
    %mul3A_448 = arith.constant 1.250000e-01 : f32
    %mul3A_449 = vector.broadcast %mul3A_448 : f32 to vector<256x64xf32>
    %mul3A_450 = arith.mulf %get3A_447, %mul3A_449 : vector<256x64xf32>
    %get3A_451 = arith.constant 0 : index
    %get3A_452 = arith.constant 448 : index
    %get3A_453 = vector.load %arg2[%get3A_451, %get3A_452] : memref<512x512xf32, #tpu.memory_space<vmem>>, vector<512x64xf32>
    %dot_general3A_454 = arith.constant dense<0.000000e+00> : vector<256x512xf32>
    %dot_general3A_455 = tpu.matmul %mul3A_450, %get3A_453, %dot_general3A_454 {dimension_numbers = #tpu.dot_dimension_numbers<[1], [1], [0], [0], [0, 0, 1, 0], [], []>, transpose_lhs_hint = false} : vector<256x64xf32>, vector<512x64xf32>, vector<256x512xf32> -> vector<256x512xf32>
    %jit3A_456 = arith.constant -1.000000e+30 : f32
    %broadcast_in_dim3A_457 = vector.broadcast %jit3A_456 : f32 to vector<256x512xf32>
    %select_n3A_458 = arith.select %le3A, %dot_general3A_455, %broadcast_in_dim3A_457 : vector<256x512xi1>, vector<256x512xf32>
    %reduce_max3A_459 = arith.constant dense<0xFF800000> : vector<256xf32>
    %reduce_max3A_460 = vector.multi_reduction <maximumf>, %select_n3A_458, %reduce_max3A_459 [1] : vector<256x512xf32> to vector<256xf32>
    %broadcast_in_dim3A_461 = vector.shape_cast %reduce_max3A_460 : vector<256xf32> to vector<256x1xf32>
    %sub3A_462 = vector.broadcast %broadcast_in_dim3A_461 : vector<256x1xf32> to vector<256x512xf32>
    %sub3A_463 = arith.subf %select_n3A_458, %sub3A_462 : vector<256x512xf32>
    %exp3A_464 = math.exp %sub3A_463 : vector<256x512xf32>
    %reduce_sum3A_465 = arith.constant dense<0.000000e+00> : vector<256xf32>
    %reduce_sum3A_466 = vector.multi_reduction <add>, %exp3A_464, %reduce_sum3A_465 [1] : vector<256x512xf32> to vector<256xf32>
    %broadcast_in_dim3A_467 = vector.shape_cast %reduce_sum3A_466 : vector<256xf32> to vector<256x1xf32>
    %get3A_468 = arith.constant 0 : index
    %get3A_469 = arith.constant 448 : index
    %get3A_470 = vector.load %arg3[%get3A_468, %get3A_469] : memref<512x512xf32, #tpu.memory_space<vmem>>, vector<512x64xf32>
    %dot_general3A_471 = arith.constant dense<0.000000e+00> : vector<256x64xf32>
    %dot_general3A_472 = tpu.matmul %exp3A_464, %get3A_470, %dot_general3A_471 {dimension_numbers = #tpu.dot_dimension_numbers<[1], [0], [0], [1], [0, 0, 1, 1], [], []>, transpose_lhs_hint = false} : vector<256x512xf32>, vector<512x64xf32>, vector<256x64xf32> -> vector<256x64xf32>
    %div3A_473 = vector.broadcast %broadcast_in_dim3A_467 : vector<256x1xf32> to vector<256x64xf32>
    %div3A_474 = arith.divf %dot_general3A_472, %div3A_473 : vector<256x64xf32>
    %concatenate3A = tpu.concatenate %div3A_24, %div3A_54, %div3A_84, %div3A_114, %div3A_144, %div3A_174, %div3A_204, %div3A_234, %div3A_264, %div3A_294, %div3A_324, %div3A_354, %div3A_384, %div3A_414, %div3A_444, %div3A_474 in 1 : vector<256x64xf32>, vector<256x64xf32>, vector<256x64xf32>, vector<256x64xf32>, vector<256x64xf32>, vector<256x64xf32>, vector<256x64xf32>, vector<256x64xf32>, vector<256x64xf32>, vector<256x64xf32>, vector<256x64xf32>, vector<256x64xf32>, vector<256x64xf32>, vector<256x64xf32>, vector<256x64xf32>, vector<256x64xf32> -> vector<256x1024xf32>
    %swap3A = arith.constant 0 : index
    %swap3A_475 = arith.constant 0 : index
    %swap3A_476 = vector.load %arg4[%swap3A, %swap3A_475] : memref<256x1024xf32, #tpu.memory_space<vmem>>, vector<256x1024xf32>
    tpu.vector_store %arg4[%swap3A, %swap3A_475], %concatenate3A {strides = array<i32>} : memref<256x1024xf32, #tpu.memory_space<vmem>>, vector<256x1024xf32>,
    return
  }
  func.func @transform_0(%arg0: i32) -> (i32, i32) {
    %add3A = arith.constant 0 : i32
    %add3A_0 = arith.addi %arg0, %add3A : i32
    %c0_i32 = arith.constant 0 : i32
    %c0_i32_1 = arith.constant 0 : i32
    return %add3A_0, %c0_i32 : i32, i32
  }
  func.func @transform_1(%arg0: i32) -> (i32, i32) {
    %c0_i32 = arith.constant 0 : i32
    %c0_i32_0 = arith.constant 0 : i32
    %c0_i32_1 = arith.constant 0 : i32
    return %c0_i32, %c0_i32_0 : i32, i32
  }
  func.func @transform_2(%arg0: i32) -> (i32, i32) {
    %c0_i32 = arith.constant 0 : i32
    %c0_i32_0 = arith.constant 0 : i32
    %c0_i32_1 = arith.constant 0 : i32
    return %c0_i32, %c0_i32_0 : i32, i32
  }
  func.func @transform_3(%arg0: i32) -> (i32, i32) {
    %c0_i32 = arith.constant 0 : i32
    %c0_i32_0 = arith.constant 0 : i32
    return %arg0, %c0_i32 : i32, i32
  }
}

module attributes {stable_mosaic.version = 14 : i64} {
  func.func @_attn_body(%arg0: i32, %arg1: memref<256x1024xf32, #tpu.memory_space<vmem>>, %arg2: memref<1024x512xf32, #tpu.memory_space<vmem>>, %arg3: memref<1024x512xf32, #tpu.memory_space<vmem>>, %arg4: memref<256x1024xf32, #tpu.memory_space<vmem>>) attributes {dimension_semantics = [#tpu.dimension_semantics<arbitrary>], iteration_bounds = array<i64: 2>, scalar_prefetch = 0 : i64, scratch_operands = 0 : i64, tpu.core_type = #tpu.core_type<tc>, window_params = [{transform_indices = @transform_0, window_bounds = array<i64: 256, 1024>}, {transform_indices = @transform_1, window_bounds = array<i64: 1024, 512>}, {transform_indices = @transform_2, window_bounds = array<i64: 1024, 512>}, {transform_indices = @transform_3, window_bounds = array<i64: 256, 1024>}]} {
    %add3A = arith.constant 2 : i32
    %add3A_0 = arith.addi %arg0, %add3A : i32
    %mul3A = arith.constant 256 : i32
    %mul3A_1 = arith.muli %add3A_0, %mul3A : i32
    %iota3A = tpu.iota {dimensions = array<i32: 0>} : vector<256x1024xi32>
    %add3A_2 = vector.broadcast %mul3A_1 : i32 to vector<256x1024xi32>
    %add3A_3 = arith.addi %add3A_2, %iota3A : vector<256x1024xi32>
    %iota3A_4 = tpu.iota {dimensions = array<i32: 1>} : vector<256x1024xi32>
    %le3A = arith.cmpi sle, %iota3A_4, %add3A_3 : vector<256x1024xi32>
    %get3A = arith.constant 0 : index
    %get3A_5 = arith.constant 0 : index
    %get3A_6 = vector.load %arg1[%get3A, %get3A_5] : memref<256x1024xf32, #tpu.memory_space<vmem>>, vector<256x64xf32>
    %mul3A_7 = arith.constant 1.250000e-01 : f32
    %mul3A_8 = vector.broadcast %mul3A_7 : f32 to vector<256x64xf32>
    %mul3A_9 = arith.mulf %get3A_6, %mul3A_8 : vector<256x64xf32>
    %get3A_10 = arith.constant 0 : index
    %get3A_11 = arith.constant 0 : index
    %get3A_12 = vector.load %arg2[%get3A_10, %get3A_11] : memref<1024x512xf32, #tpu.memory_space<vmem>>, vector<1024x64xf32>
    %dot_general3A = arith.constant dense<0.000000e+00> : vector<256x1024xf32>
    %dot_general3A_13 = tpu.matmul %mul3A_9, %get3A_12, %dot_general3A {dimension_numbers = #tpu.dot_dimension_numbers<[1], [1], [0], [0], [0, 0, 1, 0], [], []>, transpose_lhs_hint = false} : vector<256x64xf32>, vector<1024x64xf32>, vector<256x1024xf32> -> vector<256x1024xf32>
    %jit3A = arith.constant -1.000000e+30 : f32
    %broadcast_in_dim3A = vector.broadcast %jit3A : f32 to vector<256x1024xf32>
    %select_n3A = arith.select %le3A, %dot_general3A_13, %broadcast_in_dim3A : vector<256x1024xi1>, vector<256x1024xf32>
    %reduce_max3A = arith.constant dense<0xFF800000> : vector<256xf32>
    %reduce_max3A_14 = vector.multi_reduction <maximumf>, %select_n3A, %reduce_max3A [1] : vector<256x1024xf32> to vector<256xf32>
    %broadcast_in_dim3A_15 = vector.shape_cast %reduce_max3A_14 : vector<256xf32> to vector<256x1xf32>
    %sub3A = vector.broadcast %broadcast_in_dim3A_15 : vector<256x1xf32> to vector<256x1024xf32>
    %sub3A_16 = arith.subf %select_n3A, %sub3A : vector<256x1024xf32>
    %exp3A = math.exp %sub3A_16 : vector<256x1024xf32>
    %reduce_sum3A = arith.constant dense<0.000000e+00> : vector<256xf32>
    %reduce_sum3A_17 = vector.multi_reduction <add>, %exp3A, %reduce_sum3A [1] : vector<256x1024xf32> to vector<256xf32>
    %broadcast_in_dim3A_18 = vector.shape_cast %reduce_sum3A_17 : vector<256xf32> to vector<256x1xf32>
    %get3A_19 = arith.constant 0 : index
    %get3A_20 = arith.constant 0 : index
    %get3A_21 = vector.load %arg3[%get3A_19, %get3A_20] : memref<1024x512xf32, #tpu.memory_space<vmem>>, vector<1024x64xf32>
    %dot_general3A_22 = arith.constant dense<0.000000e+00> : vector<256x64xf32>
    %dot_general3A_23 = tpu.matmul %exp3A, %get3A_21, %dot_general3A_22 {dimension_numbers = #tpu.dot_dimension_numbers<[1], [0], [0], [1], [0, 0, 1, 1], [], []>, transpose_lhs_hint = false} : vector<256x1024xf32>, vector<1024x64xf32>, vector<256x64xf32> -> vector<256x64xf32>
    %div3A = vector.broadcast %broadcast_in_dim3A_18 : vector<256x1xf32> to vector<256x64xf32>
    %div3A_24 = arith.divf %dot_general3A_23, %div3A : vector<256x64xf32>
    %get3A_25 = arith.constant 0 : index
    %get3A_26 = arith.constant 64 : index
    %get3A_27 = vector.load %arg1[%get3A_25, %get3A_26] : memref<256x1024xf32, #tpu.memory_space<vmem>>, vector<256x64xf32>
    %mul3A_28 = arith.constant 1.250000e-01 : f32
    %mul3A_29 = vector.broadcast %mul3A_28 : f32 to vector<256x64xf32>
    %mul3A_30 = arith.mulf %get3A_27, %mul3A_29 : vector<256x64xf32>
    %get3A_31 = arith.constant 0 : index
    %get3A_32 = arith.constant 0 : index
    %get3A_33 = vector.load %arg2[%get3A_31, %get3A_32] : memref<1024x512xf32, #tpu.memory_space<vmem>>, vector<1024x64xf32>
    %dot_general3A_34 = arith.constant dense<0.000000e+00> : vector<256x1024xf32>
    %dot_general3A_35 = tpu.matmul %mul3A_30, %get3A_33, %dot_general3A_34 {dimension_numbers = #tpu.dot_dimension_numbers<[1], [1], [0], [0], [0, 0, 1, 0], [], []>, transpose_lhs_hint = false} : vector<256x64xf32>, vector<1024x64xf32>, vector<256x1024xf32> -> vector<256x1024xf32>
    %jit3A_36 = arith.constant -1.000000e+30 : f32
    %broadcast_in_dim3A_37 = vector.broadcast %jit3A_36 : f32 to vector<256x1024xf32>
    %select_n3A_38 = arith.select %le3A, %dot_general3A_35, %broadcast_in_dim3A_37 : vector<256x1024xi1>, vector<256x1024xf32>
    %reduce_max3A_39 = arith.constant dense<0xFF800000> : vector<256xf32>
    %reduce_max3A_40 = vector.multi_reduction <maximumf>, %select_n3A_38, %reduce_max3A_39 [1] : vector<256x1024xf32> to vector<256xf32>
    %broadcast_in_dim3A_41 = vector.shape_cast %reduce_max3A_40 : vector<256xf32> to vector<256x1xf32>
    %sub3A_42 = vector.broadcast %broadcast_in_dim3A_41 : vector<256x1xf32> to vector<256x1024xf32>
    %sub3A_43 = arith.subf %select_n3A_38, %sub3A_42 : vector<256x1024xf32>
    %exp3A_44 = math.exp %sub3A_43 : vector<256x1024xf32>
    %reduce_sum3A_45 = arith.constant dense<0.000000e+00> : vector<256xf32>
    %reduce_sum3A_46 = vector.multi_reduction <add>, %exp3A_44, %reduce_sum3A_45 [1] : vector<256x1024xf32> to vector<256xf32>
    %broadcast_in_dim3A_47 = vector.shape_cast %reduce_sum3A_46 : vector<256xf32> to vector<256x1xf32>
    %get3A_48 = arith.constant 0 : index
    %get3A_49 = arith.constant 0 : index
    %get3A_50 = vector.load %arg3[%get3A_48, %get3A_49] : memref<1024x512xf32, #tpu.memory_space<vmem>>, vector<1024x64xf32>
    %dot_general3A_51 = arith.constant dense<0.000000e+00> : vector<256x64xf32>
    %dot_general3A_52 = tpu.matmul %exp3A_44, %get3A_50, %dot_general3A_51 {dimension_numbers = #tpu.dot_dimension_numbers<[1], [0], [0], [1], [0, 0, 1, 1], [], []>, transpose_lhs_hint = false} : vector<256x1024xf32>, vector<1024x64xf32>, vector<256x64xf32> -> vector<256x64xf32>
    %div3A_53 = vector.broadcast %broadcast_in_dim3A_47 : vector<256x1xf32> to vector<256x64xf32>
    %div3A_54 = arith.divf %dot_general3A_52, %div3A_53 : vector<256x64xf32>
    %get3A_55 = arith.constant 0 : index
    %get3A_56 = arith.constant 128 : index
    %get3A_57 = vector.load %arg1[%get3A_55, %get3A_56] : memref<256x1024xf32, #tpu.memory_space<vmem>>, vector<256x64xf32>
    %mul3A_58 = arith.constant 1.250000e-01 : f32
    %mul3A_59 = vector.broadcast %mul3A_58 : f32 to vector<256x64xf32>
    %mul3A_60 = arith.mulf %get3A_57, %mul3A_59 : vector<256x64xf32>
    %get3A_61 = arith.constant 0 : index
    %get3A_62 = arith.constant 64 : index
    %get3A_63 = vector.load %arg2[%get3A_61, %get3A_62] : memref<1024x512xf32, #tpu.memory_space<vmem>>, vector<1024x64xf32>
    %dot_general3A_64 = arith.constant dense<0.000000e+00> : vector<256x1024xf32>
    %dot_general3A_65 = tpu.matmul %mul3A_60, %get3A_63, %dot_general3A_64 {dimension_numbers = #tpu.dot_dimension_numbers<[1], [1], [0], [0], [0, 0, 1, 0], [], []>, transpose_lhs_hint = false} : vector<256x64xf32>, vector<1024x64xf32>, vector<256x1024xf32> -> vector<256x1024xf32>
    %jit3A_66 = arith.constant -1.000000e+30 : f32
    %broadcast_in_dim3A_67 = vector.broadcast %jit3A_66 : f32 to vector<256x1024xf32>
    %select_n3A_68 = arith.select %le3A, %dot_general3A_65, %broadcast_in_dim3A_67 : vector<256x1024xi1>, vector<256x1024xf32>
    %reduce_max3A_69 = arith.constant dense<0xFF800000> : vector<256xf32>
    %reduce_max3A_70 = vector.multi_reduction <maximumf>, %select_n3A_68, %reduce_max3A_69 [1] : vector<256x1024xf32> to vector<256xf32>
    %broadcast_in_dim3A_71 = vector.shape_cast %reduce_max3A_70 : vector<256xf32> to vector<256x1xf32>
    %sub3A_72 = vector.broadcast %broadcast_in_dim3A_71 : vector<256x1xf32> to vector<256x1024xf32>
    %sub3A_73 = arith.subf %select_n3A_68, %sub3A_72 : vector<256x1024xf32>
    %exp3A_74 = math.exp %sub3A_73 : vector<256x1024xf32>
    %reduce_sum3A_75 = arith.constant dense<0.000000e+00> : vector<256xf32>
    %reduce_sum3A_76 = vector.multi_reduction <add>, %exp3A_74, %reduce_sum3A_75 [1] : vector<256x1024xf32> to vector<256xf32>
    %broadcast_in_dim3A_77 = vector.shape_cast %reduce_sum3A_76 : vector<256xf32> to vector<256x1xf32>
    %get3A_78 = arith.constant 0 : index
    %get3A_79 = arith.constant 64 : index
    %get3A_80 = vector.load %arg3[%get3A_78, %get3A_79] : memref<1024x512xf32, #tpu.memory_space<vmem>>, vector<1024x64xf32>
    %dot_general3A_81 = arith.constant dense<0.000000e+00> : vector<256x64xf32>
    %dot_general3A_82 = tpu.matmul %exp3A_74, %get3A_80, %dot_general3A_81 {dimension_numbers = #tpu.dot_dimension_numbers<[1], [0], [0], [1], [0, 0, 1, 1], [], []>, transpose_lhs_hint = false} : vector<256x1024xf32>, vector<1024x64xf32>, vector<256x64xf32> -> vector<256x64xf32>
    %div3A_83 = vector.broadcast %broadcast_in_dim3A_77 : vector<256x1xf32> to vector<256x64xf32>
    %div3A_84 = arith.divf %dot_general3A_82, %div3A_83 : vector<256x64xf32>
    %get3A_85 = arith.constant 0 : index
    %get3A_86 = arith.constant 192 : index
    %get3A_87 = vector.load %arg1[%get3A_85, %get3A_86] : memref<256x1024xf32, #tpu.memory_space<vmem>>, vector<256x64xf32>
    %mul3A_88 = arith.constant 1.250000e-01 : f32
    %mul3A_89 = vector.broadcast %mul3A_88 : f32 to vector<256x64xf32>
    %mul3A_90 = arith.mulf %get3A_87, %mul3A_89 : vector<256x64xf32>
    %get3A_91 = arith.constant 0 : index
    %get3A_92 = arith.constant 64 : index
    %get3A_93 = vector.load %arg2[%get3A_91, %get3A_92] : memref<1024x512xf32, #tpu.memory_space<vmem>>, vector<1024x64xf32>
    %dot_general3A_94 = arith.constant dense<0.000000e+00> : vector<256x1024xf32>
    %dot_general3A_95 = tpu.matmul %mul3A_90, %get3A_93, %dot_general3A_94 {dimension_numbers = #tpu.dot_dimension_numbers<[1], [1], [0], [0], [0, 0, 1, 0], [], []>, transpose_lhs_hint = false} : vector<256x64xf32>, vector<1024x64xf32>, vector<256x1024xf32> -> vector<256x1024xf32>
    %jit3A_96 = arith.constant -1.000000e+30 : f32
    %broadcast_in_dim3A_97 = vector.broadcast %jit3A_96 : f32 to vector<256x1024xf32>
    %select_n3A_98 = arith.select %le3A, %dot_general3A_95, %broadcast_in_dim3A_97 : vector<256x1024xi1>, vector<256x1024xf32>
    %reduce_max3A_99 = arith.constant dense<0xFF800000> : vector<256xf32>
    %reduce_max3A_100 = vector.multi_reduction <maximumf>, %select_n3A_98, %reduce_max3A_99 [1] : vector<256x1024xf32> to vector<256xf32>
    %broadcast_in_dim3A_101 = vector.shape_cast %reduce_max3A_100 : vector<256xf32> to vector<256x1xf32>
    %sub3A_102 = vector.broadcast %broadcast_in_dim3A_101 : vector<256x1xf32> to vector<256x1024xf32>
    %sub3A_103 = arith.subf %select_n3A_98, %sub3A_102 : vector<256x1024xf32>
    %exp3A_104 = math.exp %sub3A_103 : vector<256x1024xf32>
    %reduce_sum3A_105 = arith.constant dense<0.000000e+00> : vector<256xf32>
    %reduce_sum3A_106 = vector.multi_reduction <add>, %exp3A_104, %reduce_sum3A_105 [1] : vector<256x1024xf32> to vector<256xf32>
    %broadcast_in_dim3A_107 = vector.shape_cast %reduce_sum3A_106 : vector<256xf32> to vector<256x1xf32>
    %get3A_108 = arith.constant 0 : index
    %get3A_109 = arith.constant 64 : index
    %get3A_110 = vector.load %arg3[%get3A_108, %get3A_109] : memref<1024x512xf32, #tpu.memory_space<vmem>>, vector<1024x64xf32>
    %dot_general3A_111 = arith.constant dense<0.000000e+00> : vector<256x64xf32>
    %dot_general3A_112 = tpu.matmul %exp3A_104, %get3A_110, %dot_general3A_111 {dimension_numbers = #tpu.dot_dimension_numbers<[1], [0], [0], [1], [0, 0, 1, 1], [], []>, transpose_lhs_hint = false} : vector<256x1024xf32>, vector<1024x64xf32>, vector<256x64xf32> -> vector<256x64xf32>
    %div3A_113 = vector.broadcast %broadcast_in_dim3A_107 : vector<256x1xf32> to vector<256x64xf32>
    %div3A_114 = arith.divf %dot_general3A_112, %div3A_113 : vector<256x64xf32>
    %get3A_115 = arith.constant 0 : index
    %get3A_116 = arith.constant 256 : index
    %get3A_117 = vector.load %arg1[%get3A_115, %get3A_116] : memref<256x1024xf32, #tpu.memory_space<vmem>>, vector<256x64xf32>
    %mul3A_118 = arith.constant 1.250000e-01 : f32
    %mul3A_119 = vector.broadcast %mul3A_118 : f32 to vector<256x64xf32>
    %mul3A_120 = arith.mulf %get3A_117, %mul3A_119 : vector<256x64xf32>
    %get3A_121 = arith.constant 0 : index
    %get3A_122 = arith.constant 128 : index
    %get3A_123 = vector.load %arg2[%get3A_121, %get3A_122] : memref<1024x512xf32, #tpu.memory_space<vmem>>, vector<1024x64xf32>
    %dot_general3A_124 = arith.constant dense<0.000000e+00> : vector<256x1024xf32>
    %dot_general3A_125 = tpu.matmul %mul3A_120, %get3A_123, %dot_general3A_124 {dimension_numbers = #tpu.dot_dimension_numbers<[1], [1], [0], [0], [0, 0, 1, 0], [], []>, transpose_lhs_hint = false} : vector<256x64xf32>, vector<1024x64xf32>, vector<256x1024xf32> -> vector<256x1024xf32>
    %jit3A_126 = arith.constant -1.000000e+30 : f32
    %broadcast_in_dim3A_127 = vector.broadcast %jit3A_126 : f32 to vector<256x1024xf32>
    %select_n3A_128 = arith.select %le3A, %dot_general3A_125, %broadcast_in_dim3A_127 : vector<256x1024xi1>, vector<256x1024xf32>
    %reduce_max3A_129 = arith.constant dense<0xFF800000> : vector<256xf32>
    %reduce_max3A_130 = vector.multi_reduction <maximumf>, %select_n3A_128, %reduce_max3A_129 [1] : vector<256x1024xf32> to vector<256xf32>
    %broadcast_in_dim3A_131 = vector.shape_cast %reduce_max3A_130 : vector<256xf32> to vector<256x1xf32>
    %sub3A_132 = vector.broadcast %broadcast_in_dim3A_131 : vector<256x1xf32> to vector<256x1024xf32>
    %sub3A_133 = arith.subf %select_n3A_128, %sub3A_132 : vector<256x1024xf32>
    %exp3A_134 = math.exp %sub3A_133 : vector<256x1024xf32>
    %reduce_sum3A_135 = arith.constant dense<0.000000e+00> : vector<256xf32>
    %reduce_sum3A_136 = vector.multi_reduction <add>, %exp3A_134, %reduce_sum3A_135 [1] : vector<256x1024xf32> to vector<256xf32>
    %broadcast_in_dim3A_137 = vector.shape_cast %reduce_sum3A_136 : vector<256xf32> to vector<256x1xf32>
    %get3A_138 = arith.constant 0 : index
    %get3A_139 = arith.constant 128 : index
    %get3A_140 = vector.load %arg3[%get3A_138, %get3A_139] : memref<1024x512xf32, #tpu.memory_space<vmem>>, vector<1024x64xf32>
    %dot_general3A_141 = arith.constant dense<0.000000e+00> : vector<256x64xf32>
    %dot_general3A_142 = tpu.matmul %exp3A_134, %get3A_140, %dot_general3A_141 {dimension_numbers = #tpu.dot_dimension_numbers<[1], [0], [0], [1], [0, 0, 1, 1], [], []>, transpose_lhs_hint = false} : vector<256x1024xf32>, vector<1024x64xf32>, vector<256x64xf32> -> vector<256x64xf32>
    %div3A_143 = vector.broadcast %broadcast_in_dim3A_137 : vector<256x1xf32> to vector<256x64xf32>
    %div3A_144 = arith.divf %dot_general3A_142, %div3A_143 : vector<256x64xf32>
    %get3A_145 = arith.constant 0 : index
    %get3A_146 = arith.constant 320 : index
    %get3A_147 = vector.load %arg1[%get3A_145, %get3A_146] : memref<256x1024xf32, #tpu.memory_space<vmem>>, vector<256x64xf32>
    %mul3A_148 = arith.constant 1.250000e-01 : f32
    %mul3A_149 = vector.broadcast %mul3A_148 : f32 to vector<256x64xf32>
    %mul3A_150 = arith.mulf %get3A_147, %mul3A_149 : vector<256x64xf32>
    %get3A_151 = arith.constant 0 : index
    %get3A_152 = arith.constant 128 : index
    %get3A_153 = vector.load %arg2[%get3A_151, %get3A_152] : memref<1024x512xf32, #tpu.memory_space<vmem>>, vector<1024x64xf32>
    %dot_general3A_154 = arith.constant dense<0.000000e+00> : vector<256x1024xf32>
    %dot_general3A_155 = tpu.matmul %mul3A_150, %get3A_153, %dot_general3A_154 {dimension_numbers = #tpu.dot_dimension_numbers<[1], [1], [0], [0], [0, 0, 1, 0], [], []>, transpose_lhs_hint = false} : vector<256x64xf32>, vector<1024x64xf32>, vector<256x1024xf32> -> vector<256x1024xf32>
    %jit3A_156 = arith.constant -1.000000e+30 : f32
    %broadcast_in_dim3A_157 = vector.broadcast %jit3A_156 : f32 to vector<256x1024xf32>
    %select_n3A_158 = arith.select %le3A, %dot_general3A_155, %broadcast_in_dim3A_157 : vector<256x1024xi1>, vector<256x1024xf32>
    %reduce_max3A_159 = arith.constant dense<0xFF800000> : vector<256xf32>
    %reduce_max3A_160 = vector.multi_reduction <maximumf>, %select_n3A_158, %reduce_max3A_159 [1] : vector<256x1024xf32> to vector<256xf32>
    %broadcast_in_dim3A_161 = vector.shape_cast %reduce_max3A_160 : vector<256xf32> to vector<256x1xf32>
    %sub3A_162 = vector.broadcast %broadcast_in_dim3A_161 : vector<256x1xf32> to vector<256x1024xf32>
    %sub3A_163 = arith.subf %select_n3A_158, %sub3A_162 : vector<256x1024xf32>
    %exp3A_164 = math.exp %sub3A_163 : vector<256x1024xf32>
    %reduce_sum3A_165 = arith.constant dense<0.000000e+00> : vector<256xf32>
    %reduce_sum3A_166 = vector.multi_reduction <add>, %exp3A_164, %reduce_sum3A_165 [1] : vector<256x1024xf32> to vector<256xf32>
    %broadcast_in_dim3A_167 = vector.shape_cast %reduce_sum3A_166 : vector<256xf32> to vector<256x1xf32>
    %get3A_168 = arith.constant 0 : index
    %get3A_169 = arith.constant 128 : index
    %get3A_170 = vector.load %arg3[%get3A_168, %get3A_169] : memref<1024x512xf32, #tpu.memory_space<vmem>>, vector<1024x64xf32>
    %dot_general3A_171 = arith.constant dense<0.000000e+00> : vector<256x64xf32>
    %dot_general3A_172 = tpu.matmul %exp3A_164, %get3A_170, %dot_general3A_171 {dimension_numbers = #tpu.dot_dimension_numbers<[1], [0], [0], [1], [0, 0, 1, 1], [], []>, transpose_lhs_hint = false} : vector<256x1024xf32>, vector<1024x64xf32>, vector<256x64xf32> -> vector<256x64xf32>
    %div3A_173 = vector.broadcast %broadcast_in_dim3A_167 : vector<256x1xf32> to vector<256x64xf32>
    %div3A_174 = arith.divf %dot_general3A_172, %div3A_173 : vector<256x64xf32>
    %get3A_175 = arith.constant 0 : index
    %get3A_176 = arith.constant 384 : index
    %get3A_177 = vector.load %arg1[%get3A_175, %get3A_176] : memref<256x1024xf32, #tpu.memory_space<vmem>>, vector<256x64xf32>
    %mul3A_178 = arith.constant 1.250000e-01 : f32
    %mul3A_179 = vector.broadcast %mul3A_178 : f32 to vector<256x64xf32>
    %mul3A_180 = arith.mulf %get3A_177, %mul3A_179 : vector<256x64xf32>
    %get3A_181 = arith.constant 0 : index
    %get3A_182 = arith.constant 192 : index
    %get3A_183 = vector.load %arg2[%get3A_181, %get3A_182] : memref<1024x512xf32, #tpu.memory_space<vmem>>, vector<1024x64xf32>
    %dot_general3A_184 = arith.constant dense<0.000000e+00> : vector<256x1024xf32>
    %dot_general3A_185 = tpu.matmul %mul3A_180, %get3A_183, %dot_general3A_184 {dimension_numbers = #tpu.dot_dimension_numbers<[1], [1], [0], [0], [0, 0, 1, 0], [], []>, transpose_lhs_hint = false} : vector<256x64xf32>, vector<1024x64xf32>, vector<256x1024xf32> -> vector<256x1024xf32>
    %jit3A_186 = arith.constant -1.000000e+30 : f32
    %broadcast_in_dim3A_187 = vector.broadcast %jit3A_186 : f32 to vector<256x1024xf32>
    %select_n3A_188 = arith.select %le3A, %dot_general3A_185, %broadcast_in_dim3A_187 : vector<256x1024xi1>, vector<256x1024xf32>
    %reduce_max3A_189 = arith.constant dense<0xFF800000> : vector<256xf32>
    %reduce_max3A_190 = vector.multi_reduction <maximumf>, %select_n3A_188, %reduce_max3A_189 [1] : vector<256x1024xf32> to vector<256xf32>
    %broadcast_in_dim3A_191 = vector.shape_cast %reduce_max3A_190 : vector<256xf32> to vector<256x1xf32>
    %sub3A_192 = vector.broadcast %broadcast_in_dim3A_191 : vector<256x1xf32> to vector<256x1024xf32>
    %sub3A_193 = arith.subf %select_n3A_188, %sub3A_192 : vector<256x1024xf32>
    %exp3A_194 = math.exp %sub3A_193 : vector<256x1024xf32>
    %reduce_sum3A_195 = arith.constant dense<0.000000e+00> : vector<256xf32>
    %reduce_sum3A_196 = vector.multi_reduction <add>, %exp3A_194, %reduce_sum3A_195 [1] : vector<256x1024xf32> to vector<256xf32>
    %broadcast_in_dim3A_197 = vector.shape_cast %reduce_sum3A_196 : vector<256xf32> to vector<256x1xf32>
    %get3A_198 = arith.constant 0 : index
    %get3A_199 = arith.constant 192 : index
    %get3A_200 = vector.load %arg3[%get3A_198, %get3A_199] : memref<1024x512xf32, #tpu.memory_space<vmem>>, vector<1024x64xf32>
    %dot_general3A_201 = arith.constant dense<0.000000e+00> : vector<256x64xf32>
    %dot_general3A_202 = tpu.matmul %exp3A_194, %get3A_200, %dot_general3A_201 {dimension_numbers = #tpu.dot_dimension_numbers<[1], [0], [0], [1], [0, 0, 1, 1], [], []>, transpose_lhs_hint = false} : vector<256x1024xf32>, vector<1024x64xf32>, vector<256x64xf32> -> vector<256x64xf32>
    %div3A_203 = vector.broadcast %broadcast_in_dim3A_197 : vector<256x1xf32> to vector<256x64xf32>
    %div3A_204 = arith.divf %dot_general3A_202, %div3A_203 : vector<256x64xf32>
    %get3A_205 = arith.constant 0 : index
    %get3A_206 = arith.constant 448 : index
    %get3A_207 = vector.load %arg1[%get3A_205, %get3A_206] : memref<256x1024xf32, #tpu.memory_space<vmem>>, vector<256x64xf32>
    %mul3A_208 = arith.constant 1.250000e-01 : f32
    %mul3A_209 = vector.broadcast %mul3A_208 : f32 to vector<256x64xf32>
    %mul3A_210 = arith.mulf %get3A_207, %mul3A_209 : vector<256x64xf32>
    %get3A_211 = arith.constant 0 : index
    %get3A_212 = arith.constant 192 : index
    %get3A_213 = vector.load %arg2[%get3A_211, %get3A_212] : memref<1024x512xf32, #tpu.memory_space<vmem>>, vector<1024x64xf32>
    %dot_general3A_214 = arith.constant dense<0.000000e+00> : vector<256x1024xf32>
    %dot_general3A_215 = tpu.matmul %mul3A_210, %get3A_213, %dot_general3A_214 {dimension_numbers = #tpu.dot_dimension_numbers<[1], [1], [0], [0], [0, 0, 1, 0], [], []>, transpose_lhs_hint = false} : vector<256x64xf32>, vector<1024x64xf32>, vector<256x1024xf32> -> vector<256x1024xf32>
    %jit3A_216 = arith.constant -1.000000e+30 : f32
    %broadcast_in_dim3A_217 = vector.broadcast %jit3A_216 : f32 to vector<256x1024xf32>
    %select_n3A_218 = arith.select %le3A, %dot_general3A_215, %broadcast_in_dim3A_217 : vector<256x1024xi1>, vector<256x1024xf32>
    %reduce_max3A_219 = arith.constant dense<0xFF800000> : vector<256xf32>
    %reduce_max3A_220 = vector.multi_reduction <maximumf>, %select_n3A_218, %reduce_max3A_219 [1] : vector<256x1024xf32> to vector<256xf32>
    %broadcast_in_dim3A_221 = vector.shape_cast %reduce_max3A_220 : vector<256xf32> to vector<256x1xf32>
    %sub3A_222 = vector.broadcast %broadcast_in_dim3A_221 : vector<256x1xf32> to vector<256x1024xf32>
    %sub3A_223 = arith.subf %select_n3A_218, %sub3A_222 : vector<256x1024xf32>
    %exp3A_224 = math.exp %sub3A_223 : vector<256x1024xf32>
    %reduce_sum3A_225 = arith.constant dense<0.000000e+00> : vector<256xf32>
    %reduce_sum3A_226 = vector.multi_reduction <add>, %exp3A_224, %reduce_sum3A_225 [1] : vector<256x1024xf32> to vector<256xf32>
    %broadcast_in_dim3A_227 = vector.shape_cast %reduce_sum3A_226 : vector<256xf32> to vector<256x1xf32>
    %get3A_228 = arith.constant 0 : index
    %get3A_229 = arith.constant 192 : index
    %get3A_230 = vector.load %arg3[%get3A_228, %get3A_229] : memref<1024x512xf32, #tpu.memory_space<vmem>>, vector<1024x64xf32>
    %dot_general3A_231 = arith.constant dense<0.000000e+00> : vector<256x64xf32>
    %dot_general3A_232 = tpu.matmul %exp3A_224, %get3A_230, %dot_general3A_231 {dimension_numbers = #tpu.dot_dimension_numbers<[1], [0], [0], [1], [0, 0, 1, 1], [], []>, transpose_lhs_hint = false} : vector<256x1024xf32>, vector<1024x64xf32>, vector<256x64xf32> -> vector<256x64xf32>
    %div3A_233 = vector.broadcast %broadcast_in_dim3A_227 : vector<256x1xf32> to vector<256x64xf32>
    %div3A_234 = arith.divf %dot_general3A_232, %div3A_233 : vector<256x64xf32>
    %get3A_235 = arith.constant 0 : index
    %get3A_236 = arith.constant 512 : index
    %get3A_237 = vector.load %arg1[%get3A_235, %get3A_236] : memref<256x1024xf32, #tpu.memory_space<vmem>>, vector<256x64xf32>
    %mul3A_238 = arith.constant 1.250000e-01 : f32
    %mul3A_239 = vector.broadcast %mul3A_238 : f32 to vector<256x64xf32>
    %mul3A_240 = arith.mulf %get3A_237, %mul3A_239 : vector<256x64xf32>
    %get3A_241 = arith.constant 0 : index
    %get3A_242 = arith.constant 256 : index
    %get3A_243 = vector.load %arg2[%get3A_241, %get3A_242] : memref<1024x512xf32, #tpu.memory_space<vmem>>, vector<1024x64xf32>
    %dot_general3A_244 = arith.constant dense<0.000000e+00> : vector<256x1024xf32>
    %dot_general3A_245 = tpu.matmul %mul3A_240, %get3A_243, %dot_general3A_244 {dimension_numbers = #tpu.dot_dimension_numbers<[1], [1], [0], [0], [0, 0, 1, 0], [], []>, transpose_lhs_hint = false} : vector<256x64xf32>, vector<1024x64xf32>, vector<256x1024xf32> -> vector<256x1024xf32>
    %jit3A_246 = arith.constant -1.000000e+30 : f32
    %broadcast_in_dim3A_247 = vector.broadcast %jit3A_246 : f32 to vector<256x1024xf32>
    %select_n3A_248 = arith.select %le3A, %dot_general3A_245, %broadcast_in_dim3A_247 : vector<256x1024xi1>, vector<256x1024xf32>
    %reduce_max3A_249 = arith.constant dense<0xFF800000> : vector<256xf32>
    %reduce_max3A_250 = vector.multi_reduction <maximumf>, %select_n3A_248, %reduce_max3A_249 [1] : vector<256x1024xf32> to vector<256xf32>
    %broadcast_in_dim3A_251 = vector.shape_cast %reduce_max3A_250 : vector<256xf32> to vector<256x1xf32>
    %sub3A_252 = vector.broadcast %broadcast_in_dim3A_251 : vector<256x1xf32> to vector<256x1024xf32>
    %sub3A_253 = arith.subf %select_n3A_248, %sub3A_252 : vector<256x1024xf32>
    %exp3A_254 = math.exp %sub3A_253 : vector<256x1024xf32>
    %reduce_sum3A_255 = arith.constant dense<0.000000e+00> : vector<256xf32>
    %reduce_sum3A_256 = vector.multi_reduction <add>, %exp3A_254, %reduce_sum3A_255 [1] : vector<256x1024xf32> to vector<256xf32>
    %broadcast_in_dim3A_257 = vector.shape_cast %reduce_sum3A_256 : vector<256xf32> to vector<256x1xf32>
    %get3A_258 = arith.constant 0 : index
    %get3A_259 = arith.constant 256 : index
    %get3A_260 = vector.load %arg3[%get3A_258, %get3A_259] : memref<1024x512xf32, #tpu.memory_space<vmem>>, vector<1024x64xf32>
    %dot_general3A_261 = arith.constant dense<0.000000e+00> : vector<256x64xf32>
    %dot_general3A_262 = tpu.matmul %exp3A_254, %get3A_260, %dot_general3A_261 {dimension_numbers = #tpu.dot_dimension_numbers<[1], [0], [0], [1], [0, 0, 1, 1], [], []>, transpose_lhs_hint = false} : vector<256x1024xf32>, vector<1024x64xf32>, vector<256x64xf32> -> vector<256x64xf32>
    %div3A_263 = vector.broadcast %broadcast_in_dim3A_257 : vector<256x1xf32> to vector<256x64xf32>
    %div3A_264 = arith.divf %dot_general3A_262, %div3A_263 : vector<256x64xf32>
    %get3A_265 = arith.constant 0 : index
    %get3A_266 = arith.constant 576 : index
    %get3A_267 = vector.load %arg1[%get3A_265, %get3A_266] : memref<256x1024xf32, #tpu.memory_space<vmem>>, vector<256x64xf32>
    %mul3A_268 = arith.constant 1.250000e-01 : f32
    %mul3A_269 = vector.broadcast %mul3A_268 : f32 to vector<256x64xf32>
    %mul3A_270 = arith.mulf %get3A_267, %mul3A_269 : vector<256x64xf32>
    %get3A_271 = arith.constant 0 : index
    %get3A_272 = arith.constant 256 : index
    %get3A_273 = vector.load %arg2[%get3A_271, %get3A_272] : memref<1024x512xf32, #tpu.memory_space<vmem>>, vector<1024x64xf32>
    %dot_general3A_274 = arith.constant dense<0.000000e+00> : vector<256x1024xf32>
    %dot_general3A_275 = tpu.matmul %mul3A_270, %get3A_273, %dot_general3A_274 {dimension_numbers = #tpu.dot_dimension_numbers<[1], [1], [0], [0], [0, 0, 1, 0], [], []>, transpose_lhs_hint = false} : vector<256x64xf32>, vector<1024x64xf32>, vector<256x1024xf32> -> vector<256x1024xf32>
    %jit3A_276 = arith.constant -1.000000e+30 : f32
    %broadcast_in_dim3A_277 = vector.broadcast %jit3A_276 : f32 to vector<256x1024xf32>
    %select_n3A_278 = arith.select %le3A, %dot_general3A_275, %broadcast_in_dim3A_277 : vector<256x1024xi1>, vector<256x1024xf32>
    %reduce_max3A_279 = arith.constant dense<0xFF800000> : vector<256xf32>
    %reduce_max3A_280 = vector.multi_reduction <maximumf>, %select_n3A_278, %reduce_max3A_279 [1] : vector<256x1024xf32> to vector<256xf32>
    %broadcast_in_dim3A_281 = vector.shape_cast %reduce_max3A_280 : vector<256xf32> to vector<256x1xf32>
    %sub3A_282 = vector.broadcast %broadcast_in_dim3A_281 : vector<256x1xf32> to vector<256x1024xf32>
    %sub3A_283 = arith.subf %select_n3A_278, %sub3A_282 : vector<256x1024xf32>
    %exp3A_284 = math.exp %sub3A_283 : vector<256x1024xf32>
    %reduce_sum3A_285 = arith.constant dense<0.000000e+00> : vector<256xf32>
    %reduce_sum3A_286 = vector.multi_reduction <add>, %exp3A_284, %reduce_sum3A_285 [1] : vector<256x1024xf32> to vector<256xf32>
    %broadcast_in_dim3A_287 = vector.shape_cast %reduce_sum3A_286 : vector<256xf32> to vector<256x1xf32>
    %get3A_288 = arith.constant 0 : index
    %get3A_289 = arith.constant 256 : index
    %get3A_290 = vector.load %arg3[%get3A_288, %get3A_289] : memref<1024x512xf32, #tpu.memory_space<vmem>>, vector<1024x64xf32>
    %dot_general3A_291 = arith.constant dense<0.000000e+00> : vector<256x64xf32>
    %dot_general3A_292 = tpu.matmul %exp3A_284, %get3A_290, %dot_general3A_291 {dimension_numbers = #tpu.dot_dimension_numbers<[1], [0], [0], [1], [0, 0, 1, 1], [], []>, transpose_lhs_hint = false} : vector<256x1024xf32>, vector<1024x64xf32>, vector<256x64xf32> -> vector<256x64xf32>
    %div3A_293 = vector.broadcast %broadcast_in_dim3A_287 : vector<256x1xf32> to vector<256x64xf32>
    %div3A_294 = arith.divf %dot_general3A_292, %div3A_293 : vector<256x64xf32>
    %get3A_295 = arith.constant 0 : index
    %get3A_296 = arith.constant 640 : index
    %get3A_297 = vector.load %arg1[%get3A_295, %get3A_296] : memref<256x1024xf32, #tpu.memory_space<vmem>>, vector<256x64xf32>
    %mul3A_298 = arith.constant 1.250000e-01 : f32
    %mul3A_299 = vector.broadcast %mul3A_298 : f32 to vector<256x64xf32>
    %mul3A_300 = arith.mulf %get3A_297, %mul3A_299 : vector<256x64xf32>
    %get3A_301 = arith.constant 0 : index
    %get3A_302 = arith.constant 320 : index
    %get3A_303 = vector.load %arg2[%get3A_301, %get3A_302] : memref<1024x512xf32, #tpu.memory_space<vmem>>, vector<1024x64xf32>
    %dot_general3A_304 = arith.constant dense<0.000000e+00> : vector<256x1024xf32>
    %dot_general3A_305 = tpu.matmul %mul3A_300, %get3A_303, %dot_general3A_304 {dimension_numbers = #tpu.dot_dimension_numbers<[1], [1], [0], [0], [0, 0, 1, 0], [], []>, transpose_lhs_hint = false} : vector<256x64xf32>, vector<1024x64xf32>, vector<256x1024xf32> -> vector<256x1024xf32>
    %jit3A_306 = arith.constant -1.000000e+30 : f32
    %broadcast_in_dim3A_307 = vector.broadcast %jit3A_306 : f32 to vector<256x1024xf32>
    %select_n3A_308 = arith.select %le3A, %dot_general3A_305, %broadcast_in_dim3A_307 : vector<256x1024xi1>, vector<256x1024xf32>
    %reduce_max3A_309 = arith.constant dense<0xFF800000> : vector<256xf32>
    %reduce_max3A_310 = vector.multi_reduction <maximumf>, %select_n3A_308, %reduce_max3A_309 [1] : vector<256x1024xf32> to vector<256xf32>
    %broadcast_in_dim3A_311 = vector.shape_cast %reduce_max3A_310 : vector<256xf32> to vector<256x1xf32>
    %sub3A_312 = vector.broadcast %broadcast_in_dim3A_311 : vector<256x1xf32> to vector<256x1024xf32>
    %sub3A_313 = arith.subf %select_n3A_308, %sub3A_312 : vector<256x1024xf32>
    %exp3A_314 = math.exp %sub3A_313 : vector<256x1024xf32>
    %reduce_sum3A_315 = arith.constant dense<0.000000e+00> : vector<256xf32>
    %reduce_sum3A_316 = vector.multi_reduction <add>, %exp3A_314, %reduce_sum3A_315 [1] : vector<256x1024xf32> to vector<256xf32>
    %broadcast_in_dim3A_317 = vector.shape_cast %reduce_sum3A_316 : vector<256xf32> to vector<256x1xf32>
    %get3A_318 = arith.constant 0 : index
    %get3A_319 = arith.constant 320 : index
    %get3A_320 = vector.load %arg3[%get3A_318, %get3A_319] : memref<1024x512xf32, #tpu.memory_space<vmem>>, vector<1024x64xf32>
    %dot_general3A_321 = arith.constant dense<0.000000e+00> : vector<256x64xf32>
    %dot_general3A_322 = tpu.matmul %exp3A_314, %get3A_320, %dot_general3A_321 {dimension_numbers = #tpu.dot_dimension_numbers<[1], [0], [0], [1], [0, 0, 1, 1], [], []>, transpose_lhs_hint = false} : vector<256x1024xf32>, vector<1024x64xf32>, vector<256x64xf32> -> vector<256x64xf32>
    %div3A_323 = vector.broadcast %broadcast_in_dim3A_317 : vector<256x1xf32> to vector<256x64xf32>
    %div3A_324 = arith.divf %dot_general3A_322, %div3A_323 : vector<256x64xf32>
    %get3A_325 = arith.constant 0 : index
    %get3A_326 = arith.constant 704 : index
    %get3A_327 = vector.load %arg1[%get3A_325, %get3A_326] : memref<256x1024xf32, #tpu.memory_space<vmem>>, vector<256x64xf32>
    %mul3A_328 = arith.constant 1.250000e-01 : f32
    %mul3A_329 = vector.broadcast %mul3A_328 : f32 to vector<256x64xf32>
    %mul3A_330 = arith.mulf %get3A_327, %mul3A_329 : vector<256x64xf32>
    %get3A_331 = arith.constant 0 : index
    %get3A_332 = arith.constant 320 : index
    %get3A_333 = vector.load %arg2[%get3A_331, %get3A_332] : memref<1024x512xf32, #tpu.memory_space<vmem>>, vector<1024x64xf32>
    %dot_general3A_334 = arith.constant dense<0.000000e+00> : vector<256x1024xf32>
    %dot_general3A_335 = tpu.matmul %mul3A_330, %get3A_333, %dot_general3A_334 {dimension_numbers = #tpu.dot_dimension_numbers<[1], [1], [0], [0], [0, 0, 1, 0], [], []>, transpose_lhs_hint = false} : vector<256x64xf32>, vector<1024x64xf32>, vector<256x1024xf32> -> vector<256x1024xf32>
    %jit3A_336 = arith.constant -1.000000e+30 : f32
    %broadcast_in_dim3A_337 = vector.broadcast %jit3A_336 : f32 to vector<256x1024xf32>
    %select_n3A_338 = arith.select %le3A, %dot_general3A_335, %broadcast_in_dim3A_337 : vector<256x1024xi1>, vector<256x1024xf32>
    %reduce_max3A_339 = arith.constant dense<0xFF800000> : vector<256xf32>
    %reduce_max3A_340 = vector.multi_reduction <maximumf>, %select_n3A_338, %reduce_max3A_339 [1] : vector<256x1024xf32> to vector<256xf32>
    %broadcast_in_dim3A_341 = vector.shape_cast %reduce_max3A_340 : vector<256xf32> to vector<256x1xf32>
    %sub3A_342 = vector.broadcast %broadcast_in_dim3A_341 : vector<256x1xf32> to vector<256x1024xf32>
    %sub3A_343 = arith.subf %select_n3A_338, %sub3A_342 : vector<256x1024xf32>
    %exp3A_344 = math.exp %sub3A_343 : vector<256x1024xf32>
    %reduce_sum3A_345 = arith.constant dense<0.000000e+00> : vector<256xf32>
    %reduce_sum3A_346 = vector.multi_reduction <add>, %exp3A_344, %reduce_sum3A_345 [1] : vector<256x1024xf32> to vector<256xf32>
    %broadcast_in_dim3A_347 = vector.shape_cast %reduce_sum3A_346 : vector<256xf32> to vector<256x1xf32>
    %get3A_348 = arith.constant 0 : index
    %get3A_349 = arith.constant 320 : index
    %get3A_350 = vector.load %arg3[%get3A_348, %get3A_349] : memref<1024x512xf32, #tpu.memory_space<vmem>>, vector<1024x64xf32>
    %dot_general3A_351 = arith.constant dense<0.000000e+00> : vector<256x64xf32>
    %dot_general3A_352 = tpu.matmul %exp3A_344, %get3A_350, %dot_general3A_351 {dimension_numbers = #tpu.dot_dimension_numbers<[1], [0], [0], [1], [0, 0, 1, 1], [], []>, transpose_lhs_hint = false} : vector<256x1024xf32>, vector<1024x64xf32>, vector<256x64xf32> -> vector<256x64xf32>
    %div3A_353 = vector.broadcast %broadcast_in_dim3A_347 : vector<256x1xf32> to vector<256x64xf32>
    %div3A_354 = arith.divf %dot_general3A_352, %div3A_353 : vector<256x64xf32>
    %get3A_355 = arith.constant 0 : index
    %get3A_356 = arith.constant 768 : index
    %get3A_357 = vector.load %arg1[%get3A_355, %get3A_356] : memref<256x1024xf32, #tpu.memory_space<vmem>>, vector<256x64xf32>
    %mul3A_358 = arith.constant 1.250000e-01 : f32
    %mul3A_359 = vector.broadcast %mul3A_358 : f32 to vector<256x64xf32>
    %mul3A_360 = arith.mulf %get3A_357, %mul3A_359 : vector<256x64xf32>
    %get3A_361 = arith.constant 0 : index
    %get3A_362 = arith.constant 384 : index
    %get3A_363 = vector.load %arg2[%get3A_361, %get3A_362] : memref<1024x512xf32, #tpu.memory_space<vmem>>, vector<1024x64xf32>
    %dot_general3A_364 = arith.constant dense<0.000000e+00> : vector<256x1024xf32>
    %dot_general3A_365 = tpu.matmul %mul3A_360, %get3A_363, %dot_general3A_364 {dimension_numbers = #tpu.dot_dimension_numbers<[1], [1], [0], [0], [0, 0, 1, 0], [], []>, transpose_lhs_hint = false} : vector<256x64xf32>, vector<1024x64xf32>, vector<256x1024xf32> -> vector<256x1024xf32>
    %jit3A_366 = arith.constant -1.000000e+30 : f32
    %broadcast_in_dim3A_367 = vector.broadcast %jit3A_366 : f32 to vector<256x1024xf32>
    %select_n3A_368 = arith.select %le3A, %dot_general3A_365, %broadcast_in_dim3A_367 : vector<256x1024xi1>, vector<256x1024xf32>
    %reduce_max3A_369 = arith.constant dense<0xFF800000> : vector<256xf32>
    %reduce_max3A_370 = vector.multi_reduction <maximumf>, %select_n3A_368, %reduce_max3A_369 [1] : vector<256x1024xf32> to vector<256xf32>
    %broadcast_in_dim3A_371 = vector.shape_cast %reduce_max3A_370 : vector<256xf32> to vector<256x1xf32>
    %sub3A_372 = vector.broadcast %broadcast_in_dim3A_371 : vector<256x1xf32> to vector<256x1024xf32>
    %sub3A_373 = arith.subf %select_n3A_368, %sub3A_372 : vector<256x1024xf32>
    %exp3A_374 = math.exp %sub3A_373 : vector<256x1024xf32>
    %reduce_sum3A_375 = arith.constant dense<0.000000e+00> : vector<256xf32>
    %reduce_sum3A_376 = vector.multi_reduction <add>, %exp3A_374, %reduce_sum3A_375 [1] : vector<256x1024xf32> to vector<256xf32>
    %broadcast_in_dim3A_377 = vector.shape_cast %reduce_sum3A_376 : vector<256xf32> to vector<256x1xf32>
    %get3A_378 = arith.constant 0 : index
    %get3A_379 = arith.constant 384 : index
    %get3A_380 = vector.load %arg3[%get3A_378, %get3A_379] : memref<1024x512xf32, #tpu.memory_space<vmem>>, vector<1024x64xf32>
    %dot_general3A_381 = arith.constant dense<0.000000e+00> : vector<256x64xf32>
    %dot_general3A_382 = tpu.matmul %exp3A_374, %get3A_380, %dot_general3A_381 {dimension_numbers = #tpu.dot_dimension_numbers<[1], [0], [0], [1], [0, 0, 1, 1], [], []>, transpose_lhs_hint = false} : vector<256x1024xf32>, vector<1024x64xf32>, vector<256x64xf32> -> vector<256x64xf32>
    %div3A_383 = vector.broadcast %broadcast_in_dim3A_377 : vector<256x1xf32> to vector<256x64xf32>
    %div3A_384 = arith.divf %dot_general3A_382, %div3A_383 : vector<256x64xf32>
    %get3A_385 = arith.constant 0 : index
    %get3A_386 = arith.constant 832 : index
    %get3A_387 = vector.load %arg1[%get3A_385, %get3A_386] : memref<256x1024xf32, #tpu.memory_space<vmem>>, vector<256x64xf32>
    %mul3A_388 = arith.constant 1.250000e-01 : f32
    %mul3A_389 = vector.broadcast %mul3A_388 : f32 to vector<256x64xf32>
    %mul3A_390 = arith.mulf %get3A_387, %mul3A_389 : vector<256x64xf32>
    %get3A_391 = arith.constant 0 : index
    %get3A_392 = arith.constant 384 : index
    %get3A_393 = vector.load %arg2[%get3A_391, %get3A_392] : memref<1024x512xf32, #tpu.memory_space<vmem>>, vector<1024x64xf32>
    %dot_general3A_394 = arith.constant dense<0.000000e+00> : vector<256x1024xf32>
    %dot_general3A_395 = tpu.matmul %mul3A_390, %get3A_393, %dot_general3A_394 {dimension_numbers = #tpu.dot_dimension_numbers<[1], [1], [0], [0], [0, 0, 1, 0], [], []>, transpose_lhs_hint = false} : vector<256x64xf32>, vector<1024x64xf32>, vector<256x1024xf32> -> vector<256x1024xf32>
    %jit3A_396 = arith.constant -1.000000e+30 : f32
    %broadcast_in_dim3A_397 = vector.broadcast %jit3A_396 : f32 to vector<256x1024xf32>
    %select_n3A_398 = arith.select %le3A, %dot_general3A_395, %broadcast_in_dim3A_397 : vector<256x1024xi1>, vector<256x1024xf32>
    %reduce_max3A_399 = arith.constant dense<0xFF800000> : vector<256xf32>
    %reduce_max3A_400 = vector.multi_reduction <maximumf>, %select_n3A_398, %reduce_max3A_399 [1] : vector<256x1024xf32> to vector<256xf32>
    %broadcast_in_dim3A_401 = vector.shape_cast %reduce_max3A_400 : vector<256xf32> to vector<256x1xf32>
    %sub3A_402 = vector.broadcast %broadcast_in_dim3A_401 : vector<256x1xf32> to vector<256x1024xf32>
    %sub3A_403 = arith.subf %select_n3A_398, %sub3A_402 : vector<256x1024xf32>
    %exp3A_404 = math.exp %sub3A_403 : vector<256x1024xf32>
    %reduce_sum3A_405 = arith.constant dense<0.000000e+00> : vector<256xf32>
    %reduce_sum3A_406 = vector.multi_reduction <add>, %exp3A_404, %reduce_sum3A_405 [1] : vector<256x1024xf32> to vector<256xf32>
    %broadcast_in_dim3A_407 = vector.shape_cast %reduce_sum3A_406 : vector<256xf32> to vector<256x1xf32>
    %get3A_408 = arith.constant 0 : index
    %get3A_409 = arith.constant 384 : index
    %get3A_410 = vector.load %arg3[%get3A_408, %get3A_409] : memref<1024x512xf32, #tpu.memory_space<vmem>>, vector<1024x64xf32>
    %dot_general3A_411 = arith.constant dense<0.000000e+00> : vector<256x64xf32>
    %dot_general3A_412 = tpu.matmul %exp3A_404, %get3A_410, %dot_general3A_411 {dimension_numbers = #tpu.dot_dimension_numbers<[1], [0], [0], [1], [0, 0, 1, 1], [], []>, transpose_lhs_hint = false} : vector<256x1024xf32>, vector<1024x64xf32>, vector<256x64xf32> -> vector<256x64xf32>
    %div3A_413 = vector.broadcast %broadcast_in_dim3A_407 : vector<256x1xf32> to vector<256x64xf32>
    %div3A_414 = arith.divf %dot_general3A_412, %div3A_413 : vector<256x64xf32>
    %get3A_415 = arith.constant 0 : index
    %get3A_416 = arith.constant 896 : index
    %get3A_417 = vector.load %arg1[%get3A_415, %get3A_416] : memref<256x1024xf32, #tpu.memory_space<vmem>>, vector<256x64xf32>
    %mul3A_418 = arith.constant 1.250000e-01 : f32
    %mul3A_419 = vector.broadcast %mul3A_418 : f32 to vector<256x64xf32>
    %mul3A_420 = arith.mulf %get3A_417, %mul3A_419 : vector<256x64xf32>
    %get3A_421 = arith.constant 0 : index
    %get3A_422 = arith.constant 448 : index
    %get3A_423 = vector.load %arg2[%get3A_421, %get3A_422] : memref<1024x512xf32, #tpu.memory_space<vmem>>, vector<1024x64xf32>
    %dot_general3A_424 = arith.constant dense<0.000000e+00> : vector<256x1024xf32>
    %dot_general3A_425 = tpu.matmul %mul3A_420, %get3A_423, %dot_general3A_424 {dimension_numbers = #tpu.dot_dimension_numbers<[1], [1], [0], [0], [0, 0, 1, 0], [], []>, transpose_lhs_hint = false} : vector<256x64xf32>, vector<1024x64xf32>, vector<256x1024xf32> -> vector<256x1024xf32>
    %jit3A_426 = arith.constant -1.000000e+30 : f32
    %broadcast_in_dim3A_427 = vector.broadcast %jit3A_426 : f32 to vector<256x1024xf32>
    %select_n3A_428 = arith.select %le3A, %dot_general3A_425, %broadcast_in_dim3A_427 : vector<256x1024xi1>, vector<256x1024xf32>
    %reduce_max3A_429 = arith.constant dense<0xFF800000> : vector<256xf32>
    %reduce_max3A_430 = vector.multi_reduction <maximumf>, %select_n3A_428, %reduce_max3A_429 [1] : vector<256x1024xf32> to vector<256xf32>
    %broadcast_in_dim3A_431 = vector.shape_cast %reduce_max3A_430 : vector<256xf32> to vector<256x1xf32>
    %sub3A_432 = vector.broadcast %broadcast_in_dim3A_431 : vector<256x1xf32> to vector<256x1024xf32>
    %sub3A_433 = arith.subf %select_n3A_428, %sub3A_432 : vector<256x1024xf32>
    %exp3A_434 = math.exp %sub3A_433 : vector<256x1024xf32>
    %reduce_sum3A_435 = arith.constant dense<0.000000e+00> : vector<256xf32>
    %reduce_sum3A_436 = vector.multi_reduction <add>, %exp3A_434, %reduce_sum3A_435 [1] : vector<256x1024xf32> to vector<256xf32>
    %broadcast_in_dim3A_437 = vector.shape_cast %reduce_sum3A_436 : vector<256xf32> to vector<256x1xf32>
    %get3A_438 = arith.constant 0 : index
    %get3A_439 = arith.constant 448 : index
    %get3A_440 = vector.load %arg3[%get3A_438, %get3A_439] : memref<1024x512xf32, #tpu.memory_space<vmem>>, vector<1024x64xf32>
    %dot_general3A_441 = arith.constant dense<0.000000e+00> : vector<256x64xf32>
    %dot_general3A_442 = tpu.matmul %exp3A_434, %get3A_440, %dot_general3A_441 {dimension_numbers = #tpu.dot_dimension_numbers<[1], [0], [0], [1], [0, 0, 1, 1], [], []>, transpose_lhs_hint = false} : vector<256x1024xf32>, vector<1024x64xf32>, vector<256x64xf32> -> vector<256x64xf32>
    %div3A_443 = vector.broadcast %broadcast_in_dim3A_437 : vector<256x1xf32> to vector<256x64xf32>
    %div3A_444 = arith.divf %dot_general3A_442, %div3A_443 : vector<256x64xf32>
    %get3A_445 = arith.constant 0 : index
    %get3A_446 = arith.constant 960 : index
    %get3A_447 = vector.load %arg1[%get3A_445, %get3A_446] : memref<256x1024xf32, #tpu.memory_space<vmem>>, vector<256x64xf32>
    %mul3A_448 = arith.constant 1.250000e-01 : f32
    %mul3A_449 = vector.broadcast %mul3A_448 : f32 to vector<256x64xf32>
    %mul3A_450 = arith.mulf %get3A_447, %mul3A_449 : vector<256x64xf32>
    %get3A_451 = arith.constant 0 : index
    %get3A_452 = arith.constant 448 : index
    %get3A_453 = vector.load %arg2[%get3A_451, %get3A_452] : memref<1024x512xf32, #tpu.memory_space<vmem>>, vector<1024x64xf32>
    %dot_general3A_454 = arith.constant dense<0.000000e+00> : vector<256x1024xf32>
    %dot_general3A_455 = tpu.matmul %mul3A_450, %get3A_453, %dot_general3A_454 {dimension_numbers = #tpu.dot_dimension_numbers<[1], [1], [0], [0], [0, 0, 1, 0], [], []>, transpose_lhs_hint = false} : vector<256x64xf32>, vector<1024x64xf32>, vector<256x1024xf32> -> vector<256x1024xf32>
    %jit3A_456 = arith.constant -1.000000e+30 : f32
    %broadcast_in_dim3A_457 = vector.broadcast %jit3A_456 : f32 to vector<256x1024xf32>
    %select_n3A_458 = arith.select %le3A, %dot_general3A_455, %broadcast_in_dim3A_457 : vector<256x1024xi1>, vector<256x1024xf32>
    %reduce_max3A_459 = arith.constant dense<0xFF800000> : vector<256xf32>
    %reduce_max3A_460 = vector.multi_reduction <maximumf>, %select_n3A_458, %reduce_max3A_459 [1] : vector<256x1024xf32> to vector<256xf32>
    %broadcast_in_dim3A_461 = vector.shape_cast %reduce_max3A_460 : vector<256xf32> to vector<256x1xf32>
    %sub3A_462 = vector.broadcast %broadcast_in_dim3A_461 : vector<256x1xf32> to vector<256x1024xf32>
    %sub3A_463 = arith.subf %select_n3A_458, %sub3A_462 : vector<256x1024xf32>
    %exp3A_464 = math.exp %sub3A_463 : vector<256x1024xf32>
    %reduce_sum3A_465 = arith.constant dense<0.000000e+00> : vector<256xf32>
    %reduce_sum3A_466 = vector.multi_reduction <add>, %exp3A_464, %reduce_sum3A_465 [1] : vector<256x1024xf32> to vector<256xf32>
    %broadcast_in_dim3A_467 = vector.shape_cast %reduce_sum3A_466 : vector<256xf32> to vector<256x1xf32>
    %get3A_468 = arith.constant 0 : index
    %get3A_469 = arith.constant 448 : index
    %get3A_470 = vector.load %arg3[%get3A_468, %get3A_469] : memref<1024x512xf32, #tpu.memory_space<vmem>>, vector<1024x64xf32>
    %dot_general3A_471 = arith.constant dense<0.000000e+00> : vector<256x64xf32>
    %dot_general3A_472 = tpu.matmul %exp3A_464, %get3A_470, %dot_general3A_471 {dimension_numbers = #tpu.dot_dimension_numbers<[1], [0], [0], [1], [0, 0, 1, 1], [], []>, transpose_lhs_hint = false} : vector<256x1024xf32>, vector<1024x64xf32>, vector<256x64xf32> -> vector<256x64xf32>
    %div3A_473 = vector.broadcast %broadcast_in_dim3A_467 : vector<256x1xf32> to vector<256x64xf32>
    %div3A_474 = arith.divf %dot_general3A_472, %div3A_473 : vector<256x64xf32>
    %concatenate3A = tpu.concatenate %div3A_24, %div3A_54, %div3A_84, %div3A_114, %div3A_144, %div3A_174, %div3A_204, %div3A_234, %div3A_264, %div3A_294, %div3A_324, %div3A_354, %div3A_384, %div3A_414, %div3A_444, %div3A_474 in 1 : vector<256x64xf32>, vector<256x64xf32>, vector<256x64xf32>, vector<256x64xf32>, vector<256x64xf32>, vector<256x64xf32>, vector<256x64xf32>, vector<256x64xf32>, vector<256x64xf32>, vector<256x64xf32>, vector<256x64xf32>, vector<256x64xf32>, vector<256x64xf32>, vector<256x64xf32>, vector<256x64xf32>, vector<256x64xf32> -> vector<256x1024xf32>
    %swap3A = arith.constant 0 : index
    %swap3A_475 = arith.constant 0 : index
    %swap3A_476 = vector.load %arg4[%swap3A, %swap3A_475] : memref<256x1024xf32, #tpu.memory_space<vmem>>, vector<256x1024xf32>
    tpu.vector_store %arg4[%swap3A, %swap3A_475], %concatenate3A {strides = array<i32>} : memref<256x1024xf32, #tpu.memory_space<vmem>>, vector<256x1024xf32>,
    return
  }
  func.func @transform_0(%arg0: i32) -> (i32, i32) {
    %add3A = arith.constant 2 : i32
    %add3A_0 = arith.addi %arg0, %add3A : i32
    %c0_i32 = arith.constant 0 : i32
    %c0_i32_1 = arith.constant 0 : i32
    return %add3A_0, %c0_i32 : i32, i32
  }
  func.func @transform_1(%arg0: i32) -> (i32, i32) {
    %c0_i32 = arith.constant 0 : i32
    %c0_i32_0 = arith.constant 0 : i32
    %c0_i32_1 = arith.constant 0 : i32
    return %c0_i32, %c0_i32_0 : i32, i32
  }
  func.func @transform_2(%arg0: i32) -> (i32, i32) {
    %c0_i32 = arith.constant 0 : i32
    %c0_i32_0 = arith.constant 0 : i32
    %c0_i32_1 = arith.constant 0 : i32
    return %c0_i32, %c0_i32_0 : i32, i32
  }
  func.func @transform_3(%arg0: i32) -> (i32, i32) {
    %c0_i32 = arith.constant 0 : i32
    %c0_i32_0 = arith.constant 0 : i32
    return %arg0, %c0_i32 : i32, i32
  }
}

module attributes {stable_mosaic.version = 14 : i64} {
  func.func @_attn_body(%arg0: i32, %arg1: memref<256x1024xf32, #tpu.memory_space<vmem>>, %arg2: memref<1536x512xf32, #tpu.memory_space<vmem>>, %arg3: memref<1536x512xf32, #tpu.memory_space<vmem>>, %arg4: memref<256x1024xf32, #tpu.memory_space<vmem>>) attributes {dimension_semantics = [#tpu.dimension_semantics<arbitrary>], iteration_bounds = array<i64: 2>, scalar_prefetch = 0 : i64, scratch_operands = 0 : i64, tpu.core_type = #tpu.core_type<tc>, window_params = [{transform_indices = @transform_0, window_bounds = array<i64: 256, 1024>}, {transform_indices = @transform_1, window_bounds = array<i64: 1536, 512>}, {transform_indices = @transform_2, window_bounds = array<i64: 1536, 512>}, {transform_indices = @transform_3, window_bounds = array<i64: 256, 1024>}]} {
    %add3A = arith.constant 4 : i32
    %add3A_0 = arith.addi %arg0, %add3A : i32
    %mul3A = arith.constant 256 : i32
    %mul3A_1 = arith.muli %add3A_0, %mul3A : i32
    %iota3A = tpu.iota {dimensions = array<i32: 0>} : vector<256x1536xi32>
    %add3A_2 = vector.broadcast %mul3A_1 : i32 to vector<256x1536xi32>
    %add3A_3 = arith.addi %add3A_2, %iota3A : vector<256x1536xi32>
    %iota3A_4 = tpu.iota {dimensions = array<i32: 1>} : vector<256x1536xi32>
    %le3A = arith.cmpi sle, %iota3A_4, %add3A_3 : vector<256x1536xi32>
    %get3A = arith.constant 0 : index
    %get3A_5 = arith.constant 0 : index
    %get3A_6 = vector.load %arg1[%get3A, %get3A_5] : memref<256x1024xf32, #tpu.memory_space<vmem>>, vector<256x64xf32>
    %mul3A_7 = arith.constant 1.250000e-01 : f32
    %mul3A_8 = vector.broadcast %mul3A_7 : f32 to vector<256x64xf32>
    %mul3A_9 = arith.mulf %get3A_6, %mul3A_8 : vector<256x64xf32>
    %get3A_10 = arith.constant 0 : index
    %get3A_11 = arith.constant 0 : index
    %get3A_12 = vector.load %arg2[%get3A_10, %get3A_11] : memref<1536x512xf32, #tpu.memory_space<vmem>>, vector<1536x64xf32>
    %dot_general3A = arith.constant dense<0.000000e+00> : vector<256x1536xf32>
    %dot_general3A_13 = tpu.matmul %mul3A_9, %get3A_12, %dot_general3A {dimension_numbers = #tpu.dot_dimension_numbers<[1], [1], [0], [0], [0, 0, 1, 0], [], []>, transpose_lhs_hint = false} : vector<256x64xf32>, vector<1536x64xf32>, vector<256x1536xf32> -> vector<256x1536xf32>
    %jit3A = arith.constant -1.000000e+30 : f32
    %broadcast_in_dim3A = vector.broadcast %jit3A : f32 to vector<256x1536xf32>
    %select_n3A = arith.select %le3A, %dot_general3A_13, %broadcast_in_dim3A : vector<256x1536xi1>, vector<256x1536xf32>
    %reduce_max3A = arith.constant dense<0xFF800000> : vector<256xf32>
    %reduce_max3A_14 = vector.multi_reduction <maximumf>, %select_n3A, %reduce_max3A [1] : vector<256x1536xf32> to vector<256xf32>
    %broadcast_in_dim3A_15 = vector.shape_cast %reduce_max3A_14 : vector<256xf32> to vector<256x1xf32>
    %sub3A = vector.broadcast %broadcast_in_dim3A_15 : vector<256x1xf32> to vector<256x1536xf32>
    %sub3A_16 = arith.subf %select_n3A, %sub3A : vector<256x1536xf32>
    %exp3A = math.exp %sub3A_16 : vector<256x1536xf32>
    %reduce_sum3A = arith.constant dense<0.000000e+00> : vector<256xf32>
    %reduce_sum3A_17 = vector.multi_reduction <add>, %exp3A, %reduce_sum3A [1] : vector<256x1536xf32> to vector<256xf32>
    %broadcast_in_dim3A_18 = vector.shape_cast %reduce_sum3A_17 : vector<256xf32> to vector<256x1xf32>
    %get3A_19 = arith.constant 0 : index
    %get3A_20 = arith.constant 0 : index
    %get3A_21 = vector.load %arg3[%get3A_19, %get3A_20] : memref<1536x512xf32, #tpu.memory_space<vmem>>, vector<1536x64xf32>
    %dot_general3A_22 = arith.constant dense<0.000000e+00> : vector<256x64xf32>
    %dot_general3A_23 = tpu.matmul %exp3A, %get3A_21, %dot_general3A_22 {dimension_numbers = #tpu.dot_dimension_numbers<[1], [0], [0], [1], [0, 0, 1, 1], [], []>, transpose_lhs_hint = false} : vector<256x1536xf32>, vector<1536x64xf32>, vector<256x64xf32> -> vector<256x64xf32>
    %div3A = vector.broadcast %broadcast_in_dim3A_18 : vector<256x1xf32> to vector<256x64xf32>
    %div3A_24 = arith.divf %dot_general3A_23, %div3A : vector<256x64xf32>
    %get3A_25 = arith.constant 0 : index
    %get3A_26 = arith.constant 64 : index
    %get3A_27 = vector.load %arg1[%get3A_25, %get3A_26] : memref<256x1024xf32, #tpu.memory_space<vmem>>, vector<256x64xf32>
    %mul3A_28 = arith.constant 1.250000e-01 : f32
    %mul3A_29 = vector.broadcast %mul3A_28 : f32 to vector<256x64xf32>
    %mul3A_30 = arith.mulf %get3A_27, %mul3A_29 : vector<256x64xf32>
    %get3A_31 = arith.constant 0 : index
    %get3A_32 = arith.constant 0 : index
    %get3A_33 = vector.load %arg2[%get3A_31, %get3A_32] : memref<1536x512xf32, #tpu.memory_space<vmem>>, vector<1536x64xf32>
    %dot_general3A_34 = arith.constant dense<0.000000e+00> : vector<256x1536xf32>
    %dot_general3A_35 = tpu.matmul %mul3A_30, %get3A_33, %dot_general3A_34 {dimension_numbers = #tpu.dot_dimension_numbers<[1], [1], [0], [0], [0, 0, 1, 0], [], []>, transpose_lhs_hint = false} : vector<256x64xf32>, vector<1536x64xf32>, vector<256x1536xf32> -> vector<256x1536xf32>
    %jit3A_36 = arith.constant -1.000000e+30 : f32
    %broadcast_in_dim3A_37 = vector.broadcast %jit3A_36 : f32 to vector<256x1536xf32>
    %select_n3A_38 = arith.select %le3A, %dot_general3A_35, %broadcast_in_dim3A_37 : vector<256x1536xi1>, vector<256x1536xf32>
    %reduce_max3A_39 = arith.constant dense<0xFF800000> : vector<256xf32>
    %reduce_max3A_40 = vector.multi_reduction <maximumf>, %select_n3A_38, %reduce_max3A_39 [1] : vector<256x1536xf32> to vector<256xf32>
    %broadcast_in_dim3A_41 = vector.shape_cast %reduce_max3A_40 : vector<256xf32> to vector<256x1xf32>
    %sub3A_42 = vector.broadcast %broadcast_in_dim3A_41 : vector<256x1xf32> to vector<256x1536xf32>
    %sub3A_43 = arith.subf %select_n3A_38, %sub3A_42 : vector<256x1536xf32>
    %exp3A_44 = math.exp %sub3A_43 : vector<256x1536xf32>
    %reduce_sum3A_45 = arith.constant dense<0.000000e+00> : vector<256xf32>
    %reduce_sum3A_46 = vector.multi_reduction <add>, %exp3A_44, %reduce_sum3A_45 [1] : vector<256x1536xf32> to vector<256xf32>
    %broadcast_in_dim3A_47 = vector.shape_cast %reduce_sum3A_46 : vector<256xf32> to vector<256x1xf32>
    %get3A_48 = arith.constant 0 : index
    %get3A_49 = arith.constant 0 : index
    %get3A_50 = vector.load %arg3[%get3A_48, %get3A_49] : memref<1536x512xf32, #tpu.memory_space<vmem>>, vector<1536x64xf32>
    %dot_general3A_51 = arith.constant dense<0.000000e+00> : vector<256x64xf32>
    %dot_general3A_52 = tpu.matmul %exp3A_44, %get3A_50, %dot_general3A_51 {dimension_numbers = #tpu.dot_dimension_numbers<[1], [0], [0], [1], [0, 0, 1, 1], [], []>, transpose_lhs_hint = false} : vector<256x1536xf32>, vector<1536x64xf32>, vector<256x64xf32> -> vector<256x64xf32>
    %div3A_53 = vector.broadcast %broadcast_in_dim3A_47 : vector<256x1xf32> to vector<256x64xf32>
    %div3A_54 = arith.divf %dot_general3A_52, %div3A_53 : vector<256x64xf32>
    %get3A_55 = arith.constant 0 : index
    %get3A_56 = arith.constant 128 : index
    %get3A_57 = vector.load %arg1[%get3A_55, %get3A_56] : memref<256x1024xf32, #tpu.memory_space<vmem>>, vector<256x64xf32>
    %mul3A_58 = arith.constant 1.250000e-01 : f32
    %mul3A_59 = vector.broadcast %mul3A_58 : f32 to vector<256x64xf32>
    %mul3A_60 = arith.mulf %get3A_57, %mul3A_59 : vector<256x64xf32>
    %get3A_61 = arith.constant 0 : index
    %get3A_62 = arith.constant 64 : index
    %get3A_63 = vector.load %arg2[%get3A_61, %get3A_62] : memref<1536x512xf32, #tpu.memory_space<vmem>>, vector<1536x64xf32>
    %dot_general3A_64 = arith.constant dense<0.000000e+00> : vector<256x1536xf32>
    %dot_general3A_65 = tpu.matmul %mul3A_60, %get3A_63, %dot_general3A_64 {dimension_numbers = #tpu.dot_dimension_numbers<[1], [1], [0], [0], [0, 0, 1, 0], [], []>, transpose_lhs_hint = false} : vector<256x64xf32>, vector<1536x64xf32>, vector<256x1536xf32> -> vector<256x1536xf32>
    %jit3A_66 = arith.constant -1.000000e+30 : f32
    %broadcast_in_dim3A_67 = vector.broadcast %jit3A_66 : f32 to vector<256x1536xf32>
    %select_n3A_68 = arith.select %le3A, %dot_general3A_65, %broadcast_in_dim3A_67 : vector<256x1536xi1>, vector<256x1536xf32>
    %reduce_max3A_69 = arith.constant dense<0xFF800000> : vector<256xf32>
    %reduce_max3A_70 = vector.multi_reduction <maximumf>, %select_n3A_68, %reduce_max3A_69 [1] : vector<256x1536xf32> to vector<256xf32>
    %broadcast_in_dim3A_71 = vector.shape_cast %reduce_max3A_70 : vector<256xf32> to vector<256x1xf32>
    %sub3A_72 = vector.broadcast %broadcast_in_dim3A_71 : vector<256x1xf32> to vector<256x1536xf32>
    %sub3A_73 = arith.subf %select_n3A_68, %sub3A_72 : vector<256x1536xf32>
    %exp3A_74 = math.exp %sub3A_73 : vector<256x1536xf32>
    %reduce_sum3A_75 = arith.constant dense<0.000000e+00> : vector<256xf32>
    %reduce_sum3A_76 = vector.multi_reduction <add>, %exp3A_74, %reduce_sum3A_75 [1] : vector<256x1536xf32> to vector<256xf32>
    %broadcast_in_dim3A_77 = vector.shape_cast %reduce_sum3A_76 : vector<256xf32> to vector<256x1xf32>
    %get3A_78 = arith.constant 0 : index
    %get3A_79 = arith.constant 64 : index
    %get3A_80 = vector.load %arg3[%get3A_78, %get3A_79] : memref<1536x512xf32, #tpu.memory_space<vmem>>, vector<1536x64xf32>
    %dot_general3A_81 = arith.constant dense<0.000000e+00> : vector<256x64xf32>
    %dot_general3A_82 = tpu.matmul %exp3A_74, %get3A_80, %dot_general3A_81 {dimension_numbers = #tpu.dot_dimension_numbers<[1], [0], [0], [1], [0, 0, 1, 1], [], []>, transpose_lhs_hint = false} : vector<256x1536xf32>, vector<1536x64xf32>, vector<256x64xf32> -> vector<256x64xf32>
    %div3A_83 = vector.broadcast %broadcast_in_dim3A_77 : vector<256x1xf32> to vector<256x64xf32>
    %div3A_84 = arith.divf %dot_general3A_82, %div3A_83 : vector<256x64xf32>
    %get3A_85 = arith.constant 0 : index
    %get3A_86 = arith.constant 192 : index
    %get3A_87 = vector.load %arg1[%get3A_85, %get3A_86] : memref<256x1024xf32, #tpu.memory_space<vmem>>, vector<256x64xf32>
    %mul3A_88 = arith.constant 1.250000e-01 : f32
    %mul3A_89 = vector.broadcast %mul3A_88 : f32 to vector<256x64xf32>
    %mul3A_90 = arith.mulf %get3A_87, %mul3A_89 : vector<256x64xf32>
    %get3A_91 = arith.constant 0 : index
    %get3A_92 = arith.constant 64 : index
    %get3A_93 = vector.load %arg2[%get3A_91, %get3A_92] : memref<1536x512xf32, #tpu.memory_space<vmem>>, vector<1536x64xf32>
    %dot_general3A_94 = arith.constant dense<0.000000e+00> : vector<256x1536xf32>
    %dot_general3A_95 = tpu.matmul %mul3A_90, %get3A_93, %dot_general3A_94 {dimension_numbers = #tpu.dot_dimension_numbers<[1], [1], [0], [0], [0, 0, 1, 0], [], []>, transpose_lhs_hint = false} : vector<256x64xf32>, vector<1536x64xf32>, vector<256x1536xf32> -> vector<256x1536xf32>
    %jit3A_96 = arith.constant -1.000000e+30 : f32
    %broadcast_in_dim3A_97 = vector.broadcast %jit3A_96 : f32 to vector<256x1536xf32>
    %select_n3A_98 = arith.select %le3A, %dot_general3A_95, %broadcast_in_dim3A_97 : vector<256x1536xi1>, vector<256x1536xf32>
    %reduce_max3A_99 = arith.constant dense<0xFF800000> : vector<256xf32>
    %reduce_max3A_100 = vector.multi_reduction <maximumf>, %select_n3A_98, %reduce_max3A_99 [1] : vector<256x1536xf32> to vector<256xf32>
    %broadcast_in_dim3A_101 = vector.shape_cast %reduce_max3A_100 : vector<256xf32> to vector<256x1xf32>
    %sub3A_102 = vector.broadcast %broadcast_in_dim3A_101 : vector<256x1xf32> to vector<256x1536xf32>
    %sub3A_103 = arith.subf %select_n3A_98, %sub3A_102 : vector<256x1536xf32>
    %exp3A_104 = math.exp %sub3A_103 : vector<256x1536xf32>
    %reduce_sum3A_105 = arith.constant dense<0.000000e+00> : vector<256xf32>
    %reduce_sum3A_106 = vector.multi_reduction <add>, %exp3A_104, %reduce_sum3A_105 [1] : vector<256x1536xf32> to vector<256xf32>
    %broadcast_in_dim3A_107 = vector.shape_cast %reduce_sum3A_106 : vector<256xf32> to vector<256x1xf32>
    %get3A_108 = arith.constant 0 : index
    %get3A_109 = arith.constant 64 : index
    %get3A_110 = vector.load %arg3[%get3A_108, %get3A_109] : memref<1536x512xf32, #tpu.memory_space<vmem>>, vector<1536x64xf32>
    %dot_general3A_111 = arith.constant dense<0.000000e+00> : vector<256x64xf32>
    %dot_general3A_112 = tpu.matmul %exp3A_104, %get3A_110, %dot_general3A_111 {dimension_numbers = #tpu.dot_dimension_numbers<[1], [0], [0], [1], [0, 0, 1, 1], [], []>, transpose_lhs_hint = false} : vector<256x1536xf32>, vector<1536x64xf32>, vector<256x64xf32> -> vector<256x64xf32>
    %div3A_113 = vector.broadcast %broadcast_in_dim3A_107 : vector<256x1xf32> to vector<256x64xf32>
    %div3A_114 = arith.divf %dot_general3A_112, %div3A_113 : vector<256x64xf32>
    %get3A_115 = arith.constant 0 : index
    %get3A_116 = arith.constant 256 : index
    %get3A_117 = vector.load %arg1[%get3A_115, %get3A_116] : memref<256x1024xf32, #tpu.memory_space<vmem>>, vector<256x64xf32>
    %mul3A_118 = arith.constant 1.250000e-01 : f32
    %mul3A_119 = vector.broadcast %mul3A_118 : f32 to vector<256x64xf32>
    %mul3A_120 = arith.mulf %get3A_117, %mul3A_119 : vector<256x64xf32>
    %get3A_121 = arith.constant 0 : index
    %get3A_122 = arith.constant 128 : index
    %get3A_123 = vector.load %arg2[%get3A_121, %get3A_122] : memref<1536x512xf32, #tpu.memory_space<vmem>>, vector<1536x64xf32>
    %dot_general3A_124 = arith.constant dense<0.000000e+00> : vector<256x1536xf32>
    %dot_general3A_125 = tpu.matmul %mul3A_120, %get3A_123, %dot_general3A_124 {dimension_numbers = #tpu.dot_dimension_numbers<[1], [1], [0], [0], [0, 0, 1, 0], [], []>, transpose_lhs_hint = false} : vector<256x64xf32>, vector<1536x64xf32>, vector<256x1536xf32> -> vector<256x1536xf32>
    %jit3A_126 = arith.constant -1.000000e+30 : f32
    %broadcast_in_dim3A_127 = vector.broadcast %jit3A_126 : f32 to vector<256x1536xf32>
    %select_n3A_128 = arith.select %le3A, %dot_general3A_125, %broadcast_in_dim3A_127 : vector<256x1536xi1>, vector<256x1536xf32>
    %reduce_max3A_129 = arith.constant dense<0xFF800000> : vector<256xf32>
    %reduce_max3A_130 = vector.multi_reduction <maximumf>, %select_n3A_128, %reduce_max3A_129 [1] : vector<256x1536xf32> to vector<256xf32>
    %broadcast_in_dim3A_131 = vector.shape_cast %reduce_max3A_130 : vector<256xf32> to vector<256x1xf32>
    %sub3A_132 = vector.broadcast %broadcast_in_dim3A_131 : vector<256x1xf32> to vector<256x1536xf32>
    %sub3A_133 = arith.subf %select_n3A_128, %sub3A_132 : vector<256x1536xf32>
    %exp3A_134 = math.exp %sub3A_133 : vector<256x1536xf32>
    %reduce_sum3A_135 = arith.constant dense<0.000000e+00> : vector<256xf32>
    %reduce_sum3A_136 = vector.multi_reduction <add>, %exp3A_134, %reduce_sum3A_135 [1] : vector<256x1536xf32> to vector<256xf32>
    %broadcast_in_dim3A_137 = vector.shape_cast %reduce_sum3A_136 : vector<256xf32> to vector<256x1xf32>
    %get3A_138 = arith.constant 0 : index
    %get3A_139 = arith.constant 128 : index
    %get3A_140 = vector.load %arg3[%get3A_138, %get3A_139] : memref<1536x512xf32, #tpu.memory_space<vmem>>, vector<1536x64xf32>
    %dot_general3A_141 = arith.constant dense<0.000000e+00> : vector<256x64xf32>
    %dot_general3A_142 = tpu.matmul %exp3A_134, %get3A_140, %dot_general3A_141 {dimension_numbers = #tpu.dot_dimension_numbers<[1], [0], [0], [1], [0, 0, 1, 1], [], []>, transpose_lhs_hint = false} : vector<256x1536xf32>, vector<1536x64xf32>, vector<256x64xf32> -> vector<256x64xf32>
    %div3A_143 = vector.broadcast %broadcast_in_dim3A_137 : vector<256x1xf32> to vector<256x64xf32>
    %div3A_144 = arith.divf %dot_general3A_142, %div3A_143 : vector<256x64xf32>
    %get3A_145 = arith.constant 0 : index
    %get3A_146 = arith.constant 320 : index
    %get3A_147 = vector.load %arg1[%get3A_145, %get3A_146] : memref<256x1024xf32, #tpu.memory_space<vmem>>, vector<256x64xf32>
    %mul3A_148 = arith.constant 1.250000e-01 : f32
    %mul3A_149 = vector.broadcast %mul3A_148 : f32 to vector<256x64xf32>
    %mul3A_150 = arith.mulf %get3A_147, %mul3A_149 : vector<256x64xf32>
    %get3A_151 = arith.constant 0 : index
    %get3A_152 = arith.constant 128 : index
    %get3A_153 = vector.load %arg2[%get3A_151, %get3A_152] : memref<1536x512xf32, #tpu.memory_space<vmem>>, vector<1536x64xf32>
    %dot_general3A_154 = arith.constant dense<0.000000e+00> : vector<256x1536xf32>
    %dot_general3A_155 = tpu.matmul %mul3A_150, %get3A_153, %dot_general3A_154 {dimension_numbers = #tpu.dot_dimension_numbers<[1], [1], [0], [0], [0, 0, 1, 0], [], []>, transpose_lhs_hint = false} : vector<256x64xf32>, vector<1536x64xf32>, vector<256x1536xf32> -> vector<256x1536xf32>
    %jit3A_156 = arith.constant -1.000000e+30 : f32
    %broadcast_in_dim3A_157 = vector.broadcast %jit3A_156 : f32 to vector<256x1536xf32>
    %select_n3A_158 = arith.select %le3A, %dot_general3A_155, %broadcast_in_dim3A_157 : vector<256x1536xi1>, vector<256x1536xf32>
    %reduce_max3A_159 = arith.constant dense<0xFF800000> : vector<256xf32>
    %reduce_max3A_160 = vector.multi_reduction <maximumf>, %select_n3A_158, %reduce_max3A_159 [1] : vector<256x1536xf32> to vector<256xf32>
    %broadcast_in_dim3A_161 = vector.shape_cast %reduce_max3A_160 : vector<256xf32> to vector<256x1xf32>
    %sub3A_162 = vector.broadcast %broadcast_in_dim3A_161 : vector<256x1xf32> to vector<256x1536xf32>
    %sub3A_163 = arith.subf %select_n3A_158, %sub3A_162 : vector<256x1536xf32>
    %exp3A_164 = math.exp %sub3A_163 : vector<256x1536xf32>
    %reduce_sum3A_165 = arith.constant dense<0.000000e+00> : vector<256xf32>
    %reduce_sum3A_166 = vector.multi_reduction <add>, %exp3A_164, %reduce_sum3A_165 [1] : vector<256x1536xf32> to vector<256xf32>
    %broadcast_in_dim3A_167 = vector.shape_cast %reduce_sum3A_166 : vector<256xf32> to vector<256x1xf32>
    %get3A_168 = arith.constant 0 : index
    %get3A_169 = arith.constant 128 : index
    %get3A_170 = vector.load %arg3[%get3A_168, %get3A_169] : memref<1536x512xf32, #tpu.memory_space<vmem>>, vector<1536x64xf32>
    %dot_general3A_171 = arith.constant dense<0.000000e+00> : vector<256x64xf32>
    %dot_general3A_172 = tpu.matmul %exp3A_164, %get3A_170, %dot_general3A_171 {dimension_numbers = #tpu.dot_dimension_numbers<[1], [0], [0], [1], [0, 0, 1, 1], [], []>, transpose_lhs_hint = false} : vector<256x1536xf32>, vector<1536x64xf32>, vector<256x64xf32> -> vector<256x64xf32>
    %div3A_173 = vector.broadcast %broadcast_in_dim3A_167 : vector<256x1xf32> to vector<256x64xf32>
    %div3A_174 = arith.divf %dot_general3A_172, %div3A_173 : vector<256x64xf32>
    %get3A_175 = arith.constant 0 : index
    %get3A_176 = arith.constant 384 : index
    %get3A_177 = vector.load %arg1[%get3A_175, %get3A_176] : memref<256x1024xf32, #tpu.memory_space<vmem>>, vector<256x64xf32>
    %mul3A_178 = arith.constant 1.250000e-01 : f32
    %mul3A_179 = vector.broadcast %mul3A_178 : f32 to vector<256x64xf32>
    %mul3A_180 = arith.mulf %get3A_177, %mul3A_179 : vector<256x64xf32>
    %get3A_181 = arith.constant 0 : index
    %get3A_182 = arith.constant 192 : index
    %get3A_183 = vector.load %arg2[%get3A_181, %get3A_182] : memref<1536x512xf32, #tpu.memory_space<vmem>>, vector<1536x64xf32>
    %dot_general3A_184 = arith.constant dense<0.000000e+00> : vector<256x1536xf32>
    %dot_general3A_185 = tpu.matmul %mul3A_180, %get3A_183, %dot_general3A_184 {dimension_numbers = #tpu.dot_dimension_numbers<[1], [1], [0], [0], [0, 0, 1, 0], [], []>, transpose_lhs_hint = false} : vector<256x64xf32>, vector<1536x64xf32>, vector<256x1536xf32> -> vector<256x1536xf32>
    %jit3A_186 = arith.constant -1.000000e+30 : f32
    %broadcast_in_dim3A_187 = vector.broadcast %jit3A_186 : f32 to vector<256x1536xf32>
    %select_n3A_188 = arith.select %le3A, %dot_general3A_185, %broadcast_in_dim3A_187 : vector<256x1536xi1>, vector<256x1536xf32>
    %reduce_max3A_189 = arith.constant dense<0xFF800000> : vector<256xf32>
    %reduce_max3A_190 = vector.multi_reduction <maximumf>, %select_n3A_188, %reduce_max3A_189 [1] : vector<256x1536xf32> to vector<256xf32>
    %broadcast_in_dim3A_191 = vector.shape_cast %reduce_max3A_190 : vector<256xf32> to vector<256x1xf32>
    %sub3A_192 = vector.broadcast %broadcast_in_dim3A_191 : vector<256x1xf32> to vector<256x1536xf32>
    %sub3A_193 = arith.subf %select_n3A_188, %sub3A_192 : vector<256x1536xf32>
    %exp3A_194 = math.exp %sub3A_193 : vector<256x1536xf32>
    %reduce_sum3A_195 = arith.constant dense<0.000000e+00> : vector<256xf32>
    %reduce_sum3A_196 = vector.multi_reduction <add>, %exp3A_194, %reduce_sum3A_195 [1] : vector<256x1536xf32> to vector<256xf32>
    %broadcast_in_dim3A_197 = vector.shape_cast %reduce_sum3A_196 : vector<256xf32> to vector<256x1xf32>
    %get3A_198 = arith.constant 0 : index
    %get3A_199 = arith.constant 192 : index
    %get3A_200 = vector.load %arg3[%get3A_198, %get3A_199] : memref<1536x512xf32, #tpu.memory_space<vmem>>, vector<1536x64xf32>
    %dot_general3A_201 = arith.constant dense<0.000000e+00> : vector<256x64xf32>
    %dot_general3A_202 = tpu.matmul %exp3A_194, %get3A_200, %dot_general3A_201 {dimension_numbers = #tpu.dot_dimension_numbers<[1], [0], [0], [1], [0, 0, 1, 1], [], []>, transpose_lhs_hint = false} : vector<256x1536xf32>, vector<1536x64xf32>, vector<256x64xf32> -> vector<256x64xf32>
    %div3A_203 = vector.broadcast %broadcast_in_dim3A_197 : vector<256x1xf32> to vector<256x64xf32>
    %div3A_204 = arith.divf %dot_general3A_202, %div3A_203 : vector<256x64xf32>
    %get3A_205 = arith.constant 0 : index
    %get3A_206 = arith.constant 448 : index
    %get3A_207 = vector.load %arg1[%get3A_205, %get3A_206] : memref<256x1024xf32, #tpu.memory_space<vmem>>, vector<256x64xf32>
    %mul3A_208 = arith.constant 1.250000e-01 : f32
    %mul3A_209 = vector.broadcast %mul3A_208 : f32 to vector<256x64xf32>
    %mul3A_210 = arith.mulf %get3A_207, %mul3A_209 : vector<256x64xf32>
    %get3A_211 = arith.constant 0 : index
    %get3A_212 = arith.constant 192 : index
    %get3A_213 = vector.load %arg2[%get3A_211, %get3A_212] : memref<1536x512xf32, #tpu.memory_space<vmem>>, vector<1536x64xf32>
    %dot_general3A_214 = arith.constant dense<0.000000e+00> : vector<256x1536xf32>
    %dot_general3A_215 = tpu.matmul %mul3A_210, %get3A_213, %dot_general3A_214 {dimension_numbers = #tpu.dot_dimension_numbers<[1], [1], [0], [0], [0, 0, 1, 0], [], []>, transpose_lhs_hint = false} : vector<256x64xf32>, vector<1536x64xf32>, vector<256x1536xf32> -> vector<256x1536xf32>
    %jit3A_216 = arith.constant -1.000000e+30 : f32
    %broadcast_in_dim3A_217 = vector.broadcast %jit3A_216 : f32 to vector<256x1536xf32>
    %select_n3A_218 = arith.select %le3A, %dot_general3A_215, %broadcast_in_dim3A_217 : vector<256x1536xi1>, vector<256x1536xf32>
    %reduce_max3A_219 = arith.constant dense<0xFF800000> : vector<256xf32>
    %reduce_max3A_220 = vector.multi_reduction <maximumf>, %select_n3A_218, %reduce_max3A_219 [1] : vector<256x1536xf32> to vector<256xf32>
    %broadcast_in_dim3A_221 = vector.shape_cast %reduce_max3A_220 : vector<256xf32> to vector<256x1xf32>
    %sub3A_222 = vector.broadcast %broadcast_in_dim3A_221 : vector<256x1xf32> to vector<256x1536xf32>
    %sub3A_223 = arith.subf %select_n3A_218, %sub3A_222 : vector<256x1536xf32>
    %exp3A_224 = math.exp %sub3A_223 : vector<256x1536xf32>
    %reduce_sum3A_225 = arith.constant dense<0.000000e+00> : vector<256xf32>
    %reduce_sum3A_226 = vector.multi_reduction <add>, %exp3A_224, %reduce_sum3A_225 [1] : vector<256x1536xf32> to vector<256xf32>
    %broadcast_in_dim3A_227 = vector.shape_cast %reduce_sum3A_226 : vector<256xf32> to vector<256x1xf32>
    %get3A_228 = arith.constant 0 : index
    %get3A_229 = arith.constant 192 : index
    %get3A_230 = vector.load %arg3[%get3A_228, %get3A_229] : memref<1536x512xf32, #tpu.memory_space<vmem>>, vector<1536x64xf32>
    %dot_general3A_231 = arith.constant dense<0.000000e+00> : vector<256x64xf32>
    %dot_general3A_232 = tpu.matmul %exp3A_224, %get3A_230, %dot_general3A_231 {dimension_numbers = #tpu.dot_dimension_numbers<[1], [0], [0], [1], [0, 0, 1, 1], [], []>, transpose_lhs_hint = false} : vector<256x1536xf32>, vector<1536x64xf32>, vector<256x64xf32> -> vector<256x64xf32>
    %div3A_233 = vector.broadcast %broadcast_in_dim3A_227 : vector<256x1xf32> to vector<256x64xf32>
    %div3A_234 = arith.divf %dot_general3A_232, %div3A_233 : vector<256x64xf32>
    %get3A_235 = arith.constant 0 : index
    %get3A_236 = arith.constant 512 : index
    %get3A_237 = vector.load %arg1[%get3A_235, %get3A_236] : memref<256x1024xf32, #tpu.memory_space<vmem>>, vector<256x64xf32>
    %mul3A_238 = arith.constant 1.250000e-01 : f32
    %mul3A_239 = vector.broadcast %mul3A_238 : f32 to vector<256x64xf32>
    %mul3A_240 = arith.mulf %get3A_237, %mul3A_239 : vector<256x64xf32>
    %get3A_241 = arith.constant 0 : index
    %get3A_242 = arith.constant 256 : index
    %get3A_243 = vector.load %arg2[%get3A_241, %get3A_242] : memref<1536x512xf32, #tpu.memory_space<vmem>>, vector<1536x64xf32>
    %dot_general3A_244 = arith.constant dense<0.000000e+00> : vector<256x1536xf32>
    %dot_general3A_245 = tpu.matmul %mul3A_240, %get3A_243, %dot_general3A_244 {dimension_numbers = #tpu.dot_dimension_numbers<[1], [1], [0], [0], [0, 0, 1, 0], [], []>, transpose_lhs_hint = false} : vector<256x64xf32>, vector<1536x64xf32>, vector<256x1536xf32> -> vector<256x1536xf32>
    %jit3A_246 = arith.constant -1.000000e+30 : f32
    %broadcast_in_dim3A_247 = vector.broadcast %jit3A_246 : f32 to vector<256x1536xf32>
    %select_n3A_248 = arith.select %le3A, %dot_general3A_245, %broadcast_in_dim3A_247 : vector<256x1536xi1>, vector<256x1536xf32>
    %reduce_max3A_249 = arith.constant dense<0xFF800000> : vector<256xf32>
    %reduce_max3A_250 = vector.multi_reduction <maximumf>, %select_n3A_248, %reduce_max3A_249 [1] : vector<256x1536xf32> to vector<256xf32>
    %broadcast_in_dim3A_251 = vector.shape_cast %reduce_max3A_250 : vector<256xf32> to vector<256x1xf32>
    %sub3A_252 = vector.broadcast %broadcast_in_dim3A_251 : vector<256x1xf32> to vector<256x1536xf32>
    %sub3A_253 = arith.subf %select_n3A_248, %sub3A_252 : vector<256x1536xf32>
    %exp3A_254 = math.exp %sub3A_253 : vector<256x1536xf32>
    %reduce_sum3A_255 = arith.constant dense<0.000000e+00> : vector<256xf32>
    %reduce_sum3A_256 = vector.multi_reduction <add>, %exp3A_254, %reduce_sum3A_255 [1] : vector<256x1536xf32> to vector<256xf32>
    %broadcast_in_dim3A_257 = vector.shape_cast %reduce_sum3A_256 : vector<256xf32> to vector<256x1xf32>
    %get3A_258 = arith.constant 0 : index
    %get3A_259 = arith.constant 256 : index
    %get3A_260 = vector.load %arg3[%get3A_258, %get3A_259] : memref<1536x512xf32, #tpu.memory_space<vmem>>, vector<1536x64xf32>
    %dot_general3A_261 = arith.constant dense<0.000000e+00> : vector<256x64xf32>
    %dot_general3A_262 = tpu.matmul %exp3A_254, %get3A_260, %dot_general3A_261 {dimension_numbers = #tpu.dot_dimension_numbers<[1], [0], [0], [1], [0, 0, 1, 1], [], []>, transpose_lhs_hint = false} : vector<256x1536xf32>, vector<1536x64xf32>, vector<256x64xf32> -> vector<256x64xf32>
    %div3A_263 = vector.broadcast %broadcast_in_dim3A_257 : vector<256x1xf32> to vector<256x64xf32>
    %div3A_264 = arith.divf %dot_general3A_262, %div3A_263 : vector<256x64xf32>
    %get3A_265 = arith.constant 0 : index
    %get3A_266 = arith.constant 576 : index
    %get3A_267 = vector.load %arg1[%get3A_265, %get3A_266] : memref<256x1024xf32, #tpu.memory_space<vmem>>, vector<256x64xf32>
    %mul3A_268 = arith.constant 1.250000e-01 : f32
    %mul3A_269 = vector.broadcast %mul3A_268 : f32 to vector<256x64xf32>
    %mul3A_270 = arith.mulf %get3A_267, %mul3A_269 : vector<256x64xf32>
    %get3A_271 = arith.constant 0 : index
    %get3A_272 = arith.constant 256 : index
    %get3A_273 = vector.load %arg2[%get3A_271, %get3A_272] : memref<1536x512xf32, #tpu.memory_space<vmem>>, vector<1536x64xf32>
    %dot_general3A_274 = arith.constant dense<0.000000e+00> : vector<256x1536xf32>
    %dot_general3A_275 = tpu.matmul %mul3A_270, %get3A_273, %dot_general3A_274 {dimension_numbers = #tpu.dot_dimension_numbers<[1], [1], [0], [0], [0, 0, 1, 0], [], []>, transpose_lhs_hint = false} : vector<256x64xf32>, vector<1536x64xf32>, vector<256x1536xf32> -> vector<256x1536xf32>
    %jit3A_276 = arith.constant -1.000000e+30 : f32
    %broadcast_in_dim3A_277 = vector.broadcast %jit3A_276 : f32 to vector<256x1536xf32>
    %select_n3A_278 = arith.select %le3A, %dot_general3A_275, %broadcast_in_dim3A_277 : vector<256x1536xi1>, vector<256x1536xf32>
    %reduce_max3A_279 = arith.constant dense<0xFF800000> : vector<256xf32>
    %reduce_max3A_280 = vector.multi_reduction <maximumf>, %select_n3A_278, %reduce_max3A_279 [1] : vector<256x1536xf32> to vector<256xf32>
    %broadcast_in_dim3A_281 = vector.shape_cast %reduce_max3A_280 : vector<256xf32> to vector<256x1xf32>
    %sub3A_282 = vector.broadcast %broadcast_in_dim3A_281 : vector<256x1xf32> to vector<256x1536xf32>
    %sub3A_283 = arith.subf %select_n3A_278, %sub3A_282 : vector<256x1536xf32>
    %exp3A_284 = math.exp %sub3A_283 : vector<256x1536xf32>
    %reduce_sum3A_285 = arith.constant dense<0.000000e+00> : vector<256xf32>
    %reduce_sum3A_286 = vector.multi_reduction <add>, %exp3A_284, %reduce_sum3A_285 [1] : vector<256x1536xf32> to vector<256xf32>
    %broadcast_in_dim3A_287 = vector.shape_cast %reduce_sum3A_286 : vector<256xf32> to vector<256x1xf32>
    %get3A_288 = arith.constant 0 : index
    %get3A_289 = arith.constant 256 : index
    %get3A_290 = vector.load %arg3[%get3A_288, %get3A_289] : memref<1536x512xf32, #tpu.memory_space<vmem>>, vector<1536x64xf32>
    %dot_general3A_291 = arith.constant dense<0.000000e+00> : vector<256x64xf32>
    %dot_general3A_292 = tpu.matmul %exp3A_284, %get3A_290, %dot_general3A_291 {dimension_numbers = #tpu.dot_dimension_numbers<[1], [0], [0], [1], [0, 0, 1, 1], [], []>, transpose_lhs_hint = false} : vector<256x1536xf32>, vector<1536x64xf32>, vector<256x64xf32> -> vector<256x64xf32>
    %div3A_293 = vector.broadcast %broadcast_in_dim3A_287 : vector<256x1xf32> to vector<256x64xf32>
    %div3A_294 = arith.divf %dot_general3A_292, %div3A_293 : vector<256x64xf32>
    %get3A_295 = arith.constant 0 : index
    %get3A_296 = arith.constant 640 : index
    %get3A_297 = vector.load %arg1[%get3A_295, %get3A_296] : memref<256x1024xf32, #tpu.memory_space<vmem>>, vector<256x64xf32>
    %mul3A_298 = arith.constant 1.250000e-01 : f32
    %mul3A_299 = vector.broadcast %mul3A_298 : f32 to vector<256x64xf32>
    %mul3A_300 = arith.mulf %get3A_297, %mul3A_299 : vector<256x64xf32>
    %get3A_301 = arith.constant 0 : index
    %get3A_302 = arith.constant 320 : index
    %get3A_303 = vector.load %arg2[%get3A_301, %get3A_302] : memref<1536x512xf32, #tpu.memory_space<vmem>>, vector<1536x64xf32>
    %dot_general3A_304 = arith.constant dense<0.000000e+00> : vector<256x1536xf32>
    %dot_general3A_305 = tpu.matmul %mul3A_300, %get3A_303, %dot_general3A_304 {dimension_numbers = #tpu.dot_dimension_numbers<[1], [1], [0], [0], [0, 0, 1, 0], [], []>, transpose_lhs_hint = false} : vector<256x64xf32>, vector<1536x64xf32>, vector<256x1536xf32> -> vector<256x1536xf32>
    %jit3A_306 = arith.constant -1.000000e+30 : f32
    %broadcast_in_dim3A_307 = vector.broadcast %jit3A_306 : f32 to vector<256x1536xf32>
    %select_n3A_308 = arith.select %le3A, %dot_general3A_305, %broadcast_in_dim3A_307 : vector<256x1536xi1>, vector<256x1536xf32>
    %reduce_max3A_309 = arith.constant dense<0xFF800000> : vector<256xf32>
    %reduce_max3A_310 = vector.multi_reduction <maximumf>, %select_n3A_308, %reduce_max3A_309 [1] : vector<256x1536xf32> to vector<256xf32>
    %broadcast_in_dim3A_311 = vector.shape_cast %reduce_max3A_310 : vector<256xf32> to vector<256x1xf32>
    %sub3A_312 = vector.broadcast %broadcast_in_dim3A_311 : vector<256x1xf32> to vector<256x1536xf32>
    %sub3A_313 = arith.subf %select_n3A_308, %sub3A_312 : vector<256x1536xf32>
    %exp3A_314 = math.exp %sub3A_313 : vector<256x1536xf32>
    %reduce_sum3A_315 = arith.constant dense<0.000000e+00> : vector<256xf32>
    %reduce_sum3A_316 = vector.multi_reduction <add>, %exp3A_314, %reduce_sum3A_315 [1] : vector<256x1536xf32> to vector<256xf32>
    %broadcast_in_dim3A_317 = vector.shape_cast %reduce_sum3A_316 : vector<256xf32> to vector<256x1xf32>
    %get3A_318 = arith.constant 0 : index
    %get3A_319 = arith.constant 320 : index
    %get3A_320 = vector.load %arg3[%get3A_318, %get3A_319] : memref<1536x512xf32, #tpu.memory_space<vmem>>, vector<1536x64xf32>
    %dot_general3A_321 = arith.constant dense<0.000000e+00> : vector<256x64xf32>
    %dot_general3A_322 = tpu.matmul %exp3A_314, %get3A_320, %dot_general3A_321 {dimension_numbers = #tpu.dot_dimension_numbers<[1], [0], [0], [1], [0, 0, 1, 1], [], []>, transpose_lhs_hint = false} : vector<256x1536xf32>, vector<1536x64xf32>, vector<256x64xf32> -> vector<256x64xf32>
    %div3A_323 = vector.broadcast %broadcast_in_dim3A_317 : vector<256x1xf32> to vector<256x64xf32>
    %div3A_324 = arith.divf %dot_general3A_322, %div3A_323 : vector<256x64xf32>
    %get3A_325 = arith.constant 0 : index
    %get3A_326 = arith.constant 704 : index
    %get3A_327 = vector.load %arg1[%get3A_325, %get3A_326] : memref<256x1024xf32, #tpu.memory_space<vmem>>, vector<256x64xf32>
    %mul3A_328 = arith.constant 1.250000e-01 : f32
    %mul3A_329 = vector.broadcast %mul3A_328 : f32 to vector<256x64xf32>
    %mul3A_330 = arith.mulf %get3A_327, %mul3A_329 : vector<256x64xf32>
    %get3A_331 = arith.constant 0 : index
    %get3A_332 = arith.constant 320 : index
    %get3A_333 = vector.load %arg2[%get3A_331, %get3A_332] : memref<1536x512xf32, #tpu.memory_space<vmem>>, vector<1536x64xf32>
    %dot_general3A_334 = arith.constant dense<0.000000e+00> : vector<256x1536xf32>
    %dot_general3A_335 = tpu.matmul %mul3A_330, %get3A_333, %dot_general3A_334 {dimension_numbers = #tpu.dot_dimension_numbers<[1], [1], [0], [0], [0, 0, 1, 0], [], []>, transpose_lhs_hint = false} : vector<256x64xf32>, vector<1536x64xf32>, vector<256x1536xf32> -> vector<256x1536xf32>
    %jit3A_336 = arith.constant -1.000000e+30 : f32
    %broadcast_in_dim3A_337 = vector.broadcast %jit3A_336 : f32 to vector<256x1536xf32>
    %select_n3A_338 = arith.select %le3A, %dot_general3A_335, %broadcast_in_dim3A_337 : vector<256x1536xi1>, vector<256x1536xf32>
    %reduce_max3A_339 = arith.constant dense<0xFF800000> : vector<256xf32>
    %reduce_max3A_340 = vector.multi_reduction <maximumf>, %select_n3A_338, %reduce_max3A_339 [1] : vector<256x1536xf32> to vector<256xf32>
    %broadcast_in_dim3A_341 = vector.shape_cast %reduce_max3A_340 : vector<256xf32> to vector<256x1xf32>
    %sub3A_342 = vector.broadcast %broadcast_in_dim3A_341 : vector<256x1xf32> to vector<256x1536xf32>
    %sub3A_343 = arith.subf %select_n3A_338, %sub3A_342 : vector<256x1536xf32>
    %exp3A_344 = math.exp %sub3A_343 : vector<256x1536xf32>
    %reduce_sum3A_345 = arith.constant dense<0.000000e+00> : vector<256xf32>
    %reduce_sum3A_346 = vector.multi_reduction <add>, %exp3A_344, %reduce_sum3A_345 [1] : vector<256x1536xf32> to vector<256xf32>
    %broadcast_in_dim3A_347 = vector.shape_cast %reduce_sum3A_346 : vector<256xf32> to vector<256x1xf32>
    %get3A_348 = arith.constant 0 : index
    %get3A_349 = arith.constant 320 : index
    %get3A_350 = vector.load %arg3[%get3A_348, %get3A_349] : memref<1536x512xf32, #tpu.memory_space<vmem>>, vector<1536x64xf32>
    %dot_general3A_351 = arith.constant dense<0.000000e+00> : vector<256x64xf32>
    %dot_general3A_352 = tpu.matmul %exp3A_344, %get3A_350, %dot_general3A_351 {dimension_numbers = #tpu.dot_dimension_numbers<[1], [0], [0], [1], [0, 0, 1, 1], [], []>, transpose_lhs_hint = false} : vector<256x1536xf32>, vector<1536x64xf32>, vector<256x64xf32> -> vector<256x64xf32>
    %div3A_353 = vector.broadcast %broadcast_in_dim3A_347 : vector<256x1xf32> to vector<256x64xf32>
    %div3A_354 = arith.divf %dot_general3A_352, %div3A_353 : vector<256x64xf32>
    %get3A_355 = arith.constant 0 : index
    %get3A_356 = arith.constant 768 : index
    %get3A_357 = vector.load %arg1[%get3A_355, %get3A_356] : memref<256x1024xf32, #tpu.memory_space<vmem>>, vector<256x64xf32>
    %mul3A_358 = arith.constant 1.250000e-01 : f32
    %mul3A_359 = vector.broadcast %mul3A_358 : f32 to vector<256x64xf32>
    %mul3A_360 = arith.mulf %get3A_357, %mul3A_359 : vector<256x64xf32>
    %get3A_361 = arith.constant 0 : index
    %get3A_362 = arith.constant 384 : index
    %get3A_363 = vector.load %arg2[%get3A_361, %get3A_362] : memref<1536x512xf32, #tpu.memory_space<vmem>>, vector<1536x64xf32>
    %dot_general3A_364 = arith.constant dense<0.000000e+00> : vector<256x1536xf32>
    %dot_general3A_365 = tpu.matmul %mul3A_360, %get3A_363, %dot_general3A_364 {dimension_numbers = #tpu.dot_dimension_numbers<[1], [1], [0], [0], [0, 0, 1, 0], [], []>, transpose_lhs_hint = false} : vector<256x64xf32>, vector<1536x64xf32>, vector<256x1536xf32> -> vector<256x1536xf32>
    %jit3A_366 = arith.constant -1.000000e+30 : f32
    %broadcast_in_dim3A_367 = vector.broadcast %jit3A_366 : f32 to vector<256x1536xf32>
    %select_n3A_368 = arith.select %le3A, %dot_general3A_365, %broadcast_in_dim3A_367 : vector<256x1536xi1>, vector<256x1536xf32>
    %reduce_max3A_369 = arith.constant dense<0xFF800000> : vector<256xf32>
    %reduce_max3A_370 = vector.multi_reduction <maximumf>, %select_n3A_368, %reduce_max3A_369 [1] : vector<256x1536xf32> to vector<256xf32>
    %broadcast_in_dim3A_371 = vector.shape_cast %reduce_max3A_370 : vector<256xf32> to vector<256x1xf32>
    %sub3A_372 = vector.broadcast %broadcast_in_dim3A_371 : vector<256x1xf32> to vector<256x1536xf32>
    %sub3A_373 = arith.subf %select_n3A_368, %sub3A_372 : vector<256x1536xf32>
    %exp3A_374 = math.exp %sub3A_373 : vector<256x1536xf32>
    %reduce_sum3A_375 = arith.constant dense<0.000000e+00> : vector<256xf32>
    %reduce_sum3A_376 = vector.multi_reduction <add>, %exp3A_374, %reduce_sum3A_375 [1] : vector<256x1536xf32> to vector<256xf32>
    %broadcast_in_dim3A_377 = vector.shape_cast %reduce_sum3A_376 : vector<256xf32> to vector<256x1xf32>
    %get3A_378 = arith.constant 0 : index
    %get3A_379 = arith.constant 384 : index
    %get3A_380 = vector.load %arg3[%get3A_378, %get3A_379] : memref<1536x512xf32, #tpu.memory_space<vmem>>, vector<1536x64xf32>
    %dot_general3A_381 = arith.constant dense<0.000000e+00> : vector<256x64xf32>
    %dot_general3A_382 = tpu.matmul %exp3A_374, %get3A_380, %dot_general3A_381 {dimension_numbers = #tpu.dot_dimension_numbers<[1], [0], [0], [1], [0, 0, 1, 1], [], []>, transpose_lhs_hint = false} : vector<256x1536xf32>, vector<1536x64xf32>, vector<256x64xf32> -> vector<256x64xf32>
    %div3A_383 = vector.broadcast %broadcast_in_dim3A_377 : vector<256x1xf32> to vector<256x64xf32>
    %div3A_384 = arith.divf %dot_general3A_382, %div3A_383 : vector<256x64xf32>
    %get3A_385 = arith.constant 0 : index
    %get3A_386 = arith.constant 832 : index
    %get3A_387 = vector.load %arg1[%get3A_385, %get3A_386] : memref<256x1024xf32, #tpu.memory_space<vmem>>, vector<256x64xf32>
    %mul3A_388 = arith.constant 1.250000e-01 : f32
    %mul3A_389 = vector.broadcast %mul3A_388 : f32 to vector<256x64xf32>
    %mul3A_390 = arith.mulf %get3A_387, %mul3A_389 : vector<256x64xf32>
    %get3A_391 = arith.constant 0 : index
    %get3A_392 = arith.constant 384 : index
    %get3A_393 = vector.load %arg2[%get3A_391, %get3A_392] : memref<1536x512xf32, #tpu.memory_space<vmem>>, vector<1536x64xf32>
    %dot_general3A_394 = arith.constant dense<0.000000e+00> : vector<256x1536xf32>
    %dot_general3A_395 = tpu.matmul %mul3A_390, %get3A_393, %dot_general3A_394 {dimension_numbers = #tpu.dot_dimension_numbers<[1], [1], [0], [0], [0, 0, 1, 0], [], []>, transpose_lhs_hint = false} : vector<256x64xf32>, vector<1536x64xf32>, vector<256x1536xf32> -> vector<256x1536xf32>
    %jit3A_396 = arith.constant -1.000000e+30 : f32
    %broadcast_in_dim3A_397 = vector.broadcast %jit3A_396 : f32 to vector<256x1536xf32>
    %select_n3A_398 = arith.select %le3A, %dot_general3A_395, %broadcast_in_dim3A_397 : vector<256x1536xi1>, vector<256x1536xf32>
    %reduce_max3A_399 = arith.constant dense<0xFF800000> : vector<256xf32>
    %reduce_max3A_400 = vector.multi_reduction <maximumf>, %select_n3A_398, %reduce_max3A_399 [1] : vector<256x1536xf32> to vector<256xf32>
    %broadcast_in_dim3A_401 = vector.shape_cast %reduce_max3A_400 : vector<256xf32> to vector<256x1xf32>
    %sub3A_402 = vector.broadcast %broadcast_in_dim3A_401 : vector<256x1xf32> to vector<256x1536xf32>
    %sub3A_403 = arith.subf %select_n3A_398, %sub3A_402 : vector<256x1536xf32>
    %exp3A_404 = math.exp %sub3A_403 : vector<256x1536xf32>
    %reduce_sum3A_405 = arith.constant dense<0.000000e+00> : vector<256xf32>
    %reduce_sum3A_406 = vector.multi_reduction <add>, %exp3A_404, %reduce_sum3A_405 [1] : vector<256x1536xf32> to vector<256xf32>
    %broadcast_in_dim3A_407 = vector.shape_cast %reduce_sum3A_406 : vector<256xf32> to vector<256x1xf32>
    %get3A_408 = arith.constant 0 : index
    %get3A_409 = arith.constant 384 : index
    %get3A_410 = vector.load %arg3[%get3A_408, %get3A_409] : memref<1536x512xf32, #tpu.memory_space<vmem>>, vector<1536x64xf32>
    %dot_general3A_411 = arith.constant dense<0.000000e+00> : vector<256x64xf32>
    %dot_general3A_412 = tpu.matmul %exp3A_404, %get3A_410, %dot_general3A_411 {dimension_numbers = #tpu.dot_dimension_numbers<[1], [0], [0], [1], [0, 0, 1, 1], [], []>, transpose_lhs_hint = false} : vector<256x1536xf32>, vector<1536x64xf32>, vector<256x64xf32> -> vector<256x64xf32>
    %div3A_413 = vector.broadcast %broadcast_in_dim3A_407 : vector<256x1xf32> to vector<256x64xf32>
    %div3A_414 = arith.divf %dot_general3A_412, %div3A_413 : vector<256x64xf32>
    %get3A_415 = arith.constant 0 : index
    %get3A_416 = arith.constant 896 : index
    %get3A_417 = vector.load %arg1[%get3A_415, %get3A_416] : memref<256x1024xf32, #tpu.memory_space<vmem>>, vector<256x64xf32>
    %mul3A_418 = arith.constant 1.250000e-01 : f32
    %mul3A_419 = vector.broadcast %mul3A_418 : f32 to vector<256x64xf32>
    %mul3A_420 = arith.mulf %get3A_417, %mul3A_419 : vector<256x64xf32>
    %get3A_421 = arith.constant 0 : index
    %get3A_422 = arith.constant 448 : index
    %get3A_423 = vector.load %arg2[%get3A_421, %get3A_422] : memref<1536x512xf32, #tpu.memory_space<vmem>>, vector<1536x64xf32>
    %dot_general3A_424 = arith.constant dense<0.000000e+00> : vector<256x1536xf32>
    %dot_general3A_425 = tpu.matmul %mul3A_420, %get3A_423, %dot_general3A_424 {dimension_numbers = #tpu.dot_dimension_numbers<[1], [1], [0], [0], [0, 0, 1, 0], [], []>, transpose_lhs_hint = false} : vector<256x64xf32>, vector<1536x64xf32>, vector<256x1536xf32> -> vector<256x1536xf32>
    %jit3A_426 = arith.constant -1.000000e+30 : f32
    %broadcast_in_dim3A_427 = vector.broadcast %jit3A_426 : f32 to vector<256x1536xf32>
    %select_n3A_428 = arith.select %le3A, %dot_general3A_425, %broadcast_in_dim3A_427 : vector<256x1536xi1>, vector<256x1536xf32>
    %reduce_max3A_429 = arith.constant dense<0xFF800000> : vector<256xf32>
    %reduce_max3A_430 = vector.multi_reduction <maximumf>, %select_n3A_428, %reduce_max3A_429 [1] : vector<256x1536xf32> to vector<256xf32>
    %broadcast_in_dim3A_431 = vector.shape_cast %reduce_max3A_430 : vector<256xf32> to vector<256x1xf32>
    %sub3A_432 = vector.broadcast %broadcast_in_dim3A_431 : vector<256x1xf32> to vector<256x1536xf32>
    %sub3A_433 = arith.subf %select_n3A_428, %sub3A_432 : vector<256x1536xf32>
    %exp3A_434 = math.exp %sub3A_433 : vector<256x1536xf32>
    %reduce_sum3A_435 = arith.constant dense<0.000000e+00> : vector<256xf32>
    %reduce_sum3A_436 = vector.multi_reduction <add>, %exp3A_434, %reduce_sum3A_435 [1] : vector<256x1536xf32> to vector<256xf32>
    %broadcast_in_dim3A_437 = vector.shape_cast %reduce_sum3A_436 : vector<256xf32> to vector<256x1xf32>
    %get3A_438 = arith.constant 0 : index
    %get3A_439 = arith.constant 448 : index
    %get3A_440 = vector.load %arg3[%get3A_438, %get3A_439] : memref<1536x512xf32, #tpu.memory_space<vmem>>, vector<1536x64xf32>
    %dot_general3A_441 = arith.constant dense<0.000000e+00> : vector<256x64xf32>
    %dot_general3A_442 = tpu.matmul %exp3A_434, %get3A_440, %dot_general3A_441 {dimension_numbers = #tpu.dot_dimension_numbers<[1], [0], [0], [1], [0, 0, 1, 1], [], []>, transpose_lhs_hint = false} : vector<256x1536xf32>, vector<1536x64xf32>, vector<256x64xf32> -> vector<256x64xf32>
    %div3A_443 = vector.broadcast %broadcast_in_dim3A_437 : vector<256x1xf32> to vector<256x64xf32>
    %div3A_444 = arith.divf %dot_general3A_442, %div3A_443 : vector<256x64xf32>
    %get3A_445 = arith.constant 0 : index
    %get3A_446 = arith.constant 960 : index
    %get3A_447 = vector.load %arg1[%get3A_445, %get3A_446] : memref<256x1024xf32, #tpu.memory_space<vmem>>, vector<256x64xf32>
    %mul3A_448 = arith.constant 1.250000e-01 : f32
    %mul3A_449 = vector.broadcast %mul3A_448 : f32 to vector<256x64xf32>
    %mul3A_450 = arith.mulf %get3A_447, %mul3A_449 : vector<256x64xf32>
    %get3A_451 = arith.constant 0 : index
    %get3A_452 = arith.constant 448 : index
    %get3A_453 = vector.load %arg2[%get3A_451, %get3A_452] : memref<1536x512xf32, #tpu.memory_space<vmem>>, vector<1536x64xf32>
    %dot_general3A_454 = arith.constant dense<0.000000e+00> : vector<256x1536xf32>
    %dot_general3A_455 = tpu.matmul %mul3A_450, %get3A_453, %dot_general3A_454 {dimension_numbers = #tpu.dot_dimension_numbers<[1], [1], [0], [0], [0, 0, 1, 0], [], []>, transpose_lhs_hint = false} : vector<256x64xf32>, vector<1536x64xf32>, vector<256x1536xf32> -> vector<256x1536xf32>
    %jit3A_456 = arith.constant -1.000000e+30 : f32
    %broadcast_in_dim3A_457 = vector.broadcast %jit3A_456 : f32 to vector<256x1536xf32>
    %select_n3A_458 = arith.select %le3A, %dot_general3A_455, %broadcast_in_dim3A_457 : vector<256x1536xi1>, vector<256x1536xf32>
    %reduce_max3A_459 = arith.constant dense<0xFF800000> : vector<256xf32>
    %reduce_max3A_460 = vector.multi_reduction <maximumf>, %select_n3A_458, %reduce_max3A_459 [1] : vector<256x1536xf32> to vector<256xf32>
    %broadcast_in_dim3A_461 = vector.shape_cast %reduce_max3A_460 : vector<256xf32> to vector<256x1xf32>
    %sub3A_462 = vector.broadcast %broadcast_in_dim3A_461 : vector<256x1xf32> to vector<256x1536xf32>
    %sub3A_463 = arith.subf %select_n3A_458, %sub3A_462 : vector<256x1536xf32>
    %exp3A_464 = math.exp %sub3A_463 : vector<256x1536xf32>
    %reduce_sum3A_465 = arith.constant dense<0.000000e+00> : vector<256xf32>
    %reduce_sum3A_466 = vector.multi_reduction <add>, %exp3A_464, %reduce_sum3A_465 [1] : vector<256x1536xf32> to vector<256xf32>
    %broadcast_in_dim3A_467 = vector.shape_cast %reduce_sum3A_466 : vector<256xf32> to vector<256x1xf32>
    %get3A_468 = arith.constant 0 : index
    %get3A_469 = arith.constant 448 : index
    %get3A_470 = vector.load %arg3[%get3A_468, %get3A_469] : memref<1536x512xf32, #tpu.memory_space<vmem>>, vector<1536x64xf32>
    %dot_general3A_471 = arith.constant dense<0.000000e+00> : vector<256x64xf32>
    %dot_general3A_472 = tpu.matmul %exp3A_464, %get3A_470, %dot_general3A_471 {dimension_numbers = #tpu.dot_dimension_numbers<[1], [0], [0], [1], [0, 0, 1, 1], [], []>, transpose_lhs_hint = false} : vector<256x1536xf32>, vector<1536x64xf32>, vector<256x64xf32> -> vector<256x64xf32>
    %div3A_473 = vector.broadcast %broadcast_in_dim3A_467 : vector<256x1xf32> to vector<256x64xf32>
    %div3A_474 = arith.divf %dot_general3A_472, %div3A_473 : vector<256x64xf32>
    %concatenate3A = tpu.concatenate %div3A_24, %div3A_54, %div3A_84, %div3A_114, %div3A_144, %div3A_174, %div3A_204, %div3A_234, %div3A_264, %div3A_294, %div3A_324, %div3A_354, %div3A_384, %div3A_414, %div3A_444, %div3A_474 in 1 : vector<256x64xf32>, vector<256x64xf32>, vector<256x64xf32>, vector<256x64xf32>, vector<256x64xf32>, vector<256x64xf32>, vector<256x64xf32>, vector<256x64xf32>, vector<256x64xf32>, vector<256x64xf32>, vector<256x64xf32>, vector<256x64xf32>, vector<256x64xf32>, vector<256x64xf32>, vector<256x64xf32>, vector<256x64xf32> -> vector<256x1024xf32>
    %swap3A = arith.constant 0 : index
    %swap3A_475 = arith.constant 0 : index
    %swap3A_476 = vector.load %arg4[%swap3A, %swap3A_475] : memref<256x1024xf32, #tpu.memory_space<vmem>>, vector<256x1024xf32>
    tpu.vector_store %arg4[%swap3A, %swap3A_475], %concatenate3A {strides = array<i32>} : memref<256x1024xf32, #tpu.memory_space<vmem>>, vector<256x1024xf32>,
    return
  }
  func.func @transform_0(%arg0: i32) -> (i32, i32) {
    %add3A = arith.constant 4 : i32
    %add3A_0 = arith.addi %arg0, %add3A : i32
    %c0_i32 = arith.constant 0 : i32
    %c0_i32_1 = arith.constant 0 : i32
    return %add3A_0, %c0_i32 : i32, i32
  }
  func.func @transform_1(%arg0: i32) -> (i32, i32) {
    %c0_i32 = arith.constant 0 : i32
    %c0_i32_0 = arith.constant 0 : i32
    %c0_i32_1 = arith.constant 0 : i32
    return %c0_i32, %c0_i32_0 : i32, i32
  }
  func.func @transform_2(%arg0: i32) -> (i32, i32) {
    %c0_i32 = arith.constant 0 : i32
    %c0_i32_0 = arith.constant 0 : i32
    %c0_i32_1 = arith.constant 0 : i32
    return %c0_i32, %c0_i32_0 : i32, i32
  }
  func.func @transform_3(%arg0: i32) -> (i32, i32) {
    %c0_i32 = arith.constant 0 : i32
    %c0_i32_0 = arith.constant 0 : i32
    return %arg0, %c0_i32 : i32, i32
  }
}

module attributes {stable_mosaic.version = 14 : i64} {
  func.func @_attn_body(%arg0: i32, %arg1: memref<256x1024xf32, #tpu.memory_space<vmem>>, %arg2: memref<2048x512xf32, #tpu.memory_space<vmem>>, %arg3: memref<2048x512xf32, #tpu.memory_space<vmem>>, %arg4: memref<256x1024xf32, #tpu.memory_space<vmem>>) attributes {dimension_semantics = [#tpu.dimension_semantics<arbitrary>], iteration_bounds = array<i64: 2>, scalar_prefetch = 0 : i64, scratch_operands = 0 : i64, tpu.core_type = #tpu.core_type<tc>, window_params = [{transform_indices = @transform_0, window_bounds = array<i64: 256, 1024>}, {pipeline_mode = #tpu.pipeline_mode<synchronous>, transform_indices = @transform_1, window_bounds = array<i64: 2048, 512>}, {pipeline_mode = #tpu.pipeline_mode<synchronous>, transform_indices = @transform_2, window_bounds = array<i64: 2048, 512>}, {transform_indices = @transform_3, window_bounds = array<i64: 256, 1024>}]} {
    %add3A = arith.constant 6 : i32
    %add3A_0 = arith.addi %arg0, %add3A : i32
    %mul3A = arith.constant 256 : i32
    %mul3A_1 = arith.muli %add3A_0, %mul3A : i32
    %iota3A = tpu.iota {dimensions = array<i32: 0>} : vector<256x2048xi32>
    %add3A_2 = vector.broadcast %mul3A_1 : i32 to vector<256x2048xi32>
    %add3A_3 = arith.addi %add3A_2, %iota3A : vector<256x2048xi32>
    %iota3A_4 = tpu.iota {dimensions = array<i32: 1>} : vector<256x2048xi32>
    %le3A = arith.cmpi sle, %iota3A_4, %add3A_3 : vector<256x2048xi32>
    %get3A = arith.constant 0 : index
    %get3A_5 = arith.constant 0 : index
    %get3A_6 = vector.load %arg1[%get3A, %get3A_5] : memref<256x1024xf32, #tpu.memory_space<vmem>>, vector<256x64xf32>
    %mul3A_7 = arith.constant 1.250000e-01 : f32
    %mul3A_8 = vector.broadcast %mul3A_7 : f32 to vector<256x64xf32>
    %mul3A_9 = arith.mulf %get3A_6, %mul3A_8 : vector<256x64xf32>
    %get3A_10 = arith.constant 0 : index
    %get3A_11 = arith.constant 0 : index
    %get3A_12 = vector.load %arg2[%get3A_10, %get3A_11] : memref<2048x512xf32, #tpu.memory_space<vmem>>, vector<2048x64xf32>
    %dot_general3A = arith.constant dense<0.000000e+00> : vector<256x2048xf32>
    %dot_general3A_13 = tpu.matmul %mul3A_9, %get3A_12, %dot_general3A {dimension_numbers = #tpu.dot_dimension_numbers<[1], [1], [0], [0], [0, 0, 1, 0], [], []>, transpose_lhs_hint = false} : vector<256x64xf32>, vector<2048x64xf32>, vector<256x2048xf32> -> vector<256x2048xf32>
    %jit3A = arith.constant -1.000000e+30 : f32
    %broadcast_in_dim3A = vector.broadcast %jit3A : f32 to vector<256x2048xf32>
    %select_n3A = arith.select %le3A, %dot_general3A_13, %broadcast_in_dim3A : vector<256x2048xi1>, vector<256x2048xf32>
    %reduce_max3A = arith.constant dense<0xFF800000> : vector<256xf32>
    %reduce_max3A_14 = vector.multi_reduction <maximumf>, %select_n3A, %reduce_max3A [1] : vector<256x2048xf32> to vector<256xf32>
    %broadcast_in_dim3A_15 = vector.shape_cast %reduce_max3A_14 : vector<256xf32> to vector<256x1xf32>
    %sub3A = vector.broadcast %broadcast_in_dim3A_15 : vector<256x1xf32> to vector<256x2048xf32>
    %sub3A_16 = arith.subf %select_n3A, %sub3A : vector<256x2048xf32>
    %exp3A = math.exp %sub3A_16 : vector<256x2048xf32>
    %reduce_sum3A = arith.constant dense<0.000000e+00> : vector<256xf32>
    %reduce_sum3A_17 = vector.multi_reduction <add>, %exp3A, %reduce_sum3A [1] : vector<256x2048xf32> to vector<256xf32>
    %broadcast_in_dim3A_18 = vector.shape_cast %reduce_sum3A_17 : vector<256xf32> to vector<256x1xf32>
    %get3A_19 = arith.constant 0 : index
    %get3A_20 = arith.constant 0 : index
    %get3A_21 = vector.load %arg3[%get3A_19, %get3A_20] : memref<2048x512xf32, #tpu.memory_space<vmem>>, vector<2048x64xf32>
    %dot_general3A_22 = arith.constant dense<0.000000e+00> : vector<256x64xf32>
    %dot_general3A_23 = tpu.matmul %exp3A, %get3A_21, %dot_general3A_22 {dimension_numbers = #tpu.dot_dimension_numbers<[1], [0], [0], [1], [0, 0, 1, 1], [], []>, transpose_lhs_hint = false} : vector<256x2048xf32>, vector<2048x64xf32>, vector<256x64xf32> -> vector<256x64xf32>
    %div3A = vector.broadcast %broadcast_in_dim3A_18 : vector<256x1xf32> to vector<256x64xf32>
    %div3A_24 = arith.divf %dot_general3A_23, %div3A : vector<256x64xf32>
    %get3A_25 = arith.constant 0 : index
    %get3A_26 = arith.constant 64 : index
    %get3A_27 = vector.load %arg1[%get3A_25, %get3A_26] : memref<256x1024xf32, #tpu.memory_space<vmem>>, vector<256x64xf32>
    %mul3A_28 = arith.constant 1.250000e-01 : f32
    %mul3A_29 = vector.broadcast %mul3A_28 : f32 to vector<256x64xf32>
    %mul3A_30 = arith.mulf %get3A_27, %mul3A_29 : vector<256x64xf32>
    %get3A_31 = arith.constant 0 : index
    %get3A_32 = arith.constant 0 : index
    %get3A_33 = vector.load %arg2[%get3A_31, %get3A_32] : memref<2048x512xf32, #tpu.memory_space<vmem>>, vector<2048x64xf32>
    %dot_general3A_34 = arith.constant dense<0.000000e+00> : vector<256x2048xf32>
    %dot_general3A_35 = tpu.matmul %mul3A_30, %get3A_33, %dot_general3A_34 {dimension_numbers = #tpu.dot_dimension_numbers<[1], [1], [0], [0], [0, 0, 1, 0], [], []>, transpose_lhs_hint = false} : vector<256x64xf32>, vector<2048x64xf32>, vector<256x2048xf32> -> vector<256x2048xf32>
    %jit3A_36 = arith.constant -1.000000e+30 : f32
    %broadcast_in_dim3A_37 = vector.broadcast %jit3A_36 : f32 to vector<256x2048xf32>
    %select_n3A_38 = arith.select %le3A, %dot_general3A_35, %broadcast_in_dim3A_37 : vector<256x2048xi1>, vector<256x2048xf32>
    %reduce_max3A_39 = arith.constant dense<0xFF800000> : vector<256xf32>
    %reduce_max3A_40 = vector.multi_reduction <maximumf>, %select_n3A_38, %reduce_max3A_39 [1] : vector<256x2048xf32> to vector<256xf32>
    %broadcast_in_dim3A_41 = vector.shape_cast %reduce_max3A_40 : vector<256xf32> to vector<256x1xf32>
    %sub3A_42 = vector.broadcast %broadcast_in_dim3A_41 : vector<256x1xf32> to vector<256x2048xf32>
    %sub3A_43 = arith.subf %select_n3A_38, %sub3A_42 : vector<256x2048xf32>
    %exp3A_44 = math.exp %sub3A_43 : vector<256x2048xf32>
    %reduce_sum3A_45 = arith.constant dense<0.000000e+00> : vector<256xf32>
    %reduce_sum3A_46 = vector.multi_reduction <add>, %exp3A_44, %reduce_sum3A_45 [1] : vector<256x2048xf32> to vector<256xf32>
    %broadcast_in_dim3A_47 = vector.shape_cast %reduce_sum3A_46 : vector<256xf32> to vector<256x1xf32>
    %get3A_48 = arith.constant 0 : index
    %get3A_49 = arith.constant 0 : index
    %get3A_50 = vector.load %arg3[%get3A_48, %get3A_49] : memref<2048x512xf32, #tpu.memory_space<vmem>>, vector<2048x64xf32>
    %dot_general3A_51 = arith.constant dense<0.000000e+00> : vector<256x64xf32>
    %dot_general3A_52 = tpu.matmul %exp3A_44, %get3A_50, %dot_general3A_51 {dimension_numbers = #tpu.dot_dimension_numbers<[1], [0], [0], [1], [0, 0, 1, 1], [], []>, transpose_lhs_hint = false} : vector<256x2048xf32>, vector<2048x64xf32>, vector<256x64xf32> -> vector<256x64xf32>
    %div3A_53 = vector.broadcast %broadcast_in_dim3A_47 : vector<256x1xf32> to vector<256x64xf32>
    %div3A_54 = arith.divf %dot_general3A_52, %div3A_53 : vector<256x64xf32>
    %get3A_55 = arith.constant 0 : index
    %get3A_56 = arith.constant 128 : index
    %get3A_57 = vector.load %arg1[%get3A_55, %get3A_56] : memref<256x1024xf32, #tpu.memory_space<vmem>>, vector<256x64xf32>
    %mul3A_58 = arith.constant 1.250000e-01 : f32
    %mul3A_59 = vector.broadcast %mul3A_58 : f32 to vector<256x64xf32>
    %mul3A_60 = arith.mulf %get3A_57, %mul3A_59 : vector<256x64xf32>
    %get3A_61 = arith.constant 0 : index
    %get3A_62 = arith.constant 64 : index
    %get3A_63 = vector.load %arg2[%get3A_61, %get3A_62] : memref<2048x512xf32, #tpu.memory_space<vmem>>, vector<2048x64xf32>
    %dot_general3A_64 = arith.constant dense<0.000000e+00> : vector<256x2048xf32>
    %dot_general3A_65 = tpu.matmul %mul3A_60, %get3A_63, %dot_general3A_64 {dimension_numbers = #tpu.dot_dimension_numbers<[1], [1], [0], [0], [0, 0, 1, 0], [], []>, transpose_lhs_hint = false} : vector<256x64xf32>, vector<2048x64xf32>, vector<256x2048xf32> -> vector<256x2048xf32>
    %jit3A_66 = arith.constant -1.000000e+30 : f32
    %broadcast_in_dim3A_67 = vector.broadcast %jit3A_66 : f32 to vector<256x2048xf32>
    %select_n3A_68 = arith.select %le3A, %dot_general3A_65, %broadcast_in_dim3A_67 : vector<256x2048xi1>, vector<256x2048xf32>
    %reduce_max3A_69 = arith.constant dense<0xFF800000> : vector<256xf32>
    %reduce_max3A_70 = vector.multi_reduction <maximumf>, %select_n3A_68, %reduce_max3A_69 [1] : vector<256x2048xf32> to vector<256xf32>
    %broadcast_in_dim3A_71 = vector.shape_cast %reduce_max3A_70 : vector<256xf32> to vector<256x1xf32>
    %sub3A_72 = vector.broadcast %broadcast_in_dim3A_71 : vector<256x1xf32> to vector<256x2048xf32>
    %sub3A_73 = arith.subf %select_n3A_68, %sub3A_72 : vector<256x2048xf32>
    %exp3A_74 = math.exp %sub3A_73 : vector<256x2048xf32>
    %reduce_sum3A_75 = arith.constant dense<0.000000e+00> : vector<256xf32>
    %reduce_sum3A_76 = vector.multi_reduction <add>, %exp3A_74, %reduce_sum3A_75 [1] : vector<256x2048xf32> to vector<256xf32>
    %broadcast_in_dim3A_77 = vector.shape_cast %reduce_sum3A_76 : vector<256xf32> to vector<256x1xf32>
    %get3A_78 = arith.constant 0 : index
    %get3A_79 = arith.constant 64 : index
    %get3A_80 = vector.load %arg3[%get3A_78, %get3A_79] : memref<2048x512xf32, #tpu.memory_space<vmem>>, vector<2048x64xf32>
    %dot_general3A_81 = arith.constant dense<0.000000e+00> : vector<256x64xf32>
    %dot_general3A_82 = tpu.matmul %exp3A_74, %get3A_80, %dot_general3A_81 {dimension_numbers = #tpu.dot_dimension_numbers<[1], [0], [0], [1], [0, 0, 1, 1], [], []>, transpose_lhs_hint = false} : vector<256x2048xf32>, vector<2048x64xf32>, vector<256x64xf32> -> vector<256x64xf32>
    %div3A_83 = vector.broadcast %broadcast_in_dim3A_77 : vector<256x1xf32> to vector<256x64xf32>
    %div3A_84 = arith.divf %dot_general3A_82, %div3A_83 : vector<256x64xf32>
    %get3A_85 = arith.constant 0 : index
    %get3A_86 = arith.constant 192 : index
    %get3A_87 = vector.load %arg1[%get3A_85, %get3A_86] : memref<256x1024xf32, #tpu.memory_space<vmem>>, vector<256x64xf32>
    %mul3A_88 = arith.constant 1.250000e-01 : f32
    %mul3A_89 = vector.broadcast %mul3A_88 : f32 to vector<256x64xf32>
    %mul3A_90 = arith.mulf %get3A_87, %mul3A_89 : vector<256x64xf32>
    %get3A_91 = arith.constant 0 : index
    %get3A_92 = arith.constant 64 : index
    %get3A_93 = vector.load %arg2[%get3A_91, %get3A_92] : memref<2048x512xf32, #tpu.memory_space<vmem>>, vector<2048x64xf32>
    %dot_general3A_94 = arith.constant dense<0.000000e+00> : vector<256x2048xf32>
    %dot_general3A_95 = tpu.matmul %mul3A_90, %get3A_93, %dot_general3A_94 {dimension_numbers = #tpu.dot_dimension_numbers<[1], [1], [0], [0], [0, 0, 1, 0], [], []>, transpose_lhs_hint = false} : vector<256x64xf32>, vector<2048x64xf32>, vector<256x2048xf32> -> vector<256x2048xf32>
    %jit3A_96 = arith.constant -1.000000e+30 : f32
    %broadcast_in_dim3A_97 = vector.broadcast %jit3A_96 : f32 to vector<256x2048xf32>
    %select_n3A_98 = arith.select %le3A, %dot_general3A_95, %broadcast_in_dim3A_97 : vector<256x2048xi1>, vector<256x2048xf32>
    %reduce_max3A_99 = arith.constant dense<0xFF800000> : vector<256xf32>
    %reduce_max3A_100 = vector.multi_reduction <maximumf>, %select_n3A_98, %reduce_max3A_99 [1] : vector<256x2048xf32> to vector<256xf32>
    %broadcast_in_dim3A_101 = vector.shape_cast %reduce_max3A_100 : vector<256xf32> to vector<256x1xf32>
    %sub3A_102 = vector.broadcast %broadcast_in_dim3A_101 : vector<256x1xf32> to vector<256x2048xf32>
    %sub3A_103 = arith.subf %select_n3A_98, %sub3A_102 : vector<256x2048xf32>
    %exp3A_104 = math.exp %sub3A_103 : vector<256x2048xf32>
    %reduce_sum3A_105 = arith.constant dense<0.000000e+00> : vector<256xf32>
    %reduce_sum3A_106 = vector.multi_reduction <add>, %exp3A_104, %reduce_sum3A_105 [1] : vector<256x2048xf32> to vector<256xf32>
    %broadcast_in_dim3A_107 = vector.shape_cast %reduce_sum3A_106 : vector<256xf32> to vector<256x1xf32>
    %get3A_108 = arith.constant 0 : index
    %get3A_109 = arith.constant 64 : index
    %get3A_110 = vector.load %arg3[%get3A_108, %get3A_109] : memref<2048x512xf32, #tpu.memory_space<vmem>>, vector<2048x64xf32>
    %dot_general3A_111 = arith.constant dense<0.000000e+00> : vector<256x64xf32>
    %dot_general3A_112 = tpu.matmul %exp3A_104, %get3A_110, %dot_general3A_111 {dimension_numbers = #tpu.dot_dimension_numbers<[1], [0], [0], [1], [0, 0, 1, 1], [], []>, transpose_lhs_hint = false} : vector<256x2048xf32>, vector<2048x64xf32>, vector<256x64xf32> -> vector<256x64xf32>
    %div3A_113 = vector.broadcast %broadcast_in_dim3A_107 : vector<256x1xf32> to vector<256x64xf32>
    %div3A_114 = arith.divf %dot_general3A_112, %div3A_113 : vector<256x64xf32>
    %get3A_115 = arith.constant 0 : index
    %get3A_116 = arith.constant 256 : index
    %get3A_117 = vector.load %arg1[%get3A_115, %get3A_116] : memref<256x1024xf32, #tpu.memory_space<vmem>>, vector<256x64xf32>
    %mul3A_118 = arith.constant 1.250000e-01 : f32
    %mul3A_119 = vector.broadcast %mul3A_118 : f32 to vector<256x64xf32>
    %mul3A_120 = arith.mulf %get3A_117, %mul3A_119 : vector<256x64xf32>
    %get3A_121 = arith.constant 0 : index
    %get3A_122 = arith.constant 128 : index
    %get3A_123 = vector.load %arg2[%get3A_121, %get3A_122] : memref<2048x512xf32, #tpu.memory_space<vmem>>, vector<2048x64xf32>
    %dot_general3A_124 = arith.constant dense<0.000000e+00> : vector<256x2048xf32>
    %dot_general3A_125 = tpu.matmul %mul3A_120, %get3A_123, %dot_general3A_124 {dimension_numbers = #tpu.dot_dimension_numbers<[1], [1], [0], [0], [0, 0, 1, 0], [], []>, transpose_lhs_hint = false} : vector<256x64xf32>, vector<2048x64xf32>, vector<256x2048xf32> -> vector<256x2048xf32>
    %jit3A_126 = arith.constant -1.000000e+30 : f32
    %broadcast_in_dim3A_127 = vector.broadcast %jit3A_126 : f32 to vector<256x2048xf32>
    %select_n3A_128 = arith.select %le3A, %dot_general3A_125, %broadcast_in_dim3A_127 : vector<256x2048xi1>, vector<256x2048xf32>
    %reduce_max3A_129 = arith.constant dense<0xFF800000> : vector<256xf32>
    %reduce_max3A_130 = vector.multi_reduction <maximumf>, %select_n3A_128, %reduce_max3A_129 [1] : vector<256x2048xf32> to vector<256xf32>
    %broadcast_in_dim3A_131 = vector.shape_cast %reduce_max3A_130 : vector<256xf32> to vector<256x1xf32>
    %sub3A_132 = vector.broadcast %broadcast_in_dim3A_131 : vector<256x1xf32> to vector<256x2048xf32>
    %sub3A_133 = arith.subf %select_n3A_128, %sub3A_132 : vector<256x2048xf32>
    %exp3A_134 = math.exp %sub3A_133 : vector<256x2048xf32>
    %reduce_sum3A_135 = arith.constant dense<0.000000e+00> : vector<256xf32>
    %reduce_sum3A_136 = vector.multi_reduction <add>, %exp3A_134, %reduce_sum3A_135 [1] : vector<256x2048xf32> to vector<256xf32>
    %broadcast_in_dim3A_137 = vector.shape_cast %reduce_sum3A_136 : vector<256xf32> to vector<256x1xf32>
    %get3A_138 = arith.constant 0 : index
    %get3A_139 = arith.constant 128 : index
    %get3A_140 = vector.load %arg3[%get3A_138, %get3A_139] : memref<2048x512xf32, #tpu.memory_space<vmem>>, vector<2048x64xf32>
    %dot_general3A_141 = arith.constant dense<0.000000e+00> : vector<256x64xf32>
    %dot_general3A_142 = tpu.matmul %exp3A_134, %get3A_140, %dot_general3A_141 {dimension_numbers = #tpu.dot_dimension_numbers<[1], [0], [0], [1], [0, 0, 1, 1], [], []>, transpose_lhs_hint = false} : vector<256x2048xf32>, vector<2048x64xf32>, vector<256x64xf32> -> vector<256x64xf32>
    %div3A_143 = vector.broadcast %broadcast_in_dim3A_137 : vector<256x1xf32> to vector<256x64xf32>
    %div3A_144 = arith.divf %dot_general3A_142, %div3A_143 : vector<256x64xf32>
    %get3A_145 = arith.constant 0 : index
    %get3A_146 = arith.constant 320 : index
    %get3A_147 = vector.load %arg1[%get3A_145, %get3A_146] : memref<256x1024xf32, #tpu.memory_space<vmem>>, vector<256x64xf32>
    %mul3A_148 = arith.constant 1.250000e-01 : f32
    %mul3A_149 = vector.broadcast %mul3A_148 : f32 to vector<256x64xf32>
    %mul3A_150 = arith.mulf %get3A_147, %mul3A_149 : vector<256x64xf32>
    %get3A_151 = arith.constant 0 : index
    %get3A_152 = arith.constant 128 : index
    %get3A_153 = vector.load %arg2[%get3A_151, %get3A_152] : memref<2048x512xf32, #tpu.memory_space<vmem>>, vector<2048x64xf32>
    %dot_general3A_154 = arith.constant dense<0.000000e+00> : vector<256x2048xf32>
    %dot_general3A_155 = tpu.matmul %mul3A_150, %get3A_153, %dot_general3A_154 {dimension_numbers = #tpu.dot_dimension_numbers<[1], [1], [0], [0], [0, 0, 1, 0], [], []>, transpose_lhs_hint = false} : vector<256x64xf32>, vector<2048x64xf32>, vector<256x2048xf32> -> vector<256x2048xf32>
    %jit3A_156 = arith.constant -1.000000e+30 : f32
    %broadcast_in_dim3A_157 = vector.broadcast %jit3A_156 : f32 to vector<256x2048xf32>
    %select_n3A_158 = arith.select %le3A, %dot_general3A_155, %broadcast_in_dim3A_157 : vector<256x2048xi1>, vector<256x2048xf32>
    %reduce_max3A_159 = arith.constant dense<0xFF800000> : vector<256xf32>
    %reduce_max3A_160 = vector.multi_reduction <maximumf>, %select_n3A_158, %reduce_max3A_159 [1] : vector<256x2048xf32> to vector<256xf32>
    %broadcast_in_dim3A_161 = vector.shape_cast %reduce_max3A_160 : vector<256xf32> to vector<256x1xf32>
    %sub3A_162 = vector.broadcast %broadcast_in_dim3A_161 : vector<256x1xf32> to vector<256x2048xf32>
    %sub3A_163 = arith.subf %select_n3A_158, %sub3A_162 : vector<256x2048xf32>
    %exp3A_164 = math.exp %sub3A_163 : vector<256x2048xf32>
    %reduce_sum3A_165 = arith.constant dense<0.000000e+00> : vector<256xf32>
    %reduce_sum3A_166 = vector.multi_reduction <add>, %exp3A_164, %reduce_sum3A_165 [1] : vector<256x2048xf32> to vector<256xf32>
    %broadcast_in_dim3A_167 = vector.shape_cast %reduce_sum3A_166 : vector<256xf32> to vector<256x1xf32>
    %get3A_168 = arith.constant 0 : index
    %get3A_169 = arith.constant 128 : index
    %get3A_170 = vector.load %arg3[%get3A_168, %get3A_169] : memref<2048x512xf32, #tpu.memory_space<vmem>>, vector<2048x64xf32>
    %dot_general3A_171 = arith.constant dense<0.000000e+00> : vector<256x64xf32>
    %dot_general3A_172 = tpu.matmul %exp3A_164, %get3A_170, %dot_general3A_171 {dimension_numbers = #tpu.dot_dimension_numbers<[1], [0], [0], [1], [0, 0, 1, 1], [], []>, transpose_lhs_hint = false} : vector<256x2048xf32>, vector<2048x64xf32>, vector<256x64xf32> -> vector<256x64xf32>
    %div3A_173 = vector.broadcast %broadcast_in_dim3A_167 : vector<256x1xf32> to vector<256x64xf32>
    %div3A_174 = arith.divf %dot_general3A_172, %div3A_173 : vector<256x64xf32>
    %get3A_175 = arith.constant 0 : index
    %get3A_176 = arith.constant 384 : index
    %get3A_177 = vector.load %arg1[%get3A_175, %get3A_176] : memref<256x1024xf32, #tpu.memory_space<vmem>>, vector<256x64xf32>
    %mul3A_178 = arith.constant 1.250000e-01 : f32
    %mul3A_179 = vector.broadcast %mul3A_178 : f32 to vector<256x64xf32>
    %mul3A_180 = arith.mulf %get3A_177, %mul3A_179 : vector<256x64xf32>
    %get3A_181 = arith.constant 0 : index
    %get3A_182 = arith.constant 192 : index
    %get3A_183 = vector.load %arg2[%get3A_181, %get3A_182] : memref<2048x512xf32, #tpu.memory_space<vmem>>, vector<2048x64xf32>
    %dot_general3A_184 = arith.constant dense<0.000000e+00> : vector<256x2048xf32>
    %dot_general3A_185 = tpu.matmul %mul3A_180, %get3A_183, %dot_general3A_184 {dimension_numbers = #tpu.dot_dimension_numbers<[1], [1], [0], [0], [0, 0, 1, 0], [], []>, transpose_lhs_hint = false} : vector<256x64xf32>, vector<2048x64xf32>, vector<256x2048xf32> -> vector<256x2048xf32>
    %jit3A_186 = arith.constant -1.000000e+30 : f32
    %broadcast_in_dim3A_187 = vector.broadcast %jit3A_186 : f32 to vector<256x2048xf32>
    %select_n3A_188 = arith.select %le3A, %dot_general3A_185, %broadcast_in_dim3A_187 : vector<256x2048xi1>, vector<256x2048xf32>
    %reduce_max3A_189 = arith.constant dense<0xFF800000> : vector<256xf32>
    %reduce_max3A_190 = vector.multi_reduction <maximumf>, %select_n3A_188, %reduce_max3A_189 [1] : vector<256x2048xf32> to vector<256xf32>
    %broadcast_in_dim3A_191 = vector.shape_cast %reduce_max3A_190 : vector<256xf32> to vector<256x1xf32>
    %sub3A_192 = vector.broadcast %broadcast_in_dim3A_191 : vector<256x1xf32> to vector<256x2048xf32>
    %sub3A_193 = arith.subf %select_n3A_188, %sub3A_192 : vector<256x2048xf32>
    %exp3A_194 = math.exp %sub3A_193 : vector<256x2048xf32>
    %reduce_sum3A_195 = arith.constant dense<0.000000e+00> : vector<256xf32>
    %reduce_sum3A_196 = vector.multi_reduction <add>, %exp3A_194, %reduce_sum3A_195 [1] : vector<256x2048xf32> to vector<256xf32>
    %broadcast_in_dim3A_197 = vector.shape_cast %reduce_sum3A_196 : vector<256xf32> to vector<256x1xf32>
    %get3A_198 = arith.constant 0 : index
    %get3A_199 = arith.constant 192 : index
    %get3A_200 = vector.load %arg3[%get3A_198, %get3A_199] : memref<2048x512xf32, #tpu.memory_space<vmem>>, vector<2048x64xf32>
    %dot_general3A_201 = arith.constant dense<0.000000e+00> : vector<256x64xf32>
    %dot_general3A_202 = tpu.matmul %exp3A_194, %get3A_200, %dot_general3A_201 {dimension_numbers = #tpu.dot_dimension_numbers<[1], [0], [0], [1], [0, 0, 1, 1], [], []>, transpose_lhs_hint = false} : vector<256x2048xf32>, vector<2048x64xf32>, vector<256x64xf32> -> vector<256x64xf32>
    %div3A_203 = vector.broadcast %broadcast_in_dim3A_197 : vector<256x1xf32> to vector<256x64xf32>
    %div3A_204 = arith.divf %dot_general3A_202, %div3A_203 : vector<256x64xf32>
    %get3A_205 = arith.constant 0 : index
    %get3A_206 = arith.constant 448 : index
    %get3A_207 = vector.load %arg1[%get3A_205, %get3A_206] : memref<256x1024xf32, #tpu.memory_space<vmem>>, vector<256x64xf32>
    %mul3A_208 = arith.constant 1.250000e-01 : f32
    %mul3A_209 = vector.broadcast %mul3A_208 : f32 to vector<256x64xf32>
    %mul3A_210 = arith.mulf %get3A_207, %mul3A_209 : vector<256x64xf32>
    %get3A_211 = arith.constant 0 : index
    %get3A_212 = arith.constant 192 : index
    %get3A_213 = vector.load %arg2[%get3A_211, %get3A_212] : memref<2048x512xf32, #tpu.memory_space<vmem>>, vector<2048x64xf32>
    %dot_general3A_214 = arith.constant dense<0.000000e+00> : vector<256x2048xf32>
    %dot_general3A_215 = tpu.matmul %mul3A_210, %get3A_213, %dot_general3A_214 {dimension_numbers = #tpu.dot_dimension_numbers<[1], [1], [0], [0], [0, 0, 1, 0], [], []>, transpose_lhs_hint = false} : vector<256x64xf32>, vector<2048x64xf32>, vector<256x2048xf32> -> vector<256x2048xf32>
    %jit3A_216 = arith.constant -1.000000e+30 : f32
    %broadcast_in_dim3A_217 = vector.broadcast %jit3A_216 : f32 to vector<256x2048xf32>
    %select_n3A_218 = arith.select %le3A, %dot_general3A_215, %broadcast_in_dim3A_217 : vector<256x2048xi1>, vector<256x2048xf32>
    %reduce_max3A_219 = arith.constant dense<0xFF800000> : vector<256xf32>
    %reduce_max3A_220 = vector.multi_reduction <maximumf>, %select_n3A_218, %reduce_max3A_219 [1] : vector<256x2048xf32> to vector<256xf32>
    %broadcast_in_dim3A_221 = vector.shape_cast %reduce_max3A_220 : vector<256xf32> to vector<256x1xf32>
    %sub3A_222 = vector.broadcast %broadcast_in_dim3A_221 : vector<256x1xf32> to vector<256x2048xf32>
    %sub3A_223 = arith.subf %select_n3A_218, %sub3A_222 : vector<256x2048xf32>
    %exp3A_224 = math.exp %sub3A_223 : vector<256x2048xf32>
    %reduce_sum3A_225 = arith.constant dense<0.000000e+00> : vector<256xf32>
    %reduce_sum3A_226 = vector.multi_reduction <add>, %exp3A_224, %reduce_sum3A_225 [1] : vector<256x2048xf32> to vector<256xf32>
    %broadcast_in_dim3A_227 = vector.shape_cast %reduce_sum3A_226 : vector<256xf32> to vector<256x1xf32>
    %get3A_228 = arith.constant 0 : index
    %get3A_229 = arith.constant 192 : index
    %get3A_230 = vector.load %arg3[%get3A_228, %get3A_229] : memref<2048x512xf32, #tpu.memory_space<vmem>>, vector<2048x64xf32>
    %dot_general3A_231 = arith.constant dense<0.000000e+00> : vector<256x64xf32>
    %dot_general3A_232 = tpu.matmul %exp3A_224, %get3A_230, %dot_general3A_231 {dimension_numbers = #tpu.dot_dimension_numbers<[1], [0], [0], [1], [0, 0, 1, 1], [], []>, transpose_lhs_hint = false} : vector<256x2048xf32>, vector<2048x64xf32>, vector<256x64xf32> -> vector<256x64xf32>
    %div3A_233 = vector.broadcast %broadcast_in_dim3A_227 : vector<256x1xf32> to vector<256x64xf32>
    %div3A_234 = arith.divf %dot_general3A_232, %div3A_233 : vector<256x64xf32>
    %get3A_235 = arith.constant 0 : index
    %get3A_236 = arith.constant 512 : index
    %get3A_237 = vector.load %arg1[%get3A_235, %get3A_236] : memref<256x1024xf32, #tpu.memory_space<vmem>>, vector<256x64xf32>
    %mul3A_238 = arith.constant 1.250000e-01 : f32
    %mul3A_239 = vector.broadcast %mul3A_238 : f32 to vector<256x64xf32>
    %mul3A_240 = arith.mulf %get3A_237, %mul3A_239 : vector<256x64xf32>
    %get3A_241 = arith.constant 0 : index
    %get3A_242 = arith.constant 256 : index
    %get3A_243 = vector.load %arg2[%get3A_241, %get3A_242] : memref<2048x512xf32, #tpu.memory_space<vmem>>, vector<2048x64xf32>
    %dot_general3A_244 = arith.constant dense<0.000000e+00> : vector<256x2048xf32>
    %dot_general3A_245 = tpu.matmul %mul3A_240, %get3A_243, %dot_general3A_244 {dimension_numbers = #tpu.dot_dimension_numbers<[1], [1], [0], [0], [0, 0, 1, 0], [], []>, transpose_lhs_hint = false} : vector<256x64xf32>, vector<2048x64xf32>, vector<256x2048xf32> -> vector<256x2048xf32>
    %jit3A_246 = arith.constant -1.000000e+30 : f32
    %broadcast_in_dim3A_247 = vector.broadcast %jit3A_246 : f32 to vector<256x2048xf32>
    %select_n3A_248 = arith.select %le3A, %dot_general3A_245, %broadcast_in_dim3A_247 : vector<256x2048xi1>, vector<256x2048xf32>
    %reduce_max3A_249 = arith.constant dense<0xFF800000> : vector<256xf32>
    %reduce_max3A_250 = vector.multi_reduction <maximumf>, %select_n3A_248, %reduce_max3A_249 [1] : vector<256x2048xf32> to vector<256xf32>
    %broadcast_in_dim3A_251 = vector.shape_cast %reduce_max3A_250 : vector<256xf32> to vector<256x1xf32>
    %sub3A_252 = vector.broadcast %broadcast_in_dim3A_251 : vector<256x1xf32> to vector<256x2048xf32>
    %sub3A_253 = arith.subf %select_n3A_248, %sub3A_252 : vector<256x2048xf32>
    %exp3A_254 = math.exp %sub3A_253 : vector<256x2048xf32>
    %reduce_sum3A_255 = arith.constant dense<0.000000e+00> : vector<256xf32>
    %reduce_sum3A_256 = vector.multi_reduction <add>, %exp3A_254, %reduce_sum3A_255 [1] : vector<256x2048xf32> to vector<256xf32>
    %broadcast_in_dim3A_257 = vector.shape_cast %reduce_sum3A_256 : vector<256xf32> to vector<256x1xf32>
    %get3A_258 = arith.constant 0 : index
    %get3A_259 = arith.constant 256 : index
    %get3A_260 = vector.load %arg3[%get3A_258, %get3A_259] : memref<2048x512xf32, #tpu.memory_space<vmem>>, vector<2048x64xf32>
    %dot_general3A_261 = arith.constant dense<0.000000e+00> : vector<256x64xf32>
    %dot_general3A_262 = tpu.matmul %exp3A_254, %get3A_260, %dot_general3A_261 {dimension_numbers = #tpu.dot_dimension_numbers<[1], [0], [0], [1], [0, 0, 1, 1], [], []>, transpose_lhs_hint = false} : vector<256x2048xf32>, vector<2048x64xf32>, vector<256x64xf32> -> vector<256x64xf32>
    %div3A_263 = vector.broadcast %broadcast_in_dim3A_257 : vector<256x1xf32> to vector<256x64xf32>
    %div3A_264 = arith.divf %dot_general3A_262, %div3A_263 : vector<256x64xf32>
    %get3A_265 = arith.constant 0 : index
    %get3A_266 = arith.constant 576 : index
    %get3A_267 = vector.load %arg1[%get3A_265, %get3A_266] : memref<256x1024xf32, #tpu.memory_space<vmem>>, vector<256x64xf32>
    %mul3A_268 = arith.constant 1.250000e-01 : f32
    %mul3A_269 = vector.broadcast %mul3A_268 : f32 to vector<256x64xf32>
    %mul3A_270 = arith.mulf %get3A_267, %mul3A_269 : vector<256x64xf32>
    %get3A_271 = arith.constant 0 : index
    %get3A_272 = arith.constant 256 : index
    %get3A_273 = vector.load %arg2[%get3A_271, %get3A_272] : memref<2048x512xf32, #tpu.memory_space<vmem>>, vector<2048x64xf32>
    %dot_general3A_274 = arith.constant dense<0.000000e+00> : vector<256x2048xf32>
    %dot_general3A_275 = tpu.matmul %mul3A_270, %get3A_273, %dot_general3A_274 {dimension_numbers = #tpu.dot_dimension_numbers<[1], [1], [0], [0], [0, 0, 1, 0], [], []>, transpose_lhs_hint = false} : vector<256x64xf32>, vector<2048x64xf32>, vector<256x2048xf32> -> vector<256x2048xf32>
    %jit3A_276 = arith.constant -1.000000e+30 : f32
    %broadcast_in_dim3A_277 = vector.broadcast %jit3A_276 : f32 to vector<256x2048xf32>
    %select_n3A_278 = arith.select %le3A, %dot_general3A_275, %broadcast_in_dim3A_277 : vector<256x2048xi1>, vector<256x2048xf32>
    %reduce_max3A_279 = arith.constant dense<0xFF800000> : vector<256xf32>
    %reduce_max3A_280 = vector.multi_reduction <maximumf>, %select_n3A_278, %reduce_max3A_279 [1] : vector<256x2048xf32> to vector<256xf32>
    %broadcast_in_dim3A_281 = vector.shape_cast %reduce_max3A_280 : vector<256xf32> to vector<256x1xf32>
    %sub3A_282 = vector.broadcast %broadcast_in_dim3A_281 : vector<256x1xf32> to vector<256x2048xf32>
    %sub3A_283 = arith.subf %select_n3A_278, %sub3A_282 : vector<256x2048xf32>
    %exp3A_284 = math.exp %sub3A_283 : vector<256x2048xf32>
    %reduce_sum3A_285 = arith.constant dense<0.000000e+00> : vector<256xf32>
    %reduce_sum3A_286 = vector.multi_reduction <add>, %exp3A_284, %reduce_sum3A_285 [1] : vector<256x2048xf32> to vector<256xf32>
    %broadcast_in_dim3A_287 = vector.shape_cast %reduce_sum3A_286 : vector<256xf32> to vector<256x1xf32>
    %get3A_288 = arith.constant 0 : index
    %get3A_289 = arith.constant 256 : index
    %get3A_290 = vector.load %arg3[%get3A_288, %get3A_289] : memref<2048x512xf32, #tpu.memory_space<vmem>>, vector<2048x64xf32>
    %dot_general3A_291 = arith.constant dense<0.000000e+00> : vector<256x64xf32>
    %dot_general3A_292 = tpu.matmul %exp3A_284, %get3A_290, %dot_general3A_291 {dimension_numbers = #tpu.dot_dimension_numbers<[1], [0], [0], [1], [0, 0, 1, 1], [], []>, transpose_lhs_hint = false} : vector<256x2048xf32>, vector<2048x64xf32>, vector<256x64xf32> -> vector<256x64xf32>
    %div3A_293 = vector.broadcast %broadcast_in_dim3A_287 : vector<256x1xf32> to vector<256x64xf32>
    %div3A_294 = arith.divf %dot_general3A_292, %div3A_293 : vector<256x64xf32>
    %get3A_295 = arith.constant 0 : index
    %get3A_296 = arith.constant 640 : index
    %get3A_297 = vector.load %arg1[%get3A_295, %get3A_296] : memref<256x1024xf32, #tpu.memory_space<vmem>>, vector<256x64xf32>
    %mul3A_298 = arith.constant 1.250000e-01 : f32
    %mul3A_299 = vector.broadcast %mul3A_298 : f32 to vector<256x64xf32>
    %mul3A_300 = arith.mulf %get3A_297, %mul3A_299 : vector<256x64xf32>
    %get3A_301 = arith.constant 0 : index
    %get3A_302 = arith.constant 320 : index
    %get3A_303 = vector.load %arg2[%get3A_301, %get3A_302] : memref<2048x512xf32, #tpu.memory_space<vmem>>, vector<2048x64xf32>
    %dot_general3A_304 = arith.constant dense<0.000000e+00> : vector<256x2048xf32>
    %dot_general3A_305 = tpu.matmul %mul3A_300, %get3A_303, %dot_general3A_304 {dimension_numbers = #tpu.dot_dimension_numbers<[1], [1], [0], [0], [0, 0, 1, 0], [], []>, transpose_lhs_hint = false} : vector<256x64xf32>, vector<2048x64xf32>, vector<256x2048xf32> -> vector<256x2048xf32>
    %jit3A_306 = arith.constant -1.000000e+30 : f32
    %broadcast_in_dim3A_307 = vector.broadcast %jit3A_306 : f32 to vector<256x2048xf32>
    %select_n3A_308 = arith.select %le3A, %dot_general3A_305, %broadcast_in_dim3A_307 : vector<256x2048xi1>, vector<256x2048xf32>
    %reduce_max3A_309 = arith.constant dense<0xFF800000> : vector<256xf32>
    %reduce_max3A_310 = vector.multi_reduction <maximumf>, %select_n3A_308, %reduce_max3A_309 [1] : vector<256x2048xf32> to vector<256xf32>
    %broadcast_in_dim3A_311 = vector.shape_cast %reduce_max3A_310 : vector<256xf32> to vector<256x1xf32>
    %sub3A_312 = vector.broadcast %broadcast_in_dim3A_311 : vector<256x1xf32> to vector<256x2048xf32>
    %sub3A_313 = arith.subf %select_n3A_308, %sub3A_312 : vector<256x2048xf32>
    %exp3A_314 = math.exp %sub3A_313 : vector<256x2048xf32>
    %reduce_sum3A_315 = arith.constant dense<0.000000e+00> : vector<256xf32>
    %reduce_sum3A_316 = vector.multi_reduction <add>, %exp3A_314, %reduce_sum3A_315 [1] : vector<256x2048xf32> to vector<256xf32>
    %broadcast_in_dim3A_317 = vector.shape_cast %reduce_sum3A_316 : vector<256xf32> to vector<256x1xf32>
    %get3A_318 = arith.constant 0 : index
    %get3A_319 = arith.constant 320 : index
    %get3A_320 = vector.load %arg3[%get3A_318, %get3A_319] : memref<2048x512xf32, #tpu.memory_space<vmem>>, vector<2048x64xf32>
    %dot_general3A_321 = arith.constant dense<0.000000e+00> : vector<256x64xf32>
    %dot_general3A_322 = tpu.matmul %exp3A_314, %get3A_320, %dot_general3A_321 {dimension_numbers = #tpu.dot_dimension_numbers<[1], [0], [0], [1], [0, 0, 1, 1], [], []>, transpose_lhs_hint = false} : vector<256x2048xf32>, vector<2048x64xf32>, vector<256x64xf32> -> vector<256x64xf32>
    %div3A_323 = vector.broadcast %broadcast_in_dim3A_317 : vector<256x1xf32> to vector<256x64xf32>
    %div3A_324 = arith.divf %dot_general3A_322, %div3A_323 : vector<256x64xf32>
    %get3A_325 = arith.constant 0 : index
    %get3A_326 = arith.constant 704 : index
    %get3A_327 = vector.load %arg1[%get3A_325, %get3A_326] : memref<256x1024xf32, #tpu.memory_space<vmem>>, vector<256x64xf32>
    %mul3A_328 = arith.constant 1.250000e-01 : f32
    %mul3A_329 = vector.broadcast %mul3A_328 : f32 to vector<256x64xf32>
    %mul3A_330 = arith.mulf %get3A_327, %mul3A_329 : vector<256x64xf32>
    %get3A_331 = arith.constant 0 : index
    %get3A_332 = arith.constant 320 : index
    %get3A_333 = vector.load %arg2[%get3A_331, %get3A_332] : memref<2048x512xf32, #tpu.memory_space<vmem>>, vector<2048x64xf32>
    %dot_general3A_334 = arith.constant dense<0.000000e+00> : vector<256x2048xf32>
    %dot_general3A_335 = tpu.matmul %mul3A_330, %get3A_333, %dot_general3A_334 {dimension_numbers = #tpu.dot_dimension_numbers<[1], [1], [0], [0], [0, 0, 1, 0], [], []>, transpose_lhs_hint = false} : vector<256x64xf32>, vector<2048x64xf32>, vector<256x2048xf32> -> vector<256x2048xf32>
    %jit3A_336 = arith.constant -1.000000e+30 : f32
    %broadcast_in_dim3A_337 = vector.broadcast %jit3A_336 : f32 to vector<256x2048xf32>
    %select_n3A_338 = arith.select %le3A, %dot_general3A_335, %broadcast_in_dim3A_337 : vector<256x2048xi1>, vector<256x2048xf32>
    %reduce_max3A_339 = arith.constant dense<0xFF800000> : vector<256xf32>
    %reduce_max3A_340 = vector.multi_reduction <maximumf>, %select_n3A_338, %reduce_max3A_339 [1] : vector<256x2048xf32> to vector<256xf32>
    %broadcast_in_dim3A_341 = vector.shape_cast %reduce_max3A_340 : vector<256xf32> to vector<256x1xf32>
    %sub3A_342 = vector.broadcast %broadcast_in_dim3A_341 : vector<256x1xf32> to vector<256x2048xf32>
    %sub3A_343 = arith.subf %select_n3A_338, %sub3A_342 : vector<256x2048xf32>
    %exp3A_344 = math.exp %sub3A_343 : vector<256x2048xf32>
    %reduce_sum3A_345 = arith.constant dense<0.000000e+00> : vector<256xf32>
    %reduce_sum3A_346 = vector.multi_reduction <add>, %exp3A_344, %reduce_sum3A_345 [1] : vector<256x2048xf32> to vector<256xf32>
    %broadcast_in_dim3A_347 = vector.shape_cast %reduce_sum3A_346 : vector<256xf32> to vector<256x1xf32>
    %get3A_348 = arith.constant 0 : index
    %get3A_349 = arith.constant 320 : index
    %get3A_350 = vector.load %arg3[%get3A_348, %get3A_349] : memref<2048x512xf32, #tpu.memory_space<vmem>>, vector<2048x64xf32>
    %dot_general3A_351 = arith.constant dense<0.000000e+00> : vector<256x64xf32>
    %dot_general3A_352 = tpu.matmul %exp3A_344, %get3A_350, %dot_general3A_351 {dimension_numbers = #tpu.dot_dimension_numbers<[1], [0], [0], [1], [0, 0, 1, 1], [], []>, transpose_lhs_hint = false} : vector<256x2048xf32>, vector<2048x64xf32>, vector<256x64xf32> -> vector<256x64xf32>
    %div3A_353 = vector.broadcast %broadcast_in_dim3A_347 : vector<256x1xf32> to vector<256x64xf32>
    %div3A_354 = arith.divf %dot_general3A_352, %div3A_353 : vector<256x64xf32>
    %get3A_355 = arith.constant 0 : index
    %get3A_356 = arith.constant 768 : index
    %get3A_357 = vector.load %arg1[%get3A_355, %get3A_356] : memref<256x1024xf32, #tpu.memory_space<vmem>>, vector<256x64xf32>
    %mul3A_358 = arith.constant 1.250000e-01 : f32
    %mul3A_359 = vector.broadcast %mul3A_358 : f32 to vector<256x64xf32>
    %mul3A_360 = arith.mulf %get3A_357, %mul3A_359 : vector<256x64xf32>
    %get3A_361 = arith.constant 0 : index
    %get3A_362 = arith.constant 384 : index
    %get3A_363 = vector.load %arg2[%get3A_361, %get3A_362] : memref<2048x512xf32, #tpu.memory_space<vmem>>, vector<2048x64xf32>
    %dot_general3A_364 = arith.constant dense<0.000000e+00> : vector<256x2048xf32>
    %dot_general3A_365 = tpu.matmul %mul3A_360, %get3A_363, %dot_general3A_364 {dimension_numbers = #tpu.dot_dimension_numbers<[1], [1], [0], [0], [0, 0, 1, 0], [], []>, transpose_lhs_hint = false} : vector<256x64xf32>, vector<2048x64xf32>, vector<256x2048xf32> -> vector<256x2048xf32>
    %jit3A_366 = arith.constant -1.000000e+30 : f32
    %broadcast_in_dim3A_367 = vector.broadcast %jit3A_366 : f32 to vector<256x2048xf32>
    %select_n3A_368 = arith.select %le3A, %dot_general3A_365, %broadcast_in_dim3A_367 : vector<256x2048xi1>, vector<256x2048xf32>
    %reduce_max3A_369 = arith.constant dense<0xFF800000> : vector<256xf32>
    %reduce_max3A_370 = vector.multi_reduction <maximumf>, %select_n3A_368, %reduce_max3A_369 [1] : vector<256x2048xf32> to vector<256xf32>
    %broadcast_in_dim3A_371 = vector.shape_cast %reduce_max3A_370 : vector<256xf32> to vector<256x1xf32>
    %sub3A_372 = vector.broadcast %broadcast_in_dim3A_371 : vector<256x1xf32> to vector<256x2048xf32>
    %sub3A_373 = arith.subf %select_n3A_368, %sub3A_372 : vector<256x2048xf32>
    %exp3A_374 = math.exp %sub3A_373 : vector<256x2048xf32>
    %reduce_sum3A_375 = arith.constant dense<0.000000e+00> : vector<256xf32>
    %reduce_sum3A_376 = vector.multi_reduction <add>, %exp3A_374, %reduce_sum3A_375 [1] : vector<256x2048xf32> to vector<256xf32>
    %broadcast_in_dim3A_377 = vector.shape_cast %reduce_sum3A_376 : vector<256xf32> to vector<256x1xf32>
    %get3A_378 = arith.constant 0 : index
    %get3A_379 = arith.constant 384 : index
    %get3A_380 = vector.load %arg3[%get3A_378, %get3A_379] : memref<2048x512xf32, #tpu.memory_space<vmem>>, vector<2048x64xf32>
    %dot_general3A_381 = arith.constant dense<0.000000e+00> : vector<256x64xf32>
    %dot_general3A_382 = tpu.matmul %exp3A_374, %get3A_380, %dot_general3A_381 {dimension_numbers = #tpu.dot_dimension_numbers<[1], [0], [0], [1], [0, 0, 1, 1], [], []>, transpose_lhs_hint = false} : vector<256x2048xf32>, vector<2048x64xf32>, vector<256x64xf32> -> vector<256x64xf32>
    %div3A_383 = vector.broadcast %broadcast_in_dim3A_377 : vector<256x1xf32> to vector<256x64xf32>
    %div3A_384 = arith.divf %dot_general3A_382, %div3A_383 : vector<256x64xf32>
    %get3A_385 = arith.constant 0 : index
    %get3A_386 = arith.constant 832 : index
    %get3A_387 = vector.load %arg1[%get3A_385, %get3A_386] : memref<256x1024xf32, #tpu.memory_space<vmem>>, vector<256x64xf32>
    %mul3A_388 = arith.constant 1.250000e-01 : f32
    %mul3A_389 = vector.broadcast %mul3A_388 : f32 to vector<256x64xf32>
    %mul3A_390 = arith.mulf %get3A_387, %mul3A_389 : vector<256x64xf32>
    %get3A_391 = arith.constant 0 : index
    %get3A_392 = arith.constant 384 : index
    %get3A_393 = vector.load %arg2[%get3A_391, %get3A_392] : memref<2048x512xf32, #tpu.memory_space<vmem>>, vector<2048x64xf32>
    %dot_general3A_394 = arith.constant dense<0.000000e+00> : vector<256x2048xf32>
    %dot_general3A_395 = tpu.matmul %mul3A_390, %get3A_393, %dot_general3A_394 {dimension_numbers = #tpu.dot_dimension_numbers<[1], [1], [0], [0], [0, 0, 1, 0], [], []>, transpose_lhs_hint = false} : vector<256x64xf32>, vector<2048x64xf32>, vector<256x2048xf32> -> vector<256x2048xf32>
    %jit3A_396 = arith.constant -1.000000e+30 : f32
    %broadcast_in_dim3A_397 = vector.broadcast %jit3A_396 : f32 to vector<256x2048xf32>
    %select_n3A_398 = arith.select %le3A, %dot_general3A_395, %broadcast_in_dim3A_397 : vector<256x2048xi1>, vector<256x2048xf32>
    %reduce_max3A_399 = arith.constant dense<0xFF800000> : vector<256xf32>
    %reduce_max3A_400 = vector.multi_reduction <maximumf>, %select_n3A_398, %reduce_max3A_399 [1] : vector<256x2048xf32> to vector<256xf32>
    %broadcast_in_dim3A_401 = vector.shape_cast %reduce_max3A_400 : vector<256xf32> to vector<256x1xf32>
    %sub3A_402 = vector.broadcast %broadcast_in_dim3A_401 : vector<256x1xf32> to vector<256x2048xf32>
    %sub3A_403 = arith.subf %select_n3A_398, %sub3A_402 : vector<256x2048xf32>
    %exp3A_404 = math.exp %sub3A_403 : vector<256x2048xf32>
    %reduce_sum3A_405 = arith.constant dense<0.000000e+00> : vector<256xf32>
    %reduce_sum3A_406 = vector.multi_reduction <add>, %exp3A_404, %reduce_sum3A_405 [1] : vector<256x2048xf32> to vector<256xf32>
    %broadcast_in_dim3A_407 = vector.shape_cast %reduce_sum3A_406 : vector<256xf32> to vector<256x1xf32>
    %get3A_408 = arith.constant 0 : index
    %get3A_409 = arith.constant 384 : index
    %get3A_410 = vector.load %arg3[%get3A_408, %get3A_409] : memref<2048x512xf32, #tpu.memory_space<vmem>>, vector<2048x64xf32>
    %dot_general3A_411 = arith.constant dense<0.000000e+00> : vector<256x64xf32>
    %dot_general3A_412 = tpu.matmul %exp3A_404, %get3A_410, %dot_general3A_411 {dimension_numbers = #tpu.dot_dimension_numbers<[1], [0], [0], [1], [0, 0, 1, 1], [], []>, transpose_lhs_hint = false} : vector<256x2048xf32>, vector<2048x64xf32>, vector<256x64xf32> -> vector<256x64xf32>
    %div3A_413 = vector.broadcast %broadcast_in_dim3A_407 : vector<256x1xf32> to vector<256x64xf32>
    %div3A_414 = arith.divf %dot_general3A_412, %div3A_413 : vector<256x64xf32>
    %get3A_415 = arith.constant 0 : index
    %get3A_416 = arith.constant 896 : index
    %get3A_417 = vector.load %arg1[%get3A_415, %get3A_416] : memref<256x1024xf32, #tpu.memory_space<vmem>>, vector<256x64xf32>
    %mul3A_418 = arith.constant 1.250000e-01 : f32
    %mul3A_419 = vector.broadcast %mul3A_418 : f32 to vector<256x64xf32>
    %mul3A_420 = arith.mulf %get3A_417, %mul3A_419 : vector<256x64xf32>
    %get3A_421 = arith.constant 0 : index
    %get3A_422 = arith.constant 448 : index
    %get3A_423 = vector.load %arg2[%get3A_421, %get3A_422] : memref<2048x512xf32, #tpu.memory_space<vmem>>, vector<2048x64xf32>
    %dot_general3A_424 = arith.constant dense<0.000000e+00> : vector<256x2048xf32>
    %dot_general3A_425 = tpu.matmul %mul3A_420, %get3A_423, %dot_general3A_424 {dimension_numbers = #tpu.dot_dimension_numbers<[1], [1], [0], [0], [0, 0, 1, 0], [], []>, transpose_lhs_hint = false} : vector<256x64xf32>, vector<2048x64xf32>, vector<256x2048xf32> -> vector<256x2048xf32>
    %jit3A_426 = arith.constant -1.000000e+30 : f32
    %broadcast_in_dim3A_427 = vector.broadcast %jit3A_426 : f32 to vector<256x2048xf32>
    %select_n3A_428 = arith.select %le3A, %dot_general3A_425, %broadcast_in_dim3A_427 : vector<256x2048xi1>, vector<256x2048xf32>
    %reduce_max3A_429 = arith.constant dense<0xFF800000> : vector<256xf32>
    %reduce_max3A_430 = vector.multi_reduction <maximumf>, %select_n3A_428, %reduce_max3A_429 [1] : vector<256x2048xf32> to vector<256xf32>
    %broadcast_in_dim3A_431 = vector.shape_cast %reduce_max3A_430 : vector<256xf32> to vector<256x1xf32>
    %sub3A_432 = vector.broadcast %broadcast_in_dim3A_431 : vector<256x1xf32> to vector<256x2048xf32>
    %sub3A_433 = arith.subf %select_n3A_428, %sub3A_432 : vector<256x2048xf32>
    %exp3A_434 = math.exp %sub3A_433 : vector<256x2048xf32>
    %reduce_sum3A_435 = arith.constant dense<0.000000e+00> : vector<256xf32>
    %reduce_sum3A_436 = vector.multi_reduction <add>, %exp3A_434, %reduce_sum3A_435 [1] : vector<256x2048xf32> to vector<256xf32>
    %broadcast_in_dim3A_437 = vector.shape_cast %reduce_sum3A_436 : vector<256xf32> to vector<256x1xf32>
    %get3A_438 = arith.constant 0 : index
    %get3A_439 = arith.constant 448 : index
    %get3A_440 = vector.load %arg3[%get3A_438, %get3A_439] : memref<2048x512xf32, #tpu.memory_space<vmem>>, vector<2048x64xf32>
    %dot_general3A_441 = arith.constant dense<0.000000e+00> : vector<256x64xf32>
    %dot_general3A_442 = tpu.matmul %exp3A_434, %get3A_440, %dot_general3A_441 {dimension_numbers = #tpu.dot_dimension_numbers<[1], [0], [0], [1], [0, 0, 1, 1], [], []>, transpose_lhs_hint = false} : vector<256x2048xf32>, vector<2048x64xf32>, vector<256x64xf32> -> vector<256x64xf32>
    %div3A_443 = vector.broadcast %broadcast_in_dim3A_437 : vector<256x1xf32> to vector<256x64xf32>
    %div3A_444 = arith.divf %dot_general3A_442, %div3A_443 : vector<256x64xf32>
    %get3A_445 = arith.constant 0 : index
    %get3A_446 = arith.constant 960 : index
    %get3A_447 = vector.load %arg1[%get3A_445, %get3A_446] : memref<256x1024xf32, #tpu.memory_space<vmem>>, vector<256x64xf32>
    %mul3A_448 = arith.constant 1.250000e-01 : f32
    %mul3A_449 = vector.broadcast %mul3A_448 : f32 to vector<256x64xf32>
    %mul3A_450 = arith.mulf %get3A_447, %mul3A_449 : vector<256x64xf32>
    %get3A_451 = arith.constant 0 : index
    %get3A_452 = arith.constant 448 : index
    %get3A_453 = vector.load %arg2[%get3A_451, %get3A_452] : memref<2048x512xf32, #tpu.memory_space<vmem>>, vector<2048x64xf32>
    %dot_general3A_454 = arith.constant dense<0.000000e+00> : vector<256x2048xf32>
    %dot_general3A_455 = tpu.matmul %mul3A_450, %get3A_453, %dot_general3A_454 {dimension_numbers = #tpu.dot_dimension_numbers<[1], [1], [0], [0], [0, 0, 1, 0], [], []>, transpose_lhs_hint = false} : vector<256x64xf32>, vector<2048x64xf32>, vector<256x2048xf32> -> vector<256x2048xf32>
    %jit3A_456 = arith.constant -1.000000e+30 : f32
    %broadcast_in_dim3A_457 = vector.broadcast %jit3A_456 : f32 to vector<256x2048xf32>
    %select_n3A_458 = arith.select %le3A, %dot_general3A_455, %broadcast_in_dim3A_457 : vector<256x2048xi1>, vector<256x2048xf32>
    %reduce_max3A_459 = arith.constant dense<0xFF800000> : vector<256xf32>
    %reduce_max3A_460 = vector.multi_reduction <maximumf>, %select_n3A_458, %reduce_max3A_459 [1] : vector<256x2048xf32> to vector<256xf32>
    %broadcast_in_dim3A_461 = vector.shape_cast %reduce_max3A_460 : vector<256xf32> to vector<256x1xf32>
    %sub3A_462 = vector.broadcast %broadcast_in_dim3A_461 : vector<256x1xf32> to vector<256x2048xf32>
    %sub3A_463 = arith.subf %select_n3A_458, %sub3A_462 : vector<256x2048xf32>
    %exp3A_464 = math.exp %sub3A_463 : vector<256x2048xf32>
    %reduce_sum3A_465 = arith.constant dense<0.000000e+00> : vector<256xf32>
    %reduce_sum3A_466 = vector.multi_reduction <add>, %exp3A_464, %reduce_sum3A_465 [1] : vector<256x2048xf32> to vector<256xf32>
    %broadcast_in_dim3A_467 = vector.shape_cast %reduce_sum3A_466 : vector<256xf32> to vector<256x1xf32>
    %get3A_468 = arith.constant 0 : index
    %get3A_469 = arith.constant 448 : index
    %get3A_470 = vector.load %arg3[%get3A_468, %get3A_469] : memref<2048x512xf32, #tpu.memory_space<vmem>>, vector<2048x64xf32>
    %dot_general3A_471 = arith.constant dense<0.000000e+00> : vector<256x64xf32>
    %dot_general3A_472 = tpu.matmul %exp3A_464, %get3A_470, %dot_general3A_471 {dimension_numbers = #tpu.dot_dimension_numbers<[1], [0], [0], [1], [0, 0, 1, 1], [], []>, transpose_lhs_hint = false} : vector<256x2048xf32>, vector<2048x64xf32>, vector<256x64xf32> -> vector<256x64xf32>
    %div3A_473 = vector.broadcast %broadcast_in_dim3A_467 : vector<256x1xf32> to vector<256x64xf32>
    %div3A_474 = arith.divf %dot_general3A_472, %div3A_473 : vector<256x64xf32>
    %concatenate3A = tpu.concatenate %div3A_24, %div3A_54, %div3A_84, %div3A_114, %div3A_144, %div3A_174, %div3A_204, %div3A_234, %div3A_264, %div3A_294, %div3A_324, %div3A_354, %div3A_384, %div3A_414, %div3A_444, %div3A_474 in 1 : vector<256x64xf32>, vector<256x64xf32>, vector<256x64xf32>, vector<256x64xf32>, vector<256x64xf32>, vector<256x64xf32>, vector<256x64xf32>, vector<256x64xf32>, vector<256x64xf32>, vector<256x64xf32>, vector<256x64xf32>, vector<256x64xf32>, vector<256x64xf32>, vector<256x64xf32>, vector<256x64xf32>, vector<256x64xf32> -> vector<256x1024xf32>
    %swap3A = arith.constant 0 : index
    %swap3A_475 = arith.constant 0 : index
    %swap3A_476 = vector.load %arg4[%swap3A, %swap3A_475] : memref<256x1024xf32, #tpu.memory_space<vmem>>, vector<256x1024xf32>
    tpu.vector_store %arg4[%swap3A, %swap3A_475], %concatenate3A {strides = array<i32>} : memref<256x1024xf32, #tpu.memory_space<vmem>>, vector<256x1024xf32>,
    return
  }
  func.func @transform_0(%arg0: i32) -> (i32, i32) {
    %add3A = arith.constant 6 : i32
    %add3A_0 = arith.addi %arg0, %add3A : i32
    %c0_i32 = arith.constant 0 : i32
    %c0_i32_1 = arith.constant 0 : i32
    return %add3A_0, %c0_i32 : i32, i32
  }
  func.func @transform_1(%arg0: i32) -> (i32, i32) {
    %c0_i32 = arith.constant 0 : i32
    %c0_i32_0 = arith.constant 0 : i32
    %c0_i32_1 = arith.constant 0 : i32
    return %c0_i32, %c0_i32_0 : i32, i32
  }
  func.func @transform_2(%arg0: i32) -> (i32, i32) {
    %c0_i32 = arith.constant 0 : i32
    %c0_i32_0 = arith.constant 0 : i32
    %c0_i32_1 = arith.constant 0 : i32
    return %c0_i32, %c0_i32_0 : i32, i32
  }
  func.func @transform_3(%arg0: i32) -> (i32, i32) {
    %c0_i32 = arith.constant 0 : i32
    %c0_i32_0 = arith.constant 0 : i32
    return %arg0, %c0_i32 : i32, i32
  }
}

module attributes {stable_mosaic.version = 14 : i64} {
  func.func @_oproj_body(%arg0: i32, %arg1: memref<256x1024xf32, #tpu.memory_space<vmem>>, %arg2: memref<256x1024xf32, #tpu.memory_space<vmem>>, %arg3: memref<256x1024xf32, #tpu.memory_space<vmem>>, %arg4: memref<256x1024xf32, #tpu.memory_space<vmem>>, %arg5: memref<256x1024xf32, #tpu.memory_space<vmem>>, %arg6: memref<1024x1024xf32, #tpu.memory_space<vmem>>, %arg7: memref<1x1024xf32, #tpu.memory_space<vmem>>, %arg8: memref<1024x8xf32, #tpu.memory_space<vmem>>, %arg9: memref<256x1024xf32, #tpu.memory_space<vmem>>, %arg10: memref<256x1024xf32, #tpu.memory_space<vmem>>, %arg11: memref<256x8xf32, #tpu.memory_space<vmem>>) attributes {dimension_semantics = [#tpu.dimension_semantics<arbitrary>], iteration_bounds = array<i64: 8>, scalar_prefetch = 0 : i64, scratch_operands = 0 : i64, tpu.core_type = #tpu.core_type<tc>, window_params = [{transform_indices = @transform_0, window_bounds = array<i64: 256, 1024>}, {transform_indices = @transform_1, window_bounds = array<i64: 256, 1024>}, {transform_indices = @transform_2, window_bounds = array<i64: 256, 1024>}, {transform_indices = @transform_3, window_bounds = array<i64: 256, 1024>}, {transform_indices = @transform_4, window_bounds = array<i64: 256, 1024>}, {pipeline_mode = #tpu.pipeline_mode<synchronous>, transform_indices = @transform_5, window_bounds = array<i64: 1024, 1024>}, {pipeline_mode = #tpu.pipeline_mode<synchronous>, transform_indices = @transform_6, window_bounds = array<i64: 1, 1024>}, {pipeline_mode = #tpu.pipeline_mode<synchronous>, transform_indices = @transform_7, window_bounds = array<i64: 1024, 8>}, {transform_indices = @transform_8, window_bounds = array<i64: 256, 1024>}, {transform_indices = @transform_9, window_bounds = array<i64: 256, 1024>}, {transform_indices = @transform_10, window_bounds = array<i64: 256, 8>}]} {
    %lt3A = arith.constant 2 : i32
    %lt3A_0 = arith.cmpi slt, %arg0, %lt3A : i32
    %get3A = arith.constant 0 : index
    %get3A_1 = arith.constant 0 : index
    %get3A_2 = vector.load %arg1[%get3A, %get3A_1] : memref<256x1024xf32, #tpu.memory_space<vmem>>, vector<256x1024xf32>
    %lt3A_3 = arith.constant 4 : i32
    %lt3A_4 = arith.cmpi slt, %arg0, %lt3A_3 : i32
    %get3A_5 = arith.constant 0 : index
    %get3A_6 = arith.constant 0 : index
    %get3A_7 = vector.load %arg2[%get3A_5, %get3A_6] : memref<256x1024xf32, #tpu.memory_space<vmem>>, vector<256x1024xf32>
    %lt3A_8 = arith.constant 6 : i32
    %lt3A_9 = arith.cmpi slt, %arg0, %lt3A_8 : i32
    %get3A_10 = arith.constant 0 : index
    %get3A_11 = arith.constant 0 : index
    %get3A_12 = vector.load %arg3[%get3A_10, %get3A_11] : memref<256x1024xf32, #tpu.memory_space<vmem>>, vector<256x1024xf32>
    %get3A_13 = arith.constant 0 : index
    %get3A_14 = arith.constant 0 : index
    %get3A_15 = vector.load %arg4[%get3A_13, %get3A_14] : memref<256x1024xf32, #tpu.memory_space<vmem>>, vector<256x1024xf32>
    %select_n3A = arith.select %lt3A_9, %get3A_12, %get3A_15 : vector<256x1024xf32>
    %select_n3A_16 = arith.select %lt3A_4, %get3A_7, %select_n3A : vector<256x1024xf32>
    %select_n3A_17 = arith.select %lt3A_0, %get3A_2, %select_n3A_16 : vector<256x1024xf32>
    %get3A_18 = arith.constant 0 : index
    %get3A_19 = arith.constant 0 : index
    %get3A_20 = vector.load %arg6[%get3A_18, %get3A_19] : memref<1024x1024xf32, #tpu.memory_space<vmem>>, vector<1024x1024xf32>
    %dot_general3A = arith.constant dense<0.000000e+00> : vector<256x1024xf32>
    %dot_general3A_21 = tpu.matmul %select_n3A_17, %get3A_20, %dot_general3A {dimension_numbers = #tpu.dot_dimension_numbers<[1], [0], [0], [1], [0, 0, 1, 1], [], []>, transpose_lhs_hint = false} : vector<256x1024xf32>, vector<1024x1024xf32>, vector<256x1024xf32> -> vector<256x1024xf32>
    %get3A_22 = arith.constant 0 : index
    %get3A_23 = arith.constant 0 : index
    %get3A_24 = vector.load %arg5[%get3A_22, %get3A_23] : memref<256x1024xf32, #tpu.memory_space<vmem>>, vector<256x1024xf32>
    %add3A = arith.addf %dot_general3A_21, %get3A_24 : vector<256x1024xf32>
    %swap3A = arith.constant 0 : index
    %swap3A_25 = arith.constant 0 : index
    %swap3A_26 = vector.load %arg9[%swap3A, %swap3A_25] : memref<256x1024xf32, #tpu.memory_space<vmem>>, vector<256x1024xf32>
    tpu.vector_store %arg9[%swap3A, %swap3A_25], %add3A {strides = array<i32>} : memref<256x1024xf32, #tpu.memory_space<vmem>>, vector<256x1024xf32>,
    %mul3A = arith.mulf %add3A, %add3A : vector<256x1024xf32>
    %reduce_sum3A = arith.constant dense<0.000000e+00> : vector<256xf32>
    %reduce_sum3A_27 = vector.multi_reduction <add>, %mul3A, %reduce_sum3A [1] : vector<256x1024xf32> to vector<256xf32>
    %broadcast_in_dim3A = vector.shape_cast %reduce_sum3A_27 : vector<256xf32> to vector<256x1xf32>
    %div3A = arith.constant 1.024000e+03 : f32
    %div3A_28 = vector.broadcast %div3A : f32 to vector<256x1xf32>
    %div3A_29 = arith.divf %broadcast_in_dim3A, %div3A_28 : vector<256x1xf32>
    %add3A_30 = arith.constant 9.99999997E-7 : f32
    %add3A_31 = vector.broadcast %add3A_30 : f32 to vector<256x1xf32>
    %add3A_32 = arith.addf %div3A_29, %add3A_31 : vector<256x1xf32>
    %rsqrt3A = math.rsqrt %add3A_32 : vector<256x1xf32>
    %mul3A_33 = vector.broadcast %rsqrt3A : vector<256x1xf32> to vector<256x1024xf32>
    %mul3A_34 = arith.mulf %add3A, %mul3A_33 : vector<256x1024xf32>
    %get3A_35 = arith.constant 0 : index
    %get3A_36 = arith.constant 0 : index
    %get3A_37 = vector.load %arg7[%get3A_35, %get3A_36] : memref<1x1024xf32, #tpu.memory_space<vmem>>, vector<1x1024xf32>
    %mul3A_38 = vector.broadcast %get3A_37 : vector<1x1024xf32> to vector<256x1024xf32>
    %mul3A_39 = arith.mulf %mul3A_34, %mul3A_38 : vector<256x1024xf32>
    %swap3A_40 = arith.constant 0 : index
    %swap3A_41 = arith.constant 0 : index
    %swap3A_42 = vector.load %arg10[%swap3A_40, %swap3A_41] : memref<256x1024xf32, #tpu.memory_space<vmem>>, vector<256x1024xf32>
    tpu.vector_store %arg10[%swap3A_40, %swap3A_41], %mul3A_39 {strides = array<i32>} : memref<256x1024xf32, #tpu.memory_space<vmem>>, vector<256x1024xf32>,
    %get3A_43 = arith.constant 0 : index
    %get3A_44 = arith.constant 0 : index
    %get3A_45 = vector.load %arg8[%get3A_43, %get3A_44] : memref<1024x8xf32, #tpu.memory_space<vmem>>, vector<1024x8xf32>
    %dot_general3A_46 = arith.constant dense<0.000000e+00> : vector<256x8xf32>
    %dot_general3A_47 = tpu.matmul %mul3A_39, %get3A_45, %dot_general3A_46 {dimension_numbers = #tpu.dot_dimension_numbers<[1], [0], [0], [1], [0, 0, 1, 1], [], []>, transpose_lhs_hint = false} : vector<256x1024xf32>, vector<1024x8xf32>, vector<256x8xf32> -> vector<256x8xf32>
    %reduce_max3A = arith.constant dense<0xFF800000> : vector<256xf32>
    %reduce_max3A_48 = vector.multi_reduction <maximumf>, %dot_general3A_47, %reduce_max3A [1] : vector<256x8xf32> to vector<256xf32>
    %broadcast_in_dim3A_49 = vector.shape_cast %reduce_max3A_48 : vector<256xf32> to vector<256x1xf32>
    %sub3A = vector.broadcast %broadcast_in_dim3A_49 : vector<256x1xf32> to vector<256x8xf32>
    %sub3A_50 = arith.subf %dot_general3A_47, %sub3A : vector<256x8xf32>
    %exp3A = math.exp %sub3A_50 : vector<256x8xf32>
    %reduce_sum3A_51 = arith.constant dense<0.000000e+00> : vector<256xf32>
    %reduce_sum3A_52 = vector.multi_reduction <add>, %exp3A, %reduce_sum3A_51 [1] : vector<256x8xf32> to vector<256xf32>
    %broadcast_in_dim3A_53 = vector.shape_cast %reduce_sum3A_52 : vector<256xf32> to vector<256x1xf32>
    %div3A_54 = vector.broadcast %broadcast_in_dim3A_53 : vector<256x1xf32> to vector<256x8xf32>
    %div3A_55 = arith.divf %exp3A, %div3A_54 : vector<256x8xf32>
    %iota3A = tpu.iota {dimensions = array<i32: 1>} : vector<256x8xi32>
    %reduce_max3A_56 = arith.constant dense<0xFF800000> : vector<256xf32>
    %reduce_max3A_57 = vector.multi_reduction <maximumf>, %div3A_55, %reduce_max3A_56 [1] : vector<256x8xf32> to vector<256xf32>
    %broadcast_in_dim3A_58 = vector.shape_cast %reduce_max3A_57 : vector<256xf32> to vector<256x1xf32>
    %eq3A = vector.broadcast %broadcast_in_dim3A_58 : vector<256x1xf32> to vector<256x8xf32>
    %eq3A_59 = arith.cmpf oeq, %div3A_55, %eq3A : vector<256x8xf32>
    %jit3A = arith.constant 8 : i32
    %broadcast_in_dim3A_60 = vector.broadcast %jit3A : i32 to vector<256x8xi32>
    %select_n3A_61 = arith.select %eq3A_59, %iota3A, %broadcast_in_dim3A_60 : vector<256x8xi1>, vector<256x8xi32>
    %reduce_min3A = arith.constant dense<2147483647> : vector<256xi32>
    %reduce_min3A_62 = vector.multi_reduction <minsi>, %select_n3A_61, %reduce_min3A [1] : vector<256x8xi32> to vector<256xi32>
    %broadcast_in_dim3A_63 = vector.shape_cast %reduce_min3A_62 : vector<256xi32> to vector<256x1xi32>
    %eq3A_64 = vector.broadcast %broadcast_in_dim3A_63 : vector<256x1xi32> to vector<256x8xi32>
    %eq3A_65 = arith.cmpi eq, %iota3A, %eq3A_64 : vector<256x8xi32>
    %jit3A_66 = arith.constant -1.000000e+30 : f32
    %broadcast_in_dim3A_67 = vector.broadcast %jit3A_66 : f32 to vector<256x8xf32>
    %select_n3A_68 = arith.select %eq3A_65, %broadcast_in_dim3A_67, %div3A_55 : vector<256x8xi1>, vector<256x8xf32>
    %reduce_max3A_69 = arith.constant dense<0xFF800000> : vector<256xf32>
    %reduce_max3A_70 = vector.multi_reduction <maximumf>, %select_n3A_68, %reduce_max3A_69 [1] : vector<256x8xf32> to vector<256xf32>
    %broadcast_in_dim3A_71 = vector.shape_cast %reduce_max3A_70 : vector<256xf32> to vector<256x1xf32>
    %eq3A_72 = vector.broadcast %broadcast_in_dim3A_71 : vector<256x1xf32> to vector<256x8xf32>
    %eq3A_73 = arith.cmpf oeq, %select_n3A_68, %eq3A_72 : vector<256x8xf32>
    %jit3A_74 = arith.constant 8 : i32
    %broadcast_in_dim3A_75 = vector.broadcast %jit3A_74 : i32 to vector<256x8xi32>
    %select_n3A_76 = arith.select %eq3A_73, %iota3A, %broadcast_in_dim3A_75 : vector<256x8xi1>, vector<256x8xi32>
    %reduce_min3A_77 = arith.constant dense<2147483647> : vector<256xi32>
    %reduce_min3A_78 = vector.multi_reduction <minsi>, %select_n3A_76, %reduce_min3A_77 [1] : vector<256x8xi32> to vector<256xi32>
    %broadcast_in_dim3A_79 = vector.shape_cast %reduce_min3A_78 : vector<256xi32> to vector<256x1xi32>
    %add3A_80 = arith.addf %broadcast_in_dim3A_58, %broadcast_in_dim3A_71 : vector<256x1xf32>
    %eq3A_81 = vector.broadcast %broadcast_in_dim3A_63 : vector<256x1xi32> to vector<256x8xi32>
    %eq3A_82 = arith.cmpi eq, %iota3A, %eq3A_81 : vector<256x8xi32>
    %div3A_83 = arith.divf %broadcast_in_dim3A_58, %add3A_80 : vector<256x1xf32>
    %jit3A_84 = arith.constant 0.000000e+00 : f32
    %broadcast_in_dim3A_85 = vector.shape_cast %div3A_83 : vector<256x1xf32> to vector<256x1xf32>
    %broadcast_in_dim3A_86 = vector.broadcast %broadcast_in_dim3A_85 : vector<256x1xf32> to vector<256x8xf32>
    %broadcast_in_dim3A_87 = vector.broadcast %jit3A_84 : f32 to vector<256x8xf32>
    %select_n3A_88 = arith.select %eq3A_82, %broadcast_in_dim3A_86, %broadcast_in_dim3A_87 : vector<256x8xi1>, vector<256x8xf32>
    %eq3A_89 = vector.broadcast %broadcast_in_dim3A_79 : vector<256x1xi32> to vector<256x8xi32>
    %eq3A_90 = arith.cmpi eq, %iota3A, %eq3A_89 : vector<256x8xi32>
    %div3A_91 = arith.divf %broadcast_in_dim3A_71, %add3A_80 : vector<256x1xf32>
    %jit3A_92 = arith.constant 0.000000e+00 : f32
    %broadcast_in_dim3A_93 = vector.shape_cast %div3A_91 : vector<256x1xf32> to vector<256x1xf32>
    %broadcast_in_dim3A_94 = vector.broadcast %broadcast_in_dim3A_93 : vector<256x1xf32> to vector<256x8xf32>
    %broadcast_in_dim3A_95 = vector.broadcast %jit3A_92 : f32 to vector<256x8xf32>
    %select_n3A_96 = arith.select %eq3A_90, %broadcast_in_dim3A_94, %broadcast_in_dim3A_95 : vector<256x8xi1>, vector<256x8xf32>
    %add3A_97 = arith.addf %select_n3A_88, %select_n3A_96 : vector<256x8xf32>
    %swap3A_98 = arith.constant 0 : index
    %swap3A_99 = arith.constant 0 : index
    %swap3A_100 = vector.load %arg11[%swap3A_98, %swap3A_99] : memref<256x8xf32, #tpu.memory_space<vmem>>, vector<256x8xf32>
    tpu.vector_store %arg11[%swap3A_98, %swap3A_99], %add3A_97 {strides = array<i32>} : memref<256x8xf32, #tpu.memory_space<vmem>>, vector<256x8xf32>,
    return
  }
  func.func @transform_0(%arg0: i32) -> (i32, i32) {
    %sub3A = arith.constant 0 : i32
    %sub3A_0 = arith.subi %arg0, %sub3A : i32
    %jit3A = arith.constant 0 : i32
    %jit3A_1 = arith.constant 1 : i32
    %max3A = arith.maxsi %jit3A, %sub3A_0 : i32
    %min3A = arith.minsi %jit3A_1, %max3A : i32
    %c0_i32 = arith.constant 0 : i32
    %c0_i32_2 = arith.constant 0 : i32
    return %min3A, %c0_i32 : i32, i32
  }
  func.func @transform_1(%arg0: i32) -> (i32, i32) {
    %sub3A = arith.constant 2 : i32
    %sub3A_0 = arith.subi %arg0, %sub3A : i32
    %jit3A = arith.constant 0 : i32
    %jit3A_1 = arith.constant 1 : i32
    %max3A = arith.maxsi %jit3A, %sub3A_0 : i32
    %min3A = arith.minsi %jit3A_1, %max3A : i32
    %c0_i32 = arith.constant 0 : i32
    %c0_i32_2 = arith.constant 0 : i32
    return %min3A, %c0_i32 : i32, i32
  }
  func.func @transform_2(%arg0: i32) -> (i32, i32) {
    %sub3A = arith.constant 4 : i32
    %sub3A_0 = arith.subi %arg0, %sub3A : i32
    %jit3A = arith.constant 0 : i32
    %jit3A_1 = arith.constant 1 : i32
    %max3A = arith.maxsi %jit3A, %sub3A_0 : i32
    %min3A = arith.minsi %jit3A_1, %max3A : i32
    %c0_i32 = arith.constant 0 : i32
    %c0_i32_2 = arith.constant 0 : i32
    return %min3A, %c0_i32 : i32, i32
  }
  func.func @transform_3(%arg0: i32) -> (i32, i32) {
    %sub3A = arith.constant 6 : i32
    %sub3A_0 = arith.subi %arg0, %sub3A : i32
    %jit3A = arith.constant 0 : i32
    %jit3A_1 = arith.constant 1 : i32
    %max3A = arith.maxsi %jit3A, %sub3A_0 : i32
    %min3A = arith.minsi %jit3A_1, %max3A : i32
    %c0_i32 = arith.constant 0 : i32
    %c0_i32_2 = arith.constant 0 : i32
    return %min3A, %c0_i32 : i32, i32
  }
  func.func @transform_4(%arg0: i32) -> (i32, i32) {
    %c0_i32 = arith.constant 0 : i32
    %c0_i32_0 = arith.constant 0 : i32
    return %arg0, %c0_i32 : i32, i32
  }
  func.func @transform_5(%arg0: i32) -> (i32, i32) {
    %c0_i32 = arith.constant 0 : i32
    %c0_i32_0 = arith.constant 0 : i32
    %c0_i32_1 = arith.constant 0 : i32
    return %c0_i32, %c0_i32_0 : i32, i32
  }
  func.func @transform_6(%arg0: i32) -> (i32, i32) {
    %c0_i32 = arith.constant 0 : i32
    %c0_i32_0 = arith.constant 0 : i32
    %c0_i32_1 = arith.constant 0 : i32
    return %c0_i32, %c0_i32_0 : i32, i32
  }
  func.func @transform_7(%arg0: i32) -> (i32, i32) {
    %c0_i32 = arith.constant 0 : i32
    %c0_i32_0 = arith.constant 0 : i32
    %c0_i32_1 = arith.constant 0 : i32
    return %c0_i32, %c0_i32_0 : i32, i32
  }
  func.func @transform_8(%arg0: i32) -> (i32, i32) {
    %c0_i32 = arith.constant 0 : i32
    %c0_i32_0 = arith.constant 0 : i32
    return %arg0, %c0_i32 : i32, i32
  }
  func.func @transform_9(%arg0: i32) -> (i32, i32) {
    %c0_i32 = arith.constant 0 : i32
    %c0_i32_0 = arith.constant 0 : i32
    return %arg0, %c0_i32 : i32, i32
  }
  func.func @transform_10(%arg0: i32) -> (i32, i32) {
    %c0_i32 = arith.constant 0 : i32
    %c0_i32_0 = arith.constant 0 : i32
    return %arg0, %c0_i32 : i32, i32
  }
}

module attributes {stable_mosaic.version = 14 : i64} {
  func.func @_moe_body(%arg0: i32, %arg1: memref<40xi32, #tpu.memory_space<smem>>, %arg2: memref<128x1024xf32, #tpu.memory_space<vmem>>, %arg3: memref<1x1024x1024xf32, #tpu.memory_space<vmem>>, %arg4: memref<1x512x1024xf32, #tpu.memory_space<vmem>>, %arg5: memref<128x1024xf32, #tpu.memory_space<vmem>>) attributes {dimension_semantics = [#tpu.dimension_semantics<arbitrary>], iteration_bounds = array<i64: 40>, scalar_prefetch = 1 : i64, scratch_operands = 0 : i64, tpu.core_type = #tpu.core_type<tc>, window_params = [{transform_indices = @transform_0, window_bounds = array<i64: 128, 1024>}, {transform_indices = @transform_1, window_bounds = array<i64: 1, 1024, 1024>}, {transform_indices = @transform_2, window_bounds = array<i64: 1, 512, 1024>}, {transform_indices = @transform_3, window_bounds = array<i64: 128, 1024>}]} {
    %get3A = arith.constant 0 : index
    %get3A_0 = arith.constant 0 : index
    %get3A_1 = vector.load %arg2[%get3A, %get3A_0] : memref<128x1024xf32, #tpu.memory_space<vmem>>, vector<128x1024xf32>
    %get3A_2 = arith.constant 0 : index
    %get3A_3 = arith.constant 0 : index
    %get3A_4 = arith.constant 0 : index
    %get3A_5 = vector.load %arg3[%get3A_2, %get3A_3, %get3A_4] : memref<1x1024x1024xf32, #tpu.memory_space<vmem>>, vector<1x1024x1024xf32>
    %get3A_6 = vector.shape_cast %get3A_5 : vector<1x1024x1024xf32> to vector<1024x1024xf32>
    %dot_general3A = arith.constant dense<0.000000e+00> : vector<128x1024xf32>
    %dot_general3A_7 = tpu.matmul %get3A_1, %get3A_6, %dot_general3A {dimension_numbers = #tpu.dot_dimension_numbers<[1], [0], [0], [1], [0, 0, 1, 1], [], []>, transpose_lhs_hint = false} : vector<128x1024xf32>, vector<1024x1024xf32>, vector<128x1024xf32> -> vector<128x1024xf32>
    %slice3A = vector.extract_strided_slice %dot_general3A_7 {offsets = [0, 0], sizes = [128, 512], strides = [1, 1]} : vector<128x1024xf32> to vector<128x512xf32>
    %slice3A_8 = vector.extract_strided_slice %dot_general3A_7 {offsets = [0, 512], sizes = [128, 512], strides = [1, 1]} : vector<128x1024xf32> to vector<128x512xf32>
    %logistic3A = arith.negf %slice3A : vector<128x512xf32>
    %logistic3A_9 = math.exp %logistic3A : vector<128x512xf32>
    %logistic3A_10 = arith.constant 1.000000e+00 : f32
    %logistic3A_11 = vector.broadcast %logistic3A_10 : f32 to vector<128x512xf32>
    %logistic3A_12 = arith.addf %logistic3A_11, %logistic3A_9 : vector<128x512xf32>
    %logistic3A_13 = arith.divf %logistic3A_11, %logistic3A_12 : vector<128x512xf32>
    %mul3A = arith.mulf %slice3A, %logistic3A_13 : vector<128x512xf32>
    %mul3A_14 = arith.mulf %mul3A, %slice3A_8 : vector<128x512xf32>
    %get3A_15 = arith.constant 0 : index
    %get3A_16 = arith.constant 0 : index
    %get3A_17 = arith.constant 0 : index
    %get3A_18 = vector.load %arg4[%get3A_15, %get3A_16, %get3A_17] : memref<1x512x1024xf32, #tpu.memory_space<vmem>>, vector<1x512x1024xf32>
    %get3A_19 = vector.shape_cast %get3A_18 : vector<1x512x1024xf32> to vector<512x1024xf32>
    %dot_general3A_20 = arith.constant dense<0.000000e+00> : vector<128x1024xf32>
    %dot_general3A_21 = tpu.matmul %mul3A_14, %get3A_19, %dot_general3A_20 {dimension_numbers = #tpu.dot_dimension_numbers<[1], [0], [0], [1], [0, 0, 1, 1], [], []>, transpose_lhs_hint = false} : vector<128x512xf32>, vector<512x1024xf32>, vector<128x1024xf32> -> vector<128x1024xf32>
    %swap3A = arith.constant 0 : index
    %swap3A_22 = arith.constant 0 : index
    %swap3A_23 = vector.load %arg5[%swap3A, %swap3A_22] : memref<128x1024xf32, #tpu.memory_space<vmem>>, vector<128x1024xf32>
    tpu.vector_store %arg5[%swap3A, %swap3A_22], %dot_general3A_21 {strides = array<i32>} : memref<128x1024xf32, #tpu.memory_space<vmem>>, vector<128x1024xf32>,
    return
  }
  func.func @transform_0(%arg0: i32, %arg1: memref<40xi32, #tpu.memory_space<smem>>) -> (i32, i32) {
    %c0_i32 = arith.constant 0 : i32
    %c0_i32_0 = arith.constant 0 : i32
    return %arg0, %c0_i32 : i32, i32
  }
  func.func @transform_1(%arg0: i32, %arg1: memref<40xi32, #tpu.memory_space<smem>>) -> (i32, i32, i32) {
    %get3A = arith.index_cast %arg0 : i32 to index
    %get3A_0 = memref.load %arg1[%get3A] : memref<40xi32, #tpu.memory_space<smem>>
    %c0_i32 = arith.constant 0 : i32
    %c0_i32_1 = arith.constant 0 : i32
    %c0_i32_2 = arith.constant 0 : i32
    return %get3A_0, %c0_i32, %c0_i32_1 : i32, i32, i32
  }
  func.func @transform_2(%arg0: i32, %arg1: memref<40xi32, #tpu.memory_space<smem>>) -> (i32, i32, i32) {
    %get3A = arith.index_cast %arg0 : i32 to index
    %get3A_0 = memref.load %arg1[%get3A] : memref<40xi32, #tpu.memory_space<smem>>
    %c0_i32 = arith.constant 0 : i32
    %c0_i32_1 = arith.constant 0 : i32
    %c0_i32_2 = arith.constant 0 : i32
    return %get3A_0, %c0_i32, %c0_i32_1 : i32, i32, i32
  }
  func.func @transform_3(%arg0: i32, %arg1: memref<40xi32, #tpu.memory_space<smem>>) -> (i32, i32) {
    %c0_i32 = arith.constant 0 : i32
    %c0_i32_0 = arith.constant 0 : i32
    return %arg0, %c0_i32 : i32, i32
  }
}

module attributes {stable_mosaic.version = 14 : i64} {
  func.func @_combine_body(%arg0: i32, %arg1: memref<256x1024xf32, #tpu.memory_space<vmem>>, %arg2: memref<256x1024xf32, #tpu.memory_space<vmem>>, %arg3: memref<256x1024xf32, #tpu.memory_space<vmem>>, %arg4: memref<256x128xf32, #tpu.memory_space<vmem>>, %arg5: memref<256x128xf32, #tpu.memory_space<vmem>>, %arg6: memref<256x1024xf32, #tpu.memory_space<vmem>>) attributes {dimension_semantics = [#tpu.dimension_semantics<arbitrary>], iteration_bounds = array<i64: 8>, scalar_prefetch = 0 : i64, scratch_operands = 0 : i64, tpu.core_type = #tpu.core_type<tc>, window_params = [{transform_indices = @transform_0, window_bounds = array<i64: 256, 1024>}, {transform_indices = @transform_1, window_bounds = array<i64: 256, 1024>}, {transform_indices = @transform_2, window_bounds = array<i64: 256, 1024>}, {transform_indices = @transform_3, window_bounds = array<i64: 256, 128>}, {transform_indices = @transform_4, window_bounds = array<i64: 256, 128>}, {transform_indices = @transform_5, window_bounds = array<i64: 256, 1024>}]} {
    %get3A = arith.constant 0 : index
    %get3A_0 = arith.constant 0 : index
    %get3A_1 = vector.load %arg1[%get3A, %get3A_0] : memref<256x1024xf32, #tpu.memory_space<vmem>>, vector<256x1024xf32>
    %get3A_2 = arith.constant 0 : index
    %get3A_3 = arith.constant 0 : index
    %get3A_4 = vector.load %arg2[%get3A_2, %get3A_3] : memref<256x1024xf32, #tpu.memory_space<vmem>>, vector<256x1024xf32>
    %get3A_5 = arith.constant 0 : index
    %get3A_6 = arith.constant 0 : index
    %get3A_7 = vector.load %arg4[%get3A_5, %get3A_6] : memref<256x128xf32, #tpu.memory_space<vmem>>, vector<256x1xf32>
    %mul3A = vector.broadcast %get3A_7 : vector<256x1xf32> to vector<256x1024xf32>
    %mul3A_8 = arith.mulf %get3A_4, %mul3A : vector<256x1024xf32>
    %add3A = arith.addf %get3A_1, %mul3A_8 : vector<256x1024xf32>
    %get3A_9 = arith.constant 0 : index
    %get3A_10 = arith.constant 0 : index
    %get3A_11 = vector.load %arg3[%get3A_9, %get3A_10] : memref<256x1024xf32, #tpu.memory_space<vmem>>, vector<256x1024xf32>
    %get3A_12 = arith.constant 0 : index
    %get3A_13 = arith.constant 0 : index
    %get3A_14 = vector.load %arg5[%get3A_12, %get3A_13] : memref<256x128xf32, #tpu.memory_space<vmem>>, vector<256x1xf32>
    %mul3A_15 = vector.broadcast %get3A_14 : vector<256x1xf32> to vector<256x1024xf32>
    %mul3A_16 = arith.mulf %get3A_11, %mul3A_15 : vector<256x1024xf32>
    %add3A_17 = arith.addf %add3A, %mul3A_16 : vector<256x1024xf32>
    %swap3A = arith.constant 0 : index
    %swap3A_18 = arith.constant 0 : index
    %swap3A_19 = vector.load %arg6[%swap3A, %swap3A_18] : memref<256x1024xf32, #tpu.memory_space<vmem>>, vector<256x1024xf32>
    tpu.vector_store %arg6[%swap3A, %swap3A_18], %add3A_17 {strides = array<i32>} : memref<256x1024xf32, #tpu.memory_space<vmem>>, vector<256x1024xf32>,
    return
  }
  func.func @transform_0(%arg0: i32) -> (i32, i32) {
    %c0_i32 = arith.constant 0 : i32
    %c0_i32_0 = arith.constant 0 : i32
    return %arg0, %c0_i32 : i32, i32
  }
  func.func @transform_1(%arg0: i32) -> (i32, i32) {
    %c0_i32 = arith.constant 0 : i32
    %c0_i32_0 = arith.constant 0 : i32
    return %arg0, %c0_i32 : i32, i32
  }
  func.func @transform_2(%arg0: i32) -> (i32, i32) {
    %add3A = arith.constant 8 : i32
    %add3A_0 = arith.addi %arg0, %add3A : i32
    %c0_i32 = arith.constant 0 : i32
    %c0_i32_1 = arith.constant 0 : i32
    return %add3A_0, %c0_i32 : i32, i32
  }
  func.func @transform_3(%arg0: i32) -> (i32, i32) {
    %c0_i32 = arith.constant 0 : i32
    %c0_i32_0 = arith.constant 0 : i32
    return %arg0, %c0_i32 : i32, i32
  }
  func.func @transform_4(%arg0: i32) -> (i32, i32) {
    %c0_i32 = arith.constant 0 : i32
    %c0_i32_0 = arith.constant 0 : i32
    return %arg0, %c0_i32 : i32, i32
  }
  func.func @transform_5(%arg0: i32) -> (i32, i32) {
    %c0_i32 = arith.constant 0 : i32
    %c0_i32_0 = arith.constant 0 : i32
    return %arg0, %c0_i32 : i32, i32
  }
}

</mosaic_0001>

<sc_bundles>
// kernel: gather_offload_async_start.1
scs
__scs_entry_jumppad:
0x0: {  	(pc) =	sbr.rel $0x88, $3  }
0x1: {  	(tag) =	ssettag $0x0;
	lr =	simm.s32 $0x1  }
0x2: {  	[smem:$0x3F96] =	sst lr;
	_ =	strace $0xD0000000  }
0x3: {  	_ = 	snop  }
0x4: {  	_ = 	snop  }
0x5: {  	_ = 	snop  }
0x6: {  	_ = 	snop  }
0x7: {  	_ = 	snop  }
__scs_overlays_trampoline_lowered:
0x8: {  	[smem:$0x3FA5] =	sst s0  }
0x9: {  	[smem:$0x3FA6] =	sst s1  }
0xa: {  	[smem:$0x3FA7] =	sst s2  }
0xb: {  	[smem:$0x3FA8] =	sst s3  }
0xc: {  	[smem:$0x3FA9] =	sst s4  }
0xd: {  	[smem:$0x3FAA] =	sst s5  }
0xe: {  	[smem:$0x3FAB] =	sst s6  }
0xf: {  	[smem:$0x3FAC] =	sst s7  }
0x10: {  	[smem:$0x3FAD] =	sst s8  }
0x11: {  	[smem:$0x3FAE] =	sst s9;
	s0 =	simm.s32 @!p0 $0x0  }
0x12: {  	s1 =	sld [smem:$0x3F94];
	s0 =	simm.s32 @p0 $0x1  }
0x13: {  	[smem:$0x3FAF] =	sst s0;
	s0 =	simm.s32 @!p1 $0x0  }
0x14: {  	s2 =	sld [smem:$0x3F93];
	s0 =	simm.s32 @p1 $0x1  }
0x15: {  	[smem:$0x3FB0] =	sst s0;
	s0 =	simm.s32 @!p2 $0x0  }
0x16: {  	s3 =	sld [smem:$0x3FDB];
	s0 =	simm.s32 @p2 $0x1  }
0x17: {  	s4 =	simm.s32 $0x1BF5;
	[smem:$0x3FB2] =	sst s0  }
0x18: {  	s0 =	sld [smem:$0x3F95];
	_ =	swait.ge [sflag:s4], $0x0  }
0x19: {  	s7 =	sld [smem:$0x3F96]  }
0x1a: {  	s8 =	sadd.s32 $0xFFFFE003, lr  }
0x1b: {  	s9 =	sadd.s32 $0xFFFFFEF7, lr;
	s5 =	simm.s32 $0xFFFFFFFF;
	p2 =	slt.u32 s8, $0xFFFFF086  }
0x1c: {  	p1 =	slt.u32 s9, $0xF7A;
	s5 =	simm.s32 @!p2 $0x0  }
0x1d: {  	s5 =	simm.s32 @p1 $0x1;
	p0 =	seq.s32 s7, s2  }
0x1e: {  	s7 =	smul.u32 @!p0 $0xF7A, s2;
	p2 =	seq.s32 @!p0 s5, $0x0  }
0x1f: {  	s9 =	smul.u32 $0xF7A, s1;
	s8 =	simm.s32 @!p0 $0x1BF5;
	p2 =	por !p2, p0  }
0x20: {  	[sflag:s8] =	ssyncset.s32 @!p0 $0xFFFFF086;
	s6 =	sadd.s32 @!p0 s3, s7;
	s7 =	simm.s32 @!p0 $0x108  }
0x21: {  	s3 =	sadd.s32 s3, s9;
	s6 =	sadd.s32 @!p0 $0x88, s6;
	s7 =	simm.s32 @p2 $0x1082  }
0x22: {  	[simem:s7], [sflag:s8] =	dma.local @!p0 [hbm:s6], $0xF7A  }
0x23: {  	s9 =	sor.u32 $0xD0000000, s2;
	s6 =	simm.s32 $0x108;
	_ =	swait.ge @!p0 [sflag:s8], $0x0  }
0x24: {  	s3 =	sadd.s32 $0x88, s3;
	s6 =	simm.s32 @!p1 $0x1082;
	[sflag:s4] =	ssyncset.s32 $0xFFFFF086  }
0x25: {  	[simem:s6], [sflag:s4] =	dma.local [hbm:s3], $0xF7A  }
0x26: {  	[smem:$0x3F96] =	sst s1;
	(tag) =	ssettag s2;
	_ =	strace s9  }
0x27: {  	s1 =	sld [smem:$0x3FA6]  }
0x28: {  	s2 =	sld [smem:$0x3FA7]  }
0x29: {  	s4 =	sld [smem:$0x3FA9]  }
0x2a: {  	p0 =	seq.s32 s5, $0x0;
	s5 =	sld [smem:$0x3FAA]  }
0x2b: {  	s6 =	sld [smem:$0x3FAB]  }
0x2c: {  	s7 =	sld [smem:$0x3FAC]  }
0x2d: {  	s3 =	simm.s32 $0x108;
	s8 =	sld [smem:$0x3FAD]  }
0x2e: {  	s3 =	simm.s32 @!p0 $0x1082;
	s9 =	sld [smem:$0x3FAE]  }
0x2f: {  	lr =	sadd.s32 s0, s3;
	s0 =	sld [smem:$0x3FA5]  }
0x30: {  	s3 =	sld [smem:$0x3FA8]  }
0x31: {  	[smem:$0x3FB1] =	sst s10  }
0x32: {  	s10 =	sld [smem:$0x3FAF];
	_ =	sdelay $0x3  }
0x33: {  	p0 =	seq.s32 s10, $0x1;
	s10 =	sld [smem:$0x3FB1];
	_ =	sdelay $0x3  }
0x34: {  	[smem:$0x3FB1] =	sst s10  }
0x35: {  	s10 =	sld [smem:$0x3FB0];
	_ =	sdelay $0x3  }
0x36: {  	p1 =	seq.s32 s10, $0x1;
	s10 =	sld [smem:$0x3FB1];
	_ =	sdelay $0x3  }
0x37: {  	[smem:$0x3FB1] =	sst s10  }
0x38: {  	s10 =	sld [smem:$0x3FB2]  }
0x39: {  	_ = 	snop;
	(pc) =	sbr.ind lr, $3  }
0x3a: {  	_ = 	snop  }
0x3b: {  	_ = 	snop  }
0x3c: {  	p2 =	seq.s32 s10, $0x1;
	s10 =	sld [smem:$0x3FB1]  }
0x3d: {  	_ =	shalt  }
0x3e: {  	_ =	shalt  }
0x3f: {  	_ =	shalt  }
0x40: {  	_ =	shalt  }
0x41: {  	_ =	shalt  }
0x42: {  	_ =	shalt  }
0x43: {  	_ =	shalt  }
0x44: {  	_ =	shalt  }
0x45: {  	_ =	shalt  }
0x46: {  	_ =	shalt  }
0x47: {  	_ =	shalt  }
0x48: {  	_ =	shalt  }
0x49: {  	_ =	shalt  }
0x4a: {  	_ =	shalt  }
0x4b: {  	_ =	shalt  }
0x4c: {  	_ =	shalt  }
0x4d: {  	_ =	shalt  }
0x4e: {  	_ =	shalt  }
0x4f: {  	_ =	shalt  }
0x50: {  	_ =	shalt  }
0x51: {  	_ =	shalt  }
0x52: {  	_ =	shalt  }
0x53: {  	_ =	shalt  }
0x54: {  	_ =	shalt  }
0x55: {  	_ =	shalt  }
0x56: {  	_ =	shalt  }
0x57: {  	_ =	shalt  }
0x58: {  	_ =	shalt  }
0x59: {  	_ =	shalt  }
0x5a: {  	_ =	shalt  }
0x5b: {  	_ =	shalt  }
0x5c: {  	_ =	shalt  }
0x5d: {  	_ =	shalt  }
0x5e: {  	_ =	shalt  }
0x5f: {  	_ =	shalt  }
0x60: {  	_ =	shalt  }
0x61: {  	_ =	shalt  }
0x62: {  	_ =	shalt  }
0x63: {  	_ =	shalt  }
0x64: {  	_ =	shalt  }
0x65: {  	_ =	shalt  }
0x66: {  	_ =	shalt  }
0x67: {  	_ =	shalt  }
0x68: {  	_ =	shalt  }
0x69: {  	_ =	shalt  }
0x6a: {  	_ =	shalt  }
0x6b: {  	_ =	shalt  }
0x6c: {  	_ =	shalt  }
0x6d: {  	_ =	shalt  }
0x6e: {  	_ =	shalt  }
0x6f: {  	_ =	shalt  }
0x70: {  	_ =	shalt  }
0x71: {  	_ =	shalt  }
0x72: {  	_ =	shalt  }
0x73: {  	_ =	shalt  }
0x74: {  	_ =	shalt  }
0x75: {  	_ =	shalt  }
0x76: {  	_ =	shalt  }
0x77: {  	_ =	shalt  }
0x78: {  	_ =	shalt  }
0x79: {  	_ =	shalt  }
0x7a: {  	_ =	shalt  }
0x7b: {  	_ =	shalt  }
0x7c: {  	_ =	shalt  }
0x7d: {  	_ =	shalt  }
0x7e: {  	_ =	shalt  }
0x7f: {  	_ =	shalt  }
0x80: {  	_ =	shalt  }
0x81: {  	_ =	shalt  }
0x82: {  	_ =	shalt  }
0x83: {  	_ =	shalt  }
0x84: {  	_ =	shalt  }
0x85: {  	_ =	shalt  }
0x86: {  	_ =	shalt  }
0x87: {  	_ =	shalt  }
.Lfunc_end0:
.L_simem_size_0:
called_computation.1_lowered:
.L_overlay_start_0:
0x88: {  	s2 =	sld [smem:$0x3FD9]  }
0x89: {  	s3 =	sld [smem:$0x3FFE];
	_ =	sdelay $0x1  }
0x8a: {  	s1 =	srdreg.scid  }
0x8b: {  	s0 =	sand.u32 $0x1, s1  }
0x8c: {  	s16 =	sshll.u32 s0, $0xA;
	s2 =	sadd.s32 s3, s2  }
0x8d: {  	s2 =	sadd.s32 s2, s16  }
0x8e: {  	[smem:$0x3FBD] =	sst s2  }
0x8f: {  	_ = 	snop  }
0x90: {  	(tm) =	ssettm $0x1  }
0x91: {  	s17 =	sld [smem:$0x3FFB];
	_ =	sdelay $0x3  }
0x92: {  	_ =	strace s17  }
0x93: {  	s2 =	sld [smem:$0x3FFC];
	_ =	sdelay $0x3  }
0x94: {  	_ =	strace s2  }
0x95: {  	s2 =	sld [smem:$0x3FFD];
	_ =	sdelay $0x3  }
0x96: {  	_ =	strace s2  }
0x97: {  	_ =	strace $0x8FFFFFFF  }
0x98: {  	s18 =	sld [smem:$0x3FDB];
	_ =	sdelay $0x1  }
0x99: {  	s19 =	simm.s32 $_scs_section_size  }
0x9a: {  	s4 =	simm.s32 $_size__tile_overlayer_lowered;
	s5 =	simm.s32 $_tile_overlayer_lowered  }
0x9b: {  	s22 =	simm.s32 $0x1BFF;
	s21 =	sshll.u32 s5, $0x1;
	s2 =	sadd.s32 s19, s18  }
0x9c: {  	s6 =	simm.s32 $0x0;
	s20 =	sshll.u32 s4, $0x1;
	s4 =	sadd.s32 s21, s2  }
0x9d: {  	[timem:s6], [sflag:s22] =	dma.local [hbm:s4], s20  }
0x9e: {  	_ =	swait.ge [sflag:s22], s20  }
0x9f: {  	s3 =	ssub.s32 $0x0, s20;
	[sflag:s22] =	ssyncset.done $0x0  }
0xa0: {  	[sflag:s22] =	ssyncadd.s32 s3;
	_ =	sdelay $0x1  }
0xa1: {  	s23 =	simm.s32 $0x1B8B  }
0xa2: {  	_ =	swait.ge [sflag:s23], $0x1  }
0xa3: {  	[sflag:s23] =	ssyncset.done $0x0  }
0xa4: {  	s25 =	simm.s32 $0x1B8E;
	s24 =	sld [smem:$0x3FFE];
	[sflag:s23] =	ssyncadd.s32 $0xFFFFFFFF  }
0xa5: {  	s26 =	simm.s32 $execute0_lowered;
	[smem:$0x3FD2] =	sst s25  }
0xa6: {  	s4 =	sshll.u32 s26, $0x1;
	_ =	strace $0x80000046;
	[dreg:$0x1] =	wrdreg $0xFFFFFFFF  }
0xa7: {  	s28 =	simm.s32 $_size_execute0_lowered;
	s2 =	sadd.s32 s2, s4;
	[dreg:$0x0] =	wrdreg $0x0  }
0xa8: {  	s4 =	sshll.u32 s28, $0x1;
	[dreg:$0x2] =	wrdreg s2  }
0xa9: {  	[dreg:$0x3] =	wrdreg s4  }
0xaa: {  	[dreg:$0x4] =	wrdreg $0xC0  }
0xab: {  	_ =	task [dreg:s6], $0x5FFFF  }
0xac: {  	[dreg:$0x1] =	wrdreg $0xFFFFFFFF  }
0xad: {  	[dreg:$0x0] =	wrdreg $0x60  }
0xae: {  	[dreg:$0x2] =	wrdreg s24  }
0xaf: {  	[dreg:$0x3] =	wrdreg $0x9  }
0xb0: {  	_ =	task.clear_ibuf [dreg:s6], $0x4FFFF;
	_ =	strace $0x90000046  }
0xb1: {  	s29 =	simm.s32 $0x9;
	_ =	strace $0x80000048  }
0xb2: {  	_ =	swait.ge [sflag:s29], $0x1  }
0xb3: {  	[sflag:s29] =	ssyncadd.s32 $0xFFFFFFFF  }
0xb4: {  	_ =	strace $0x90000048  }
0xb5: {  	_ =	sfence  }
0xb6: {  	s30 =	sld [smem:$0x0];
	_ =	sdelay $0x2  }
0xb7: {  	s31 =	sshll.u32 s1, $0xD;
	s1 =	sshrl.u32 s1, $0x2  }
0xb8: {  	s3 =	sand.u32 $0x4000, s31;
	s1 =	sadd.s32 s1, s30  }
0xb9: {  	s0 =	sor.u32 s3, s0;
	s1 =	sshll.u32 s1, $0x11  }
0xba: {  	s0 =	sor.u32 s1, s0  }
0xbb: {  	s0 =	sadd.s32 $0x8F2B, s0  }
0xbc: {  	[sflag:s0] =	ssyncadd.remote.s32 $0x1  }
0xbd: {  	_ =	sfence.sel $0xFFFF  }
0xbe: {  	[dreg:$0x0] =	wrdreg $0xFFFFFFFF;
	(pc) =	sbr.abs _section_cstart, $3  }
0xbf: {  	[dreg:$0x1] =	wrdreg $0xFFFFFFFF  }
0xc0: {  	_ =	task.clear_ibuf [dreg:s6], $0x2FFFF;
	_ =	strace $0x9FFFFFFF  }
0xc1: {  	(tm) =	ssettm $0x7FFFFFFF  }
tec
execute0_lowered:
.L_overlay_start_1:
0x0: {  	(tag) =	ssettag $0x1  }
0x1: {  	s0 =	srdreg.scid;
	s5 =	rddreg [dreg:$0x0]  }
0x2: {  	s1 =	stileid.u32;
	s6 =	simm.s32 $0x1;
	s9 =	simm.s32 $0x1  }
0x3: {  	s10 =	simm.s32 $0x3;
	s13 =	simm.s32 $0x0;
	s2 =	sshll.u32 s0, $0x6  }
0x4: {  	s12 =	simm.s32 $0x0;
	s3 =	sshll.u32 s1, $0x7;
	s2 =	sand.u32 $0x40, s2  }
0x5: {  	s0 =	rddreg [dreg:$0x1];
	_ =	strace $0x80000047;
	s2 =	sor.u32 s3, s2  }
0x6: {  	s4 =	sadd.s32 $0x55200, s5;
	[sflag:s6] =	ssyncpa.u1 $0x0;
	s8 =	ssub.s32 $0x1000, s2  }
.Ltmp0:
0x7: {  	s3 =	sadd.s32 $0x42C00, s5;
	s7 =	sand.u32 $0x7C0, s8;
	(pc) =	sbr.rel .LBB2_1-.Ltmp0, $4  }
0x8: {  	s5 =	sadd.s32 $0x55600, s5;
	s11 =	smov.u32 s2;
	p0 =	sne.s32 s7, $0x0  }
0x9: {  	s8 =	sshrl.u32 s8, $0xB;
	s7 =	simm.s32 $0x2;
	s9 =	simm.s32 @!p0 $0x0  }
0xa: {  	[sflag:s7] =	ssyncpa.u1 $0x0;
	p0 =	por $0x0, $0x0;
	s8 =	sadd.s32 s9, s8  }
0xb: {  	vm0 =	vmmov $0xffff;
	[sflag:s10] =	ssyncpa.u1 $0x0;
	s10 =	simm.s32 $0x0;
	s9 =	sadd.s32 $0x1, s8  }
.LBB2_4:
0xc: {  	v5 =	vshrl.u32 v1, $0xB;
	v6 =	vshll.u32 v1, $0x7  }
0xd: {  	vm1 =	veq.s32 v1, $0x80000000;
	v58 =	vand.u32 $0x7, v5;
	v59 =	vand.u32 $0x3FF80, v6  }
0xe: {  	v1 =	vsel vm1, $0xFFFFFFFF, v58;
	v5 =	vsel vm1, $0xFFFFFF80, v59  }
0xf: {  	v3 =	vor.u32 v4, v3;
	v60 =	vand.u32 $0xFFFFFC00, v5;
	v61 =	vand.u32 $0xFFFFFC00, v1  }
0x10: {  	v2 =	vor.u32 v2, v3;
	v63 =	vand.u32 $0x380, v5;
	v62 =	vadd.s32 v61, v60  }
0x11: {  	v1 =	vand.u32 $0x7F, v1;
	v3 =	vor.u32 v63, v62  }
0x12: {  	v1 =	vor.u32 v1, v3  }
0x13: {  	[tilespmem:s15], [sflag:$0x1] =	stream.indirect_vreg.gather [hbm4b:s3+s10], $0x1, v0, vm0, $0x4038;
	[tilespmem:$0x100] =	vst v63  }
0x14: {  	(ifvalue) =	ssetifvalue $0x7FFFFFFF  }
0x15: {  	[tilespmem:s16], [sflag:$0x1] =	stream.indirect_vreg.gather [hbm4b:s3+s10], $0x1, v2, vm0, $0x4038;
	[tilespmem:$0x100] =	vst v63  }
0x16: {  	s29 =	sadd.s32 $0x10, s16;
	(ifvalue) =	ssetifvalue $0x7FFFFFFF  }
0x17: {  	[tilespmem:s29], [sflag:$0x1] =	stream.indirect_vreg.gather [hbm4b:s3+s10], $0x1, v1, vm0, $0x4038;
	[tilespmem:$0x100] =	vst v63  }
0x18: {  	_ =	swait.ge [sflag:s6], $0x40  }
0x19: {  	s30 =	sshrl.u32 s13, $0x3;
	[sflag:s6] =	ssyncset.done $0x0  }
0x1a: {  	s31 =	sand.u32 $0x7, s13;
	s15 =	sadd.s32 s5, s30;
	[sflag:s6] =	ssyncadd.s32 $0xFFFFFFC0  }
0x1b: {  	[hbm4b:s15+s31] =	stream.linear.scatter [tilespmem:s14], [sflag:$0x3], $0x40, $0x38;
	[tilespmem:$0x100] =	vst v63  }
.LBB2_5:
0x1c: {  	s15 =	sadd.s32 $0x800, s11  }
0x1d: {  	p2 =	sgt.s32 s15, $0xFFF  }
0x1e: {  	s15 =	smov.u32 @p2 s2;
	p2 =	sne.s32 s12, s9  }
.Ltmp1:
0x1f: {  	p1 =	slt.u32 s12, $0x2;
	(pc) =	sbr.rel @!p2 .LBB2_6-.Ltmp1, $4  }
0x20: {  	s14 =	simm.s32 @!p1 $0x3  }
0x21: {  	s16 =	sadd.s32 $0x1, s12;
	_ =	swait.ge @!p1 [sflag:s14], $0x40  }
0x22: {  	s13 =	smov.u32 s11;
	p0 =	por !p0, !p0;
	[sflag:s14] =	ssyncset.done @!p1 $0x0  }
0x23: {  	s12 =	smov.u32 s16;
	s11 =	smov.u32 s15;
	[sflag:s14] =	ssyncadd.s32 @!p1 $0xFFFFFFC0  }
.LBB2_1:
0x24: {  	p1 =	sge.u32 s12, s8  }
0x25: {  	s14 =	sxor.u32 @!p1 $0xFFFFFFFF, s12  }
0x26: {  	s31 =	sadd.s32 $0xFFFFFFFF, s12;
	s15 =	sshrl.u32 @!p1 s11, $0x3;
	s14 =	sshll.u32 @!p1 s14, $0x6  }
0x27: {  	s16 =	sand.u32 @!p1 $0x7, s11;
	s15 =	sadd.s32 @!p1 s4, s15;
	s14 =	sand.u32 @!p1 $0x40, s14  }
0x28: {  	[tilespmem:s14], [sflag:$0x2] =	stream.linear.gather @!p1 [hbm4b:s15+s16], $0x40, $0x38;
	[tilespmem:$0x100] =	vst v63  }
0x29: {  	p1 =	sge.u32 s31, s8  }
.Ltmp2:
0x2a: {  	_ = 	snop;
	(pc) =	sbr.rel @p1 .LBB2_5-.Ltmp2, $1  }
0x2b: {  	_ =	sdelay $0x3  }
0x2c: {  	s14 =	simm.s32 $0x1  }
0x2d: {  	_ =	swait.ge [sflag:s7], $0x40;
	s14 =	simm.s32 @!p0 $0x0  }
0x2e: {  	[sflag:s7] =	ssyncset.done $0x0;
	s14 =	sshll.u32 s14, $0x6  }
0x2f: {  	[sflag:s7] =	ssyncadd.s32 $0xFFFFFFC0;
	(ifvalue) =	ssetifvalue $0x7FFFFFFF;
	v0 =	vld.msk [tilespmem:s14+$0x0 ss:$0x1], $0xffff;
	_ =	sdelay $0x4  }
0x30: {  	s15 =	sadd.s32 $0x10, s14;
	v2 =	vshrl.u32 v0, $0xB;
	v3 =	vshll.u32 v0, $0x7  }
0x31: {  	v1 =	vld.msk [tilespmem:s15+$0x0 ss:$0x1], $0xffff;
	vm1 =	veq.s32 v0, $0x80000000;
	v0 =	vand.u32 $0x7, v2;
	v2 =	vand.u32 $0x3FF80, v3  }
0x32: {  	v0 =	vsel vm1, $0xFFFFFFFF, v0;
	v2 =	vsel vm1, $0xFFFFFF80, v2  }
0x33: {  	v3 =	vand.u32 $0xFFFFFC00, v2;
	v4 =	vand.u32 $0xFFFFFC00, v0  }
0x34: {  	v2 =	vand.u32 $0x380, v2;
	v3 =	vadd.s32 v4, v3  }
0x35: {  	v0 =	vand.u32 $0x7F, v0;
	v2 =	vor.u32 v2, v3  }
0x36: {  	v5 =	vshll.u32 v1, $0x7;
	v4 =	vshrl.u32 v1, $0xB;
	v0 =	vor.u32 v0, v2  }
0x37: {  	s16 =	sshll.u32 s12, $0x6;
	vm1 =	veq.s32 v1, $0x80000000;
	v1 =	vand.u32 $0x7, v4;
	v4 =	vand.u32 $0x3FF80, v5  }
0x38: {  	s16 =	sand.u32 $0x40, s16;
	s18 =	sadd.s32 $0x10, s15;
	v3 =	vsel vm1, $0xFFFFFFFF, v1;
	v4 =	vsel vm1, $0xFFFFFF80, v4  }
0x39: {  	s17 =	simm.s32 $0x20;
	s15 =	sor.u32 $0x80, s14;
	s14 =	sor.u32 $0x80, s16;
	v1 =	vld.msk [tilespmem:s18+$0x0 ss:$0x1], $0xffff;
	v5 =	vand.u32 $0xFFFFFC00, v4;
	v6 =	vand.u32 $0xFFFFFC00, v3  }
0x3a: {  	s16 =	sadd.s32 $0x10, s15;
	s18 =	sadd.s32 $0x10, s18;
	(ifvalue) =	ssetifvalue $0x7FFFFFFF;
	v2 =	vand.u32 $0x7F, v3;
	v4 =	vand.u32 $0x380, v4;
	v3 =	vadd.s32 v6, v5  }
.LBB2_3:
0x3b: {  	[tilespmem:s15], [sflag:$0x1] =	stream.indirect_vreg.gather [hbm4b:s3+s10], $0x1, v0, vm0, $0x4038;
	[tilespmem:$0x100] =	vst v63  }
0x3c: {  	s17 =	sadd.s32 $0x10, s17  }
0x3d: {  	v3 =	vor.u32 v4, v3;
	p1 =	slt.u32 s17, $0x30  }
.Ltmp3:
0x3e: {  	v4 =	vshrl.u32 v1, $0xB;
	v5 =	vshll.u32 v1, $0x7;
	s15 =	smov.u32 s16;
	v0 =	vor.u32 v2, v3;
	v2 =	vmovc v1;
	v1 =	vld.msk [tilespmem:s18+$0x0 ss:$0x1], $0xffff;
	(pc) =	sbr.rel @p1 .LBB2_3-.Ltmp3, $4  }
0x3f: {  	v3 =	vand.u32 $0x3FF80, v5;
	vm1 =	veq.s32 v2, $0x80000000;
	v2 =	vand.u32 $0x7, v4  }
0x40: {  	v4 =	vsel vm1, $0xFFFFFFFF, v2;
	v5 =	vsel vm1, $0xFFFFFF80, v3  }
0x41: {  	v2 =	vand.u32 $0x7F, v4;
	v3 =	vand.u32 $0xFFFFFC00, v5;
	v4 =	vand.u32 $0xFFFFFC00, v4  }
0x42: {  	s16 =	sadd.s32 $0x10, s16;
	s18 =	sadd.s32 $0x10, s18;
	v3 =	vadd.s32 v4, v3;
	v4 =	vand.u32 $0x380, v5;
	(ifvalue) =	ssetifvalue $0x7FFFFFFF  }
.Ltmp4:
0x43: {  	_ = 	snop;
	(pc) =	sbr.rel .LBB2_4-.Ltmp4, $1  }
0x44: {  	_ =	sdelay $0x3  }
.LBB2_6:
0x45: {  	_ =	sfence.sel $0x180000  }
0x46: {  	s2 =	simm.s32 $0x2;
	[bflag:$0x0] =	sbarrier.arrive $0xFFFF  }
0x47: {  	s30 =	simm.s32 $0x3;
	[sflag:s2] =	ssyncpa.u1 $0x1  }
0x48: {  	s31 =	simm.s32 $0x1;
	[sflag:s30] =	ssyncpa.u1 $0x1  }
0x49: {  	[sflag:s31] =	ssyncpa.u1 $0x1  }
0x4a: {  	p0 =	sne.s32 s1, $0x0;
	_ =	strace $0x90000047  }
0x4b: {  	s0 =	sadd.s32 @!p0 $0x100000, s0;
	[bflag:$0x2] =	sbarrier.arrive $0xFFFF  }
0x4c: {  	[sflag:s0] =	ssyncadd.tile.s32 @!p0 $0x1;
	_ =	shalt  }
.Lfunc_end2:
_tile_overlayer_lowered:
.L_overlay_start_2:
0x4d: {  	(tag) =	ssettag $0x2  }
0x4e: {  	s0 =	rddreg [dreg:$0x0];
	s2 =	stileid.u32  }
0x4f: {  	s1 =	rddreg [dreg:$0x1];
	p0 =	sne.s32 s2, $0x0  }
0x50: {  	s3 =	rddreg [dreg:$0x2];
	[bflag:$0x3] =	sbarrier.arrive $0xFFFF;
	s2 =	simm.s32 @!p0 $0x1C01  }
0x51: {  	[timem:s3], [sflag:s2] =	dma.local @!p0 [hbm:s0], s1  }
0x52: {  	s0 =	simm.s32 @!p0 $0x1  }
0x53: {  	_ =	swait.ge @!p0 [sflag:s0], s1  }
0x54: {  	s1 =	ssub.s32 @!p0 $0x0, s1;
	[sflag:s0] =	ssyncset.done @!p0 $0x0  }
0x55: {  	[sflag:s0] =	ssyncadd.s32 @!p0 s1  }
0x56: {  	[bflag:$0x3] =	sbarrier.arrive $0xFFFF  }
0x57: {  	_ =	shalt  }

// kernel: gather_offload_async_start
scs
__scs_entry_jumppad:
0x0: {  	(pc) =	sbr.rel $0x88, $3  }
0x1: {  	(tag) =	ssettag $0x0;
	lr =	simm.s32 $0x1  }
0x2: {  	[smem:$0x3F96] =	sst lr;
	_ =	strace $0xD0000000  }
0x3: {  	_ = 	snop  }
0x4: {  	_ = 	snop  }
0x5: {  	_ = 	snop  }
0x6: {  	_ = 	snop  }
0x7: {  	_ = 	snop  }
__scs_overlays_trampoline_lowered:
0x8: {  	[smem:$0x3FA5] =	sst s0  }
0x9: {  	[smem:$0x3FA6] =	sst s1  }
0xa: {  	[smem:$0x3FA7] =	sst s2  }
0xb: {  	[smem:$0x3FA8] =	sst s3  }
0xc: {  	[smem:$0x3FA9] =	sst s4  }
0xd: {  	[smem:$0x3FAA] =	sst s5  }
0xe: {  	[smem:$0x3FAB] =	sst s6  }
0xf: {  	[smem:$0x3FAC] =	sst s7  }
0x10: {  	[smem:$0x3FAD] =	sst s8  }
0x11: {  	[smem:$0x3FAE] =	sst s9;
	s0 =	simm.s32 @!p0 $0x0  }
0x12: {  	s1 =	sld [smem:$0x3F94];
	s0 =	simm.s32 @p0 $0x1  }
0x13: {  	[smem:$0x3FAF] =	sst s0;
	s0 =	simm.s32 @!p1 $0x0  }
0x14: {  	s2 =	sld [smem:$0x3F93];
	s0 =	simm.s32 @p1 $0x1  }
0x15: {  	[smem:$0x3FB0] =	sst s0;
	s0 =	simm.s32 @!p2 $0x0  }
0x16: {  	s3 =	sld [smem:$0x3FDB];
	s0 =	simm.s32 @p2 $0x1  }
0x17: {  	s4 =	simm.s32 $0x1BF5;
	[smem:$0x3FB2] =	sst s0  }
0x18: {  	s0 =	sld [smem:$0x3F95];
	_ =	swait.ge [sflag:s4], $0x0  }
0x19: {  	s7 =	sld [smem:$0x3F96]  }
0x1a: {  	s8 =	sadd.s32 $0xFFFFE003, lr  }
0x1b: {  	s9 =	sadd.s32 $0xFFFFFEF7, lr;
	s5 =	simm.s32 $0xFFFFFFFF;
	p2 =	slt.u32 s8, $0xFFFFF086  }
0x1c: {  	p1 =	slt.u32 s9, $0xF7A;
	s5 =	simm.s32 @!p2 $0x0  }
0x1d: {  	s5 =	simm.s32 @p1 $0x1;
	p0 =	seq.s32 s7, s2  }
0x1e: {  	s7 =	smul.u32 @!p0 $0xF7A, s2;
	p2 =	seq.s32 @!p0 s5, $0x0  }
0x1f: {  	s9 =	smul.u32 $0xF7A, s1;
	s8 =	simm.s32 @!p0 $0x1BF5;
	p2 =	por !p2, p0  }
0x20: {  	[sflag:s8] =	ssyncset.s32 @!p0 $0xFFFFF086;
	s6 =	sadd.s32 @!p0 s3, s7;
	s7 =	simm.s32 @!p0 $0x108  }
0x21: {  	s3 =	sadd.s32 s3, s9;
	s6 =	sadd.s32 @!p0 $0x88, s6;
	s7 =	simm.s32 @p2 $0x1082  }
0x22: {  	[simem:s7], [sflag:s8] =	dma.local @!p0 [hbm:s6], $0xF7A  }
0x23: {  	s9 =	sor.u32 $0xD0000000, s2;
	s6 =	simm.s32 $0x108;
	_ =	swait.ge @!p0 [sflag:s8], $0x0  }
0x24: {  	s3 =	sadd.s32 $0x88, s3;
	s6 =	simm.s32 @!p1 $0x1082;
	[sflag:s4] =	ssyncset.s32 $0xFFFFF086  }
0x25: {  	[simem:s6], [sflag:s4] =	dma.local [hbm:s3], $0xF7A  }
0x26: {  	[smem:$0x3F96] =	sst s1;
	(tag) =	ssettag s2;
	_ =	strace s9  }
0x27: {  	s1 =	sld [smem:$0x3FA6]  }
0x28: {  	s2 =	sld [smem:$0x3FA7]  }
0x29: {  	s4 =	sld [smem:$0x3FA9]  }
0x2a: {  	p0 =	seq.s32 s5, $0x0;
	s5 =	sld [smem:$0x3FAA]  }
0x2b: {  	s6 =	sld [smem:$0x3FAB]  }
0x2c: {  	s7 =	sld [smem:$0x3FAC]  }
0x2d: {  	s3 =	simm.s32 $0x108;
	s8 =	sld [smem:$0x3FAD]  }
0x2e: {  	s3 =	simm.s32 @!p0 $0x1082;
	s9 =	sld [smem:$0x3FAE]  }
0x2f: {  	lr =	sadd.s32 s0, s3;
	s0 =	sld [smem:$0x3FA5]  }
0x30: {  	s3 =	sld [smem:$0x3FA8]  }
0x31: {  	[smem:$0x3FB1] =	sst s10  }
0x32: {  	s10 =	sld [smem:$0x3FAF];
	_ =	sdelay $0x3  }
0x33: {  	p0 =	seq.s32 s10, $0x1;
	s10 =	sld [smem:$0x3FB1];
	_ =	sdelay $0x3  }
0x34: {  	[smem:$0x3FB1] =	sst s10  }
0x35: {  	s10 =	sld [smem:$0x3FB0];
	_ =	sdelay $0x3  }
0x36: {  	p1 =	seq.s32 s10, $0x1;
	s10 =	sld [smem:$0x3FB1];
	_ =	sdelay $0x3  }
0x37: {  	[smem:$0x3FB1] =	sst s10  }
0x38: {  	s10 =	sld [smem:$0x3FB2]  }
0x39: {  	_ = 	snop;
	(pc) =	sbr.ind lr, $3  }
0x3a: {  	_ = 	snop  }
0x3b: {  	_ = 	snop  }
0x3c: {  	p2 =	seq.s32 s10, $0x1;
	s10 =	sld [smem:$0x3FB1]  }
0x3d: {  	_ =	shalt  }
0x3e: {  	_ =	shalt  }
0x3f: {  	_ =	shalt  }
0x40: {  	_ =	shalt  }
0x41: {  	_ =	shalt  }
0x42: {  	_ =	shalt  }
0x43: {  	_ =	shalt  }
0x44: {  	_ =	shalt  }
0x45: {  	_ =	shalt  }
0x46: {  	_ =	shalt  }
0x47: {  	_ =	shalt  }
0x48: {  	_ =	shalt  }
0x49: {  	_ =	shalt  }
0x4a: {  	_ =	shalt  }
0x4b: {  	_ =	shalt  }
0x4c: {  	_ =	shalt  }
0x4d: {  	_ =	shalt  }
0x4e: {  	_ =	shalt  }
0x4f: {  	_ =	shalt  }
0x50: {  	_ =	shalt  }
0x51: {  	_ =	shalt  }
0x52: {  	_ =	shalt  }
0x53: {  	_ =	shalt  }
0x54: {  	_ =	shalt  }
0x55: {  	_ =	shalt  }
0x56: {  	_ =	shalt  }
0x57: {  	_ =	shalt  }
0x58: {  	_ =	shalt  }
0x59: {  	_ =	shalt  }
0x5a: {  	_ =	shalt  }
0x5b: {  	_ =	shalt  }
0x5c: {  	_ =	shalt  }
0x5d: {  	_ =	shalt  }
0x5e: {  	_ =	shalt  }
0x5f: {  	_ =	shalt  }
0x60: {  	_ =	shalt  }
0x61: {  	_ =	shalt  }
0x62: {  	_ =	shalt  }
0x63: {  	_ =	shalt  }
0x64: {  	_ =	shalt  }
0x65: {  	_ =	shalt  }
0x66: {  	_ =	shalt  }
0x67: {  	_ =	shalt  }
0x68: {  	_ =	shalt  }
0x69: {  	_ =	shalt  }
0x6a: {  	_ =	shalt  }
0x6b: {  	_ =	shalt  }
0x6c: {  	_ =	shalt  }
0x6d: {  	_ =	shalt  }
0x6e: {  	_ =	shalt  }
0x6f: {  	_ =	shalt  }
0x70: {  	_ =	shalt  }
0x71: {  	_ =	shalt  }
0x72: {  	_ =	shalt  }
0x73: {  	_ =	shalt  }
0x74: {  	_ =	shalt  }
0x75: {  	_ =	shalt  }
0x76: {  	_ =	shalt  }
0x77: {  	_ =	shalt  }
0x78: {  	_ =	shalt  }
0x79: {  	_ =	shalt  }
0x7a: {  	_ =	shalt  }
0x7b: {  	_ =	shalt  }
0x7c: {  	_ =	shalt  }
0x7d: {  	_ =	shalt  }
0x7e: {  	_ =	shalt  }
0x7f: {  	_ =	shalt  }
0x80: {  	_ =	shalt  }
0x81: {  	_ =	shalt  }
0x82: {  	_ =	shalt  }
0x83: {  	_ =	shalt  }
0x84: {  	_ =	shalt  }
0x85: {  	_ =	shalt  }
0x86: {  	_ =	shalt  }
0x87: {  	_ =	shalt  }
.Lfunc_end0:
.L_simem_size_0:
called_computation_lowered:
.L_overlay_start_0:
0x88: {  	s2 =	sld [smem:$0x3FD9]  }
0x89: {  	s3 =	sld [smem:$0x3FFE];
	_ =	sdelay $0x1  }
0x8a: {  	s1 =	srdreg.scid  }
0x8b: {  	s0 =	sand.u32 $0x1, s1  }
0x8c: {  	s16 =	sshll.u32 s0, $0xA;
	s2 =	sadd.s32 s3, s2  }
0x8d: {  	s2 =	sadd.s32 s2, s16  }
0x8e: {  	[smem:$0x3FBD] =	sst s2  }
0x8f: {  	_ = 	snop  }
0x90: {  	(tm) =	ssettm $0x1  }
0x91: {  	s17 =	sld [smem:$0x3FFB];
	_ =	sdelay $0x3  }
0x92: {  	_ =	strace s17  }
0x93: {  	s2 =	sld [smem:$0x3FFC];
	_ =	sdelay $0x3  }
0x94: {  	_ =	strace s2  }
0x95: {  	s2 =	sld [smem:$0x3FFD];
	_ =	sdelay $0x3  }
0x96: {  	_ =	strace s2  }
0x97: {  	_ =	strace $0x8FFFFFFF  }
0x98: {  	s18 =	sld [smem:$0x3FDB];
	_ =	sdelay $0x1  }
0x99: {  	s19 =	simm.s32 $_scs_section_size  }
0x9a: {  	s4 =	simm.s32 $_size__tile_overlayer_lowered;
	s5 =	simm.s32 $_tile_overlayer_lowered  }
0x9b: {  	s22 =	simm.s32 $0x1BFF;
	s21 =	sshll.u32 s5, $0x1;
	s2 =	sadd.s32 s19, s18  }
0x9c: {  	s6 =	simm.s32 $0x0;
	s20 =	sshll.u32 s4, $0x1;
	s4 =	sadd.s32 s21, s2  }
0x9d: {  	[timem:s6], [sflag:s22] =	dma.local [hbm:s4], s20  }
0x9e: {  	_ =	swait.ge [sflag:s22], s20  }
0x9f: {  	s3 =	ssub.s32 $0x0, s20;
	[sflag:s22] =	ssyncset.done $0x0  }
0xa0: {  	[sflag:s22] =	ssyncadd.s32 s3;
	_ =	sdelay $0x1  }
0xa1: {  	s23 =	simm.s32 $0x1B8B  }
0xa2: {  	_ =	swait.ge [sflag:s23], $0x1  }
0xa3: {  	[sflag:s23] =	ssyncset.done $0x0  }
0xa4: {  	s25 =	simm.s32 $0x1B8E;
	s24 =	sld [smem:$0x3FFE];
	[sflag:s23] =	ssyncadd.s32 $0xFFFFFFFF  }
0xa5: {  	s26 =	simm.s32 $execute0_lowered;
	[smem:$0x3FD2] =	sst s25  }
0xa6: {  	s4 =	sshll.u32 s26, $0x1;
	_ =	strace $0x80000049;
	[dreg:$0x1] =	wrdreg $0xFFFFFFFF  }
0xa7: {  	s28 =	simm.s32 $_size_execute0_lowered;
	s2 =	sadd.s32 s2, s4;
	[dreg:$0x0] =	wrdreg $0x0  }
0xa8: {  	s4 =	sshll.u32 s28, $0x1;
	[dreg:$0x2] =	wrdreg s2  }
0xa9: {  	[dreg:$0x3] =	wrdreg s4  }
0xaa: {  	[dreg:$0x4] =	wrdreg $0xC0  }
0xab: {  	_ =	task [dreg:s6], $0x5FFFF  }
0xac: {  	[dreg:$0x1] =	wrdreg $0xFFFFFFFF  }
0xad: {  	[dreg:$0x0] =	wrdreg $0x60  }
0xae: {  	[dreg:$0x2] =	wrdreg s24  }
0xaf: {  	[dreg:$0x3] =	wrdreg $0x9  }
0xb0: {  	_ =	task.clear_ibuf [dreg:s6], $0x4FFFF;
	_ =	strace $0x90000049  }
0xb1: {  	s29 =	simm.s32 $0x9;
	_ =	strace $0x8000004B  }
0xb2: {  	_ =	swait.ge [sflag:s29], $0x1  }
0xb3: {  	[sflag:s29] =	ssyncadd.s32 $0xFFFFFFFF  }
0xb4: {  	_ =	strace $0x9000004B  }
0xb5: {  	_ =	sfence  }
0xb6: {  	s30 =	sld [smem:$0x0];
	_ =	sdelay $0x2  }
0xb7: {  	s31 =	sshll.u32 s1, $0xD;
	s1 =	sshrl.u32 s1, $0x2  }
0xb8: {  	s3 =	sand.u32 $0x4000, s31;
	s1 =	sadd.s32 s1, s30  }
0xb9: {  	s0 =	sor.u32 s3, s0;
	s1 =	sshll.u32 s1, $0x11  }
0xba: {  	s0 =	sor.u32 s1, s0  }
0xbb: {  	s0 =	sadd.s32 $0x8F2B, s0  }
0xbc: {  	[sflag:s0] =	ssyncadd.remote.s32 $0x1  }
0xbd: {  	_ =	sfence.sel $0xFFFF  }
0xbe: {  	[dreg:$0x0] =	wrdreg $0xFFFFFFFF;
	(pc) =	sbr.abs _section_cstart, $3  }
0xbf: {  	[dreg:$0x1] =	wrdreg $0xFFFFFFFF  }
0xc0: {  	_ =	task.clear_ibuf [dreg:s6], $0x2FFFF;
	_ =	strace $0x9FFFFFFF  }
0xc1: {  	(tm) =	ssettm $0x7FFFFFFF  }
tec
execute0_lowered:
.L_overlay_start_1:
0x0: {  	(tag) =	ssettag $0x1  }
0x1: {  	s0 =	srdreg.scid;
	s5 =	rddreg [dreg:$0x0]  }
0x2: {  	s1 =	stileid.u32;
	s6 =	simm.s32 $0x1;
	s9 =	simm.s32 $0x1  }
0x3: {  	s10 =	simm.s32 $0x3;
	s13 =	simm.s32 $0x0;
	s2 =	sshll.u32 s0, $0x6  }
0x4: {  	s12 =	simm.s32 $0x0;
	s3 =	sshll.u32 s1, $0x7;
	s2 =	sand.u32 $0x40, s2  }
0x5: {  	s0 =	rddreg [dreg:$0x1];
	_ =	strace $0x8000004A;
	s2 =	sor.u32 s3, s2  }
0x6: {  	s4 =	sadd.s32 $0x55200, s5;
	[sflag:s6] =	ssyncpa.u1 $0x0;
	s8 =	ssub.s32 $0x1000, s2  }
.Ltmp0:
0x7: {  	s3 =	sadd.s32 $0x55800, s5;
	s7 =	sand.u32 $0x7C0, s8;
	(pc) =	sbr.rel .LBB2_1-.Ltmp0, $4  }
0x8: {  	s5 =	sadd.s32 $0x55400, s5;
	s11 =	smov.u32 s2;
	p0 =	sne.s32 s7, $0x0  }
0x9: {  	s8 =	sshrl.u32 s8, $0xB;
	s7 =	simm.s32 $0x2;
	s9 =	simm.s32 @!p0 $0x0  }
0xa: {  	[sflag:s7] =	ssyncpa.u1 $0x0;
	p0 =	por $0x0, $0x0;
	s8 =	sadd.s32 s9, s8  }
0xb: {  	vm0 =	vmmov $0xffff;
	[sflag:s10] =	ssyncpa.u1 $0x0;
	s10 =	simm.s32 $0x0;
	s9 =	sadd.s32 $0x1, s8  }
.LBB2_4:
0xc: {  	v5 =	vshrl.u32 v1, $0xB;
	v6 =	vshll.u32 v1, $0x7  }
0xd: {  	vm1 =	veq.s32 v1, $0x80000000;
	v58 =	vand.u32 $0x7, v5;
	v59 =	vand.u32 $0x3FF80, v6  }
0xe: {  	v1 =	vsel vm1, $0xFFFFFFFF, v58;
	v5 =	vsel vm1, $0xFFFFFF80, v59  }
0xf: {  	v3 =	vor.u32 v4, v3;
	v60 =	vand.u32 $0xFFFFFC00, v5;
	v61 =	vand.u32 $0xFFFFFC00, v1  }
0x10: {  	v2 =	vor.u32 v2, v3;
	v63 =	vand.u32 $0x380, v5;
	v62 =	vadd.s32 v61, v60  }
0x11: {  	v1 =	vand.u32 $0x7F, v1;
	v3 =	vor.u32 v63, v62  }
0x12: {  	v1 =	vor.u32 v1, v3  }
0x13: {  	[tilespmem:s15], [sflag:$0x1] =	stream.indirect_vreg.gather [hbm4b:s3+s10], $0x1, v0, vm0, $0x4038;
	[tilespmem:$0x100] =	vst v63  }
0x14: {  	(ifvalue) =	ssetifvalue $0x7FFFFFFF  }
0x15: {  	[tilespmem:s16], [sflag:$0x1] =	stream.indirect_vreg.gather [hbm4b:s3+s10], $0x1, v2, vm0, $0x4038;
	[tilespmem:$0x100] =	vst v63  }
0x16: {  	s29 =	sadd.s32 $0x10, s16;
	(ifvalue) =	ssetifvalue $0x7FFFFFFF  }
0x17: {  	[tilespmem:s29], [sflag:$0x1] =	stream.indirect_vreg.gather [hbm4b:s3+s10], $0x1, v1, vm0, $0x4038;
	[tilespmem:$0x100] =	vst v63  }
0x18: {  	_ =	swait.ge [sflag:s6], $0x40  }
0x19: {  	s30 =	sshrl.u32 s13, $0x3;
	[sflag:s6] =	ssyncset.done $0x0  }
0x1a: {  	s31 =	sand.u32 $0x7, s13;
	s15 =	sadd.s32 s5, s30;
	[sflag:s6] =	ssyncadd.s32 $0xFFFFFFC0  }
0x1b: {  	[hbm4b:s15+s31] =	stream.linear.scatter [tilespmem:s14], [sflag:$0x3], $0x40, $0x38;
	[tilespmem:$0x100] =	vst v63  }
.LBB2_5:
0x1c: {  	s15 =	sadd.s32 $0x800, s11  }
0x1d: {  	p2 =	sgt.s32 s15, $0xFFF  }
0x1e: {  	s15 =	smov.u32 @p2 s2;
	p2 =	sne.s32 s12, s9  }
.Ltmp1:
0x1f: {  	p1 =	slt.u32 s12, $0x2;
	(pc) =	sbr.rel @!p2 .LBB2_6-.Ltmp1, $4  }
0x20: {  	s14 =	simm.s32 @!p1 $0x3  }
0x21: {  	s16 =	sadd.s32 $0x1, s12;
	_ =	swait.ge @!p1 [sflag:s14], $0x40  }
0x22: {  	s13 =	smov.u32 s11;
	p0 =	por !p0, !p0;
	[sflag:s14] =	ssyncset.done @!p1 $0x0  }
0x23: {  	s12 =	smov.u32 s16;
	s11 =	smov.u32 s15;
	[sflag:s14] =	ssyncadd.s32 @!p1 $0xFFFFFFC0  }
.LBB2_1:
0x24: {  	p1 =	sge.u32 s12, s8  }
0x25: {  	s14 =	sxor.u32 @!p1 $0xFFFFFFFF, s12  }
0x26: {  	s31 =	sadd.s32 $0xFFFFFFFF, s12;
	s15 =	sshrl.u32 @!p1 s11, $0x3;
	s14 =	sshll.u32 @!p1 s14, $0x6  }
0x27: {  	s16 =	sand.u32 @!p1 $0x7, s11;
	s15 =	sadd.s32 @!p1 s4, s15;
	s14 =	sand.u32 @!p1 $0x40, s14  }
0x28: {  	[tilespmem:s14], [sflag:$0x2] =	stream.linear.gather @!p1 [hbm4b:s15+s16], $0x40, $0x38;
	[tilespmem:$0x100] =	vst v63  }
0x29: {  	p1 =	sge.u32 s31, s8  }
.Ltmp2:
0x2a: {  	_ = 	snop;
	(pc) =	sbr.rel @p1 .LBB2_5-.Ltmp2, $1  }
0x2b: {  	_ =	sdelay $0x3  }
0x2c: {  	s14 =	simm.s32 $0x1  }
0x2d: {  	_ =	swait.ge [sflag:s7], $0x40;
	s14 =	simm.s32 @!p0 $0x0  }
0x2e: {  	[sflag:s7] =	ssyncset.done $0x0;
	s14 =	sshll.u32 s14, $0x6  }
0x2f: {  	[sflag:s7] =	ssyncadd.s32 $0xFFFFFFC0;
	(ifvalue) =	ssetifvalue $0x7FFFFFFF;
	v0 =	vld.msk [tilespmem:s14+$0x0 ss:$0x1], $0xffff;
	_ =	sdelay $0x4  }
0x30: {  	s15 =	sadd.s32 $0x10, s14;
	v2 =	vshrl.u32 v0, $0xB;
	v3 =	vshll.u32 v0, $0x7  }
0x31: {  	v1 =	vld.msk [tilespmem:s15+$0x0 ss:$0x1], $0xffff;
	vm1 =	veq.s32 v0, $0x80000000;
	v0 =	vand.u32 $0x7, v2;
	v2 =	vand.u32 $0x3FF80, v3  }
0x32: {  	v0 =	vsel vm1, $0xFFFFFFFF, v0;
	v2 =	vsel vm1, $0xFFFFFF80, v2  }
0x33: {  	v3 =	vand.u32 $0xFFFFFC00, v2;
	v4 =	vand.u32 $0xFFFFFC00, v0  }
0x34: {  	v2 =	vand.u32 $0x380, v2;
	v3 =	vadd.s32 v4, v3  }
0x35: {  	v0 =	vand.u32 $0x7F, v0;
	v2 =	vor.u32 v2, v3  }
0x36: {  	v5 =	vshll.u32 v1, $0x7;
	v4 =	vshrl.u32 v1, $0xB;
	v0 =	vor.u32 v0, v2  }
0x37: {  	s16 =	sshll.u32 s12, $0x6;
	vm1 =	veq.s32 v1, $0x80000000;
	v1 =	vand.u32 $0x7, v4;
	v4 =	vand.u32 $0x3FF80, v5  }
0x38: {  	s16 =	sand.u32 $0x40, s16;
	s18 =	sadd.s32 $0x10, s15;
	v3 =	vsel vm1, $0xFFFFFFFF, v1;
	v4 =	vsel vm1, $0xFFFFFF80, v4  }
0x39: {  	s17 =	simm.s32 $0x20;
	s15 =	sor.u32 $0x80, s14;
	s14 =	sor.u32 $0x80, s16;
	v1 =	vld.msk [tilespmem:s18+$0x0 ss:$0x1], $0xffff;
	v5 =	vand.u32 $0xFFFFFC00, v4;
	v6 =	vand.u32 $0xFFFFFC00, v3  }
0x3a: {  	s16 =	sadd.s32 $0x10, s15;
	s18 =	sadd.s32 $0x10, s18;
	(ifvalue) =	ssetifvalue $0x7FFFFFFF;
	v2 =	vand.u32 $0x7F, v3;
	v4 =	vand.u32 $0x380, v4;
	v3 =	vadd.s32 v6, v5  }
.LBB2_3:
0x3b: {  	[tilespmem:s15], [sflag:$0x1] =	stream.indirect_vreg.gather [hbm4b:s3+s10], $0x1, v0, vm0, $0x4038;
	[tilespmem:$0x100] =	vst v63  }
0x3c: {  	s17 =	sadd.s32 $0x10, s17  }
0x3d: {  	v3 =	vor.u32 v4, v3;
	p1 =	slt.u32 s17, $0x30  }
.Ltmp3:
0x3e: {  	v4 =	vshrl.u32 v1, $0xB;
	v5 =	vshll.u32 v1, $0x7;
	s15 =	smov.u32 s16;
	v0 =	vor.u32 v2, v3;
	v2 =	vmovc v1;
	v1 =	vld.msk [tilespmem:s18+$0x0 ss:$0x1], $0xffff;
	(pc) =	sbr.rel @p1 .LBB2_3-.Ltmp3, $4  }
0x3f: {  	v3 =	vand.u32 $0x3FF80, v5;
	vm1 =	veq.s32 v2, $0x80000000;
	v2 =	vand.u32 $0x7, v4  }
0x40: {  	v4 =	vsel vm1, $0xFFFFFFFF, v2;
	v5 =	vsel vm1, $0xFFFFFF80, v3  }
0x41: {  	v2 =	vand.u32 $0x7F, v4;
	v3 =	vand.u32 $0xFFFFFC00, v5;
	v4 =	vand.u32 $0xFFFFFC00, v4  }
0x42: {  	s16 =	sadd.s32 $0x10, s16;
	s18 =	sadd.s32 $0x10, s18;
	v3 =	vadd.s32 v4, v3;
	v4 =	vand.u32 $0x380, v5;
	(ifvalue) =	ssetifvalue $0x7FFFFFFF  }
.Ltmp4:
0x43: {  	_ = 	snop;
	(pc) =	sbr.rel .LBB2_4-.Ltmp4, $1  }
0x44: {  	_ =	sdelay $0x3  }
.LBB2_6:
0x45: {  	_ =	sfence.sel $0x180000  }
0x46: {  	s2 =	simm.s32 $0x2;
	[bflag:$0x0] =	sbarrier.arrive $0xFFFF  }
0x47: {  	s30 =	simm.s32 $0x3;
	[sflag:s2] =	ssyncpa.u1 $0x1  }
0x48: {  	s31 =	simm.s32 $0x1;
	[sflag:s30] =	ssyncpa.u1 $0x1  }
0x49: {  	[sflag:s31] =	ssyncpa.u1 $0x1  }
0x4a: {  	p0 =	sne.s32 s1, $0x0;
	_ =	strace $0x9000004A  }
0x4b: {  	s0 =	sadd.s32 @!p0 $0x100000, s0;
	[bflag:$0x2] =	sbarrier.arrive $0xFFFF  }
0x4c: {  	[sflag:s0] =	ssyncadd.tile.s32 @!p0 $0x1;
	_ =	shalt  }
.Lfunc_end2:
_tile_overlayer_lowered:
.L_overlay_start_2:
0x4d: {  	(tag) =	ssettag $0x2  }
0x4e: {  	s0 =	rddreg [dreg:$0x0];
	s2 =	stileid.u32  }
0x4f: {  	s1 =	rddreg [dreg:$0x1];
	p0 =	sne.s32 s2, $0x0  }
0x50: {  	s3 =	rddreg [dreg:$0x2];
	[bflag:$0x3] =	sbarrier.arrive $0xFFFF;
	s2 =	simm.s32 @!p0 $0x1C01  }
0x51: {  	[timem:s3], [sflag:s2] =	dma.local @!p0 [hbm:s0], s1  }
0x52: {  	s0 =	simm.s32 @!p0 $0x1  }
0x53: {  	_ =	swait.ge @!p0 [sflag:s0], s1  }
0x54: {  	s1 =	ssub.s32 @!p0 $0x0, s1;
	[sflag:s0] =	ssyncset.done @!p0 $0x0  }
0x55: {  	[sflag:s0] =	ssyncadd.s32 @!p0 s1  }
0x56: {  	[bflag:$0x3] =	sbarrier.arrive $0xFFFF  }
0x57: {  	_ =	shalt  }

// kernel: kernel.12.cloned.1.call-start
scs
__scs_entry_jumppad:
0x0: {  	(pc) =	sbr.rel $0x88, $3  }
0x1: {  	(tag) =	ssettag $0x0;
	lr =	simm.s32 $0x1  }
0x2: {  	[smem:$0x3F96] =	sst lr;
	_ =	strace $0xD0000000  }
0x3: {  	_ = 	snop  }
0x4: {  	_ = 	snop  }
0x5: {  	_ = 	snop  }
0x6: {  	_ = 	snop  }
0x7: {  	_ = 	snop  }
__scs_overlays_trampoline_lowered:
0x8: {  	[smem:$0x3FA5] =	sst s0  }
0x9: {  	[smem:$0x3FA6] =	sst s1  }
0xa: {  	[smem:$0x3FA7] =	sst s2  }
0xb: {  	[smem:$0x3FA8] =	sst s3  }
0xc: {  	[smem:$0x3FA9] =	sst s4  }
0xd: {  	[smem:$0x3FAA] =	sst s5  }
0xe: {  	[smem:$0x3FAB] =	sst s6  }
0xf: {  	[smem:$0x3FAC] =	sst s7  }
0x10: {  	[smem:$0x3FAD] =	sst s8  }
0x11: {  	[smem:$0x3FAE] =	sst s9;
	s0 =	simm.s32 @!p0 $0x0  }
0x12: {  	s1 =	sld [smem:$0x3F94];
	s0 =	simm.s32 @p0 $0x1  }
0x13: {  	[smem:$0x3FAF] =	sst s0;
	s0 =	simm.s32 @!p1 $0x0  }
0x14: {  	s2 =	sld [smem:$0x3F93];
	s0 =	simm.s32 @p1 $0x1  }
0x15: {  	[smem:$0x3FB0] =	sst s0;
	s0 =	simm.s32 @!p2 $0x0  }
0x16: {  	s3 =	sld [smem:$0x3FDB];
	s0 =	simm.s32 @p2 $0x1  }
0x17: {  	s4 =	simm.s32 $0x1BF5;
	[smem:$0x3FB2] =	sst s0  }
0x18: {  	s0 =	sld [smem:$0x3F95];
	_ =	swait.ge [sflag:s4], $0x0  }
0x19: {  	s7 =	sld [smem:$0x3F96]  }
0x1a: {  	s8 =	sadd.s32 $0xFFFFE003, lr  }
0x1b: {  	s9 =	sadd.s32 $0xFFFFFEF7, lr;
	s5 =	simm.s32 $0xFFFFFFFF;
	p2 =	slt.u32 s8, $0xFFFFF086  }
0x1c: {  	p1 =	slt.u32 s9, $0xF7A;
	s5 =	simm.s32 @!p2 $0x0  }
0x1d: {  	s5 =	simm.s32 @p1 $0x1;
	p0 =	seq.s32 s7, s2  }
0x1e: {  	s7 =	smul.u32 @!p0 $0xF7A, s2;
	p2 =	seq.s32 @!p0 s5, $0x0  }
0x1f: {  	s9 =	smul.u32 $0xF7A, s1;
	s8 =	simm.s32 @!p0 $0x1BF5;
	p2 =	por !p2, p0  }
0x20: {  	[sflag:s8] =	ssyncset.s32 @!p0 $0xFFFFF086;
	s6 =	sadd.s32 @!p0 s3, s7;
	s7 =	simm.s32 @!p0 $0x108  }
0x21: {  	s3 =	sadd.s32 s3, s9;
	s6 =	sadd.s32 @!p0 $0x88, s6;
	s7 =	simm.s32 @p2 $0x1082  }
0x22: {  	[simem:s7], [sflag:s8] =	dma.local @!p0 [hbm:s6], $0xF7A  }
0x23: {  	s9 =	sor.u32 $0xD0000000, s2;
	s6 =	simm.s32 $0x108;
	_ =	swait.ge @!p0 [sflag:s8], $0x0  }
0x24: {  	s3 =	sadd.s32 $0x88, s3;
	s6 =	simm.s32 @!p1 $0x1082;
	[sflag:s4] =	ssyncset.s32 $0xFFFFF086  }
0x25: {  	[simem:s6], [sflag:s4] =	dma.local [hbm:s3], $0xF7A  }
0x26: {  	[smem:$0x3F96] =	sst s1;
	(tag) =	ssettag s2;
	_ =	strace s9  }
0x27: {  	s1 =	sld [smem:$0x3FA6]  }
0x28: {  	s2 =	sld [smem:$0x3FA7]  }
0x29: {  	s4 =	sld [smem:$0x3FA9]  }
0x2a: {  	p0 =	seq.s32 s5, $0x0;
	s5 =	sld [smem:$0x3FAA]  }
0x2b: {  	s6 =	sld [smem:$0x3FAB]  }
0x2c: {  	s7 =	sld [smem:$0x3FAC]  }
0x2d: {  	s3 =	simm.s32 $0x108;
	s8 =	sld [smem:$0x3FAD]  }
0x2e: {  	s3 =	simm.s32 @!p0 $0x1082;
	s9 =	sld [smem:$0x3FAE]  }
0x2f: {  	lr =	sadd.s32 s0, s3;
	s0 =	sld [smem:$0x3FA5]  }
0x30: {  	s3 =	sld [smem:$0x3FA8]  }
0x31: {  	[smem:$0x3FB1] =	sst s10  }
0x32: {  	s10 =	sld [smem:$0x3FAF];
	_ =	sdelay $0x3  }
0x33: {  	p0 =	seq.s32 s10, $0x1;
	s10 =	sld [smem:$0x3FB1];
	_ =	sdelay $0x3  }
0x34: {  	[smem:$0x3FB1] =	sst s10  }
0x35: {  	s10 =	sld [smem:$0x3FB0];
	_ =	sdelay $0x3  }
0x36: {  	p1 =	seq.s32 s10, $0x1;
	s10 =	sld [smem:$0x3FB1];
	_ =	sdelay $0x3  }
0x37: {  	[smem:$0x3FB1] =	sst s10  }
0x38: {  	s10 =	sld [smem:$0x3FB2]  }
0x39: {  	_ = 	snop;
	(pc) =	sbr.ind lr, $3  }
0x3a: {  	_ = 	snop  }
0x3b: {  	_ = 	snop  }
0x3c: {  	p2 =	seq.s32 s10, $0x1;
	s10 =	sld [smem:$0x3FB1]  }
0x3d: {  	_ =	shalt  }
0x3e: {  	_ =	shalt  }
0x3f: {  	_ =	shalt  }
0x40: {  	_ =	shalt  }
0x41: {  	_ =	shalt  }
0x42: {  	_ =	shalt  }
0x43: {  	_ =	shalt  }
0x44: {  	_ =	shalt  }
0x45: {  	_ =	shalt  }
0x46: {  	_ =	shalt  }
0x47: {  	_ =	shalt  }
0x48: {  	_ =	shalt  }
0x49: {  	_ =	shalt  }
0x4a: {  	_ =	shalt  }
0x4b: {  	_ =	shalt  }
0x4c: {  	_ =	shalt  }
0x4d: {  	_ =	shalt  }
0x4e: {  	_ =	shalt  }
0x4f: {  	_ =	shalt  }
0x50: {  	_ =	shalt  }
0x51: {  	_ =	shalt  }
0x52: {  	_ =	shalt  }
0x53: {  	_ =	shalt  }
0x54: {  	_ =	shalt  }
0x55: {  	_ =	shalt  }
0x56: {  	_ =	shalt  }
0x57: {  	_ =	shalt  }
0x58: {  	_ =	shalt  }
0x59: {  	_ =	shalt  }
0x5a: {  	_ =	shalt  }
0x5b: {  	_ =	shalt  }
0x5c: {  	_ =	shalt  }
0x5d: {  	_ =	shalt  }
0x5e: {  	_ =	shalt  }
0x5f: {  	_ =	shalt  }
0x60: {  	_ =	shalt  }
0x61: {  	_ =	shalt  }
0x62: {  	_ =	shalt  }
0x63: {  	_ =	shalt  }
0x64: {  	_ =	shalt  }
0x65: {  	_ =	shalt  }
0x66: {  	_ =	shalt  }
0x67: {  	_ =	shalt  }
0x68: {  	_ =	shalt  }
0x69: {  	_ =	shalt  }
0x6a: {  	_ =	shalt  }
0x6b: {  	_ =	shalt  }
0x6c: {  	_ =	shalt  }
0x6d: {  	_ =	shalt  }
0x6e: {  	_ =	shalt  }
0x6f: {  	_ =	shalt  }
0x70: {  	_ =	shalt  }
0x71: {  	_ =	shalt  }
0x72: {  	_ =	shalt  }
0x73: {  	_ =	shalt  }
0x74: {  	_ =	shalt  }
0x75: {  	_ =	shalt  }
0x76: {  	_ =	shalt  }
0x77: {  	_ =	shalt  }
0x78: {  	_ =	shalt  }
0x79: {  	_ =	shalt  }
0x7a: {  	_ =	shalt  }
0x7b: {  	_ =	shalt  }
0x7c: {  	_ =	shalt  }
0x7d: {  	_ =	shalt  }
0x7e: {  	_ =	shalt  }
0x7f: {  	_ =	shalt  }
0x80: {  	_ =	shalt  }
0x81: {  	_ =	shalt  }
0x82: {  	_ =	shalt  }
0x83: {  	_ =	shalt  }
0x84: {  	_ =	shalt  }
0x85: {  	_ =	shalt  }
0x86: {  	_ =	shalt  }
0x87: {  	_ =	shalt  }
.Lfunc_end0:
.L_simem_size_0:
called_computation.2_lowered:
.L_overlay_start_0:
0x88: {  	s2 =	sld [smem:$0x3FD9]  }
0x89: {  	s3 =	sld [smem:$0x3FFE];
	_ =	sdelay $0x1  }
0x8a: {  	s1 =	srdreg.scid  }
0x8b: {  	s0 =	sand.u32 $0x1, s1  }
0x8c: {  	s17 =	sshll.u32 s0, $0xA;
	s2 =	sadd.s32 s3, s2  }
0x8d: {  	s2 =	sadd.s32 s2, s17  }
0x8e: {  	[smem:$0x3FBD] =	sst s2  }
0x8f: {  	_ = 	snop  }
0x90: {  	s2 =	sld [smem:$0x3FD0];
	(tm) =	ssettm $0x1  }
0x91: {  	s18 =	sld [smem:$0x3FFB];
	_ =	sdelay $0x3  }
0x92: {  	_ =	strace s18  }
0x93: {  	s3 =	sld [smem:$0x3FFC];
	_ =	sdelay $0x3  }
0x94: {  	_ =	strace s3  }
0x95: {  	s3 =	sld [smem:$0x3FFD];
	_ =	sdelay $0x3  }
0x96: {  	_ =	strace s3  }
0x97: {  	_ =	strace $0x8FFFFFFF  }
0x98: {  	s19 =	sld [smem:$0x3FDB];
	_ =	sdelay $0x1  }
0x99: {  	s4 =	simm.s32 $_scs_section_size  }
0x9a: {  	s5 =	simm.s32 $_size__tile_overlayer_lowered;
	s6 =	simm.s32 $_tile_overlayer_lowered  }
0x9b: {  	s22 =	simm.s32 $0x1BFF;
	s21 =	sshll.u32 s6, $0x1;
	s3 =	sadd.s32 s4, s19  }
0x9c: {  	s7 =	simm.s32 $0x0;
	s20 =	sshll.u32 s5, $0x1;
	s5 =	sadd.s32 s21, s3  }
0x9d: {  	[timem:s7], [sflag:s22] =	dma.local [hbm:s5], s20  }
0x9e: {  	_ =	swait.ge [sflag:s22], s20  }
0x9f: {  	s4 =	ssub.s32 $0x0, s20;
	[sflag:s22] =	ssyncset.done $0x0  }
0xa0: {  	[sflag:s22] =	ssyncadd.s32 s4;
	_ =	sdelay $0x1  }
0xa1: {  	s23 =	simm.s32 $0x1B8B  }
0xa2: {  	_ =	swait.ge [sflag:s23], $0x1  }
0xa3: {  	[sflag:s23] =	ssyncset.done $0x0  }
0xa4: {  	s25 =	simm.s32 $0x1B8E;
	s24 =	sld [smem:$0x3FFE];
	[sflag:s23] =	ssyncadd.s32 $0xFFFFFFFF  }
0xa5: {  	s26 =	simm.s32 $execute0_lowered;
	[smem:$0x3FD2] =	sst s25  }
0xa6: {  	s5 =	sshll.u32 s26, $0x1;
	_ =	strace $0x8000004C;
	[dreg:$0x1] =	wrdreg $0xFFFFFFFF  }
0xa7: {  	s28 =	simm.s32 $_size_execute0_lowered;
	s3 =	sadd.s32 s3, s5;
	[dreg:$0x0] =	wrdreg $0x0  }
0xa8: {  	s5 =	sshll.u32 s28, $0x1;
	[dreg:$0x2] =	wrdreg s3  }
0xa9: {  	[dreg:$0x3] =	wrdreg s5  }
0xaa: {  	[dreg:$0x4] =	wrdreg $0xC0  }
0xab: {  	_ =	task [dreg:s7], $0x5FFFF  }
0xac: {  	[dreg:$0x1] =	wrdreg $0xFFFFFFFF  }
0xad: {  	[dreg:$0x0] =	wrdreg $0x60  }
0xae: {  	[dreg:$0x2] =	wrdreg s2  }
0xaf: {  	[dreg:$0x3] =	wrdreg s24  }
0xb0: {  	[dreg:$0x4] =	wrdreg $0x9  }
0xb1: {  	_ =	task.clear_ibuf [dreg:s7], $0x5FFFF;
	_ =	strace $0x9000004C  }
0xb2: {  	s29 =	simm.s32 $0x9;
	_ =	strace $0x8000004E  }
0xb3: {  	_ =	swait.ge [sflag:s29], $0x1  }
0xb4: {  	[sflag:s29] =	ssyncadd.s32 $0xFFFFFFFF  }
0xb5: {  	_ =	strace $0x9000004E  }
0xb6: {  	_ =	sfence  }
0xb7: {  	s30 =	sld [smem:$0x0];
	_ =	sdelay $0x2  }
0xb8: {  	s31 =	sshll.u32 s1, $0xD;
	s1 =	sshrl.u32 s1, $0x2  }
0xb9: {  	s3 =	sand.u32 $0x4000, s31;
	s1 =	sadd.s32 s1, s30  }
0xba: {  	s0 =	sor.u32 s3, s0;
	s1 =	sshll.u32 s1, $0x11  }
0xbb: {  	s0 =	sor.u32 s1, s0  }
0xbc: {  	s0 =	sadd.s32 $0x8F2B, s0  }
0xbd: {  	[sflag:s0] =	ssyncadd.remote.s32 $0x1  }
0xbe: {  	_ =	sfence.sel $0xFFFF  }
0xbf: {  	[dreg:$0x0] =	wrdreg $0xFFFFFFFF;
	(pc) =	sbr.abs _section_cstart, $3  }
0xc0: {  	[dreg:$0x1] =	wrdreg $0xFFFFFFFF  }
0xc1: {  	_ =	task.clear_ibuf [dreg:s7], $0x2FFFF;
	_ =	strace $0x9FFFFFFF  }
0xc2: {  	(tm) =	ssettm $0x7FFFFFFF  }
0xc3: {  	_ =	shalt  }
tec
execute0_lowered:
.L_overlay_start_1:
0x0: {  	(tag) =	ssettag $0x1  }
0x1: {  	s0 =	srdreg.scid;
	s1 =	rddreg [dreg:$0x0]  }
0x2: {  	s2 =	stileid.u32;
	s3 =	rddreg [dreg:$0x1]  }
0x3: {  	s9 =	simm.s32 $0x7;
	s30 =	simm.s32 $0x80;
	s10 =	simm.s32 $0x100  }
0x4: {  	s11 =	simm.s32 $0x8100;
	s12 =	simm.s32 $0x1;
	s29 =	simm.s32 $0x2  }
0x5: {  	s22 =	simm.s32 $0xF900;
	s23 =	simm.s32 $0x3;
	s24 =	simm.s32 $0x4  }
0x6: {  	s25 =	simm.s32 $0x5;
	s31 =	simm.s32 $0x1900;
	s0 =	sand.u32 $0x1, s0  }
0x7: {  	s4 =	sshll.u32 s2, $0x7;
	s2 =	simm.s32 $0x0;
	s7 =	sadd.s32 $0x55100, s3  }
0x8: {  	s5 =	sshll.u32 s0, $0x6;
	[smem:$0x7FF] =	sst s2;
	s0 =	ssub.s32 $0x2, s0  }
0x9: {  	s4 =	sor.u32 s5, s4;
	_ =	strace $0x8000004D;
	s26 =	sshrl.u32 s0, $0x1  }
0xa: {  	[dreg:$0x6] =	wrdreg s30;
	s5 =	sshrl.u32 s4, $0x3;
	s4 =	sshll.u32 s4, $0x7  }
0xb: {  	s0 =	ssub.s32 s0, s26;
	s5 =	sadd.s32 s5, s3;
	s4 =	sadd.s32 s1, s4  }
0xc: {  	s26 =	simm.s32 $0x6;
	s6 =	sadd.s32 $0x42C00, s5;
	[dreg:$0x7] =	wrdreg s4  }
0xd: {  	v2 =	vlaneseq.u32;
	s8 =	smax.u32 s0, $0x1;
	s5 =	sadd.s32 $0x42D00, s5;
	[dreg:$0x3] =	wrdreg s6  }
0xe: {  	vm0 =	vmmov $0xffff;
	v1 =	vshrl.u32 v2, $0x3;
	s28 =	sadd.s32 $0x1000, s4;
	s4 =	sadd.s32 $0x54E00, s3;
	[dreg:$0x4] =	wrdreg s5  }
0xf: {  	v0 =	vand.u32 $0x7, v2;
	v2 =	vor.u32 $0x8, v2;
	v1 =	vmul.u32 $0x8, v1;
	[dreg:$0x5] =	wrdreg s28;
	s5 =	sadd.s32 $0x54F00, s3;
	s6 =	sadd.s32 $0x55000, s3  }
.LBB2_1:
0x10: {  	s28 =	rddreg [dreg:$0x3]  }
0x11: {  	[tilespmem:s2], [sflag:$0x7] =	stream.linear.gather [hbm4b:s28+s2], $0x40, $0x38;
	[tilespmem:$0x10100] =	vst v63  }
0x12: {  	_ =	swait.ge [sflag:s9], $0x40  }
0x13: {  	s19 =	rddreg [dreg:$0x4];
	[sflag:s9] =	ssyncset.done $0x0  }
0x14: {  	s30 =	rddreg [dreg:$0x6];
	[sflag:s9] =	ssyncadd.s32 $0xFFFFFFC0  }
0x15: {  	[tilespmem:s30], [sflag:$0x7] =	stream.linear.gather [hbm4b:s19+s2], $0x40, $0x38;
	[tilespmem:$0x10100] =	vst v63  }
0x16: {  	_ =	swait.ge [sflag:s9], $0x40  }
0x17: {  	[sflag:s9] =	ssyncset.done $0x0  }
0x18: {  	s21 =	rddreg [dreg:$0x7];
	[sflag:s9] =	ssyncadd.s32 $0xFFFFFFC0  }
0x19: {  	[tilespmem:s10], [sflag:$0x1] =	stream.linear.gather [hbm4b:s21+s2], $0x8000, $0x38;
	[tilespmem:$0x10100] =	vst v63  }
0x1a: {  	s20 =	rddreg [dreg:$0x5]  }
0x1b: {  	[tilespmem:s11], [sflag:$0x2] =	stream.linear.gather [hbm4b:s20+s2], $0x8000, $0x38;
	[tilespmem:$0x10100] =	vst v63  }
0x1c: {  	_ =	swait.ge [sflag:s12], $0x8000  }
0x1d: {  	[sflag:s12] =	ssyncset.done $0x0  }
0x1e: {  	[sflag:s12] =	ssyncadd.s32 $0xFFFF8000  }
0x1f: {  	v3 =	vld [tilespmem:$0x0];
	_ =	sdelay $0x4  }
0x20: {  	v4 =	vshll.u32 v3, $0x3  }
0x21: {  	v3 =	vand.u32 $0x7, v3;
	v4 =	vand.u32 $0xFFFFFFC0, v4  }
0x22: {  	v3 =	vor.u32 v3, v4  }
0x23: {  	v4 =	vperm.xlane v3, v0;
	_ =	sdelay $0x1  }
0x24: {  	v4 =	vadd.s32 v1, v4;
	_ =	sdelay $0x4  }
0x25: {  	[hbm4b:s4+s2] =	stream.indirect_vreg.scatter [tilespmem:s10], [sflag:$0x3], $0x80, v4, vm0, $0xb8;
	[tilespmem:$0x10100] =	vst v63  }
0x26: {  	s28 =	simm.s32 $0x900;
	v3 =	vperm.xlane v3, v2  }
0x27: {  	[hbm4b:s5+s2] =	stream.indirect_vreg.scatter [tilespmem:s28], [sflag:$0x3], $0x80, v4, vm0, $0xb8;
	[tilespmem:$0x10100] =	vst v63  }
0x28: {  	s30 =	simm.s32 $0x1100;
	v3 =	vadd.s32 v1, v3  }
0x29: {  	[hbm4b:s6+s2] =	stream.indirect_vreg.scatter [tilespmem:s30], [sflag:$0x3], $0x80, v4, vm0, $0xb8;
	[tilespmem:$0x10100] =	vst v63  }
0x2a: {  	_ = 	snop  }
0x2b: {  	[hbm4b:s7+s2] =	stream.indirect_vreg.scatter [tilespmem:s31], [sflag:$0x3], $0x80, v4, vm0, $0xb8;
	[tilespmem:$0x10100] =	vst v63  }
0x2c: {  	s1 =	simm.s32 $0x2100  }
0x2d: {  	[hbm4b:s4+s2] =	stream.indirect_vreg.scatter [tilespmem:s1], [sflag:$0x3], $0x80, v3, vm0, $0xb8;
	[tilespmem:$0x10100] =	vst v63  }
0x2e: {  	s0 =	simm.s32 $0x2900  }
0x2f: {  	[hbm4b:s5+s2] =	stream.indirect_vreg.scatter [tilespmem:s0], [sflag:$0x3], $0x80, v3, vm0, $0xb8;
	[tilespmem:$0x10100] =	vst v63  }
0x30: {  	s3 =	simm.s32 $0x3100  }
0x31: {  	[hbm4b:s6+s2] =	stream.indirect_vreg.scatter [tilespmem:s3], [sflag:$0x3], $0x80, v3, vm0, $0xb8;
	[tilespmem:$0x10100] =	vst v63  }
0x32: {  	s13 =	simm.s32 $0x3900  }
0x33: {  	[hbm4b:s7+s2] =	stream.indirect_vreg.scatter [tilespmem:s13], [sflag:$0x3], $0x80, v3, vm0, $0xb8;
	[tilespmem:$0x10100] =	vst v63  }
0x34: {  	v3 =	vld [tilespmem:$0x10];
	_ =	sdelay $0x4  }
0x35: {  	v57 =	vshll.u32 v3, $0x3  }
0x36: {  	v3 =	vand.u32 $0x7, v3;
	v4 =	vand.u32 $0xFFFFFFC0, v57  }
0x37: {  	v3 =	vor.u32 v3, v4  }
0x38: {  	v4 =	vperm.xlane v3, v0;
	_ =	sdelay $0x1  }
0x39: {  	v4 =	vadd.s32 v1, v4;
	_ =	sdelay $0x3  }
0x3a: {  	s14 =	simm.s32 $0x4100  }
0x3b: {  	[hbm4b:s4+s2] =	stream.indirect_vreg.scatter [tilespmem:s14], [sflag:$0x3], $0x80, v4, vm0, $0xb8;
	[tilespmem:$0x10100] =	vst v63  }
0x3c: {  	s15 =	simm.s32 $0x4900;
	v3 =	vperm.xlane v3, v2  }
0x3d: {  	[hbm4b:s5+s2] =	stream.indirect_vreg.scatter [tilespmem:s15], [sflag:$0x3], $0x80, v4, vm0, $0xb8;
	[tilespmem:$0x10100] =	vst v63  }
0x3e: {  	s16 =	simm.s32 $0x5100;
	v3 =	vadd.s32 v1, v3  }
0x3f: {  	[hbm4b:s6+s2] =	stream.indirect_vreg.scatter [tilespmem:s16], [sflag:$0x3], $0x80, v4, vm0, $0xb8;
	[tilespmem:$0x10100] =	vst v63  }
0x40: {  	s17 =	simm.s32 $0x5900  }
0x41: {  	[hbm4b:s7+s2] =	stream.indirect_vreg.scatter [tilespmem:s17], [sflag:$0x3], $0x80, v4, vm0, $0xb8;
	[tilespmem:$0x10100] =	vst v63  }
0x42: {  	s18 =	simm.s32 $0x6100  }
0x43: {  	[hbm4b:s4+s2] =	stream.indirect_vreg.scatter [tilespmem:s18], [sflag:$0x3], $0x80, v3, vm0, $0xb8;
	[tilespmem:$0x10100] =	vst v63  }
0x44: {  	s19 =	simm.s32 $0x6900  }
0x45: {  	[hbm4b:s5+s2] =	stream.indirect_vreg.scatter [tilespmem:s19], [sflag:$0x3], $0x80, v3, vm0, $0xb8;
	[tilespmem:$0x10100] =	vst v63  }
0x46: {  	s20 =	simm.s32 $0x7100  }
0x47: {  	[hbm4b:s6+s2] =	stream.indirect_vreg.scatter [tilespmem:s20], [sflag:$0x3], $0x80, v3, vm0, $0xb8;
	[tilespmem:$0x10100] =	vst v63  }
0x48: {  	s21 =	simm.s32 $0x7900  }
0x49: {  	[hbm4b:s7+s2] =	stream.indirect_vreg.scatter [tilespmem:s21], [sflag:$0x3], $0x80, v3, vm0, $0xb8;
	[tilespmem:$0x10100] =	vst v63  }
0x4a: {  	v3 =	vld [tilespmem:$0x80];
	_ =	sdelay $0x4  }
0x4b: {  	v58 =	vshll.u32 v3, $0x3  }
0x4c: {  	v3 =	vand.u32 $0x7, v3;
	v4 =	vand.u32 $0xFFFFFFC0, v58  }
0x4d: {  	v3 =	vor.u32 v3, v4  }
0x4e: {  	v4 =	vperm.xlane v3, v0;
	_ =	sdelay $0x1  }
0x4f: {  	v4 =	vadd.s32 v1, v4;
	_ =	sdelay $0x4  }
0x50: {  	[hbm4b:s4+s2] =	stream.indirect_vreg.scatter [tilespmem:s10], [sflag:$0x4], $0x80, v4, vm0, $0xb8;
	[tilespmem:$0x10100] =	vst v63  }
0x51: {  	v3 =	vperm.xlane v3, v2  }
0x52: {  	[hbm4b:s5+s2] =	stream.indirect_vreg.scatter [tilespmem:s28], [sflag:$0x4], $0x80, v4, vm0, $0xb8;
	[tilespmem:$0x10100] =	vst v63  }
0x53: {  	v3 =	vadd.s32 v1, v3  }
0x54: {  	[hbm4b:s6+s2] =	stream.indirect_vreg.scatter [tilespmem:s30], [sflag:$0x4], $0x80, v4, vm0, $0xb8;
	[tilespmem:$0x10100] =	vst v63  }
0x55: {  	_ = 	snop  }
0x56: {  	[hbm4b:s7+s2] =	stream.indirect_vreg.scatter [tilespmem:s31], [sflag:$0x4], $0x80, v4, vm0, $0xb8;
	[tilespmem:$0x10100] =	vst v63  }
0x57: {  	_ = 	snop  }
0x58: {  	[hbm4b:s4+s2] =	stream.indirect_vreg.scatter [tilespmem:s1], [sflag:$0x4], $0x80, v3, vm0, $0xb8;
	[tilespmem:$0x10100] =	vst v63  }
0x59: {  	_ = 	snop  }
0x5a: {  	[hbm4b:s5+s2] =	stream.indirect_vreg.scatter [tilespmem:s0], [sflag:$0x4], $0x80, v3, vm0, $0xb8;
	[tilespmem:$0x10100] =	vst v63  }
0x5b: {  	_ = 	snop  }
0x5c: {  	[hbm4b:s6+s2] =	stream.indirect_vreg.scatter [tilespmem:s3], [sflag:$0x4], $0x80, v3, vm0, $0xb8;
	[tilespmem:$0x10100] =	vst v63  }
0x5d: {  	_ = 	snop  }
0x5e: {  	[hbm4b:s7+s2] =	stream.indirect_vreg.scatter [tilespmem:s13], [sflag:$0x4], $0x80, v3, vm0, $0xb8;
	[tilespmem:$0x10100] =	vst v63  }
0x5f: {  	v3 =	vld [tilespmem:$0x90];
	_ =	sdelay $0x4  }
0x60: {  	v59 =	vshll.u32 v3, $0x3  }
0x61: {  	v3 =	vand.u32 $0x7, v3;
	v4 =	vand.u32 $0xFFFFFFC0, v59  }
0x62: {  	v3 =	vor.u32 v3, v4  }
0x63: {  	v4 =	vperm.xlane v3, v0;
	_ =	sdelay $0x1  }
0x64: {  	v4 =	vadd.s32 v1, v4;
	_ =	sdelay $0x4  }
0x65: {  	[hbm4b:s4+s2] =	stream.indirect_vreg.scatter [tilespmem:s14], [sflag:$0x4], $0x80, v4, vm0, $0xb8;
	[tilespmem:$0x10100] =	vst v63  }
0x66: {  	v3 =	vperm.xlane v3, v2  }
0x67: {  	[hbm4b:s5+s2] =	stream.indirect_vreg.scatter [tilespmem:s15], [sflag:$0x4], $0x80, v4, vm0, $0xb8;
	[tilespmem:$0x10100] =	vst v63  }
0x68: {  	v3 =	vadd.s32 v1, v3  }
0x69: {  	[hbm4b:s6+s2] =	stream.indirect_vreg.scatter [tilespmem:s16], [sflag:$0x4], $0x80, v4, vm0, $0xb8;
	[tilespmem:$0x10100] =	vst v63  }
0x6a: {  	_ = 	snop  }
0x6b: {  	[hbm4b:s7+s2] =	stream.indirect_vreg.scatter [tilespmem:s17], [sflag:$0x4], $0x80, v4, vm0, $0xb8;
	[tilespmem:$0x10100] =	vst v63  }
0x6c: {  	_ = 	snop  }
0x6d: {  	[hbm4b:s4+s2] =	stream.indirect_vreg.scatter [tilespmem:s18], [sflag:$0x4], $0x80, v3, vm0, $0xb8;
	[tilespmem:$0x10100] =	vst v63  }
0x6e: {  	_ = 	snop  }
0x6f: {  	[hbm4b:s5+s2] =	stream.indirect_vreg.scatter [tilespmem:s19], [sflag:$0x4], $0x80, v3, vm0, $0xb8;
	[tilespmem:$0x10100] =	vst v63  }
0x70: {  	_ = 	snop  }
0x71: {  	[hbm4b:s6+s2] =	stream.indirect_vreg.scatter [tilespmem:s20], [sflag:$0x4], $0x80, v3, vm0, $0xb8;
	[tilespmem:$0x10100] =	vst v63  }
0x72: {  	_ = 	snop  }
0x73: {  	[hbm4b:s7+s2] =	stream.indirect_vreg.scatter [tilespmem:s21], [sflag:$0x4], $0x80, v3, vm0, $0xb8;
	[tilespmem:$0x10100] =	vst v63  }
0x74: {  	_ =	swait.ge [sflag:s29], $0x8000  }
0x75: {  	[sflag:s29] =	ssyncset.done $0x0  }
0x76: {  	[sflag:s29] =	ssyncadd.s32 $0xFFFF8000  }
0x77: {  	v3 =	vld [tilespmem:$0x20];
	_ =	sdelay $0x4  }
0x78: {  	v60 =	vshll.u32 v3, $0x3  }
0x79: {  	v3 =	vand.u32 $0x7, v3;
	v4 =	vand.u32 $0xFFFFFFC0, v60  }
0x7a: {  	v3 =	vor.u32 v3, v4  }
0x7b: {  	v4 =	vperm.xlane v3, v0;
	_ =	sdelay $0x1  }
0x7c: {  	v4 =	vadd.s32 v1, v4;
	_ =	sdelay $0x4  }
0x7d: {  	[hbm4b:s4+s2] =	stream.indirect_vreg.scatter [tilespmem:s11], [sflag:$0x5], $0x80, v4, vm0, $0xb8;
	[tilespmem:$0x10100] =	vst v63  }
0x7e: {  	s0 =	simm.s32 $0x8900;
	v3 =	vperm.xlane v3, v2  }
0x7f: {  	[hbm4b:s5+s2] =	stream.indirect_vreg.scatter [tilespmem:s0], [sflag:$0x5], $0x80, v4, vm0, $0xb8;
	[tilespmem:$0x10100] =	vst v63  }
0x80: {  	s1 =	simm.s32 $0x9100;
	v3 =	vadd.s32 v1, v3  }
0x81: {  	[hbm4b:s6+s2] =	stream.indirect_vreg.scatter [tilespmem:s1], [sflag:$0x5], $0x80, v4, vm0, $0xb8;
	[tilespmem:$0x10100] =	vst v63  }
0x82: {  	s3 =	simm.s32 $0x9900  }
0x83: {  	[hbm4b:s7+s2] =	stream.indirect_vreg.scatter [tilespmem:s3], [sflag:$0x5], $0x80, v4, vm0, $0xb8;
	[tilespmem:$0x10100] =	vst v63  }
0x84: {  	s13 =	simm.s32 $0xA100  }
0x85: {  	[hbm4b:s4+s2] =	stream.indirect_vreg.scatter [tilespmem:s13], [sflag:$0x5], $0x80, v3, vm0, $0xb8;
	[tilespmem:$0x10100] =	vst v63  }
0x86: {  	s14 =	simm.s32 $0xA900  }
0x87: {  	[hbm4b:s5+s2] =	stream.indirect_vreg.scatter [tilespmem:s14], [sflag:$0x5], $0x80, v3, vm0, $0xb8;
	[tilespmem:$0x10100] =	vst v63  }
0x88: {  	s15 =	simm.s32 $0xB100  }
0x89: {  	[hbm4b:s6+s2] =	stream.indirect_vreg.scatter [tilespmem:s15], [sflag:$0x5], $0x80, v3, vm0, $0xb8;
	[tilespmem:$0x10100] =	vst v63  }
0x8a: {  	s16 =	simm.s32 $0xB900  }
0x8b: {  	[hbm4b:s7+s2] =	stream.indirect_vreg.scatter [tilespmem:s16], [sflag:$0x5], $0x80, v3, vm0, $0xb8;
	[tilespmem:$0x10100] =	vst v63  }
0x8c: {  	v3 =	vld [tilespmem:$0x30];
	_ =	sdelay $0x4  }
0x8d: {  	v61 =	vshll.u32 v3, $0x3  }
0x8e: {  	v3 =	vand.u32 $0x7, v3;
	v4 =	vand.u32 $0xFFFFFFC0, v61  }
0x8f: {  	v3 =	vor.u32 v3, v4  }
0x90: {  	v4 =	vperm.xlane v3, v0;
	_ =	sdelay $0x1  }
0x91: {  	v4 =	vadd.s32 v1, v4;
	_ =	sdelay $0x3  }
0x92: {  	s17 =	simm.s32 $0xC100  }
0x93: {  	[hbm4b:s4+s2] =	stream.indirect_vreg.scatter [tilespmem:s17], [sflag:$0x5], $0x80, v4, vm0, $0xb8;
	[tilespmem:$0x10100] =	vst v63  }
0x94: {  	s18 =	simm.s32 $0xC900;
	v3 =	vperm.xlane v3, v2  }
0x95: {  	[hbm4b:s5+s2] =	stream.indirect_vreg.scatter [tilespmem:s18], [sflag:$0x5], $0x80, v4, vm0, $0xb8;
	[tilespmem:$0x10100] =	vst v63  }
0x96: {  	s19 =	simm.s32 $0xD100;
	v3 =	vadd.s32 v1, v3  }
0x97: {  	[hbm4b:s6+s2] =	stream.indirect_vreg.scatter [tilespmem:s19], [sflag:$0x5], $0x80, v4, vm0, $0xb8;
	[tilespmem:$0x10100] =	vst v63  }
0x98: {  	s20 =	simm.s32 $0xD900  }
0x99: {  	[hbm4b:s7+s2] =	stream.indirect_vreg.scatter [tilespmem:s20], [sflag:$0x5], $0x80, v4, vm0, $0xb8;
	[tilespmem:$0x10100] =	vst v63  }
0x9a: {  	s21 =	simm.s32 $0xE100  }
0x9b: {  	[hbm4b:s4+s2] =	stream.indirect_vreg.scatter [tilespmem:s21], [sflag:$0x5], $0x80, v3, vm0, $0xb8;
	[tilespmem:$0x10100] =	vst v63  }
0x9c: {  	s28 =	simm.s32 $0xE900  }
0x9d: {  	[hbm4b:s5+s2] =	stream.indirect_vreg.scatter [tilespmem:s28], [sflag:$0x5], $0x80, v3, vm0, $0xb8;
	[tilespmem:$0x10100] =	vst v63  }
0x9e: {  	s30 =	simm.s32 $0xF100  }
0x9f: {  	[hbm4b:s6+s2] =	stream.indirect_vreg.scatter [tilespmem:s30], [sflag:$0x5], $0x80, v3, vm0, $0xb8;
	[tilespmem:$0x10100] =	vst v63  }
0xa0: {  	_ = 	snop  }
0xa1: {  	[hbm4b:s7+s2] =	stream.indirect_vreg.scatter [tilespmem:s22], [sflag:$0x5], $0x80, v3, vm0, $0xb8;
	[tilespmem:$0x10100] =	vst v63  }
0xa2: {  	v3 =	vld [tilespmem:$0xA0];
	_ =	sdelay $0x4  }
0xa3: {  	v62 =	vshll.u32 v3, $0x3  }
0xa4: {  	v3 =	vand.u32 $0x7, v3;
	v4 =	vand.u32 $0xFFFFFFC0, v62  }
0xa5: {  	v3 =	vor.u32 v3, v4  }
0xa6: {  	v4 =	vperm.xlane v3, v0;
	_ =	sdelay $0x1  }
0xa7: {  	v4 =	vadd.s32 v1, v4;
	_ =	sdelay $0x4  }
0xa8: {  	[hbm4b:s4+s2] =	stream.indirect_vreg.scatter [tilespmem:s11], [sflag:$0x6], $0x80, v4, vm0, $0xb8;
	[tilespmem:$0x10100] =	vst v63  }
0xa9: {  	v3 =	vperm.xlane v3, v2  }
0xaa: {  	[hbm4b:s5+s2] =	stream.indirect_vreg.scatter [tilespmem:s0], [sflag:$0x6], $0x80, v4, vm0, $0xb8;
	[tilespmem:$0x10100] =	vst v63  }
0xab: {  	v3 =	vadd.s32 v1, v3  }
0xac: {  	[hbm4b:s6+s2] =	stream.indirect_vreg.scatter [tilespmem:s1], [sflag:$0x6], $0x80, v4, vm0, $0xb8;
	[tilespmem:$0x10100] =	vst v63  }
0xad: {  	_ = 	snop  }
0xae: {  	[hbm4b:s7+s2] =	stream.indirect_vreg.scatter [tilespmem:s3], [sflag:$0x6], $0x80, v4, vm0, $0xb8;
	[tilespmem:$0x10100] =	vst v63  }
0xaf: {  	_ = 	snop  }
0xb0: {  	[hbm4b:s4+s2] =	stream.indirect_vreg.scatter [tilespmem:s13], [sflag:$0x6], $0x80, v3, vm0, $0xb8;
	[tilespmem:$0x10100] =	vst v63  }
0xb1: {  	_ = 	snop  }
0xb2: {  	[hbm4b:s5+s2] =	stream.indirect_vreg.scatter [tilespmem:s14], [sflag:$0x6], $0x80, v3, vm0, $0xb8;
	[tilespmem:$0x10100] =	vst v63  }
0xb3: {  	_ = 	snop  }
0xb4: {  	[hbm4b:s6+s2] =	stream.indirect_vreg.scatter [tilespmem:s15], [sflag:$0x6], $0x80, v3, vm0, $0xb8;
	[tilespmem:$0x10100] =	vst v63  }
0xb5: {  	_ = 	snop  }
0xb6: {  	[hbm4b:s7+s2] =	stream.indirect_vreg.scatter [tilespmem:s16], [sflag:$0x6], $0x80, v3, vm0, $0xb8;
	[tilespmem:$0x10100] =	vst v63  }
0xb7: {  	v3 =	vld [tilespmem:$0xB0];
	_ =	sdelay $0x4  }
0xb8: {  	v63 =	vshll.u32 v3, $0x3  }
0xb9: {  	v3 =	vand.u32 $0x7, v3;
	v4 =	vand.u32 $0xFFFFFFC0, v63  }
0xba: {  	v3 =	vor.u32 v3, v4  }
0xbb: {  	v4 =	vperm.xlane v3, v0;
	_ =	sdelay $0x1  }
0xbc: {  	v4 =	vadd.s32 v1, v4;
	_ =	sdelay $0x4  }
0xbd: {  	[hbm4b:s4+s2] =	stream.indirect_vreg.scatter [tilespmem:s17], [sflag:$0x6], $0x80, v4, vm0, $0xb8;
	[tilespmem:$0x10100] =	vst v63  }
0xbe: {  	v3 =	vperm.xlane v3, v2  }
0xbf: {  	[hbm4b:s5+s2] =	stream.indirect_vreg.scatter [tilespmem:s18], [sflag:$0x6], $0x80, v4, vm0, $0xb8;
	[tilespmem:$0x10100] =	vst v63  }
0xc0: {  	v3 =	vadd.s32 v1, v3  }
0xc1: {  	[hbm4b:s6+s2] =	stream.indirect_vreg.scatter [tilespmem:s19], [sflag:$0x6], $0x80, v4, vm0, $0xb8;
	[tilespmem:$0x10100] =	vst v63  }
0xc2: {  	_ = 	snop  }
0xc3: {  	[hbm4b:s7+s2] =	stream.indirect_vreg.scatter [tilespmem:s20], [sflag:$0x6], $0x80, v4, vm0, $0xb8;
	[tilespmem:$0x10100] =	vst v63  }
0xc4: {  	_ = 	snop  }
0xc5: {  	[hbm4b:s4+s2] =	stream.indirect_vreg.scatter [tilespmem:s21], [sflag:$0x6], $0x80, v3, vm0, $0xb8;
	[tilespmem:$0x10100] =	vst v63  }
0xc6: {  	_ = 	snop  }
0xc7: {  	[hbm4b:s5+s2] =	stream.indirect_vreg.scatter [tilespmem:s28], [sflag:$0x6], $0x80, v3, vm0, $0xb8;
	[tilespmem:$0x10100] =	vst v63  }
0xc8: {  	_ = 	snop  }
0xc9: {  	[hbm4b:s6+s2] =	stream.indirect_vreg.scatter [tilespmem:s30], [sflag:$0x6], $0x80, v3, vm0, $0xb8;
	[tilespmem:$0x10100] =	vst v63  }
0xca: {  	_ = 	snop  }
0xcb: {  	[hbm4b:s7+s2] =	stream.indirect_vreg.scatter [tilespmem:s22], [sflag:$0x6], $0x80, v3, vm0, $0xb8;
	[tilespmem:$0x10100] =	vst v63  }
0xcc: {  	_ =	swait.ge [sflag:s23], $0x8000  }
0xcd: {  	[sflag:s23] =	ssyncset.done $0x0  }
0xce: {  	[sflag:s23] =	ssyncadd.s32 $0xFFFF8000  }
0xcf: {  	_ =	swait.ge [sflag:s24], $0x8000  }
0xd0: {  	[sflag:s24] =	ssyncset.done $0x0  }
0xd1: {  	[sflag:s24] =	ssyncadd.s32 $0xFFFF8000  }
0xd2: {  	p0 =	sne.s32 s8, $0x1;
	_ =	swait.ge [sflag:s25], $0x8000  }
.Ltmp0:
0xd3: {  	[sflag:s25] =	ssyncset.done $0x0;
	(pc) =	sbr.rel @p0 .LBB2_1-.Ltmp0, $4  }
0xd4: {  	[sflag:s25] =	ssyncadd.s32 $0xFFFF8000  }
0xd5: {  	_ =	swait.ge [sflag:s26], $0x8000  }
0xd6: {  	[sflag:s26] =	ssyncset.done $0x0  }
0xd7: {  	s8 =	sadd.s32 $0xFFFFFFFF, s8;
	[sflag:s26] =	ssyncadd.s32 $0xFFFF8000  }
0xd8: {  	_ =	sfence.sel $0x180000  }
0xd9: {  	[bflag:$0x0] =	sbarrier.arrive $0xFFFF  }
0xda: {  	_ =	strace $0x9000004D  }
0xdb: {  	s0 =	stileid.u32;
	[bflag:$0x2] =	sbarrier.arrive $0xFFFF  }
0xdc: {  	p0 =	sne.s32 s0, $0x0;
	s0 =	rddreg [dreg:$0x2]  }
0xdd: {  	s0 =	sadd.s32 @!p0 $0x100000, s0  }
0xde: {  	[sflag:s0] =	ssyncadd.tile.s32 @!p0 $0x1;
	_ =	shalt  }
.Lfunc_end2:
_tile_overlayer_lowered:
.L_overlay_start_2:
0xdf: {  	(tag) =	ssettag $0x2  }
0xe0: {  	s0 =	rddreg [dreg:$0x0];
	s2 =	stileid.u32  }
0xe1: {  	s1 =	rddreg [dreg:$0x1];
	p0 =	sne.s32 s2, $0x0  }
0xe2: {  	s3 =	rddreg [dreg:$0x2];
	[bflag:$0x3] =	sbarrier.arrive $0xFFFF;
	s2 =	simm.s32 @!p0 $0x1C07  }
0xe3: {  	[timem:s3], [sflag:s2] =	dma.local @!p0 [hbm:s0], s1  }
0xe4: {  	s0 =	simm.s32 @!p0 $0x7  }
0xe5: {  	_ =	swait.ge @!p0 [sflag:s0], s1  }
0xe6: {  	s1 =	ssub.s32 @!p0 $0x0, s1;
	[sflag:s0] =	ssyncset.done @!p0 $0x0  }
0xe7: {  	[sflag:s0] =	ssyncadd.s32 @!p0 s1  }
0xe8: {  	[bflag:$0x3] =	sbarrier.arrive $0xFFFF  }
0xe9: {  	_ =	shalt  }

// kernel: kernel.15.cloned.1.call-start
scs
__scs_entry_jumppad:
0x0: {  	(pc) =	sbr.rel $0x88, $3  }
0x1: {  	(tag) =	ssettag $0x0;
	lr =	simm.s32 $0x1  }
0x2: {  	[smem:$0x3F96] =	sst lr;
	_ =	strace $0xD0000000  }
0x3: {  	_ = 	snop  }
0x4: {  	_ = 	snop  }
0x5: {  	_ = 	snop  }
0x6: {  	_ = 	snop  }
0x7: {  	_ = 	snop  }
__scs_overlays_trampoline_lowered:
0x8: {  	[smem:$0x3FA5] =	sst s0  }
0x9: {  	[smem:$0x3FA6] =	sst s1  }
0xa: {  	[smem:$0x3FA7] =	sst s2  }
0xb: {  	[smem:$0x3FA8] =	sst s3  }
0xc: {  	[smem:$0x3FA9] =	sst s4  }
0xd: {  	[smem:$0x3FAA] =	sst s5  }
0xe: {  	[smem:$0x3FAB] =	sst s6  }
0xf: {  	[smem:$0x3FAC] =	sst s7  }
0x10: {  	[smem:$0x3FAD] =	sst s8  }
0x11: {  	[smem:$0x3FAE] =	sst s9;
	s0 =	simm.s32 @!p0 $0x0  }
0x12: {  	s1 =	sld [smem:$0x3F94];
	s0 =	simm.s32 @p0 $0x1  }
0x13: {  	[smem:$0x3FAF] =	sst s0;
	s0 =	simm.s32 @!p1 $0x0  }
0x14: {  	s2 =	sld [smem:$0x3F93];
	s0 =	simm.s32 @p1 $0x1  }
0x15: {  	[smem:$0x3FB0] =	sst s0;
	s0 =	simm.s32 @!p2 $0x0  }
0x16: {  	s3 =	sld [smem:$0x3FDB];
	s0 =	simm.s32 @p2 $0x1  }
0x17: {  	s4 =	simm.s32 $0x1BF5;
	[smem:$0x3FB2] =	sst s0  }
0x18: {  	s0 =	sld [smem:$0x3F95];
	_ =	swait.ge [sflag:s4], $0x0  }
0x19: {  	s7 =	sld [smem:$0x3F96]  }
0x1a: {  	s8 =	sadd.s32 $0xFFFFE003, lr  }
0x1b: {  	s9 =	sadd.s32 $0xFFFFFEF7, lr;
	s5 =	simm.s32 $0xFFFFFFFF;
	p2 =	slt.u32 s8, $0xFFFFF086  }
0x1c: {  	p1 =	slt.u32 s9, $0xF7A;
	s5 =	simm.s32 @!p2 $0x0  }
0x1d: {  	s5 =	simm.s32 @p1 $0x1;
	p0 =	seq.s32 s7, s2  }
0x1e: {  	s7 =	smul.u32 @!p0 $0xF7A, s2;
	p2 =	seq.s32 @!p0 s5, $0x0  }
0x1f: {  	s9 =	smul.u32 $0xF7A, s1;
	s8 =	simm.s32 @!p0 $0x1BF5;
	p2 =	por !p2, p0  }
0x20: {  	[sflag:s8] =	ssyncset.s32 @!p0 $0xFFFFF086;
	s6 =	sadd.s32 @!p0 s3, s7;
	s7 =	simm.s32 @!p0 $0x108  }
0x21: {  	s3 =	sadd.s32 s3, s9;
	s6 =	sadd.s32 @!p0 $0x88, s6;
	s7 =	simm.s32 @p2 $0x1082  }
0x22: {  	[simem:s7], [sflag:s8] =	dma.local @!p0 [hbm:s6], $0xF7A  }
0x23: {  	s9 =	sor.u32 $0xD0000000, s2;
	s6 =	simm.s32 $0x108;
	_ =	swait.ge @!p0 [sflag:s8], $0x0  }
0x24: {  	s3 =	sadd.s32 $0x88, s3;
	s6 =	simm.s32 @!p1 $0x1082;
	[sflag:s4] =	ssyncset.s32 $0xFFFFF086  }
0x25: {  	[simem:s6], [sflag:s4] =	dma.local [hbm:s3], $0xF7A  }
0x26: {  	[smem:$0x3F96] =	sst s1;
	(tag) =	ssettag s2;
	_ =	strace s9  }
0x27: {  	s1 =	sld [smem:$0x3FA6]  }
0x28: {  	s2 =	sld [smem:$0x3FA7]  }
0x29: {  	s4 =	sld [smem:$0x3FA9]  }
0x2a: {  	p0 =	seq.s32 s5, $0x0;
	s5 =	sld [smem:$0x3FAA]  }
0x2b: {  	s6 =	sld [smem:$0x3FAB]  }
0x2c: {  	s7 =	sld [smem:$0x3FAC]  }
0x2d: {  	s3 =	simm.s32 $0x108;
	s8 =	sld [smem:$0x3FAD]  }
0x2e: {  	s3 =	simm.s32 @!p0 $0x1082;
	s9 =	sld [smem:$0x3FAE]  }
0x2f: {  	lr =	sadd.s32 s0, s3;
	s0 =	sld [smem:$0x3FA5]  }
0x30: {  	s3 =	sld [smem:$0x3FA8]  }
0x31: {  	[smem:$0x3FB1] =	sst s10  }
0x32: {  	s10 =	sld [smem:$0x3FAF];
	_ =	sdelay $0x3  }
0x33: {  	p0 =	seq.s32 s10, $0x1;
	s10 =	sld [smem:$0x3FB1];
	_ =	sdelay $0x3  }
0x34: {  	[smem:$0x3FB1] =	sst s10  }
0x35: {  	s10 =	sld [smem:$0x3FB0];
	_ =	sdelay $0x3  }
0x36: {  	p1 =	seq.s32 s10, $0x1;
	s10 =	sld [smem:$0x3FB1];
	_ =	sdelay $0x3  }
0x37: {  	[smem:$0x3FB1] =	sst s10  }
0x38: {  	s10 =	sld [smem:$0x3FB2]  }
0x39: {  	_ = 	snop;
	(pc) =	sbr.ind lr, $3  }
0x3a: {  	_ = 	snop  }
0x3b: {  	_ = 	snop  }
0x3c: {  	p2 =	seq.s32 s10, $0x1;
	s10 =	sld [smem:$0x3FB1]  }
0x3d: {  	_ =	shalt  }
0x3e: {  	_ =	shalt  }
0x3f: {  	_ =	shalt  }
0x40: {  	_ =	shalt  }
0x41: {  	_ =	shalt  }
0x42: {  	_ =	shalt  }
0x43: {  	_ =	shalt  }
0x44: {  	_ =	shalt  }
0x45: {  	_ =	shalt  }
0x46: {  	_ =	shalt  }
0x47: {  	_ =	shalt  }
0x48: {  	_ =	shalt  }
0x49: {  	_ =	shalt  }
0x4a: {  	_ =	shalt  }
0x4b: {  	_ =	shalt  }
0x4c: {  	_ =	shalt  }
0x4d: {  	_ =	shalt  }
0x4e: {  	_ =	shalt  }
0x4f: {  	_ =	shalt  }
0x50: {  	_ =	shalt  }
0x51: {  	_ =	shalt  }
0x52: {  	_ =	shalt  }
0x53: {  	_ =	shalt  }
0x54: {  	_ =	shalt  }
0x55: {  	_ =	shalt  }
0x56: {  	_ =	shalt  }
0x57: {  	_ =	shalt  }
0x58: {  	_ =	shalt  }
0x59: {  	_ =	shalt  }
0x5a: {  	_ =	shalt  }
0x5b: {  	_ =	shalt  }
0x5c: {  	_ =	shalt  }
0x5d: {  	_ =	shalt  }
0x5e: {  	_ =	shalt  }
0x5f: {  	_ =	shalt  }
0x60: {  	_ =	shalt  }
0x61: {  	_ =	shalt  }
0x62: {  	_ =	shalt  }
0x63: {  	_ =	shalt  }
0x64: {  	_ =	shalt  }
0x65: {  	_ =	shalt  }
0x66: {  	_ =	shalt  }
0x67: {  	_ =	shalt  }
0x68: {  	_ =	shalt  }
0x69: {  	_ =	shalt  }
0x6a: {  	_ =	shalt  }
0x6b: {  	_ =	shalt  }
0x6c: {  	_ =	shalt  }
0x6d: {  	_ =	shalt  }
0x6e: {  	_ =	shalt  }
0x6f: {  	_ =	shalt  }
0x70: {  	_ =	shalt  }
0x71: {  	_ =	shalt  }
0x72: {  	_ =	shalt  }
0x73: {  	_ =	shalt  }
0x74: {  	_ =	shalt  }
0x75: {  	_ =	shalt  }
0x76: {  	_ =	shalt  }
0x77: {  	_ =	shalt  }
0x78: {  	_ =	shalt  }
0x79: {  	_ =	shalt  }
0x7a: {  	_ =	shalt  }
0x7b: {  	_ =	shalt  }
0x7c: {  	_ =	shalt  }
0x7d: {  	_ =	shalt  }
0x7e: {  	_ =	shalt  }
0x7f: {  	_ =	shalt  }
0x80: {  	_ =	shalt  }
0x81: {  	_ =	shalt  }
0x82: {  	_ =	shalt  }
0x83: {  	_ =	shalt  }
0x84: {  	_ =	shalt  }
0x85: {  	_ =	shalt  }
0x86: {  	_ =	shalt  }
0x87: {  	_ =	shalt  }
.Lfunc_end0:
.L_simem_size_0:
called_computation.3_lowered:
.L_overlay_start_0:
0x88: {  	s2 =	sld [smem:$0x3FD9]  }
0x89: {  	s3 =	sld [smem:$0x3FFE];
	_ =	sdelay $0x1  }
0x8a: {  	s1 =	srdreg.scid  }
0x8b: {  	s0 =	sand.u32 $0x1, s1  }
0x8c: {  	s16 =	sshll.u32 s0, $0xA;
	s2 =	sadd.s32 s3, s2  }
0x8d: {  	s2 =	sadd.s32 s2, s16  }
0x8e: {  	[smem:$0x3FBD] =	sst s2  }
0x8f: {  	_ = 	snop  }
0x90: {  	(tm) =	ssettm $0x1  }
0x91: {  	s17 =	sld [smem:$0x3FFB];
	_ =	sdelay $0x3  }
0x92: {  	_ =	strace s17  }
0x93: {  	s2 =	sld [smem:$0x3FFC];
	_ =	sdelay $0x3  }
0x94: {  	_ =	strace s2  }
0x95: {  	s2 =	sld [smem:$0x3FFD];
	_ =	sdelay $0x3  }
0x96: {  	_ =	strace s2  }
0x97: {  	_ =	strace $0x8FFFFFFF  }
0x98: {  	s18 =	sld [smem:$0x3FDB];
	_ =	sdelay $0x1  }
0x99: {  	s19 =	simm.s32 $_scs_section_size  }
0x9a: {  	s4 =	simm.s32 $_size__tile_overlayer_lowered;
	s5 =	simm.s32 $_tile_overlayer_lowered  }
0x9b: {  	s22 =	simm.s32 $0x1BFF;
	s21 =	sshll.u32 s5, $0x1;
	s2 =	sadd.s32 s19, s18  }
0x9c: {  	s6 =	simm.s32 $0x0;
	s20 =	sshll.u32 s4, $0x1;
	s4 =	sadd.s32 s21, s2  }
0x9d: {  	[timem:s6], [sflag:s22] =	dma.local [hbm:s4], s20  }
0x9e: {  	_ =	swait.ge [sflag:s22], s20  }
0x9f: {  	s3 =	ssub.s32 $0x0, s20;
	[sflag:s22] =	ssyncset.done $0x0  }
0xa0: {  	[sflag:s22] =	ssyncadd.s32 s3;
	_ =	sdelay $0x1  }
0xa1: {  	s23 =	simm.s32 $0x1B8B  }
0xa2: {  	_ =	swait.ge [sflag:s23], $0x1  }
0xa3: {  	[sflag:s23] =	ssyncset.done $0x0  }
0xa4: {  	s25 =	simm.s32 $0x1B8E;
	s24 =	sld [smem:$0x3FFE];
	[sflag:s23] =	ssyncadd.s32 $0xFFFFFFFF  }
0xa5: {  	s26 =	simm.s32 $execute0_lowered;
	[smem:$0x3FD2] =	sst s25  }
0xa6: {  	s4 =	sshll.u32 s26, $0x1;
	_ =	strace $0x8000004F;
	[dreg:$0x1] =	wrdreg $0xFFFFFFFF  }
0xa7: {  	s28 =	simm.s32 $_size_execute0_lowered;
	s2 =	sadd.s32 s2, s4;
	[dreg:$0x0] =	wrdreg $0x0  }
0xa8: {  	s4 =	sshll.u32 s28, $0x1;
	[dreg:$0x2] =	wrdreg s2  }
0xa9: {  	[dreg:$0x3] =	wrdreg s4  }
0xaa: {  	[dreg:$0x4] =	wrdreg $0xC0  }
0xab: {  	_ =	task [dreg:s6], $0x5FFFF  }
0xac: {  	[dreg:$0x1] =	wrdreg $0xFFFFFFFF  }
0xad: {  	[dreg:$0x0] =	wrdreg $0x60  }
0xae: {  	[dreg:$0x2] =	wrdreg s24  }
0xaf: {  	[dreg:$0x3] =	wrdreg $0x9  }
0xb0: {  	_ =	task.clear_ibuf [dreg:s6], $0x4FFFF;
	_ =	strace $0x9000004F  }
0xb1: {  	s29 =	simm.s32 $0x9;
	_ =	strace $0x80000051  }
0xb2: {  	_ =	swait.ge [sflag:s29], $0x1  }
0xb3: {  	[sflag:s29] =	ssyncadd.s32 $0xFFFFFFFF  }
0xb4: {  	_ =	strace $0x90000051  }
0xb5: {  	_ =	sfence  }
0xb6: {  	s30 =	sld [smem:$0x0];
	_ =	sdelay $0x2  }
0xb7: {  	s31 =	sshll.u32 s1, $0xD;
	s1 =	sshrl.u32 s1, $0x2  }
0xb8: {  	s3 =	sand.u32 $0x4000, s31;
	s1 =	sadd.s32 s1, s30  }
0xb9: {  	s0 =	sor.u32 s3, s0;
	s1 =	sshll.u32 s1, $0x11  }
0xba: {  	s0 =	sor.u32 s1, s0  }
0xbb: {  	s0 =	sadd.s32 $0x8F2B, s0  }
0xbc: {  	[sflag:s0] =	ssyncadd.remote.s32 $0x1  }
0xbd: {  	_ =	sfence.sel $0xFFFF  }
0xbe: {  	[dreg:$0x0] =	wrdreg $0xFFFFFFFF;
	(pc) =	sbr.abs _section_cstart, $3  }
0xbf: {  	[dreg:$0x1] =	wrdreg $0xFFFFFFFF  }
0xc0: {  	_ =	task.clear_ibuf [dreg:s6], $0x2FFFF;
	_ =	strace $0x9FFFFFFF  }
0xc1: {  	(tm) =	ssettm $0x7FFFFFFF  }
tec
execute0_lowered:
.L_overlay_start_1:
0x0: {  	(tag) =	ssettag $0x1  }
0x1: {  	s0 =	srdreg.scid  }
0x2: {  	s1 =	stileid.u32;
	s0 =	sand.u32 $0x1, s0  }
0x3: {  	s1 =	sshll.u32 s1, $0x8;
	s2 =	sshll.u32 s0, $0x7  }
0x4: {  	s6 =	rddreg [dreg:$0x0];
	s1 =	sor.u32 s2, s1;
	s2 =	simm.s32 $0x0  }
0x5: {  	s17 =	simm.s32 $0x8880;
	[smem:$0x7FF] =	sst s2  }
0x6: {  	s18 =	simm.s32 $0x9080;
	_ =	strace $0x80000050;
	[dreg:$0x7] =	wrdreg s17  }
0x7: {  	s19 =	simm.s32 $0x9880;
	[dreg:$0x8] =	wrdreg s18  }
0x8: {  	s20 =	simm.s32 $0xA080;
	[dreg:$0x9] =	wrdreg s19  }
0x9: {  	s21 =	simm.s32 $0xA880;
	[dreg:$0xa] =	wrdreg s20  }
0xa: {  	s22 =	simm.s32 $0xB080;
	[dreg:$0xb] =	wrdreg s21  }
0xb: {  	s23 =	simm.s32 $0xB880;
	s24 =	simm.s32 $0xC080;
	[dreg:$0xc] =	wrdreg s22  }
0xc: {  	s25 =	simm.s32 $0xC880;
	s26 =	simm.s32 $0xD080;
	[dreg:$0xd] =	wrdreg s23  }
0xd: {  	s7 =	simm.s32 $0xD880;
	s8 =	simm.s32 $0xE080;
	[dreg:$0xe] =	wrdreg s24  }
0xe: {  	s9 =	simm.s32 $0xE880;
	s10 =	simm.s32 $0xF080;
	[dreg:$0xf] =	wrdreg s25  }
0xf: {  	s11 =	simm.s32 $0xF880;
	s12 =	simm.s32 $0x10880;
	[dreg:$0x10] =	wrdreg s26  }
0x10: {  	s13 =	simm.s32 $0x11080;
	s28 =	simm.s32 $0x1;
	[dreg:$0x11] =	wrdreg s7  }
0x11: {  	s29 =	simm.s32 $0x4;
	s31 =	simm.s32 $0x3;
	[dreg:$0x12] =	wrdreg s8  }
0x12: {  	s30 =	simm.s32 $0x10080;
	s0 =	ssub.s32 $0x2, s0;
	[dreg:$0x13] =	wrdreg s9  }
0x13: {  	s5 =	sadd.s32 $0x43000, s6;
	s4 =	sshrl.u32 s0, $0x1;
	[dreg:$0x14] =	wrdreg s10  }
0x14: {  	s3 =	sshrl.u32 s1, $0x3;
	s1 =	sshll.u32 s1, $0x7;
	[dreg:$0x15] =	wrdreg s11  }
0x15: {  	s0 =	ssub.s32 s0, s4;
	s4 =	sadd.s32 $0x42F00, s6;
	[dreg:$0x16] =	wrdreg s12  }
0x16: {  	s3 =	sadd.s32 s3, s6;
	[dreg:$0x17] =	wrdreg s13;
	s17 =	simm.s32 $0x13080  }
0x17: {  	s1 =	sadd.s32 s1, s6;
	s18 =	simm.s32 $0x13880;
	[dreg:$0x1b] =	wrdreg s17  }
0x18: {  	s7 =	smax.u32 s0, $0x1;
	s19 =	simm.s32 $0x14080;
	[dreg:$0x1c] =	wrdreg s18  }
0x19: {  	s9 =	simm.s32 $0x80;
	s20 =	simm.s32 $0x14880;
	[dreg:$0x1d] =	wrdreg s19  }
0x1a: {  	s21 =	simm.s32 $0x15080;
	s22 =	simm.s32 $0x15880;
	[dreg:$0x1e] =	wrdreg s20  }
0x1b: {  	s23 =	simm.s32 $0x16080;
	s24 =	simm.s32 $0x16880;
	[dreg:$0x1f] =	wrdreg s21  }
0x1c: {  	s25 =	simm.s32 $0x17080;
	s26 =	simm.s32 $0x17880;
	[smem:$0x7F9] =	sst s22  }
0x1d: {  	s0 =	simm.s32 $0x6;
	s12 =	simm.s32 $0x880;
	[smem:$0x7FA] =	sst s23  }
0x1e: {  	s13 =	simm.s32 $0x1080;
	s3 =	sadd.s32 $0x42C00, s3;
	[smem:$0x7FB] =	sst s24  }
0x1f: {  	s14 =	sadd.s32 $0xE2E00, s1;
	s15 =	sadd.s32 $0xE3E00, s1;
	[smem:$0x7FC] =	sst s25  }
0x20: {  	s16 =	sadd.s32 $0xE4E00, s1;
	s1 =	sadd.s32 $0xE5E00, s1;
	[smem:$0x7FD] =	sst s26  }
0x21: {  	s17 =	simm.s32 $0x3080;
	s18 =	simm.s32 $0x3880;
	[dreg:$0x2] =	wrdreg s3  }
0x22: {  	s19 =	simm.s32 $0x4080;
	s20 =	simm.s32 $0x4880;
	[dreg:$0x3] =	wrdreg s14  }
0x23: {  	s21 =	simm.s32 $0x5080;
	s22 =	simm.s32 $0x5880;
	[dreg:$0x4] =	wrdreg s15  }
0x24: {  	s23 =	simm.s32 $0x6080;
	s24 =	simm.s32 $0x6880;
	[dreg:$0x5] =	wrdreg s16  }
0x25: {  	s25 =	simm.s32 $0x7080;
	[dreg:$0x6] =	wrdreg s1;
	s14 =	simm.s32 $0x11880  }
0x26: {  	s26 =	simm.s32 $0x7880;
	s15 =	simm.s32 $0x12080;
	[dreg:$0x18] =	wrdreg s14  }
0x27: {  	v2 =	vlaneseq.u32;
	s3 =	sadd.s32 $0x42E00, s6;
	s16 =	simm.s32 $0x12880;
	[dreg:$0x19] =	wrdreg s15  }
0x28: {  	vm0 =	vmmov $0xffff;
	v1 =	vshrl.u32 v2, $0x3;
	s6 =	sadd.s32 $0x43100, s6;
	s1 =	simm.s32 $0x5;
	[dreg:$0x1a] =	wrdreg s16  }
0x29: {  	v0 =	vand.u32 $0x7, v2;
	v2 =	vor.u32 $0x8, v2;
	v1 =	vmul.u32 $0x8, v1;
	s14 =	simm.s32 $0x1880;
	s15 =	simm.s32 $0x2080;
	s16 =	simm.s32 $0x2880  }
.LBB2_1:
0x2a: {  	s10 =	rddreg [dreg:$0x2];
	s8 =	simm.s32 $0x7  }
0x2b: {  	[tilespmem:s2], [sflag:$0x7] =	stream.linear.gather [hbm4b:s10+s2], $0x80, $0x38;
	[tilespmem:$0x18080] =	vst v63  }
0x2c: {  	_ =	swait.ge [sflag:s8], $0x80  }
0x2d: {  	[sflag:s8] =	ssyncset.done $0x0  }
0x2e: {  	[sflag:s8] =	ssyncadd.s32 $0xFFFFFF80  }
0x2f: {  	v3 =	vld [tilespmem:$0x0];
	_ =	sdelay $0x4  }
0x30: {  	v4 =	vshll.u32 v3, $0x3  }
0x31: {  	v3 =	vand.u32 $0x7, v3;
	v4 =	vand.u32 $0xFFFFFFC0, v4  }
0x32: {  	v3 =	vor.u32 v3, v4  }
0x33: {  	v4 =	vperm.xlane v3, v0;
	_ =	sdelay $0x1  }
0x34: {  	v4 =	vadd.s32 v1, v4;
	_ =	sdelay $0x4  }
0x35: {  	[tilespmem:s9], [sflag:$0x1] =	stream.indirect_vreg.gather [hbm4b:s3+s2], $0x80, v4, vm0, $0xb8;
	[tilespmem:$0x18080] =	vst v63  }
0x36: {  	v3 =	vperm.xlane v3, v2  }
0x37: {  	[tilespmem:s12], [sflag:$0x1] =	stream.indirect_vreg.gather [hbm4b:s4+s2], $0x80, v4, vm0, $0xb8;
	[tilespmem:$0x18080] =	vst v63  }
0x38: {  	v3 =	vadd.s32 v1, v3  }
0x39: {  	[tilespmem:s13], [sflag:$0x1] =	stream.indirect_vreg.gather [hbm4b:s5+s2], $0x80, v4, vm0, $0xb8;
	[tilespmem:$0x18080] =	vst v63  }
0x3a: {  	_ = 	snop  }
0x3b: {  	[tilespmem:s14], [sflag:$0x1] =	stream.indirect_vreg.gather [hbm4b:s6+s2], $0x80, v4, vm0, $0xb8;
	[tilespmem:$0x18080] =	vst v63  }
0x3c: {  	_ = 	snop  }
0x3d: {  	[tilespmem:s15], [sflag:$0x1] =	stream.indirect_vreg.gather [hbm4b:s3+s2], $0x80, v3, vm0, $0xb8;
	[tilespmem:$0x18080] =	vst v63  }
0x3e: {  	_ = 	snop  }
0x3f: {  	[tilespmem:s16], [sflag:$0x1] =	stream.indirect_vreg.gather [hbm4b:s4+s2], $0x80, v3, vm0, $0xb8;
	[tilespmem:$0x18080] =	vst v63  }
0x40: {  	_ = 	snop  }
0x41: {  	[tilespmem:s17], [sflag:$0x1] =	stream.indirect_vreg.gather [hbm4b:s5+s2], $0x80, v3, vm0, $0xb8;
	[tilespmem:$0x18080] =	vst v63  }
0x42: {  	_ = 	snop  }
0x43: {  	[tilespmem:s18], [sflag:$0x1] =	stream.indirect_vreg.gather [hbm4b:s6+s2], $0x80, v3, vm0, $0xb8;
	[tilespmem:$0x18080] =	vst v63  }
0x44: {  	v3 =	vld [tilespmem:$0x10];
	_ =	sdelay $0x4  }
0x45: {  	v57 =	vshll.u32 v3, $0x3  }
0x46: {  	v3 =	vand.u32 $0x7, v3;
	v4 =	vand.u32 $0xFFFFFFC0, v57  }
0x47: {  	v3 =	vor.u32 v3, v4  }
0x48: {  	v4 =	vperm.xlane v3, v0;
	_ =	sdelay $0x1  }
0x49: {  	v4 =	vadd.s32 v1, v4;
	_ =	sdelay $0x4  }
0x4a: {  	[tilespmem:s19], [sflag:$0x1] =	stream.indirect_vreg.gather [hbm4b:s3+s2], $0x80, v4, vm0, $0xb8;
	[tilespmem:$0x18080] =	vst v63  }
0x4b: {  	v3 =	vperm.xlane v3, v2  }
0x4c: {  	[tilespmem:s20], [sflag:$0x1] =	stream.indirect_vreg.gather [hbm4b:s4+s2], $0x80, v4, vm0, $0xb8;
	[tilespmem:$0x18080] =	vst v63  }
0x4d: {  	v3 =	vadd.s32 v1, v3  }
0x4e: {  	[tilespmem:s21], [sflag:$0x1] =	stream.indirect_vreg.gather [hbm4b:s5+s2], $0x80, v4, vm0, $0xb8;
	[tilespmem:$0x18080] =	vst v63  }
0x4f: {  	_ = 	snop  }
0x50: {  	[tilespmem:s22], [sflag:$0x1] =	stream.indirect_vreg.gather [hbm4b:s6+s2], $0x80, v4, vm0, $0xb8;
	[tilespmem:$0x18080] =	vst v63  }
0x51: {  	_ = 	snop  }
0x52: {  	[tilespmem:s23], [sflag:$0x1] =	stream.indirect_vreg.gather [hbm4b:s3+s2], $0x80, v3, vm0, $0xb8;
	[tilespmem:$0x18080] =	vst v63  }
0x53: {  	_ = 	snop  }
0x54: {  	[tilespmem:s24], [sflag:$0x1] =	stream.indirect_vreg.gather [hbm4b:s4+s2], $0x80, v3, vm0, $0xb8;
	[tilespmem:$0x18080] =	vst v63  }
0x55: {  	_ = 	snop  }
0x56: {  	[tilespmem:s25], [sflag:$0x1] =	stream.indirect_vreg.gather [hbm4b:s5+s2], $0x80, v3, vm0, $0xb8;
	[tilespmem:$0x18080] =	vst v63  }
0x57: {  	_ = 	snop  }
0x58: {  	[tilespmem:s26], [sflag:$0x1] =	stream.indirect_vreg.gather [hbm4b:s6+s2], $0x80, v3, vm0, $0xb8;
	[tilespmem:$0x18080] =	vst v63  }
0x59: {  	v3 =	vld [tilespmem:$0x20];
	_ =	sdelay $0x4  }
0x5a: {  	v58 =	vshll.u32 v3, $0x3  }
0x5b: {  	v3 =	vand.u32 $0x7, v3;
	v4 =	vand.u32 $0xFFFFFFC0, v58  }
0x5c: {  	v3 =	vor.u32 v3, v4  }
0x5d: {  	v4 =	vperm.xlane v3, v0;
	_ =	sdelay $0x1  }
0x5e: {  	v4 =	vadd.s32 v1, v4;
	_ =	sdelay $0x3  }
0x5f: {  	s8 =	simm.s32 $0x8080  }
0x60: {  	[tilespmem:s8], [sflag:$0x2] =	stream.indirect_vreg.gather [hbm4b:s3+s2], $0x80, v4, vm0, $0xb8;
	[tilespmem:$0x18080] =	vst v63  }
0x61: {  	s10 =	rddreg [dreg:$0x7];
	v3 =	vperm.xlane v3, v2  }
0x62: {  	[tilespmem:s10], [sflag:$0x2] =	stream.indirect_vreg.gather [hbm4b:s4+s2], $0x80, v4, vm0, $0xb8;
	[tilespmem:$0x18080] =	vst v63  }
0x63: {  	s11 =	rddreg [dreg:$0x8];
	v3 =	vadd.s32 v1, v3  }
0x64: {  	[tilespmem:s11], [sflag:$0x2] =	stream.indirect_vreg.gather [hbm4b:s5+s2], $0x80, v4, vm0, $0xb8;
	[tilespmem:$0x18080] =	vst v63  }
0x65: {  	s10 =	rddreg [dreg:$0x9]  }
0x66: {  	[tilespmem:s10], [sflag:$0x2] =	stream.indirect_vreg.gather [hbm4b:s6+s2], $0x80, v4, vm0, $0xb8;
	[tilespmem:$0x18080] =	vst v63  }
0x67: {  	s11 =	rddreg [dreg:$0xa]  }
0x68: {  	[tilespmem:s11], [sflag:$0x2] =	stream.indirect_vreg.gather [hbm4b:s3+s2], $0x80, v3, vm0, $0xb8;
	[tilespmem:$0x18080] =	vst v63  }
0x69: {  	s10 =	rddreg [dreg:$0xb]  }
0x6a: {  	[tilespmem:s10], [sflag:$0x2] =	stream.indirect_vreg.gather [hbm4b:s4+s2], $0x80, v3, vm0, $0xb8;
	[tilespmem:$0x18080] =	vst v63  }
0x6b: {  	s11 =	rddreg [dreg:$0xc]  }
0x6c: {  	[tilespmem:s11], [sflag:$0x2] =	stream.indirect_vreg.gather [hbm4b:s5+s2], $0x80, v3, vm0, $0xb8;
	[tilespmem:$0x18080] =	vst v63  }
0x6d: {  	s10 =	rddreg [dreg:$0xd]  }
0x6e: {  	[tilespmem:s10], [sflag:$0x2] =	stream.indirect_vreg.gather [hbm4b:s6+s2], $0x80, v3, vm0, $0xb8;
	[tilespmem:$0x18080] =	vst v63  }
0x6f: {  	v3 =	vld [tilespmem:$0x30];
	_ =	sdelay $0x4  }
0x70: {  	v59 =	vshll.u32 v3, $0x3  }
0x71: {  	v3 =	vand.u32 $0x7, v3;
	v4 =	vand.u32 $0xFFFFFFC0, v59  }
0x72: {  	v3 =	vor.u32 v3, v4  }
0x73: {  	v4 =	vperm.xlane v3, v0;
	_ =	sdelay $0x1  }
0x74: {  	v4 =	vadd.s32 v1, v4;
	_ =	sdelay $0x3  }
0x75: {  	s10 =	rddreg [dreg:$0xe]  }
0x76: {  	[tilespmem:s10], [sflag:$0x2] =	stream.indirect_vreg.gather [hbm4b:s3+s2], $0x80, v4, vm0, $0xb8;
	[tilespmem:$0x18080] =	vst v63  }
0x77: {  	s11 =	rddreg [dreg:$0xf];
	v3 =	vperm.xlane v3, v2  }
0x78: {  	[tilespmem:s11], [sflag:$0x2] =	stream.indirect_vreg.gather [hbm4b:s4+s2], $0x80, v4, vm0, $0xb8;
	[tilespmem:$0x18080] =	vst v63  }
0x79: {  	v3 =	vadd.s32 v1, v3;
	s10 =	rddreg [dreg:$0x10]  }
0x7a: {  	[tilespmem:s10], [sflag:$0x2] =	stream.indirect_vreg.gather [hbm4b:s5+s2], $0x80, v4, vm0, $0xb8;
	[tilespmem:$0x18080] =	vst v63  }
0x7b: {  	s11 =	rddreg [dreg:$0x11]  }
0x7c: {  	[tilespmem:s11], [sflag:$0x2] =	stream.indirect_vreg.gather [hbm4b:s6+s2], $0x80, v4, vm0, $0xb8;
	[tilespmem:$0x18080] =	vst v63  }
0x7d: {  	s10 =	rddreg [dreg:$0x12]  }
0x7e: {  	[tilespmem:s10], [sflag:$0x2] =	stream.indirect_vreg.gather [hbm4b:s3+s2], $0x80, v3, vm0, $0xb8;
	[tilespmem:$0x18080] =	vst v63  }
0x7f: {  	s11 =	rddreg [dreg:$0x13]  }
0x80: {  	[tilespmem:s11], [sflag:$0x2] =	stream.indirect_vreg.gather [hbm4b:s4+s2], $0x80, v3, vm0, $0xb8;
	[tilespmem:$0x18080] =	vst v63  }
0x81: {  	s10 =	rddreg [dreg:$0x14]  }
0x82: {  	[tilespmem:s10], [sflag:$0x2] =	stream.indirect_vreg.gather [hbm4b:s5+s2], $0x80, v3, vm0, $0xb8;
	[tilespmem:$0x18080] =	vst v63  }
0x83: {  	s11 =	rddreg [dreg:$0x15]  }
0x84: {  	[tilespmem:s11], [sflag:$0x2] =	stream.indirect_vreg.gather [hbm4b:s6+s2], $0x80, v3, vm0, $0xb8;
	[tilespmem:$0x18080] =	vst v63  }
0x85: {  	v3 =	vld [tilespmem:$0x40];
	_ =	sdelay $0x4  }
0x86: {  	v60 =	vshll.u32 v3, $0x3  }
0x87: {  	v3 =	vand.u32 $0x7, v3;
	v4 =	vand.u32 $0xFFFFFFC0, v60  }
0x88: {  	v3 =	vor.u32 v3, v4  }
0x89: {  	v4 =	vperm.xlane v3, v0;
	_ =	sdelay $0x1  }
0x8a: {  	v4 =	vadd.s32 v1, v4;
	_ =	sdelay $0x4  }
0x8b: {  	[tilespmem:s30], [sflag:$0x3] =	stream.indirect_vreg.gather [hbm4b:s3+s2], $0x80, v4, vm0, $0xb8;
	[tilespmem:$0x18080] =	vst v63  }
0x8c: {  	s10 =	rddreg [dreg:$0x16];
	v3 =	vperm.xlane v3, v2  }
0x8d: {  	[tilespmem:s10], [sflag:$0x3] =	stream.indirect_vreg.gather [hbm4b:s4+s2], $0x80, v4, vm0, $0xb8;
	[tilespmem:$0x18080] =	vst v63  }
0x8e: {  	s11 =	rddreg [dreg:$0x17];
	v3 =	vadd.s32 v1, v3  }
0x8f: {  	[tilespmem:s11], [sflag:$0x3] =	stream.indirect_vreg.gather [hbm4b:s5+s2], $0x80, v4, vm0, $0xb8;
	[tilespmem:$0x18080] =	vst v63  }
0x90: {  	s10 =	rddreg [dreg:$0x18]  }
0x91: {  	[tilespmem:s10], [sflag:$0x3] =	stream.indirect_vreg.gather [hbm4b:s6+s2], $0x80, v4, vm0, $0xb8;
	[tilespmem:$0x18080] =	vst v63  }
0x92: {  	s11 =	rddreg [dreg:$0x19]  }
0x93: {  	[tilespmem:s11], [sflag:$0x3] =	stream.indirect_vreg.gather [hbm4b:s3+s2], $0x80, v3, vm0, $0xb8;
	[tilespmem:$0x18080] =	vst v63  }
0x94: {  	s10 =	rddreg [dreg:$0x1a]  }
0x95: {  	[tilespmem:s10], [sflag:$0x3] =	stream.indirect_vreg.gather [hbm4b:s4+s2], $0x80, v3, vm0, $0xb8;
	[tilespmem:$0x18080] =	vst v63  }
0x96: {  	s11 =	rddreg [dreg:$0x1b]  }
0x97: {  	[tilespmem:s11], [sflag:$0x3] =	stream.indirect_vreg.gather [hbm4b:s5+s2], $0x80, v3, vm0, $0xb8;
	[tilespmem:$0x18080] =	vst v63  }
0x98: {  	s10 =	rddreg [dreg:$0x1c]  }
0x99: {  	[tilespmem:s10], [sflag:$0x3] =	stream.indirect_vreg.gather [hbm4b:s6+s2], $0x80, v3, vm0, $0xb8;
	[tilespmem:$0x18080] =	vst v63  }
0x9a: {  	v3 =	vld [tilespmem:$0x50];
	_ =	sdelay $0x4  }
0x9b: {  	v61 =	vshll.u32 v3, $0x3  }
0x9c: {  	v3 =	vand.u32 $0x7, v3;
	v4 =	vand.u32 $0xFFFFFFC0, v61  }
0x9d: {  	v3 =	vor.u32 v3, v4  }
0x9e: {  	v4 =	vperm.xlane v3, v0;
	_ =	sdelay $0x1  }
0x9f: {  	v4 =	vadd.s32 v1, v4;
	_ =	sdelay $0x2  }
0xa0: {  	s11 =	rddreg [dreg:$0x1e]  }
0xa1: {  	s10 =	rddreg [dreg:$0x1d]  }
0xa2: {  	[tilespmem:s10], [sflag:$0x3] =	stream.indirect_vreg.gather [hbm4b:s3+s2], $0x80, v4, vm0, $0xb8;
	[tilespmem:$0x18080] =	vst v63  }
0xa3: {  	v3 =	vperm.xlane v3, v2;
	s10 =	rddreg [dreg:$0x1f]  }
0xa4: {  	[tilespmem:s11], [sflag:$0x3] =	stream.indirect_vreg.gather [hbm4b:s4+s2], $0x80, v4, vm0, $0xb8;
	[tilespmem:$0x18080] =	vst v63  }
0xa5: {  	v3 =	vadd.s32 v1, v3;
	s11 =	sld [smem:$0x7F9]  }
0xa6: {  	[tilespmem:s10], [sflag:$0x3] =	stream.indirect_vreg.gather [hbm4b:s5+s2], $0x80, v4, vm0, $0xb8;
	[tilespmem:$0x18080] =	vst v63  }
0xa7: {  	s10 =	sld [smem:$0x7FA]  }
0xa8: {  	[tilespmem:s11], [sflag:$0x3] =	stream.indirect_vreg.gather [hbm4b:s6+s2], $0x80, v4, vm0, $0xb8;
	[tilespmem:$0x18080] =	vst v63  }
0xa9: {  	s11 =	sld [smem:$0x7FB]  }
0xaa: {  	[tilespmem:s10], [sflag:$0x3] =	stream.indirect_vreg.gather [hbm4b:s3+s2], $0x80, v3, vm0, $0xb8;
	[tilespmem:$0x18080] =	vst v63  }
0xab: {  	s10 =	sld [smem:$0x7FC]  }
0xac: {  	[tilespmem:s11], [sflag:$0x3] =	stream.indirect_vreg.gather [hbm4b:s4+s2], $0x80, v3, vm0, $0xb8;
	[tilespmem:$0x18080] =	vst v63  }
0xad: {  	s11 =	sld [smem:$0x7FD]  }
0xae: {  	[tilespmem:s10], [sflag:$0x3] =	stream.indirect_vreg.gather [hbm4b:s5+s2], $0x80, v3, vm0, $0xb8;
	[tilespmem:$0x18080] =	vst v63  }
0xaf: {  	_ = 	snop  }
0xb0: {  	[tilespmem:s11], [sflag:$0x3] =	stream.indirect_vreg.gather [hbm4b:s6+s2], $0x80, v3, vm0, $0xb8;
	[tilespmem:$0x18080] =	vst v63  }
0xb1: {  	_ =	swait.ge [sflag:s28], $0x8000  }
0xb2: {  	[sflag:s28] =	ssyncset.done $0x0  }
0xb3: {  	s11 =	rddreg [dreg:$0x3];
	[sflag:s28] =	ssyncadd.s32 $0xFFFF8000  }
0xb4: {  	[hbm4b:s11+s2] =	stream.linear.scatter [tilespmem:s9], [sflag:$0x4], $0x8000, $0x38;
	[tilespmem:$0x18080] =	vst v63  }
0xb5: {  	_ =	swait.ge [sflag:s29], $0x8000  }
0xb6: {  	[sflag:s29] =	ssyncset.done $0x0  }
0xb7: {  	[sflag:s29] =	ssyncadd.s32 $0xFFFF8000  }
0xb8: {  	v3 =	vld [tilespmem:$0x60];
	_ =	sdelay $0x4  }
0xb9: {  	v62 =	vshll.u32 v3, $0x3  }
0xba: {  	v3 =	vand.u32 $0x7, v3;
	v4 =	vand.u32 $0xFFFFFFC0, v62  }
0xbb: {  	v3 =	vor.u32 v3, v4  }
0xbc: {  	v4 =	vperm.xlane v3, v0;
	_ =	sdelay $0x1  }
0xbd: {  	v4 =	vadd.s32 v1, v4;
	_ =	sdelay $0x4  }
0xbe: {  	[tilespmem:s9], [sflag:$0x1] =	stream.indirect_vreg.gather [hbm4b:s3+s2], $0x80, v4, vm0, $0xb8;
	[tilespmem:$0x18080] =	vst v63  }
0xbf: {  	v3 =	vperm.xlane v3, v2  }
0xc0: {  	[tilespmem:s12], [sflag:$0x1] =	stream.indirect_vreg.gather [hbm4b:s4+s2], $0x80, v4, vm0, $0xb8;
	[tilespmem:$0x18080] =	vst v63  }
0xc1: {  	v3 =	vadd.s32 v1, v3  }
0xc2: {  	[tilespmem:s13], [sflag:$0x1] =	stream.indirect_vreg.gather [hbm4b:s5+s2], $0x80, v4, vm0, $0xb8;
	[tilespmem:$0x18080] =	vst v63  }
0xc3: {  	_ = 	snop  }
0xc4: {  	[tilespmem:s14], [sflag:$0x1] =	stream.indirect_vreg.gather [hbm4b:s6+s2], $0x80, v4, vm0, $0xb8;
	[tilespmem:$0x18080] =	vst v63  }
0xc5: {  	_ = 	snop  }
0xc6: {  	[tilespmem:s15], [sflag:$0x1] =	stream.indirect_vreg.gather [hbm4b:s3+s2], $0x80, v3, vm0, $0xb8;
	[tilespmem:$0x18080] =	vst v63  }
0xc7: {  	_ = 	snop  }
0xc8: {  	[tilespmem:s16], [sflag:$0x1] =	stream.indirect_vreg.gather [hbm4b:s4+s2], $0x80, v3, vm0, $0xb8;
	[tilespmem:$0x18080] =	vst v63  }
0xc9: {  	_ = 	snop  }
0xca: {  	[tilespmem:s17], [sflag:$0x1] =	stream.indirect_vreg.gather [hbm4b:s5+s2], $0x80, v3, vm0, $0xb8;
	[tilespmem:$0x18080] =	vst v63  }
0xcb: {  	_ = 	snop  }
0xcc: {  	[tilespmem:s18], [sflag:$0x1] =	stream.indirect_vreg.gather [hbm4b:s6+s2], $0x80, v3, vm0, $0xb8;
	[tilespmem:$0x18080] =	vst v63  }
0xcd: {  	v3 =	vld [tilespmem:$0x70];
	_ =	sdelay $0x4  }
0xce: {  	v63 =	vshll.u32 v3, $0x3  }
0xcf: {  	v3 =	vand.u32 $0x7, v3;
	v4 =	vand.u32 $0xFFFFFFC0, v63  }
0xd0: {  	v3 =	vor.u32 v3, v4  }
0xd1: {  	v4 =	vperm.xlane v3, v0;
	_ =	sdelay $0x1  }
0xd2: {  	v4 =	vadd.s32 v1, v4;
	_ =	sdelay $0x4  }
0xd3: {  	[tilespmem:s19], [sflag:$0x1] =	stream.indirect_vreg.gather [hbm4b:s3+s2], $0x80, v4, vm0, $0xb8;
	[tilespmem:$0x18080] =	vst v63  }
0xd4: {  	v3 =	vperm.xlane v3, v2  }
0xd5: {  	[tilespmem:s20], [sflag:$0x1] =	stream.indirect_vreg.gather [hbm4b:s4+s2], $0x80, v4, vm0, $0xb8;
	[tilespmem:$0x18080] =	vst v63  }
0xd6: {  	v3 =	vadd.s32 v1, v3  }
0xd7: {  	[tilespmem:s21], [sflag:$0x1] =	stream.indirect_vreg.gather [hbm4b:s5+s2], $0x80, v4, vm0, $0xb8;
	[tilespmem:$0x18080] =	vst v63  }
0xd8: {  	_ = 	snop  }
0xd9: {  	[tilespmem:s22], [sflag:$0x1] =	stream.indirect_vreg.gather [hbm4b:s6+s2], $0x80, v4, vm0, $0xb8;
	[tilespmem:$0x18080] =	vst v63  }
0xda: {  	_ = 	snop  }
0xdb: {  	[tilespmem:s23], [sflag:$0x1] =	stream.indirect_vreg.gather [hbm4b:s3+s2], $0x80, v3, vm0, $0xb8;
	[tilespmem:$0x18080] =	vst v63  }
0xdc: {  	_ = 	snop  }
0xdd: {  	[tilespmem:s24], [sflag:$0x1] =	stream.indirect_vreg.gather [hbm4b:s4+s2], $0x80, v3, vm0, $0xb8;
	[tilespmem:$0x18080] =	vst v63  }
0xde: {  	_ = 	snop  }
0xdf: {  	[tilespmem:s25], [sflag:$0x1] =	stream.indirect_vreg.gather [hbm4b:s5+s2], $0x80, v3, vm0, $0xb8;
	[tilespmem:$0x18080] =	vst v63  }
0xe0: {  	s11 =	simm.s32 $0x2  }
0xe1: {  	[tilespmem:s26], [sflag:$0x1] =	stream.indirect_vreg.gather [hbm4b:s6+s2], $0x80, v3, vm0, $0xb8;
	[tilespmem:$0x18080] =	vst v63  }
0xe2: {  	_ =	swait.ge [sflag:s11], $0x8000  }
0xe3: {  	[sflag:s11] =	ssyncset.done $0x0  }
0xe4: {  	s10 =	rddreg [dreg:$0x4];
	[sflag:s11] =	ssyncadd.s32 $0xFFFF8000  }
0xe5: {  	[hbm4b:s10+s2] =	stream.linear.scatter [tilespmem:s8], [sflag:$0x5], $0x8000, $0x38;
	[tilespmem:$0x18080] =	vst v63  }
0xe6: {  	_ =	swait.ge [sflag:s31], $0x8000  }
0xe7: {  	[sflag:s31] =	ssyncset.done $0x0  }
0xe8: {  	s8 =	rddreg [dreg:$0x5];
	[sflag:s31] =	ssyncadd.s32 $0xFFFF8000  }
0xe9: {  	[hbm4b:s8+s2] =	stream.linear.scatter [tilespmem:s30], [sflag:$0x6], $0x8000, $0x38;
	[tilespmem:$0x18080] =	vst v63  }
0xea: {  	_ =	swait.ge [sflag:s28], $0x8000  }
0xeb: {  	[sflag:s28] =	ssyncset.done $0x0  }
0xec: {  	s11 =	rddreg [dreg:$0x6];
	[sflag:s28] =	ssyncadd.s32 $0xFFFF8000  }
0xed: {  	[hbm4b:s11+s2] =	stream.linear.scatter [tilespmem:s9], [sflag:$0x4], $0x8000, $0x38;
	[tilespmem:$0x18080] =	vst v63  }
0xee: {  	_ =	swait.ge [sflag:s1], $0x8000  }
0xef: {  	[sflag:s1] =	ssyncset.done $0x0  }
0xf0: {  	[sflag:s1] =	ssyncadd.s32 $0xFFFF8000  }
0xf1: {  	p0 =	sne.s32 s7, $0x1;
	_ =	swait.ge [sflag:s0], $0x8000  }
.Ltmp0:
0xf2: {  	[sflag:s0] =	ssyncset.done $0x0;
	(pc) =	sbr.rel @p0 .LBB2_1-.Ltmp0, $4  }
0xf3: {  	[sflag:s0] =	ssyncadd.s32 $0xFFFF8000  }
0xf4: {  	_ =	swait.ge [sflag:s29], $0x8000  }
0xf5: {  	[sflag:s29] =	ssyncset.done $0x0  }
0xf6: {  	s7 =	sadd.s32 $0xFFFFFFFF, s7;
	[sflag:s29] =	ssyncadd.s32 $0xFFFF8000  }
0xf7: {  	_ =	sfence.sel $0x180000  }
0xf8: {  	[bflag:$0x0] =	sbarrier.arrive $0xFFFF  }
0xf9: {  	_ =	strace $0x90000050  }
0xfa: {  	s0 =	stileid.u32;
	[bflag:$0x2] =	sbarrier.arrive $0xFFFF  }
0xfb: {  	p0 =	sne.s32 s0, $0x0;
	s0 =	rddreg [dreg:$0x1]  }
0xfc: {  	s0 =	sadd.s32 @!p0 $0x100000, s0  }
0xfd: {  	[sflag:s0] =	ssyncadd.tile.s32 @!p0 $0x1;
	_ =	shalt  }
.Lfunc_end2:
_tile_overlayer_lowered:
.L_overlay_start_2:
0xfe: {  	(tag) =	ssettag $0x2  }
0xff: {  	s0 =	rddreg [dreg:$0x0];
	s2 =	stileid.u32  }
0x100: {  	s1 =	rddreg [dreg:$0x1];
	p0 =	sne.s32 s2, $0x0  }
0x101: {  	s3 =	rddreg [dreg:$0x2];
	[bflag:$0x3] =	sbarrier.arrive $0xFFFF;
	s2 =	simm.s32 @!p0 $0x1C07  }
0x102: {  	[timem:s3], [sflag:s2] =	dma.local @!p0 [hbm:s0], s1  }
0x103: {  	s0 =	simm.s32 @!p0 $0x7  }
0x104: {  	_ =	swait.ge @!p0 [sflag:s0], s1  }
0x105: {  	s1 =	ssub.s32 @!p0 $0x0, s1;
	[sflag:s0] =	ssyncset.done @!p0 $0x0  }
0x106: {  	[sflag:s0] =	ssyncadd.s32 @!p0 s1  }
0x107: {  	[bflag:$0x3] =	sbarrier.arrive $0xFFFF  }
0x108: {  	_ =	shalt  }

</sc_bundles>
